<compile_context>
chip_gen: v7x
topology: tpu7x:2x2x1
jax: 0.10.2.dev20260603
libtpu: 0.0.44.dev20260713+nightly
codegen_flags: <defaults>
</compile_context>

<pallas_src>
import functools

import jax
import jax.numpy as jnp
from jax import lax
from jax.experimental import pallas as pl
from jax.experimental.pallas import tpu as pltpu
from jax.experimental.pallas import tpu_sc as plsc

_ALPHA = 1.0
_TOPK = 3
_BLOCK = 1024
_NEG = -1e9


def _hyper_kernel(mask_ref, ne_ref, hy_ref, val_ref, idx_ref):
    ne = ne_ref[...]
    hy = hy_ref[...]
    simt = jax.lax.dot_general(
        hy, ne, (((1,), (1,)), ((), ())),
        preferred_element_type=jnp.float32)
    simt = jnp.maximum(_ALPHA * simt, 0.0)
    avg = jnp.mean(mask_ref[...], axis=0)
    simt = jnp.where(avg[None, :] < 0.5, _NEG, simt)
    m = jnp.max(simt, axis=0, keepdims=True)
    e = jnp.exp(simt - m)
    soft = e / jnp.sum(e, axis=0, keepdims=True)

    h = soft.shape[0]
    row = jax.lax.broadcasted_iota(jnp.int32, soft.shape, 0)
    v = soft
    for k in range(_TOPK):
        mk = jnp.max(v, axis=0)
        ik = jnp.min(jnp.where(v == mk[None, :], row, h), axis=0)
        val_ref[k, :] = mk
        idx_ref[k, :] = ik
        v = jnp.where(row == ik[None, :], -1.0, v)


_NTILES = 32


def _edge_assemble_sc(vals, idxs, seq_len):
    x, xi = vals, idxs
    jpw = seq_len // _NTILES
    epw = 3 * jpw
    n_edges = 3 * seq_len
    mesh = plsc.VectorSubcoreMesh(core_axis_name="c", subcore_axis_name="s")

    @functools.partial(
        pl.kernel,
        out_type=[jax.ShapeDtypeStruct((n_edges,), jnp.float32),
                  jax.ShapeDtypeStruct((2, n_edges), jnp.int32)],
        mesh=mesh,
        compiler_params=pltpu.CompilerParams(needs_layout_passes=False),
        scratch_types=[pltpu.VMEM((3, jpw), jnp.float32),
                       pltpu.VMEM((3, jpw), jnp.int32),
                       pltpu.VMEM((epw,), jnp.float32),
                       pltpu.VMEM((1, epw), jnp.int32),
                       pltpu.VMEM((1, epw), jnp.int32),
                       pltpu.SemaphoreType.DMA,
                       pltpu.SemaphoreType.DMA],
    )
    def _sc(x_hbm, xi_hbm, ew_hbm, ei_hbm, vv, vi, ewv, e0, e1, s1, s2):
        w = lax.axis_index("s") * 2 + lax.axis_index("c")
        jbase = w * jpw
        obase = w * epw
        c1 = pltpu.async_copy(x_hbm.at[pl.ds(0, 3), pl.ds(jbase, jpw)], vv, s1)
        c2 = pltpu.async_copy(xi_hbm.at[pl.ds(0, 3), pl.ds(jbase, jpw)], vi, s2)
        c1.wait()
        c2.wait()
        iota = lax.iota(jnp.int32, 16)
        for g in range(jpw // 16):
            permf, permi = [], []
            for k in range(3):
                keys = (3 * iota + k) & 15
                _, pf = plsc.sort_key_val(keys, vv[k, pl.ds(g * 16, 16)])
                _, pi = plsc.sort_key_val(keys, vi[k, pl.ds(g * 16, 16)])
                permf.append(pf)
                permi.append(pi)
            for m in range(3):
                r = 16 * m + iota
                q = (r * 21846) >> 16
                kk = r - 3 * q
                outf = jnp.where(kk == 0, permf[0],
                                 jnp.where(kk == 1, permf[1], permf[2]))
                outi = jnp.where(kk == 0, permi[0],
                                 jnp.where(kk == 1, permi[1], permi[2]))
                o = 48 * g + 16 * m
                node = jbase + 16 * g + q
                ewv[pl.ds(o, 16)] = outf
                e0[0, pl.ds(o, 16)] = node
                e1[0, pl.ds(o, 16)] = outi
        o1 = pltpu.async_copy(ewv, ew_hbm.at[pl.ds(obase, epw)], s1)
        o2 = pltpu.async_copy(e0, ei_hbm.at[pl.ds(0, 1), pl.ds(obase, epw)], s2)
        o3 = pltpu.async_copy(e1, ei_hbm.at[pl.ds(1, 1), pl.ds(obase, epw)], s1)
        o1.wait()
        o2.wait()
        o3.wait()

    ew, ei = _sc(x, xi)
    return ei, ew


def kernel(features, mask, node_embeds, hyper_embeds):
    seq_len = min(features.shape[1], node_embeds.shape[0])
    ne = node_embeds[:seq_len]
    dim = ne.shape[1]
    hnum = hyper_embeds.shape[0]
    nblk = seq_len // _BLOCK

    vals, idxs = pl.pallas_call(
        _hyper_kernel,
        grid=(nblk,),
        in_specs=[
            pl.BlockSpec((mask.shape[0], _BLOCK), lambda i: (0, i)),
            pl.BlockSpec((_BLOCK, dim), lambda i: (i, 0)),
            pl.BlockSpec((hnum, dim), lambda i: (0, 0)),
        ],
        out_specs=[
            pl.BlockSpec((_TOPK, _BLOCK), lambda i: (0, i)),
            pl.BlockSpec((_TOPK, _BLOCK), lambda i: (0, i)),
        ],
        out_shape=[
            jax.ShapeDtypeStruct((_TOPK, seq_len), jnp.float32),
            jax.ShapeDtypeStruct((_TOPK, seq_len), jnp.int32),
        ],
    )(mask, ne, hyper_embeds)

    edge_index, edge_weight = _edge_assemble_sc(vals, idxs, seq_len)
    return (edge_index, edge_weight)

# --- scband reference (transcript-rebuilt; emitter-appended) ---
"""Pipeline reference for scband-masked-adaptive-hypergraph-generator-81990925681094 (READ-ONLY COPY).

The authoritative reference and input builder live on the scoring server;
editing this copy changes nothing except your own understanding.
"""

import jax, jax.numpy as jnp
import numpy as np

BATCH = 4
SEQ_LEN = 8192
DIM = 768
MAX_SEQ_LEN = 8192
HYPER_NUM = 64
TOPK = 3
ALPHA = 1.0

def setup_inputs(seed: int = 0) -> dict:
    key = jax.random.key(seed)
    k1, k2, k3 = jax.random.split(key, 3)
    features = jax.random.normal(k1, (BATCH, SEQ_LEN, DIM), dtype=jnp.float32)
    mask = jnp.ones((BATCH, SEQ_LEN), dtype=jnp.float32)
    node_embeds = jax.random.normal(k2, (MAX_SEQ_LEN, DIM), dtype=jnp.float32)
    hyper_embeds = jax.random.normal(k3, (HYPER_NUM, DIM), dtype=jnp.float32)
    return {"features": features, "mask": mask, "node_embeds": node_embeds, "hyper_embeds": hyper_embeds}

def reference(features, mask, node_embeds, hyper_embeds):
    batch_size, seq_len, feature_dim = features.shape
    slice_len = min(seq_len, node_embeds.shape[0])
    ne = node_embeds[:slice_len]
    similarity = jnp.matmul(ne, hyper_embeds.T)
    similarity = jax.nn.relu(ALPHA * similarity)
    avg_mask = jnp.mean(mask, axis=0)[:slice_len]
    similarity = jnp.where(avg_mask[:, None] < 0.5, jnp.float32(-1e9), similarity)
    soft_adj = jax.nn.softmax(similarity, axis=1)
    k = min(TOPK, HYPER_NUM)
    values, indices = jax.lax.top_k(soft_adj, k)
    node_indices = jnp.broadcast_to(jnp.arange(slice_len)[:, None], (slice_len, k))
    row = node_indices.reshape(-1)
    col = indices.reshape(-1).astype(jnp.int64) if indices.dtype != row.dtype else indices.reshape(-1)
    edge_index = jnp.stack([row, col.astype(row.dtype)], axis=0)
    edge_weight = values.reshape(-1)
    # torch module returns [(edge_index, edge_weight)] * batch_size; we return the shared pair once
    return (edge_index, edge_weight)

if __name__ == "__main__":
    import jax
    _d = setup_inputs()
    print(jax.jit(kernel)(*tuple(_d.values())))

</pallas_src>

<mosaic_0001>
#map = affine_map<(d0, d1) -> (0, 0)>
#map1 = affine_map<(d0, d1) -> (0)>
module attributes {stable_mosaic.version = 14 : i64} {
  func.func @_sc(%arg0: i32, %arg1: i32, %arg2: memref<3x8192xf32, #tpu.memory_space<hbm>>, %arg3: memref<3x8192xi32, #tpu.memory_space<hbm>>, %arg4: memref<24576xf32, #tpu.memory_space<hbm>>, %arg5: memref<2x24576xi32, #tpu.memory_space<hbm>>, %arg6: memref<3x256xf32, #tpu.memory_space<vmem>>, %arg7: memref<3x256xi32, #tpu.memory_space<vmem>>, %arg8: memref<768xf32, #tpu.memory_space<vmem>>, %arg9: memref<1x768xi32, #tpu.memory_space<vmem>>, %arg10: memref<1x768xi32, #tpu.memory_space<vmem>>, %arg11: memref<!tpu.dma_semaphore, #tpu.memory_space<semaphore_mem>>, %arg12: memref<!tpu.dma_semaphore, #tpu.memory_space<semaphore_mem>>) attributes {dimension_semantics = [#tpu.dimension_semantics<core_parallel>, #tpu.dimension_semantics<subcore_parallel>], iteration_bounds = array<i64: 2, 16>, scalar_prefetch = 0 : i64, scratch_operands = 7 : i64, tpu.core_type = #tpu.core_type<sc_vector_subcore>, window_params = [{transform_indices = #map}, {transform_indices = #map}, {transform_indices = #map1}, {transform_indices = #map}]} {
    %mul3A = arith.constant 2 : i32
    %mul3A_0 = arith.muli %arg1, %mul3A : i32
    %add3A = arith.addi %mul3A_0, %arg0 : i32
    %mul3A_1 = arith.constant 256 : i32
    %mul3A_2 = arith.muli %add3A, %mul3A_1 : i32
    %mul3A_3 = arith.constant 768 : i32
    %mul3A_4 = arith.muli %add3A, %mul3A_3 : i32
    %dma_start3A = arith.constant 0 : i32
    %dma_start3A_5 = tpu.memref_slice %arg2[%dma_start3A, %mul3A_2] : memref<3x8192xf32, #tpu.memory_space<hbm>> -> memref<3x256xf32, #tpu.memory_space<hbm>>
    %dma_start3A_6 = arith.constant 0 : i32
    %dma_start3A_7 = tpu.memref_slice %arg2[%dma_start3A_6, %mul3A_2] : memref<3x8192xf32, #tpu.memory_space<hbm>> -> memref<3x256xf32, #tpu.memory_space<hbm>>
    tpu.enqueue_dma source(%dma_start3A_7 : memref<3x256xf32, #tpu.memory_space<hbm>>) target(%arg6 : memref<3x256xf32, #tpu.memory_space<vmem>>) target_semaphore(%arg11 : memref<!tpu.dma_semaphore, #tpu.memory_space<semaphore_mem>>)
    %dma_start3A_8 = arith.constant 0 : i32
    %dma_start3A_9 = tpu.memref_slice %arg3[%dma_start3A_8, %mul3A_2] : memref<3x8192xi32, #tpu.memory_space<hbm>> -> memref<3x256xi32, #tpu.memory_space<hbm>>
    %dma_start3A_10 = arith.constant 0 : i32
    %dma_start3A_11 = tpu.memref_slice %arg3[%dma_start3A_10, %mul3A_2] : memref<3x8192xi32, #tpu.memory_space<hbm>> -> memref<3x256xi32, #tpu.memory_space<hbm>>
    tpu.enqueue_dma source(%dma_start3A_11 : memref<3x256xi32, #tpu.memory_space<hbm>>) target(%arg7 : memref<3x256xi32, #tpu.memory_space<vmem>>) target_semaphore(%arg12 : memref<!tpu.dma_semaphore, #tpu.memory_space<semaphore_mem>>)
    %dma_wait3A = arith.constant 0 : i32
    %dma_wait3A_12 = tpu.memref_slice %arg2[%dma_wait3A, %mul3A_2] : memref<3x8192xf32, #tpu.memory_space<hbm>> -> memref<3x256xf32, #tpu.memory_space<hbm>>
    %dma_wait3A_13 = arith.constant 0 : i32
    %dma_wait3A_14 = tpu.memref_slice %arg2[%dma_wait3A_13, %mul3A_2] : memref<3x8192xf32, #tpu.memory_space<hbm>> -> memref<3x256xf32, #tpu.memory_space<hbm>>
    tpu.wait_dma2 semaphore(%arg11 : memref<!tpu.dma_semaphore, #tpu.memory_space<semaphore_mem>>) src(%dma_wait3A_14 : memref<3x256xf32, #tpu.memory_space<hbm>>) dst(%arg6 : memref<3x256xf32, #tpu.memory_space<vmem>>)
    %dma_wait3A_15 = arith.constant 0 : i32
    %dma_wait3A_16 = tpu.memref_slice %arg3[%dma_wait3A_15, %mul3A_2] : memref<3x8192xi32, #tpu.memory_space<hbm>> -> memref<3x256xi32, #tpu.memory_space<hbm>>
    %dma_wait3A_17 = arith.constant 0 : i32
    %dma_wait3A_18 = tpu.memref_slice %arg3[%dma_wait3A_17, %mul3A_2] : memref<3x8192xi32, #tpu.memory_space<hbm>> -> memref<3x256xi32, #tpu.memory_space<hbm>>
    tpu.wait_dma2 semaphore(%arg12 : memref<!tpu.dma_semaphore, #tpu.memory_space<semaphore_mem>>) src(%dma_wait3A_18 : memref<3x256xi32, #tpu.memory_space<hbm>>) dst(%arg7 : memref<3x256xi32, #tpu.memory_space<vmem>>)
    %iota3A = tpu.iota {dimensions = array<i32: 0>} : vector<16xi32>
    %mul3A_19 = arith.constant 3 : i32
    %mul3A_20 = vector.broadcast %mul3A_19 : i32 to vector<16xi32>
    %mul3A_21 = arith.muli %mul3A_20, %iota3A : vector<16xi32>
    %add3A_22 = arith.constant 0 : i32
    %add3A_23 = vector.broadcast %add3A_22 : i32 to vector<16xi32>
    %add3A_24 = arith.addi %mul3A_21, %add3A_23 : vector<16xi32>
    %and3A = arith.constant 15 : i32
    %and3A_25 = vector.broadcast %and3A : i32 to vector<16xi32>
    %and3A_26 = arith.andi %add3A_24, %and3A_25 : vector<16xi32>
    %get3A = arith.constant 0 : i32
    %get3A_27 = arith.index_cast %get3A : i32 to index
    %get3A_28 = arith.constant 0 : index
    %get3A_29 = tpu.vector_load %arg6[%get3A_27, %get3A_28] {strides = array<i32>} : memref<3x256xf32, #tpu.memory_space<vmem>>, vector<16xf32>,
    %masked_sort3A = arith.constant dense<true> : vector<16xi1>
    %masked_sort3A_30 = arith.constant -2147483648 : i32
    %masked_sort3A_31 = vector.broadcast %masked_sort3A_30 : i32 to vector<16xi32>
    %masked_sort3A_32 = arith.xori %and3A_26, %masked_sort3A_31 : vector<16xi32>
    %masked_sort3A_33, %masked_sort3A_34, %masked_sort3A_35 = tpu.sort %masked_sort3A_32, %get3A_29 masked %masked_sort3A : (vector<16xi32>, vector<16xf32>, vector<16xi1>) -> (vector<16xi1>, vector<16xi32>, vector<16xf32>)
    %masked_sort3A_36 = arith.xori %masked_sort3A_34, %masked_sort3A_31 : vector<16xi32>
    %get3A_37 = arith.constant 0 : i32
    %get3A_38 = arith.index_cast %get3A_37 : i32 to index
    %get3A_39 = arith.constant 0 : index
    %get3A_40 = tpu.vector_load %arg7[%get3A_38, %get3A_39] {strides = array<i32>} : memref<3x256xi32, #tpu.memory_space<vmem>>, vector<16xi32>,
    %masked_sort3A_41 = arith.constant dense<true> : vector<16xi1>
    %masked_sort3A_42 = arith.constant -2147483648 : i32
    %masked_sort3A_43 = vector.broadcast %masked_sort3A_42 : i32 to vector<16xi32>
    %masked_sort3A_44 = arith.xori %and3A_26, %masked_sort3A_43 : vector<16xi32>
    %masked_sort3A_45, %masked_sort3A_46, %masked_sort3A_47 = tpu.sort %masked_sort3A_44, %get3A_40 masked %masked_sort3A_41 : (vector<16xi32>, vector<16xi32>, vector<16xi1>) -> (vector<16xi1>, vector<16xi32>, vector<16xi32>)
    %masked_sort3A_48 = arith.xori %masked_sort3A_46, %masked_sort3A_43 : vector<16xi32>
    %mul3A_49 = arith.constant 3 : i32
    %mul3A_50 = vector.broadcast %mul3A_49 : i32 to vector<16xi32>
    %mul3A_51 = arith.muli %mul3A_50, %iota3A : vector<16xi32>
    %add3A_52 = arith.constant 1 : i32
    %add3A_53 = vector.broadcast %add3A_52 : i32 to vector<16xi32>
    %add3A_54 = arith.addi %mul3A_51, %add3A_53 : vector<16xi32>
    %and3A_55 = arith.constant 15 : i32
    %and3A_56 = vector.broadcast %and3A_55 : i32 to vector<16xi32>
    %and3A_57 = arith.andi %add3A_54, %and3A_56 : vector<16xi32>
    %get3A_58 = arith.constant 1 : i32
    %get3A_59 = arith.index_cast %get3A_58 : i32 to index
    %get3A_60 = arith.constant 0 : index
    %get3A_61 = tpu.vector_load %arg6[%get3A_59, %get3A_60] {strides = array<i32>} : memref<3x256xf32, #tpu.memory_space<vmem>>, vector<16xf32>,
    %masked_sort3A_62 = arith.constant dense<true> : vector<16xi1>
    %masked_sort3A_63 = arith.constant -2147483648 : i32
    %masked_sort3A_64 = vector.broadcast %masked_sort3A_63 : i32 to vector<16xi32>
    %masked_sort3A_65 = arith.xori %and3A_57, %masked_sort3A_64 : vector<16xi32>
    %masked_sort3A_66, %masked_sort3A_67, %masked_sort3A_68 = tpu.sort %masked_sort3A_65, %get3A_61 masked %masked_sort3A_62 : (vector<16xi32>, vector<16xf32>, vector<16xi1>) -> (vector<16xi1>, vector<16xi32>, vector<16xf32>)
    %masked_sort3A_69 = arith.xori %masked_sort3A_67, %masked_sort3A_64 : vector<16xi32>
    %get3A_70 = arith.constant 1 : i32
    %get3A_71 = arith.index_cast %get3A_70 : i32 to index
    %get3A_72 = arith.constant 0 : index
    %get3A_73 = tpu.vector_load %arg7[%get3A_71, %get3A_72] {strides = array<i32>} : memref<3x256xi32, #tpu.memory_space<vmem>>, vector<16xi32>,
    %masked_sort3A_74 = arith.constant dense<true> : vector<16xi1>
    %masked_sort3A_75 = arith.constant -2147483648 : i32
    %masked_sort3A_76 = vector.broadcast %masked_sort3A_75 : i32 to vector<16xi32>
    %masked_sort3A_77 = arith.xori %and3A_57, %masked_sort3A_76 : vector<16xi32>
    %masked_sort3A_78, %masked_sort3A_79, %masked_sort3A_80 = tpu.sort %masked_sort3A_77, %get3A_73 masked %masked_sort3A_74 : (vector<16xi32>, vector<16xi32>, vector<16xi1>) -> (vector<16xi1>, vector<16xi32>, vector<16xi32>)
    %masked_sort3A_81 = arith.xori %masked_sort3A_79, %masked_sort3A_76 : vector<16xi32>
    %mul3A_82 = arith.constant 3 : i32
    %mul3A_83 = vector.broadcast %mul3A_82 : i32 to vector<16xi32>
    %mul3A_84 = arith.muli %mul3A_83, %iota3A : vector<16xi32>
    %add3A_85 = arith.constant 2 : i32
    %add3A_86 = vector.broadcast %add3A_85 : i32 to vector<16xi32>
    %add3A_87 = arith.addi %mul3A_84, %add3A_86 : vector<16xi32>
    %and3A_88 = arith.constant 15 : i32
    %and3A_89 = vector.broadcast %and3A_88 : i32 to vector<16xi32>
    %and3A_90 = arith.andi %add3A_87, %and3A_89 : vector<16xi32>
    %get3A_91 = arith.constant 2 : i32
    %get3A_92 = arith.index_cast %get3A_91 : i32 to index
    %get3A_93 = arith.constant 0 : index
    %get3A_94 = tpu.vector_load %arg6[%get3A_92, %get3A_93] {strides = array<i32>} : memref<3x256xf32, #tpu.memory_space<vmem>>, vector<16xf32>,
    %masked_sort3A_95 = arith.constant dense<true> : vector<16xi1>
    %masked_sort3A_96 = arith.constant -2147483648 : i32
    %masked_sort3A_97 = vector.broadcast %masked_sort3A_96 : i32 to vector<16xi32>
    %masked_sort3A_98 = arith.xori %and3A_90, %masked_sort3A_97 : vector<16xi32>
    %masked_sort3A_99, %masked_sort3A_100, %masked_sort3A_101 = tpu.sort %masked_sort3A_98, %get3A_94 masked %masked_sort3A_95 : (vector<16xi32>, vector<16xf32>, vector<16xi1>) -> (vector<16xi1>, vector<16xi32>, vector<16xf32>)
    %masked_sort3A_102 = arith.xori %masked_sort3A_100, %masked_sort3A_97 : vector<16xi32>
    %get3A_103 = arith.constant 2 : i32
    %get3A_104 = arith.index_cast %get3A_103 : i32 to index
    %get3A_105 = arith.constant 0 : index
    %get3A_106 = tpu.vector_load %arg7[%get3A_104, %get3A_105] {strides = array<i32>} : memref<3x256xi32, #tpu.memory_space<vmem>>, vector<16xi32>,
    %masked_sort3A_107 = arith.constant dense<true> : vector<16xi1>
    %masked_sort3A_108 = arith.constant -2147483648 : i32
    %masked_sort3A_109 = vector.broadcast %masked_sort3A_108 : i32 to vector<16xi32>
    %masked_sort3A_110 = arith.xori %and3A_90, %masked_sort3A_109 : vector<16xi32>
    %masked_sort3A_111, %masked_sort3A_112, %masked_sort3A_113 = tpu.sort %masked_sort3A_110, %get3A_106 masked %masked_sort3A_107 : (vector<16xi32>, vector<16xi32>, vector<16xi1>) -> (vector<16xi1>, vector<16xi32>, vector<16xi32>)
    %masked_sort3A_114 = arith.xori %masked_sort3A_112, %masked_sort3A_109 : vector<16xi32>
    %add3A_115 = arith.constant 0 : i32
    %add3A_116 = vector.broadcast %add3A_115 : i32 to vector<16xi32>
    %add3A_117 = arith.addi %add3A_116, %iota3A : vector<16xi32>
    %mul3A_118 = arith.constant 21846 : i32
    %mul3A_119 = vector.broadcast %mul3A_118 : i32 to vector<16xi32>
    %mul3A_120 = arith.muli %add3A_117, %mul3A_119 : vector<16xi32>
    %shift_right_arithmetic3A = arith.constant 16 : i32
    %shift_right_arithmetic3A_121 = vector.broadcast %shift_right_arithmetic3A : i32 to vector<16xi32>
    %shift_right_arithmetic3A_122 = arith.shrsi %mul3A_120, %shift_right_arithmetic3A_121 : vector<16xi32>
    %mul3A_123 = arith.constant 3 : i32
    %mul3A_124 = vector.broadcast %mul3A_123 : i32 to vector<16xi32>
    %mul3A_125 = arith.muli %mul3A_124, %shift_right_arithmetic3A_122 : vector<16xi32>
    %sub3A = arith.subi %add3A_117, %mul3A_125 : vector<16xi32>
    %eq3A = arith.constant 0 : i32
    %eq3A_126 = vector.broadcast %eq3A : i32 to vector<16xi32>
    %eq3A_127 = arith.cmpi eq, %sub3A, %eq3A_126 : vector<16xi32>
    %eq3A_128 = arith.constant 1 : i32
    %eq3A_129 = vector.broadcast %eq3A_128 : i32 to vector<16xi32>
    %eq3A_130 = arith.cmpi eq, %sub3A, %eq3A_129 : vector<16xi32>
    %select_n3A = arith.select %eq3A_130, %masked_sort3A_68, %masked_sort3A_101 : vector<16xi1>, vector<16xf32>
    %select_n3A_131 = arith.select %eq3A_127, %masked_sort3A_35, %select_n3A : vector<16xi1>, vector<16xf32>
    %eq3A_132 = arith.constant 0 : i32
    %eq3A_133 = vector.broadcast %eq3A_132 : i32 to vector<16xi32>
    %eq3A_134 = arith.cmpi eq, %sub3A, %eq3A_133 : vector<16xi32>
    %eq3A_135 = arith.constant 1 : i32
    %eq3A_136 = vector.broadcast %eq3A_135 : i32 to vector<16xi32>
    %eq3A_137 = arith.cmpi eq, %sub3A, %eq3A_136 : vector<16xi32>
    %select_n3A_138 = arith.select %eq3A_137, %masked_sort3A_80, %masked_sort3A_113 : vector<16xi1>, vector<16xi32>
    %select_n3A_139 = arith.select %eq3A_134, %masked_sort3A_47, %select_n3A_138 : vector<16xi1>, vector<16xi32>
    %add3A_140 = arith.constant 0 : i32
    %add3A_141 = arith.addi %mul3A_2, %add3A_140 : i32
    %add3A_142 = vector.broadcast %add3A_141 : i32 to vector<16xi32>
    %add3A_143 = arith.addi %add3A_142, %shift_right_arithmetic3A_122 : vector<16xi32>
    %swap3A = arith.constant 0 : index
    %swap3A_144 = tpu.vector_load %arg8[%swap3A] {strides = array<i32>} : memref<768xf32, #tpu.memory_space<vmem>>, vector<16xf32>,
    tpu.vector_store %arg8[%swap3A], %select_n3A_131 {strides = array<i32>} : memref<768xf32, #tpu.memory_space<vmem>>, vector<16xf32>,
    %swap3A_145 = arith.constant 0 : i32
    %swap3A_146 = arith.index_cast %swap3A_145 : i32 to index
    %swap3A_147 = arith.constant 0 : index
    %swap3A_148 = tpu.vector_load %arg9[%swap3A_146, %swap3A_147] {strides = array<i32>} : memref<1x768xi32, #tpu.memory_space<vmem>>, vector<16xi32>,
    tpu.vector_store %arg9[%swap3A_146, %swap3A_147], %add3A_143 {strides = array<i32>} : memref<1x768xi32, #tpu.memory_space<vmem>>, vector<16xi32>,
    %swap3A_149 = arith.constant 0 : i32
    %swap3A_150 = arith.index_cast %swap3A_149 : i32 to index
    %swap3A_151 = arith.constant 0 : index
    %swap3A_152 = tpu.vector_load %arg10[%swap3A_150, %swap3A_151] {strides = array<i32>} : memref<1x768xi32, #tpu.memory_space<vmem>>, vector<16xi32>,
    tpu.vector_store %arg10[%swap3A_150, %swap3A_151], %select_n3A_139 {strides = array<i32>} : memref<1x768xi32, #tpu.memory_space<vmem>>, vector<16xi32>,
    %add3A_153 = arith.constant 16 : i32
    %add3A_154 = vector.broadcast %add3A_153 : i32 to vector<16xi32>
    %add3A_155 = arith.addi %add3A_154, %iota3A : vector<16xi32>
    %mul3A_156 = arith.constant 21846 : i32
    %mul3A_157 = vector.broadcast %mul3A_156 : i32 to vector<16xi32>
    %mul3A_158 = arith.muli %add3A_155, %mul3A_157 : vector<16xi32>
    %shift_right_arithmetic3A_159 = arith.constant 16 : i32
    %shift_right_arithmetic3A_160 = vector.broadcast %shift_right_arithmetic3A_159 : i32 to vector<16xi32>
    %shift_right_arithmetic3A_161 = arith.shrsi %mul3A_158, %shift_right_arithmetic3A_160 : vector<16xi32>
    %mul3A_162 = arith.constant 3 : i32
    %mul3A_163 = vector.broadcast %mul3A_162 : i32 to vector<16xi32>
    %mul3A_164 = arith.muli %mul3A_163, %shift_right_arithmetic3A_161 : vector<16xi32>
    %sub3A_165 = arith.subi %add3A_155, %mul3A_164 : vector<16xi32>
    %eq3A_166 = arith.constant 0 : i32
    %eq3A_167 = vector.broadcast %eq3A_166 : i32 to vector<16xi32>
    %eq3A_168 = arith.cmpi eq, %sub3A_165, %eq3A_167 : vector<16xi32>
    %eq3A_169 = arith.constant 1 : i32
    %eq3A_170 = vector.broadcast %eq3A_169 : i32 to vector<16xi32>
    %eq3A_171 = arith.cmpi eq, %sub3A_165, %eq3A_170 : vector<16xi32>
    %select_n3A_172 = arith.select %eq3A_171, %masked_sort3A_68, %masked_sort3A_101 : vector<16xi1>, vector<16xf32>
    %select_n3A_173 = arith.select %eq3A_168, %masked_sort3A_35, %select_n3A_172 : vector<16xi1>, vector<16xf32>
    %eq3A_174 = arith.constant 0 : i32
    %eq3A_175 = vector.broadcast %eq3A_174 : i32 to vector<16xi32>
    %eq3A_176 = arith.cmpi eq, %sub3A_165, %eq3A_175 : vector<16xi32>
    %eq3A_177 = arith.constant 1 : i32
    %eq3A_178 = vector.broadcast %eq3A_177 : i32 to vector<16xi32>
    %eq3A_179 = arith.cmpi eq, %sub3A_165, %eq3A_178 : vector<16xi32>
    %select_n3A_180 = arith.select %eq3A_179, %masked_sort3A_80, %masked_sort3A_113 : vector<16xi1>, vector<16xi32>
    %select_n3A_181 = arith.select %eq3A_176, %masked_sort3A_47, %select_n3A_180 : vector<16xi1>, vector<16xi32>
    %add3A_182 = arith.constant 0 : i32
    %add3A_183 = arith.addi %mul3A_2, %add3A_182 : i32
    %add3A_184 = vector.broadcast %add3A_183 : i32 to vector<16xi32>
    %add3A_185 = arith.addi %add3A_184, %shift_right_arithmetic3A_161 : vector<16xi32>
    %swap3A_186 = arith.constant 16 : index
    %swap3A_187 = tpu.vector_load %arg8[%swap3A_186] {strides = array<i32>} : memref<768xf32, #tpu.memory_space<vmem>>, vector<16xf32>,
    tpu.vector_store %arg8[%swap3A_186], %select_n3A_173 {strides = array<i32>} : memref<768xf32, #tpu.memory_space<vmem>>, vector<16xf32>,
    %swap3A_188 = arith.constant 0 : i32
    %swap3A_189 = arith.index_cast %swap3A_188 : i32 to index
    %swap3A_190 = arith.constant 16 : index
    %swap3A_191 = tpu.vector_load %arg9[%swap3A_189, %swap3A_190] {strides = array<i32>} : memref<1x768xi32, #tpu.memory_space<vmem>>, vector<16xi32>,
    tpu.vector_store %arg9[%swap3A_189, %swap3A_190], %add3A_185 {strides = array<i32>} : memref<1x768xi32, #tpu.memory_space<vmem>>, vector<16xi32>,
    %swap3A_192 = arith.constant 0 : i32
    %swap3A_193 = arith.index_cast %swap3A_192 : i32 to index
    %swap3A_194 = arith.constant 16 : index
    %swap3A_195 = tpu.vector_load %arg10[%swap3A_193, %swap3A_194] {strides = array<i32>} : memref<1x768xi32, #tpu.memory_space<vmem>>, vector<16xi32>,
    tpu.vector_store %arg10[%swap3A_193, %swap3A_194], %select_n3A_181 {strides = array<i32>} : memref<1x768xi32, #tpu.memory_space<vmem>>, vector<16xi32>,
    %add3A_196 = arith.constant 32 : i32
    %add3A_197 = vector.broadcast %add3A_196 : i32 to vector<16xi32>
    %add3A_198 = arith.addi %add3A_197, %iota3A : vector<16xi32>
    %mul3A_199 = arith.constant 21846 : i32
    %mul3A_200 = vector.broadcast %mul3A_199 : i32 to vector<16xi32>
    %mul3A_201 = arith.muli %add3A_198, %mul3A_200 : vector<16xi32>
    %shift_right_arithmetic3A_202 = arith.constant 16 : i32
    %shift_right_arithmetic3A_203 = vector.broadcast %shift_right_arithmetic3A_202 : i32 to vector<16xi32>
    %shift_right_arithmetic3A_204 = arith.shrsi %mul3A_201, %shift_right_arithmetic3A_203 : vector<16xi32>
    %mul3A_205 = arith.constant 3 : i32
    %mul3A_206 = vector.broadcast %mul3A_205 : i32 to vector<16xi32>
    %mul3A_207 = arith.muli %mul3A_206, %shift_right_arithmetic3A_204 : vector<16xi32>
    %sub3A_208 = arith.subi %add3A_198, %mul3A_207 : vector<16xi32>
    %eq3A_209 = arith.constant 0 : i32
    %eq3A_210 = vector.broadcast %eq3A_209 : i32 to vector<16xi32>
    %eq3A_211 = arith.cmpi eq, %sub3A_208, %eq3A_210 : vector<16xi32>
    %eq3A_212 = arith.constant 1 : i32
    %eq3A_213 = vector.broadcast %eq3A_212 : i32 to vector<16xi32>
    %eq3A_214 = arith.cmpi eq, %sub3A_208, %eq3A_213 : vector<16xi32>
    %select_n3A_215 = arith.select %eq3A_214, %masked_sort3A_68, %masked_sort3A_101 : vector<16xi1>, vector<16xf32>
    %select_n3A_216 = arith.select %eq3A_211, %masked_sort3A_35, %select_n3A_215 : vector<16xi1>, vector<16xf32>
    %eq3A_217 = arith.constant 0 : i32
    %eq3A_218 = vector.broadcast %eq3A_217 : i32 to vector<16xi32>
    %eq3A_219 = arith.cmpi eq, %sub3A_208, %eq3A_218 : vector<16xi32>
    %eq3A_220 = arith.constant 1 : i32
    %eq3A_221 = vector.broadcast %eq3A_220 : i32 to vector<16xi32>
    %eq3A_222 = arith.cmpi eq, %sub3A_208, %eq3A_221 : vector<16xi32>
    %select_n3A_223 = arith.select %eq3A_222, %masked_sort3A_80, %masked_sort3A_113 : vector<16xi1>, vector<16xi32>
    %select_n3A_224 = arith.select %eq3A_219, %masked_sort3A_47, %select_n3A_223 : vector<16xi1>, vector<16xi32>
    %add3A_225 = arith.constant 0 : i32
    %add3A_226 = arith.addi %mul3A_2, %add3A_225 : i32
    %add3A_227 = vector.broadcast %add3A_226 : i32 to vector<16xi32>
    %add3A_228 = arith.addi %add3A_227, %shift_right_arithmetic3A_204 : vector<16xi32>
    %swap3A_229 = arith.constant 32 : index
    %swap3A_230 = tpu.vector_load %arg8[%swap3A_229] {strides = array<i32>} : memref<768xf32, #tpu.memory_space<vmem>>, vector<16xf32>,
    tpu.vector_store %arg8[%swap3A_229], %select_n3A_216 {strides = array<i32>} : memref<768xf32, #tpu.memory_space<vmem>>, vector<16xf32>,
    %swap3A_231 = arith.constant 0 : i32
    %swap3A_232 = arith.index_cast %swap3A_231 : i32 to index
    %swap3A_233 = arith.constant 32 : index
    %swap3A_234 = tpu.vector_load %arg9[%swap3A_232, %swap3A_233] {strides = array<i32>} : memref<1x768xi32, #tpu.memory_space<vmem>>, vector<16xi32>,
    tpu.vector_store %arg9[%swap3A_232, %swap3A_233], %add3A_228 {strides = array<i32>} : memref<1x768xi32, #tpu.memory_space<vmem>>, vector<16xi32>,
    %swap3A_235 = arith.constant 0 : i32
    %swap3A_236 = arith.index_cast %swap3A_235 : i32 to index
    %swap3A_237 = arith.constant 32 : index
    %swap3A_238 = tpu.vector_load %arg10[%swap3A_236, %swap3A_237] {strides = array<i32>} : memref<1x768xi32, #tpu.memory_space<vmem>>, vector<16xi32>,
    tpu.vector_store %arg10[%swap3A_236, %swap3A_237], %select_n3A_224 {strides = array<i32>} : memref<1x768xi32, #tpu.memory_space<vmem>>, vector<16xi32>,
    %mul3A_239 = arith.constant 3 : i32
    %mul3A_240 = vector.broadcast %mul3A_239 : i32 to vector<16xi32>
    %mul3A_241 = arith.muli %mul3A_240, %iota3A : vector<16xi32>
    %add3A_242 = arith.constant 0 : i32
    %add3A_243 = vector.broadcast %add3A_242 : i32 to vector<16xi32>
    %add3A_244 = arith.addi %mul3A_241, %add3A_243 : vector<16xi32>
    %and3A_245 = arith.constant 15 : i32
    %and3A_246 = vector.broadcast %and3A_245 : i32 to vector<16xi32>
    %and3A_247 = arith.andi %add3A_244, %and3A_246 : vector<16xi32>
    %get3A_248 = arith.constant 0 : i32
    %get3A_249 = arith.index_cast %get3A_248 : i32 to index
    %get3A_250 = arith.constant 16 : index
    %get3A_251 = tpu.vector_load %arg6[%get3A_249, %get3A_250] {strides = array<i32>} : memref<3x256xf32, #tpu.memory_space<vmem>>, vector<16xf32>,
    %masked_sort3A_252 = arith.constant dense<true> : vector<16xi1>
    %masked_sort3A_253 = arith.constant -2147483648 : i32
    %masked_sort3A_254 = vector.broadcast %masked_sort3A_253 : i32 to vector<16xi32>
    %masked_sort3A_255 = arith.xori %and3A_247, %masked_sort3A_254 : vector<16xi32>
    %masked_sort3A_256, %masked_sort3A_257, %masked_sort3A_258 = tpu.sort %masked_sort3A_255, %get3A_251 masked %masked_sort3A_252 : (vector<16xi32>, vector<16xf32>, vector<16xi1>) -> (vector<16xi1>, vector<16xi32>, vector<16xf32>)
    %masked_sort3A_259 = arith.xori %masked_sort3A_257, %masked_sort3A_254 : vector<16xi32>
    %get3A_260 = arith.constant 0 : i32
    %get3A_261 = arith.index_cast %get3A_260 : i32 to index
    %get3A_262 = arith.constant 16 : index
    %get3A_263 = tpu.vector_load %arg7[%get3A_261, %get3A_262] {strides = array<i32>} : memref<3x256xi32, #tpu.memory_space<vmem>>, vector<16xi32>,
    %masked_sort3A_264 = arith.constant dense<true> : vector<16xi1>
    %masked_sort3A_265 = arith.constant -2147483648 : i32
    %masked_sort3A_266 = vector.broadcast %masked_sort3A_265 : i32 to vector<16xi32>
    %masked_sort3A_267 = arith.xori %and3A_247, %masked_sort3A_266 : vector<16xi32>
    %masked_sort3A_268, %masked_sort3A_269, %masked_sort3A_270 = tpu.sort %masked_sort3A_267, %get3A_263 masked %masked_sort3A_264 : (vector<16xi32>, vector<16xi32>, vector<16xi1>) -> (vector<16xi1>, vector<16xi32>, vector<16xi32>)
    %masked_sort3A_271 = arith.xori %masked_sort3A_269, %masked_sort3A_266 : vector<16xi32>
    %mul3A_272 = arith.constant 3 : i32
    %mul3A_273 = vector.broadcast %mul3A_272 : i32 to vector<16xi32>
    %mul3A_274 = arith.muli %mul3A_273, %iota3A : vector<16xi32>
    %add3A_275 = arith.constant 1 : i32
    %add3A_276 = vector.broadcast %add3A_275 : i32 to vector<16xi32>
    %add3A_277 = arith.addi %mul3A_274, %add3A_276 : vector<16xi32>
    %and3A_278 = arith.constant 15 : i32
    %and3A_279 = vector.broadcast %and3A_278 : i32 to vector<16xi32>
    %and3A_280 = arith.andi %add3A_277, %and3A_279 : vector<16xi32>
    %get3A_281 = arith.constant 1 : i32
    %get3A_282 = arith.index_cast %get3A_281 : i32 to index
    %get3A_283 = arith.constant 16 : index
    %get3A_284 = tpu.vector_load %arg6[%get3A_282, %get3A_283] {strides = array<i32>} : memref<3x256xf32, #tpu.memory_space<vmem>>, vector<16xf32>,
    %masked_sort3A_285 = arith.constant dense<true> : vector<16xi1>
    %masked_sort3A_286 = arith.constant -2147483648 : i32
    %masked_sort3A_287 = vector.broadcast %masked_sort3A_286 : i32 to vector<16xi32>
    %masked_sort3A_288 = arith.xori %and3A_280, %masked_sort3A_287 : vector<16xi32>
    %masked_sort3A_289, %masked_sort3A_290, %masked_sort3A_291 = tpu.sort %masked_sort3A_288, %get3A_284 masked %masked_sort3A_285 : (vector<16xi32>, vector<16xf32>, vector<16xi1>) -> (vector<16xi1>, vector<16xi32>, vector<16xf32>)
    %masked_sort3A_292 = arith.xori %masked_sort3A_290, %masked_sort3A_287 : vector<16xi32>
    %get3A_293 = arith.constant 1 : i32
    %get3A_294 = arith.index_cast %get3A_293 : i32 to index
    %get3A_295 = arith.constant 16 : index
    %get3A_296 = tpu.vector_load %arg7[%get3A_294, %get3A_295] {strides = array<i32>} : memref<3x256xi32, #tpu.memory_space<vmem>>, vector<16xi32>,
    %masked_sort3A_297 = arith.constant dense<true> : vector<16xi1>
    %masked_sort3A_298 = arith.constant -2147483648 : i32
    %masked_sort3A_299 = vector.broadcast %masked_sort3A_298 : i32 to vector<16xi32>
    %masked_sort3A_300 = arith.xori %and3A_280, %masked_sort3A_299 : vector<16xi32>
    %masked_sort3A_301, %masked_sort3A_302, %masked_sort3A_303 = tpu.sort %masked_sort3A_300, %get3A_296 masked %masked_sort3A_297 : (vector<16xi32>, vector<16xi32>, vector<16xi1>) -> (vector<16xi1>, vector<16xi32>, vector<16xi32>)
    %masked_sort3A_304 = arith.xori %masked_sort3A_302, %masked_sort3A_299 : vector<16xi32>
    %mul3A_305 = arith.constant 3 : i32
    %mul3A_306 = vector.broadcast %mul3A_305 : i32 to vector<16xi32>
    %mul3A_307 = arith.muli %mul3A_306, %iota3A : vector<16xi32>
    %add3A_308 = arith.constant 2 : i32
    %add3A_309 = vector.broadcast %add3A_308 : i32 to vector<16xi32>
    %add3A_310 = arith.addi %mul3A_307, %add3A_309 : vector<16xi32>
    %and3A_311 = arith.constant 15 : i32
    %and3A_312 = vector.broadcast %and3A_311 : i32 to vector<16xi32>
    %and3A_313 = arith.andi %add3A_310, %and3A_312 : vector<16xi32>
    %get3A_314 = arith.constant 2 : i32
    %get3A_315 = arith.index_cast %get3A_314 : i32 to index
    %get3A_316 = arith.constant 16 : index
    %get3A_317 = tpu.vector_load %arg6[%get3A_315, %get3A_316] {strides = array<i32>} : memref<3x256xf32, #tpu.memory_space<vmem>>, vector<16xf32>,
    %masked_sort3A_318 = arith.constant dense<true> : vector<16xi1>
    %masked_sort3A_319 = arith.constant -2147483648 : i32
    %masked_sort3A_320 = vector.broadcast %masked_sort3A_319 : i32 to vector<16xi32>
    %masked_sort3A_321 = arith.xori %and3A_313, %masked_sort3A_320 : vector<16xi32>
    %masked_sort3A_322, %masked_sort3A_323, %masked_sort3A_324 = tpu.sort %masked_sort3A_321, %get3A_317 masked %masked_sort3A_318 : (vector<16xi32>, vector<16xf32>, vector<16xi1>) -> (vector<16xi1>, vector<16xi32>, vector<16xf32>)
    %masked_sort3A_325 = arith.xori %masked_sort3A_323, %masked_sort3A_320 : vector<16xi32>
    %get3A_326 = arith.constant 2 : i32
    %get3A_327 = arith.index_cast %get3A_326 : i32 to index
    %get3A_328 = arith.constant 16 : index
    %get3A_329 = tpu.vector_load %arg7[%get3A_327, %get3A_328] {strides = array<i32>} : memref<3x256xi32, #tpu.memory_space<vmem>>, vector<16xi32>,
    %masked_sort3A_330 = arith.constant dense<true> : vector<16xi1>
    %masked_sort3A_331 = arith.constant -2147483648 : i32
    %masked_sort3A_332 = vector.broadcast %masked_sort3A_331 : i32 to vector<16xi32>
    %masked_sort3A_333 = arith.xori %and3A_313, %masked_sort3A_332 : vector<16xi32>
    %masked_sort3A_334, %masked_sort3A_335, %masked_sort3A_336 = tpu.sort %masked_sort3A_333, %get3A_329 masked %masked_sort3A_330 : (vector<16xi32>, vector<16xi32>, vector<16xi1>) -> (vector<16xi1>, vector<16xi32>, vector<16xi32>)
    %masked_sort3A_337 = arith.xori %masked_sort3A_335, %masked_sort3A_332 : vector<16xi32>
    %add3A_338 = arith.constant 0 : i32
    %add3A_339 = vector.broadcast %add3A_338 : i32 to vector<16xi32>
    %add3A_340 = arith.addi %add3A_339, %iota3A : vector<16xi32>
    %mul3A_341 = arith.constant 21846 : i32
    %mul3A_342 = vector.broadcast %mul3A_341 : i32 to vector<16xi32>
    %mul3A_343 = arith.muli %add3A_340, %mul3A_342 : vector<16xi32>
    %shift_right_arithmetic3A_344 = arith.constant 16 : i32
    %shift_right_arithmetic3A_345 = vector.broadcast %shift_right_arithmetic3A_344 : i32 to vector<16xi32>
    %shift_right_arithmetic3A_346 = arith.shrsi %mul3A_343, %shift_right_arithmetic3A_345 : vector<16xi32>
    %mul3A_347 = arith.constant 3 : i32
    %mul3A_348 = vector.broadcast %mul3A_347 : i32 to vector<16xi32>
    %mul3A_349 = arith.muli %mul3A_348, %shift_right_arithmetic3A_346 : vector<16xi32>
    %sub3A_350 = arith.subi %add3A_340, %mul3A_349 : vector<16xi32>
    %eq3A_351 = arith.constant 0 : i32
    %eq3A_352 = vector.broadcast %eq3A_351 : i32 to vector<16xi32>
    %eq3A_353 = arith.cmpi eq, %sub3A_350, %eq3A_352 : vector<16xi32>
    %eq3A_354 = arith.constant 1 : i32
    %eq3A_355 = vector.broadcast %eq3A_354 : i32 to vector<16xi32>
    %eq3A_356 = arith.cmpi eq, %sub3A_350, %eq3A_355 : vector<16xi32>
    %select_n3A_357 = arith.select %eq3A_356, %masked_sort3A_291, %masked_sort3A_324 : vector<16xi1>, vector<16xf32>
    %select_n3A_358 = arith.select %eq3A_353, %masked_sort3A_258, %select_n3A_357 : vector<16xi1>, vector<16xf32>
    %eq3A_359 = arith.constant 0 : i32
    %eq3A_360 = vector.broadcast %eq3A_359 : i32 to vector<16xi32>
    %eq3A_361 = arith.cmpi eq, %sub3A_350, %eq3A_360 : vector<16xi32>
    %eq3A_362 = arith.constant 1 : i32
    %eq3A_363 = vector.broadcast %eq3A_362 : i32 to vector<16xi32>
    %eq3A_364 = arith.cmpi eq, %sub3A_350, %eq3A_363 : vector<16xi32>
    %select_n3A_365 = arith.select %eq3A_364, %masked_sort3A_303, %masked_sort3A_336 : vector<16xi1>, vector<16xi32>
    %select_n3A_366 = arith.select %eq3A_361, %masked_sort3A_270, %select_n3A_365 : vector<16xi1>, vector<16xi32>
    %add3A_367 = arith.constant 16 : i32
    %add3A_368 = arith.addi %mul3A_2, %add3A_367 : i32
    %add3A_369 = vector.broadcast %add3A_368 : i32 to vector<16xi32>
    %add3A_370 = arith.addi %add3A_369, %shift_right_arithmetic3A_346 : vector<16xi32>
    %swap3A_371 = arith.constant 48 : index
    %swap3A_372 = tpu.vector_load %arg8[%swap3A_371] {strides = array<i32>} : memref<768xf32, #tpu.memory_space<vmem>>, vector<16xf32>,
    tpu.vector_store %arg8[%swap3A_371], %select_n3A_358 {strides = array<i32>} : memref<768xf32, #tpu.memory_space<vmem>>, vector<16xf32>,
    %swap3A_373 = arith.constant 0 : i32
    %swap3A_374 = arith.index_cast %swap3A_373 : i32 to index
    %swap3A_375 = arith.constant 48 : index
    %swap3A_376 = tpu.vector_load %arg9[%swap3A_374, %swap3A_375] {strides = array<i32>} : memref<1x768xi32, #tpu.memory_space<vmem>>, vector<16xi32>,
    tpu.vector_store %arg9[%swap3A_374, %swap3A_375], %add3A_370 {strides = array<i32>} : memref<1x768xi32, #tpu.memory_space<vmem>>, vector<16xi32>,
    %swap3A_377 = arith.constant 0 : i32
    %swap3A_378 = arith.index_cast %swap3A_377 : i32 to index
    %swap3A_379 = arith.constant 48 : index
    %swap3A_380 = tpu.vector_load %arg10[%swap3A_378, %swap3A_379] {strides = array<i32>} : memref<1x768xi32, #tpu.memory_space<vmem>>, vector<16xi32>,
    tpu.vector_store %arg10[%swap3A_378, %swap3A_379], %select_n3A_366 {strides = array<i32>} : memref<1x768xi32, #tpu.memory_space<vmem>>, vector<16xi32>,
    %add3A_381 = arith.constant 16 : i32
    %add3A_382 = vector.broadcast %add3A_381 : i32 to vector<16xi32>
    %add3A_383 = arith.addi %add3A_382, %iota3A : vector<16xi32>
    %mul3A_384 = arith.constant 21846 : i32
    %mul3A_385 = vector.broadcast %mul3A_384 : i32 to vector<16xi32>
    %mul3A_386 = arith.muli %add3A_383, %mul3A_385 : vector<16xi32>
    %shift_right_arithmetic3A_387 = arith.constant 16 : i32
    %shift_right_arithmetic3A_388 = vector.broadcast %shift_right_arithmetic3A_387 : i32 to vector<16xi32>
    %shift_right_arithmetic3A_389 = arith.shrsi %mul3A_386, %shift_right_arithmetic3A_388 : vector<16xi32>
    %mul3A_390 = arith.constant 3 : i32
    %mul3A_391 = vector.broadcast %mul3A_390 : i32 to vector<16xi32>
    %mul3A_392 = arith.muli %mul3A_391, %shift_right_arithmetic3A_389 : vector<16xi32>
    %sub3A_393 = arith.subi %add3A_383, %mul3A_392 : vector<16xi32>
    %eq3A_394 = arith.constant 0 : i32
    %eq3A_395 = vector.broadcast %eq3A_394 : i32 to vector<16xi32>
    %eq3A_396 = arith.cmpi eq, %sub3A_393, %eq3A_395 : vector<16xi32>
    %eq3A_397 = arith.constant 1 : i32
    %eq3A_398 = vector.broadcast %eq3A_397 : i32 to vector<16xi32>
    %eq3A_399 = arith.cmpi eq, %sub3A_393, %eq3A_398 : vector<16xi32>
    %select_n3A_400 = arith.select %eq3A_399, %masked_sort3A_291, %masked_sort3A_324 : vector<16xi1>, vector<16xf32>
    %select_n3A_401 = arith.select %eq3A_396, %masked_sort3A_258, %select_n3A_400 : vector<16xi1>, vector<16xf32>
    %eq3A_402 = arith.constant 0 : i32
    %eq3A_403 = vector.broadcast %eq3A_402 : i32 to vector<16xi32>
    %eq3A_404 = arith.cmpi eq, %sub3A_393, %eq3A_403 : vector<16xi32>
    %eq3A_405 = arith.constant 1 : i32
    %eq3A_406 = vector.broadcast %eq3A_405 : i32 to vector<16xi32>
    %eq3A_407 = arith.cmpi eq, %sub3A_393, %eq3A_406 : vector<16xi32>
    %select_n3A_408 = arith.select %eq3A_407, %masked_sort3A_303, %masked_sort3A_336 : vector<16xi1>, vector<16xi32>
    %select_n3A_409 = arith.select %eq3A_404, %masked_sort3A_270, %select_n3A_408 : vector<16xi1>, vector<16xi32>
    %add3A_410 = arith.constant 16 : i32
    %add3A_411 = arith.addi %mul3A_2, %add3A_410 : i32
    %add3A_412 = vector.broadcast %add3A_411 : i32 to vector<16xi32>
    %add3A_413 = arith.addi %add3A_412, %shift_right_arithmetic3A_389 : vector<16xi32>
    %swap3A_414 = arith.constant 64 : index
    %swap3A_415 = tpu.vector_load %arg8[%swap3A_414] {strides = array<i32>} : memref<768xf32, #tpu.memory_space<vmem>>, vector<16xf32>,
    tpu.vector_store %arg8[%swap3A_414], %select_n3A_401 {strides = array<i32>} : memref<768xf32, #tpu.memory_space<vmem>>, vector<16xf32>,
    %swap3A_416 = arith.constant 0 : i32
    %swap3A_417 = arith.index_cast %swap3A_416 : i32 to index
    %swap3A_418 = arith.constant 64 : index
    %swap3A_419 = tpu.vector_load %arg9[%swap3A_417, %swap3A_418] {strides = array<i32>} : memref<1x768xi32, #tpu.memory_space<vmem>>, vector<16xi32>,
    tpu.vector_store %arg9[%swap3A_417, %swap3A_418], %add3A_413 {strides = array<i32>} : memref<1x768xi32, #tpu.memory_space<vmem>>, vector<16xi32>,
    %swap3A_420 = arith.constant 0 : i32
    %swap3A_421 = arith.index_cast %swap3A_420 : i32 to index
    %swap3A_422 = arith.constant 64 : index
    %swap3A_423 = tpu.vector_load %arg10[%swap3A_421, %swap3A_422] {strides = array<i32>} : memref<1x768xi32, #tpu.memory_space<vmem>>, vector<16xi32>,
    tpu.vector_store %arg10[%swap3A_421, %swap3A_422], %select_n3A_409 {strides = array<i32>} : memref<1x768xi32, #tpu.memory_space<vmem>>, vector<16xi32>,
    %add3A_424 = arith.constant 32 : i32
    %add3A_425 = vector.broadcast %add3A_424 : i32 to vector<16xi32>
    %add3A_426 = arith.addi %add3A_425, %iota3A : vector<16xi32>
    %mul3A_427 = arith.constant 21846 : i32
    %mul3A_428 = vector.broadcast %mul3A_427 : i32 to vector<16xi32>
    %mul3A_429 = arith.muli %add3A_426, %mul3A_428 : vector<16xi32>
    %shift_right_arithmetic3A_430 = arith.constant 16 : i32
    %shift_right_arithmetic3A_431 = vector.broadcast %shift_right_arithmetic3A_430 : i32 to vector<16xi32>
    %shift_right_arithmetic3A_432 = arith.shrsi %mul3A_429, %shift_right_arithmetic3A_431 : vector<16xi32>
    %mul3A_433 = arith.constant 3 : i32
    %mul3A_434 = vector.broadcast %mul3A_433 : i32 to vector<16xi32>
    %mul3A_435 = arith.muli %mul3A_434, %shift_right_arithmetic3A_432 : vector<16xi32>
    %sub3A_436 = arith.subi %add3A_426, %mul3A_435 : vector<16xi32>
    %eq3A_437 = arith.constant 0 : i32
    %eq3A_438 = vector.broadcast %eq3A_437 : i32 to vector<16xi32>
    %eq3A_439 = arith.cmpi eq, %sub3A_436, %eq3A_438 : vector<16xi32>
    %eq3A_440 = arith.constant 1 : i32
    %eq3A_441 = vector.broadcast %eq3A_440 : i32 to vector<16xi32>
    %eq3A_442 = arith.cmpi eq, %sub3A_436, %eq3A_441 : vector<16xi32>
    %select_n3A_443 = arith.select %eq3A_442, %masked_sort3A_291, %masked_sort3A_324 : vector<16xi1>, vector<16xf32>
    %select_n3A_444 = arith.select %eq3A_439, %masked_sort3A_258, %select_n3A_443 : vector<16xi1>, vector<16xf32>
    %eq3A_445 = arith.constant 0 : i32
    %eq3A_446 = vector.broadcast %eq3A_445 : i32 to vector<16xi32>
    %eq3A_447 = arith.cmpi eq, %sub3A_436, %eq3A_446 : vector<16xi32>
    %eq3A_448 = arith.constant 1 : i32
    %eq3A_449 = vector.broadcast %eq3A_448 : i32 to vector<16xi32>
    %eq3A_450 = arith.cmpi eq, %sub3A_436, %eq3A_449 : vector<16xi32>
    %select_n3A_451 = arith.select %eq3A_450, %masked_sort3A_303, %masked_sort3A_336 : vector<16xi1>, vector<16xi32>
    %select_n3A_452 = arith.select %eq3A_447, %masked_sort3A_270, %select_n3A_451 : vector<16xi1>, vector<16xi32>
    %add3A_453 = arith.constant 16 : i32
    %add3A_454 = arith.addi %mul3A_2, %add3A_453 : i32
    %add3A_455 = vector.broadcast %add3A_454 : i32 to vector<16xi32>
    %add3A_456 = arith.addi %add3A_455, %shift_right_arithmetic3A_432 : vector<16xi32>
    %swap3A_457 = arith.constant 80 : index
    %swap3A_458 = tpu.vector_load %arg8[%swap3A_457] {strides = array<i32>} : memref<768xf32, #tpu.memory_space<vmem>>, vector<16xf32>,
    tpu.vector_store %arg8[%swap3A_457], %select_n3A_444 {strides = array<i32>} : memref<768xf32, #tpu.memory_space<vmem>>, vector<16xf32>,
    %swap3A_459 = arith.constant 0 : i32
    %swap3A_460 = arith.index_cast %swap3A_459 : i32 to index
    %swap3A_461 = arith.constant 80 : index
    %swap3A_462 = tpu.vector_load %arg9[%swap3A_460, %swap3A_461] {strides = array<i32>} : memref<1x768xi32, #tpu.memory_space<vmem>>, vector<16xi32>,
    tpu.vector_store %arg9[%swap3A_460, %swap3A_461], %add3A_456 {strides = array<i32>} : memref<1x768xi32, #tpu.memory_space<vmem>>, vector<16xi32>,
    %swap3A_463 = arith.constant 0 : i32
    %swap3A_464 = arith.index_cast %swap3A_463 : i32 to index
    %swap3A_465 = arith.constant 80 : index
    %swap3A_466 = tpu.vector_load %arg10[%swap3A_464, %swap3A_465] {strides = array<i32>} : memref<1x768xi32, #tpu.memory_space<vmem>>, vector<16xi32>,
    tpu.vector_store %arg10[%swap3A_464, %swap3A_465], %select_n3A_452 {strides = array<i32>} : memref<1x768xi32, #tpu.memory_space<vmem>>, vector<16xi32>,
    %mul3A_467 = arith.constant 3 : i32
    %mul3A_468 = vector.broadcast %mul3A_467 : i32 to vector<16xi32>
    %mul3A_469 = arith.muli %mul3A_468, %iota3A : vector<16xi32>
    %add3A_470 = arith.constant 0 : i32
    %add3A_471 = vector.broadcast %add3A_470 : i32 to vector<16xi32>
    %add3A_472 = arith.addi %mul3A_469, %add3A_471 : vector<16xi32>
    %and3A_473 = arith.constant 15 : i32
    %and3A_474 = vector.broadcast %and3A_473 : i32 to vector<16xi32>
    %and3A_475 = arith.andi %add3A_472, %and3A_474 : vector<16xi32>
    %get3A_476 = arith.constant 0 : i32
    %get3A_477 = arith.index_cast %get3A_476 : i32 to index
    %get3A_478 = arith.constant 32 : index
    %get3A_479 = tpu.vector_load %arg6[%get3A_477, %get3A_478] {strides = array<i32>} : memref<3x256xf32, #tpu.memory_space<vmem>>, vector<16xf32>,
    %masked_sort3A_480 = arith.constant dense<true> : vector<16xi1>
    %masked_sort3A_481 = arith.constant -2147483648 : i32
    %masked_sort3A_482 = vector.broadcast %masked_sort3A_481 : i32 to vector<16xi32>
    %masked_sort3A_483 = arith.xori %and3A_475, %masked_sort3A_482 : vector<16xi32>
    %masked_sort3A_484, %masked_sort3A_485, %masked_sort3A_486 = tpu.sort %masked_sort3A_483, %get3A_479 masked %masked_sort3A_480 : (vector<16xi32>, vector<16xf32>, vector<16xi1>) -> (vector<16xi1>, vector<16xi32>, vector<16xf32>)
    %masked_sort3A_487 = arith.xori %masked_sort3A_485, %masked_sort3A_482 : vector<16xi32>
    %get3A_488 = arith.constant 0 : i32
    %get3A_489 = arith.index_cast %get3A_488 : i32 to index
    %get3A_490 = arith.constant 32 : index
    %get3A_491 = tpu.vector_load %arg7[%get3A_489, %get3A_490] {strides = array<i32>} : memref<3x256xi32, #tpu.memory_space<vmem>>, vector<16xi32>,
    %masked_sort3A_492 = arith.constant dense<true> : vector<16xi1>
    %masked_sort3A_493 = arith.constant -2147483648 : i32
    %masked_sort3A_494 = vector.broadcast %masked_sort3A_493 : i32 to vector<16xi32>
    %masked_sort3A_495 = arith.xori %and3A_475, %masked_sort3A_494 : vector<16xi32>
    %masked_sort3A_496, %masked_sort3A_497, %masked_sort3A_498 = tpu.sort %masked_sort3A_495, %get3A_491 masked %masked_sort3A_492 : (vector<16xi32>, vector<16xi32>, vector<16xi1>) -> (vector<16xi1>, vector<16xi32>, vector<16xi32>)
    %masked_sort3A_499 = arith.xori %masked_sort3A_497, %masked_sort3A_494 : vector<16xi32>
    %mul3A_500 = arith.constant 3 : i32
    %mul3A_501 = vector.broadcast %mul3A_500 : i32 to vector<16xi32>
    %mul3A_502 = arith.muli %mul3A_501, %iota3A : vector<16xi32>
    %add3A_503 = arith.constant 1 : i32
    %add3A_504 = vector.broadcast %add3A_503 : i32 to vector<16xi32>
    %add3A_505 = arith.addi %mul3A_502, %add3A_504 : vector<16xi32>
    %and3A_506 = arith.constant 15 : i32
    %and3A_507 = vector.broadcast %and3A_506 : i32 to vector<16xi32>
    %and3A_508 = arith.andi %add3A_505, %and3A_507 : vector<16xi32>
    %get3A_509 = arith.constant 1 : i32
    %get3A_510 = arith.index_cast %get3A_509 : i32 to index
    %get3A_511 = arith.constant 32 : index
    %get3A_512 = tpu.vector_load %arg6[%get3A_510, %get3A_511] {strides = array<i32>} : memref<3x256xf32, #tpu.memory_space<vmem>>, vector<16xf32>,
    %masked_sort3A_513 = arith.constant dense<true> : vector<16xi1>
    %masked_sort3A_514 = arith.constant -2147483648 : i32
    %masked_sort3A_515 = vector.broadcast %masked_sort3A_514 : i32 to vector<16xi32>
    %masked_sort3A_516 = arith.xori %and3A_508, %masked_sort3A_515 : vector<16xi32>
    %masked_sort3A_517, %masked_sort3A_518, %masked_sort3A_519 = tpu.sort %masked_sort3A_516, %get3A_512 masked %masked_sort3A_513 : (vector<16xi32>, vector<16xf32>, vector<16xi1>) -> (vector<16xi1>, vector<16xi32>, vector<16xf32>)
    %masked_sort3A_520 = arith.xori %masked_sort3A_518, %masked_sort3A_515 : vector<16xi32>
    %get3A_521 = arith.constant 1 : i32
    %get3A_522 = arith.index_cast %get3A_521 : i32 to index
    %get3A_523 = arith.constant 32 : index
    %get3A_524 = tpu.vector_load %arg7[%get3A_522, %get3A_523] {strides = array<i32>} : memref<3x256xi32, #tpu.memory_space<vmem>>, vector<16xi32>,
    %masked_sort3A_525 = arith.constant dense<true> : vector<16xi1>
    %masked_sort3A_526 = arith.constant -2147483648 : i32
    %masked_sort3A_527 = vector.broadcast %masked_sort3A_526 : i32 to vector<16xi32>
    %masked_sort3A_528 = arith.xori %and3A_508, %masked_sort3A_527 : vector<16xi32>
    %masked_sort3A_529, %masked_sort3A_530, %masked_sort3A_531 = tpu.sort %masked_sort3A_528, %get3A_524 masked %masked_sort3A_525 : (vector<16xi32>, vector<16xi32>, vector<16xi1>) -> (vector<16xi1>, vector<16xi32>, vector<16xi32>)
    %masked_sort3A_532 = arith.xori %masked_sort3A_530, %masked_sort3A_527 : vector<16xi32>
    %mul3A_533 = arith.constant 3 : i32
    %mul3A_534 = vector.broadcast %mul3A_533 : i32 to vector<16xi32>
    %mul3A_535 = arith.muli %mul3A_534, %iota3A : vector<16xi32>
    %add3A_536 = arith.constant 2 : i32
    %add3A_537 = vector.broadcast %add3A_536 : i32 to vector<16xi32>
    %add3A_538 = arith.addi %mul3A_535, %add3A_537 : vector<16xi32>
    %and3A_539 = arith.constant 15 : i32
    %and3A_540 = vector.broadcast %and3A_539 : i32 to vector<16xi32>
    %and3A_541 = arith.andi %add3A_538, %and3A_540 : vector<16xi32>
    %get3A_542 = arith.constant 2 : i32
    %get3A_543 = arith.index_cast %get3A_542 : i32 to index
    %get3A_544 = arith.constant 32 : index
    %get3A_545 = tpu.vector_load %arg6[%get3A_543, %get3A_544] {strides = array<i32>} : memref<3x256xf32, #tpu.memory_space<vmem>>, vector<16xf32>,
    %masked_sort3A_546 = arith.constant dense<true> : vector<16xi1>
    %masked_sort3A_547 = arith.constant -2147483648 : i32
    %masked_sort3A_548 = vector.broadcast %masked_sort3A_547 : i32 to vector<16xi32>
    %masked_sort3A_549 = arith.xori %and3A_541, %masked_sort3A_548 : vector<16xi32>
    %masked_sort3A_550, %masked_sort3A_551, %masked_sort3A_552 = tpu.sort %masked_sort3A_549, %get3A_545 masked %masked_sort3A_546 : (vector<16xi32>, vector<16xf32>, vector<16xi1>) -> (vector<16xi1>, vector<16xi32>, vector<16xf32>)
    %masked_sort3A_553 = arith.xori %masked_sort3A_551, %masked_sort3A_548 : vector<16xi32>
    %get3A_554 = arith.constant 2 : i32
    %get3A_555 = arith.index_cast %get3A_554 : i32 to index
    %get3A_556 = arith.constant 32 : index
    %get3A_557 = tpu.vector_load %arg7[%get3A_555, %get3A_556] {strides = array<i32>} : memref<3x256xi32, #tpu.memory_space<vmem>>, vector<16xi32>,
    %masked_sort3A_558 = arith.constant dense<true> : vector<16xi1>
    %masked_sort3A_559 = arith.constant -2147483648 : i32
    %masked_sort3A_560 = vector.broadcast %masked_sort3A_559 : i32 to vector<16xi32>
    %masked_sort3A_561 = arith.xori %and3A_541, %masked_sort3A_560 : vector<16xi32>
    %masked_sort3A_562, %masked_sort3A_563, %masked_sort3A_564 = tpu.sort %masked_sort3A_561, %get3A_557 masked %masked_sort3A_558 : (vector<16xi32>, vector<16xi32>, vector<16xi1>) -> (vector<16xi1>, vector<16xi32>, vector<16xi32>)
    %masked_sort3A_565 = arith.xori %masked_sort3A_563, %masked_sort3A_560 : vector<16xi32>
    %add3A_566 = arith.constant 0 : i32
    %add3A_567 = vector.broadcast %add3A_566 : i32 to vector<16xi32>
    %add3A_568 = arith.addi %add3A_567, %iota3A : vector<16xi32>
    %mul3A_569 = arith.constant 21846 : i32
    %mul3A_570 = vector.broadcast %mul3A_569 : i32 to vector<16xi32>
    %mul3A_571 = arith.muli %add3A_568, %mul3A_570 : vector<16xi32>
    %shift_right_arithmetic3A_572 = arith.constant 16 : i32
    %shift_right_arithmetic3A_573 = vector.broadcast %shift_right_arithmetic3A_572 : i32 to vector<16xi32>
    %shift_right_arithmetic3A_574 = arith.shrsi %mul3A_571, %shift_right_arithmetic3A_573 : vector<16xi32>
    %mul3A_575 = arith.constant 3 : i32
    %mul3A_576 = vector.broadcast %mul3A_575 : i32 to vector<16xi32>
    %mul3A_577 = arith.muli %mul3A_576, %shift_right_arithmetic3A_574 : vector<16xi32>
    %sub3A_578 = arith.subi %add3A_568, %mul3A_577 : vector<16xi32>
    %eq3A_579 = arith.constant 0 : i32
    %eq3A_580 = vector.broadcast %eq3A_579 : i32 to vector<16xi32>
    %eq3A_581 = arith.cmpi eq, %sub3A_578, %eq3A_580 : vector<16xi32>
    %eq3A_582 = arith.constant 1 : i32
    %eq3A_583 = vector.broadcast %eq3A_582 : i32 to vector<16xi32>
    %eq3A_584 = arith.cmpi eq, %sub3A_578, %eq3A_583 : vector<16xi32>
    %select_n3A_585 = arith.select %eq3A_584, %masked_sort3A_519, %masked_sort3A_552 : vector<16xi1>, vector<16xf32>
    %select_n3A_586 = arith.select %eq3A_581, %masked_sort3A_486, %select_n3A_585 : vector<16xi1>, vector<16xf32>
    %eq3A_587 = arith.constant 0 : i32
    %eq3A_588 = vector.broadcast %eq3A_587 : i32 to vector<16xi32>
    %eq3A_589 = arith.cmpi eq, %sub3A_578, %eq3A_588 : vector<16xi32>
    %eq3A_590 = arith.constant 1 : i32
    %eq3A_591 = vector.broadcast %eq3A_590 : i32 to vector<16xi32>
    %eq3A_592 = arith.cmpi eq, %sub3A_578, %eq3A_591 : vector<16xi32>
    %select_n3A_593 = arith.select %eq3A_592, %masked_sort3A_531, %masked_sort3A_564 : vector<16xi1>, vector<16xi32>
    %select_n3A_594 = arith.select %eq3A_589, %masked_sort3A_498, %select_n3A_593 : vector<16xi1>, vector<16xi32>
    %add3A_595 = arith.constant 32 : i32
    %add3A_596 = arith.addi %mul3A_2, %add3A_595 : i32
    %add3A_597 = vector.broadcast %add3A_596 : i32 to vector<16xi32>
    %add3A_598 = arith.addi %add3A_597, %shift_right_arithmetic3A_574 : vector<16xi32>
    %swap3A_599 = arith.constant 96 : index
    %swap3A_600 = tpu.vector_load %arg8[%swap3A_599] {strides = array<i32>} : memref<768xf32, #tpu.memory_space<vmem>>, vector<16xf32>,
    tpu.vector_store %arg8[%swap3A_599], %select_n3A_586 {strides = array<i32>} : memref<768xf32, #tpu.memory_space<vmem>>, vector<16xf32>,
    %swap3A_601 = arith.constant 0 : i32
    %swap3A_602 = arith.index_cast %swap3A_601 : i32 to index
    %swap3A_603 = arith.constant 96 : index
    %swap3A_604 = tpu.vector_load %arg9[%swap3A_602, %swap3A_603] {strides = array<i32>} : memref<1x768xi32, #tpu.memory_space<vmem>>, vector<16xi32>,
    tpu.vector_store %arg9[%swap3A_602, %swap3A_603], %add3A_598 {strides = array<i32>} : memref<1x768xi32, #tpu.memory_space<vmem>>, vector<16xi32>,
    %swap3A_605 = arith.constant 0 : i32
    %swap3A_606 = arith.index_cast %swap3A_605 : i32 to index
    %swap3A_607 = arith.constant 96 : index
    %swap3A_608 = tpu.vector_load %arg10[%swap3A_606, %swap3A_607] {strides = array<i32>} : memref<1x768xi32, #tpu.memory_space<vmem>>, vector<16xi32>,
    tpu.vector_store %arg10[%swap3A_606, %swap3A_607], %select_n3A_594 {strides = array<i32>} : memref<1x768xi32, #tpu.memory_space<vmem>>, vector<16xi32>,
    %add3A_609 = arith.constant 16 : i32
    %add3A_610 = vector.broadcast %add3A_609 : i32 to vector<16xi32>
    %add3A_611 = arith.addi %add3A_610, %iota3A : vector<16xi32>
    %mul3A_612 = arith.constant 21846 : i32
    %mul3A_613 = vector.broadcast %mul3A_612 : i32 to vector<16xi32>
    %mul3A_614 = arith.muli %add3A_611, %mul3A_613 : vector<16xi32>
    %shift_right_arithmetic3A_615 = arith.constant 16 : i32
    %shift_right_arithmetic3A_616 = vector.broadcast %shift_right_arithmetic3A_615 : i32 to vector<16xi32>
    %shift_right_arithmetic3A_617 = arith.shrsi %mul3A_614, %shift_right_arithmetic3A_616 : vector<16xi32>
    %mul3A_618 = arith.constant 3 : i32
    %mul3A_619 = vector.broadcast %mul3A_618 : i32 to vector<16xi32>
    %mul3A_620 = arith.muli %mul3A_619, %shift_right_arithmetic3A_617 : vector<16xi32>
    %sub3A_621 = arith.subi %add3A_611, %mul3A_620 : vector<16xi32>
    %eq3A_622 = arith.constant 0 : i32
    %eq3A_623 = vector.broadcast %eq3A_622 : i32 to vector<16xi32>
    %eq3A_624 = arith.cmpi eq, %sub3A_621, %eq3A_623 : vector<16xi32>
    %eq3A_625 = arith.constant 1 : i32
    %eq3A_626 = vector.broadcast %eq3A_625 : i32 to vector<16xi32>
    %eq3A_627 = arith.cmpi eq, %sub3A_621, %eq3A_626 : vector<16xi32>
    %select_n3A_628 = arith.select %eq3A_627, %masked_sort3A_519, %masked_sort3A_552 : vector<16xi1>, vector<16xf32>
    %select_n3A_629 = arith.select %eq3A_624, %masked_sort3A_486, %select_n3A_628 : vector<16xi1>, vector<16xf32>
    %eq3A_630 = arith.constant 0 : i32
    %eq3A_631 = vector.broadcast %eq3A_630 : i32 to vector<16xi32>
    %eq3A_632 = arith.cmpi eq, %sub3A_621, %eq3A_631 : vector<16xi32>
    %eq3A_633 = arith.constant 1 : i32
    %eq3A_634 = vector.broadcast %eq3A_633 : i32 to vector<16xi32>
    %eq3A_635 = arith.cmpi eq, %sub3A_621, %eq3A_634 : vector<16xi32>
    %select_n3A_636 = arith.select %eq3A_635, %masked_sort3A_531, %masked_sort3A_564 : vector<16xi1>, vector<16xi32>
    %select_n3A_637 = arith.select %eq3A_632, %masked_sort3A_498, %select_n3A_636 : vector<16xi1>, vector<16xi32>
    %add3A_638 = arith.constant 32 : i32
    %add3A_639 = arith.addi %mul3A_2, %add3A_638 : i32
    %add3A_640 = vector.broadcast %add3A_639 : i32 to vector<16xi32>
    %add3A_641 = arith.addi %add3A_640, %shift_right_arithmetic3A_617 : vector<16xi32>
    %swap3A_642 = arith.constant 112 : index
    %swap3A_643 = tpu.vector_load %arg8[%swap3A_642] {strides = array<i32>} : memref<768xf32, #tpu.memory_space<vmem>>, vector<16xf32>,
    tpu.vector_store %arg8[%swap3A_642], %select_n3A_629 {strides = array<i32>} : memref<768xf32, #tpu.memory_space<vmem>>, vector<16xf32>,
    %swap3A_644 = arith.constant 0 : i32
    %swap3A_645 = arith.index_cast %swap3A_644 : i32 to index
    %swap3A_646 = arith.constant 112 : index
    %swap3A_647 = tpu.vector_load %arg9[%swap3A_645, %swap3A_646] {strides = array<i32>} : memref<1x768xi32, #tpu.memory_space<vmem>>, vector<16xi32>,
    tpu.vector_store %arg9[%swap3A_645, %swap3A_646], %add3A_641 {strides = array<i32>} : memref<1x768xi32, #tpu.memory_space<vmem>>, vector<16xi32>,
    %swap3A_648 = arith.constant 0 : i32
    %swap3A_649 = arith.index_cast %swap3A_648 : i32 to index
    %swap3A_650 = arith.constant 112 : index
    %swap3A_651 = tpu.vector_load %arg10[%swap3A_649, %swap3A_650] {strides = array<i32>} : memref<1x768xi32, #tpu.memory_space<vmem>>, vector<16xi32>,
    tpu.vector_store %arg10[%swap3A_649, %swap3A_650], %select_n3A_637 {strides = array<i32>} : memref<1x768xi32, #tpu.memory_space<vmem>>, vector<16xi32>,
    %add3A_652 = arith.constant 32 : i32
    %add3A_653 = vector.broadcast %add3A_652 : i32 to vector<16xi32>
    %add3A_654 = arith.addi %add3A_653, %iota3A : vector<16xi32>
    %mul3A_655 = arith.constant 21846 : i32
    %mul3A_656 = vector.broadcast %mul3A_655 : i32 to vector<16xi32>
    %mul3A_657 = arith.muli %add3A_654, %mul3A_656 : vector<16xi32>
    %shift_right_arithmetic3A_658 = arith.constant 16 : i32
    %shift_right_arithmetic3A_659 = vector.broadcast %shift_right_arithmetic3A_658 : i32 to vector<16xi32>
    %shift_right_arithmetic3A_660 = arith.shrsi %mul3A_657, %shift_right_arithmetic3A_659 : vector<16xi32>
    %mul3A_661 = arith.constant 3 : i32
    %mul3A_662 = vector.broadcast %mul3A_661 : i32 to vector<16xi32>
    %mul3A_663 = arith.muli %mul3A_662, %shift_right_arithmetic3A_660 : vector<16xi32>
    %sub3A_664 = arith.subi %add3A_654, %mul3A_663 : vector<16xi32>
    %eq3A_665 = arith.constant 0 : i32
    %eq3A_666 = vector.broadcast %eq3A_665 : i32 to vector<16xi32>
    %eq3A_667 = arith.cmpi eq, %sub3A_664, %eq3A_666 : vector<16xi32>
    %eq3A_668 = arith.constant 1 : i32
    %eq3A_669 = vector.broadcast %eq3A_668 : i32 to vector<16xi32>
    %eq3A_670 = arith.cmpi eq, %sub3A_664, %eq3A_669 : vector<16xi32>
    %select_n3A_671 = arith.select %eq3A_670, %masked_sort3A_519, %masked_sort3A_552 : vector<16xi1>, vector<16xf32>
    %select_n3A_672 = arith.select %eq3A_667, %masked_sort3A_486, %select_n3A_671 : vector<16xi1>, vector<16xf32>
    %eq3A_673 = arith.constant 0 : i32
    %eq3A_674 = vector.broadcast %eq3A_673 : i32 to vector<16xi32>
    %eq3A_675 = arith.cmpi eq, %sub3A_664, %eq3A_674 : vector<16xi32>
    %eq3A_676 = arith.constant 1 : i32
    %eq3A_677 = vector.broadcast %eq3A_676 : i32 to vector<16xi32>
    %eq3A_678 = arith.cmpi eq, %sub3A_664, %eq3A_677 : vector<16xi32>
    %select_n3A_679 = arith.select %eq3A_678, %masked_sort3A_531, %masked_sort3A_564 : vector<16xi1>, vector<16xi32>
    %select_n3A_680 = arith.select %eq3A_675, %masked_sort3A_498, %select_n3A_679 : vector<16xi1>, vector<16xi32>
    %add3A_681 = arith.constant 32 : i32
    %add3A_682 = arith.addi %mul3A_2, %add3A_681 : i32
    %add3A_683 = vector.broadcast %add3A_682 : i32 to vector<16xi32>
    %add3A_684 = arith.addi %add3A_683, %shift_right_arithmetic3A_660 : vector<16xi32>
    %swap3A_685 = arith.constant 128 : index
    %swap3A_686 = tpu.vector_load %arg8[%swap3A_685] {strides = array<i32>} : memref<768xf32, #tpu.memory_space<vmem>>, vector<16xf32>,
    tpu.vector_store %arg8[%swap3A_685], %select_n3A_672 {strides = array<i32>} : memref<768xf32, #tpu.memory_space<vmem>>, vector<16xf32>,
    %swap3A_687 = arith.constant 0 : i32
    %swap3A_688 = arith.index_cast %swap3A_687 : i32 to index
    %swap3A_689 = arith.constant 128 : index
    %swap3A_690 = tpu.vector_load %arg9[%swap3A_688, %swap3A_689] {strides = array<i32>} : memref<1x768xi32, #tpu.memory_space<vmem>>, vector<16xi32>,
    tpu.vector_store %arg9[%swap3A_688, %swap3A_689], %add3A_684 {strides = array<i32>} : memref<1x768xi32, #tpu.memory_space<vmem>>, vector<16xi32>,
    %swap3A_691 = arith.constant 0 : i32
    %swap3A_692 = arith.index_cast %swap3A_691 : i32 to index
    %swap3A_693 = arith.constant 128 : index
    %swap3A_694 = tpu.vector_load %arg10[%swap3A_692, %swap3A_693] {strides = array<i32>} : memref<1x768xi32, #tpu.memory_space<vmem>>, vector<16xi32>,
    tpu.vector_store %arg10[%swap3A_692, %swap3A_693], %select_n3A_680 {strides = array<i32>} : memref<1x768xi32, #tpu.memory_space<vmem>>, vector<16xi32>,
    %mul3A_695 = arith.constant 3 : i32
    %mul3A_696 = vector.broadcast %mul3A_695 : i32 to vector<16xi32>
    %mul3A_697 = arith.muli %mul3A_696, %iota3A : vector<16xi32>
    %add3A_698 = arith.constant 0 : i32
    %add3A_699 = vector.broadcast %add3A_698 : i32 to vector<16xi32>
    %add3A_700 = arith.addi %mul3A_697, %add3A_699 : vector<16xi32>
    %and3A_701 = arith.constant 15 : i32
    %and3A_702 = vector.broadcast %and3A_701 : i32 to vector<16xi32>
    %and3A_703 = arith.andi %add3A_700, %and3A_702 : vector<16xi32>
    %get3A_704 = arith.constant 0 : i32
    %get3A_705 = arith.index_cast %get3A_704 : i32 to index
    %get3A_706 = arith.constant 48 : index
    %get3A_707 = tpu.vector_load %arg6[%get3A_705, %get3A_706] {strides = array<i32>} : memref<3x256xf32, #tpu.memory_space<vmem>>, vector<16xf32>,
    %masked_sort3A_708 = arith.constant dense<true> : vector<16xi1>
    %masked_sort3A_709 = arith.constant -2147483648 : i32
    %masked_sort3A_710 = vector.broadcast %masked_sort3A_709 : i32 to vector<16xi32>
    %masked_sort3A_711 = arith.xori %and3A_703, %masked_sort3A_710 : vector<16xi32>
    %masked_sort3A_712, %masked_sort3A_713, %masked_sort3A_714 = tpu.sort %masked_sort3A_711, %get3A_707 masked %masked_sort3A_708 : (vector<16xi32>, vector<16xf32>, vector<16xi1>) -> (vector<16xi1>, vector<16xi32>, vector<16xf32>)
    %masked_sort3A_715 = arith.xori %masked_sort3A_713, %masked_sort3A_710 : vector<16xi32>
    %get3A_716 = arith.constant 0 : i32
    %get3A_717 = arith.index_cast %get3A_716 : i32 to index
    %get3A_718 = arith.constant 48 : index
    %get3A_719 = tpu.vector_load %arg7[%get3A_717, %get3A_718] {strides = array<i32>} : memref<3x256xi32, #tpu.memory_space<vmem>>, vector<16xi32>,
    %masked_sort3A_720 = arith.constant dense<true> : vector<16xi1>
    %masked_sort3A_721 = arith.constant -2147483648 : i32
    %masked_sort3A_722 = vector.broadcast %masked_sort3A_721 : i32 to vector<16xi32>
    %masked_sort3A_723 = arith.xori %and3A_703, %masked_sort3A_722 : vector<16xi32>
    %masked_sort3A_724, %masked_sort3A_725, %masked_sort3A_726 = tpu.sort %masked_sort3A_723, %get3A_719 masked %masked_sort3A_720 : (vector<16xi32>, vector<16xi32>, vector<16xi1>) -> (vector<16xi1>, vector<16xi32>, vector<16xi32>)
    %masked_sort3A_727 = arith.xori %masked_sort3A_725, %masked_sort3A_722 : vector<16xi32>
    %mul3A_728 = arith.constant 3 : i32
    %mul3A_729 = vector.broadcast %mul3A_728 : i32 to vector<16xi32>
    %mul3A_730 = arith.muli %mul3A_729, %iota3A : vector<16xi32>
    %add3A_731 = arith.constant 1 : i32
    %add3A_732 = vector.broadcast %add3A_731 : i32 to vector<16xi32>
    %add3A_733 = arith.addi %mul3A_730, %add3A_732 : vector<16xi32>
    %and3A_734 = arith.constant 15 : i32
    %and3A_735 = vector.broadcast %and3A_734 : i32 to vector<16xi32>
    %and3A_736 = arith.andi %add3A_733, %and3A_735 : vector<16xi32>
    %get3A_737 = arith.constant 1 : i32
    %get3A_738 = arith.index_cast %get3A_737 : i32 to index
    %get3A_739 = arith.constant 48 : index
    %get3A_740 = tpu.vector_load %arg6[%get3A_738, %get3A_739] {strides = array<i32>} : memref<3x256xf32, #tpu.memory_space<vmem>>, vector<16xf32>,
    %masked_sort3A_741 = arith.constant dense<true> : vector<16xi1>
    %masked_sort3A_742 = arith.constant -2147483648 : i32
    %masked_sort3A_743 = vector.broadcast %masked_sort3A_742 : i32 to vector<16xi32>
    %masked_sort3A_744 = arith.xori %and3A_736, %masked_sort3A_743 : vector<16xi32>
    %masked_sort3A_745, %masked_sort3A_746, %masked_sort3A_747 = tpu.sort %masked_sort3A_744, %get3A_740 masked %masked_sort3A_741 : (vector<16xi32>, vector<16xf32>, vector<16xi1>) -> (vector<16xi1>, vector<16xi32>, vector<16xf32>)
    %masked_sort3A_748 = arith.xori %masked_sort3A_746, %masked_sort3A_743 : vector<16xi32>
    %get3A_749 = arith.constant 1 : i32
    %get3A_750 = arith.index_cast %get3A_749 : i32 to index
    %get3A_751 = arith.constant 48 : index
    %get3A_752 = tpu.vector_load %arg7[%get3A_750, %get3A_751] {strides = array<i32>} : memref<3x256xi32, #tpu.memory_space<vmem>>, vector<16xi32>,
    %masked_sort3A_753 = arith.constant dense<true> : vector<16xi1>
    %masked_sort3A_754 = arith.constant -2147483648 : i32
    %masked_sort3A_755 = vector.broadcast %masked_sort3A_754 : i32 to vector<16xi32>
    %masked_sort3A_756 = arith.xori %and3A_736, %masked_sort3A_755 : vector<16xi32>
    %masked_sort3A_757, %masked_sort3A_758, %masked_sort3A_759 = tpu.sort %masked_sort3A_756, %get3A_752 masked %masked_sort3A_753 : (vector<16xi32>, vector<16xi32>, vector<16xi1>) -> (vector<16xi1>, vector<16xi32>, vector<16xi32>)
    %masked_sort3A_760 = arith.xori %masked_sort3A_758, %masked_sort3A_755 : vector<16xi32>
    %mul3A_761 = arith.constant 3 : i32
    %mul3A_762 = vector.broadcast %mul3A_761 : i32 to vector<16xi32>
    %mul3A_763 = arith.muli %mul3A_762, %iota3A : vector<16xi32>
    %add3A_764 = arith.constant 2 : i32
    %add3A_765 = vector.broadcast %add3A_764 : i32 to vector<16xi32>
    %add3A_766 = arith.addi %mul3A_763, %add3A_765 : vector<16xi32>
    %and3A_767 = arith.constant 15 : i32
    %and3A_768 = vector.broadcast %and3A_767 : i32 to vector<16xi32>
    %and3A_769 = arith.andi %add3A_766, %and3A_768 : vector<16xi32>
    %get3A_770 = arith.constant 2 : i32
    %get3A_771 = arith.index_cast %get3A_770 : i32 to index
    %get3A_772 = arith.constant 48 : index
    %get3A_773 = tpu.vector_load %arg6[%get3A_771, %get3A_772] {strides = array<i32>} : memref<3x256xf32, #tpu.memory_space<vmem>>, vector<16xf32>,
    %masked_sort3A_774 = arith.constant dense<true> : vector<16xi1>
    %masked_sort3A_775 = arith.constant -2147483648 : i32
    %masked_sort3A_776 = vector.broadcast %masked_sort3A_775 : i32 to vector<16xi32>
    %masked_sort3A_777 = arith.xori %and3A_769, %masked_sort3A_776 : vector<16xi32>
    %masked_sort3A_778, %masked_sort3A_779, %masked_sort3A_780 = tpu.sort %masked_sort3A_777, %get3A_773 masked %masked_sort3A_774 : (vector<16xi32>, vector<16xf32>, vector<16xi1>) -> (vector<16xi1>, vector<16xi32>, vector<16xf32>)
    %masked_sort3A_781 = arith.xori %masked_sort3A_779, %masked_sort3A_776 : vector<16xi32>
    %get3A_782 = arith.constant 2 : i32
    %get3A_783 = arith.index_cast %get3A_782 : i32 to index
    %get3A_784 = arith.constant 48 : index
    %get3A_785 = tpu.vector_load %arg7[%get3A_783, %get3A_784] {strides = array<i32>} : memref<3x256xi32, #tpu.memory_space<vmem>>, vector<16xi32>,
    %masked_sort3A_786 = arith.constant dense<true> : vector<16xi1>
    %masked_sort3A_787 = arith.constant -2147483648 : i32
    %masked_sort3A_788 = vector.broadcast %masked_sort3A_787 : i32 to vector<16xi32>
    %masked_sort3A_789 = arith.xori %and3A_769, %masked_sort3A_788 : vector<16xi32>
    %masked_sort3A_790, %masked_sort3A_791, %masked_sort3A_792 = tpu.sort %masked_sort3A_789, %get3A_785 masked %masked_sort3A_786 : (vector<16xi32>, vector<16xi32>, vector<16xi1>) -> (vector<16xi1>, vector<16xi32>, vector<16xi32>)
    %masked_sort3A_793 = arith.xori %masked_sort3A_791, %masked_sort3A_788 : vector<16xi32>
    %add3A_794 = arith.constant 0 : i32
    %add3A_795 = vector.broadcast %add3A_794 : i32 to vector<16xi32>
    %add3A_796 = arith.addi %add3A_795, %iota3A : vector<16xi32>
    %mul3A_797 = arith.constant 21846 : i32
    %mul3A_798 = vector.broadcast %mul3A_797 : i32 to vector<16xi32>
    %mul3A_799 = arith.muli %add3A_796, %mul3A_798 : vector<16xi32>
    %shift_right_arithmetic3A_800 = arith.constant 16 : i32
    %shift_right_arithmetic3A_801 = vector.broadcast %shift_right_arithmetic3A_800 : i32 to vector<16xi32>
    %shift_right_arithmetic3A_802 = arith.shrsi %mul3A_799, %shift_right_arithmetic3A_801 : vector<16xi32>
    %mul3A_803 = arith.constant 3 : i32
    %mul3A_804 = vector.broadcast %mul3A_803 : i32 to vector<16xi32>
    %mul3A_805 = arith.muli %mul3A_804, %shift_right_arithmetic3A_802 : vector<16xi32>
    %sub3A_806 = arith.subi %add3A_796, %mul3A_805 : vector<16xi32>
    %eq3A_807 = arith.constant 0 : i32
    %eq3A_808 = vector.broadcast %eq3A_807 : i32 to vector<16xi32>
    %eq3A_809 = arith.cmpi eq, %sub3A_806, %eq3A_808 : vector<16xi32>
    %eq3A_810 = arith.constant 1 : i32
    %eq3A_811 = vector.broadcast %eq3A_810 : i32 to vector<16xi32>
    %eq3A_812 = arith.cmpi eq, %sub3A_806, %eq3A_811 : vector<16xi32>
    %select_n3A_813 = arith.select %eq3A_812, %masked_sort3A_747, %masked_sort3A_780 : vector<16xi1>, vector<16xf32>
    %select_n3A_814 = arith.select %eq3A_809, %masked_sort3A_714, %select_n3A_813 : vector<16xi1>, vector<16xf32>
    %eq3A_815 = arith.constant 0 : i32
    %eq3A_816 = vector.broadcast %eq3A_815 : i32 to vector<16xi32>
    %eq3A_817 = arith.cmpi eq, %sub3A_806, %eq3A_816 : vector<16xi32>
    %eq3A_818 = arith.constant 1 : i32
    %eq3A_819 = vector.broadcast %eq3A_818 : i32 to vector<16xi32>
    %eq3A_820 = arith.cmpi eq, %sub3A_806, %eq3A_819 : vector<16xi32>
    %select_n3A_821 = arith.select %eq3A_820, %masked_sort3A_759, %masked_sort3A_792 : vector<16xi1>, vector<16xi32>
    %select_n3A_822 = arith.select %eq3A_817, %masked_sort3A_726, %select_n3A_821 : vector<16xi1>, vector<16xi32>
    %add3A_823 = arith.constant 48 : i32
    %add3A_824 = arith.addi %mul3A_2, %add3A_823 : i32
    %add3A_825 = vector.broadcast %add3A_824 : i32 to vector<16xi32>
    %add3A_826 = arith.addi %add3A_825, %shift_right_arithmetic3A_802 : vector<16xi32>
    %swap3A_827 = arith.constant 144 : index
    %swap3A_828 = tpu.vector_load %arg8[%swap3A_827] {strides = array<i32>} : memref<768xf32, #tpu.memory_space<vmem>>, vector<16xf32>,
    tpu.vector_store %arg8[%swap3A_827], %select_n3A_814 {strides = array<i32>} : memref<768xf32, #tpu.memory_space<vmem>>, vector<16xf32>,
    %swap3A_829 = arith.constant 0 : i32
    %swap3A_830 = arith.index_cast %swap3A_829 : i32 to index
    %swap3A_831 = arith.constant 144 : index
    %swap3A_832 = tpu.vector_load %arg9[%swap3A_830, %swap3A_831] {strides = array<i32>} : memref<1x768xi32, #tpu.memory_space<vmem>>, vector<16xi32>,
    tpu.vector_store %arg9[%swap3A_830, %swap3A_831], %add3A_826 {strides = array<i32>} : memref<1x768xi32, #tpu.memory_space<vmem>>, vector<16xi32>,
    %swap3A_833 = arith.constant 0 : i32
    %swap3A_834 = arith.index_cast %swap3A_833 : i32 to index
    %swap3A_835 = arith.constant 144 : index
    %swap3A_836 = tpu.vector_load %arg10[%swap3A_834, %swap3A_835] {strides = array<i32>} : memref<1x768xi32, #tpu.memory_space<vmem>>, vector<16xi32>,
    tpu.vector_store %arg10[%swap3A_834, %swap3A_835], %select_n3A_822 {strides = array<i32>} : memref<1x768xi32, #tpu.memory_space<vmem>>, vector<16xi32>,
    %add3A_837 = arith.constant 16 : i32
    %add3A_838 = vector.broadcast %add3A_837 : i32 to vector<16xi32>
    %add3A_839 = arith.addi %add3A_838, %iota3A : vector<16xi32>
    %mul3A_840 = arith.constant 21846 : i32
    %mul3A_841 = vector.broadcast %mul3A_840 : i32 to vector<16xi32>
    %mul3A_842 = arith.muli %add3A_839, %mul3A_841 : vector<16xi32>
    %shift_right_arithmetic3A_843 = arith.constant 16 : i32
    %shift_right_arithmetic3A_844 = vector.broadcast %shift_right_arithmetic3A_843 : i32 to vector<16xi32>
    %shift_right_arithmetic3A_845 = arith.shrsi %mul3A_842, %shift_right_arithmetic3A_844 : vector<16xi32>
    %mul3A_846 = arith.constant 3 : i32
    %mul3A_847 = vector.broadcast %mul3A_846 : i32 to vector<16xi32>
    %mul3A_848 = arith.muli %mul3A_847, %shift_right_arithmetic3A_845 : vector<16xi32>
    %sub3A_849 = arith.subi %add3A_839, %mul3A_848 : vector<16xi32>
    %eq3A_850 = arith.constant 0 : i32
    %eq3A_851 = vector.broadcast %eq3A_850 : i32 to vector<16xi32>
    %eq3A_852 = arith.cmpi eq, %sub3A_849, %eq3A_851 : vector<16xi32>
    %eq3A_853 = arith.constant 1 : i32
    %eq3A_854 = vector.broadcast %eq3A_853 : i32 to vector<16xi32>
    %eq3A_855 = arith.cmpi eq, %sub3A_849, %eq3A_854 : vector<16xi32>
    %select_n3A_856 = arith.select %eq3A_855, %masked_sort3A_747, %masked_sort3A_780 : vector<16xi1>, vector<16xf32>
    %select_n3A_857 = arith.select %eq3A_852, %masked_sort3A_714, %select_n3A_856 : vector<16xi1>, vector<16xf32>
    %eq3A_858 = arith.constant 0 : i32
    %eq3A_859 = vector.broadcast %eq3A_858 : i32 to vector<16xi32>
    %eq3A_860 = arith.cmpi eq, %sub3A_849, %eq3A_859 : vector<16xi32>
    %eq3A_861 = arith.constant 1 : i32
    %eq3A_862 = vector.broadcast %eq3A_861 : i32 to vector<16xi32>
    %eq3A_863 = arith.cmpi eq, %sub3A_849, %eq3A_862 : vector<16xi32>
    %select_n3A_864 = arith.select %eq3A_863, %masked_sort3A_759, %masked_sort3A_792 : vector<16xi1>, vector<16xi32>
    %select_n3A_865 = arith.select %eq3A_860, %masked_sort3A_726, %select_n3A_864 : vector<16xi1>, vector<16xi32>
    %add3A_866 = arith.constant 48 : i32
    %add3A_867 = arith.addi %mul3A_2, %add3A_866 : i32
    %add3A_868 = vector.broadcast %add3A_867 : i32 to vector<16xi32>
    %add3A_869 = arith.addi %add3A_868, %shift_right_arithmetic3A_845 : vector<16xi32>
    %swap3A_870 = arith.constant 160 : index
    %swap3A_871 = tpu.vector_load %arg8[%swap3A_870] {strides = array<i32>} : memref<768xf32, #tpu.memory_space<vmem>>, vector<16xf32>,
    tpu.vector_store %arg8[%swap3A_870], %select_n3A_857 {strides = array<i32>} : memref<768xf32, #tpu.memory_space<vmem>>, vector<16xf32>,
    %swap3A_872 = arith.constant 0 : i32
    %swap3A_873 = arith.index_cast %swap3A_872 : i32 to index
    %swap3A_874 = arith.constant 160 : index
    %swap3A_875 = tpu.vector_load %arg9[%swap3A_873, %swap3A_874] {strides = array<i32>} : memref<1x768xi32, #tpu.memory_space<vmem>>, vector<16xi32>,
    tpu.vector_store %arg9[%swap3A_873, %swap3A_874], %add3A_869 {strides = array<i32>} : memref<1x768xi32, #tpu.memory_space<vmem>>, vector<16xi32>,
    %swap3A_876 = arith.constant 0 : i32
    %swap3A_877 = arith.index_cast %swap3A_876 : i32 to index
    %swap3A_878 = arith.constant 160 : index
    %swap3A_879 = tpu.vector_load %arg10[%swap3A_877, %swap3A_878] {strides = array<i32>} : memref<1x768xi32, #tpu.memory_space<vmem>>, vector<16xi32>,
    tpu.vector_store %arg10[%swap3A_877, %swap3A_878], %select_n3A_865 {strides = array<i32>} : memref<1x768xi32, #tpu.memory_space<vmem>>, vector<16xi32>,
    %add3A_880 = arith.constant 32 : i32
    %add3A_881 = vector.broadcast %add3A_880 : i32 to vector<16xi32>
    %add3A_882 = arith.addi %add3A_881, %iota3A : vector<16xi32>
    %mul3A_883 = arith.constant 21846 : i32
    %mul3A_884 = vector.broadcast %mul3A_883 : i32 to vector<16xi32>
    %mul3A_885 = arith.muli %add3A_882, %mul3A_884 : vector<16xi32>
    %shift_right_arithmetic3A_886 = arith.constant 16 : i32
    %shift_right_arithmetic3A_887 = vector.broadcast %shift_right_arithmetic3A_886 : i32 to vector<16xi32>
    %shift_right_arithmetic3A_888 = arith.shrsi %mul3A_885, %shift_right_arithmetic3A_887 : vector<16xi32>
    %mul3A_889 = arith.constant 3 : i32
    %mul3A_890 = vector.broadcast %mul3A_889 : i32 to vector<16xi32>
    %mul3A_891 = arith.muli %mul3A_890, %shift_right_arithmetic3A_888 : vector<16xi32>
    %sub3A_892 = arith.subi %add3A_882, %mul3A_891 : vector<16xi32>
    %eq3A_893 = arith.constant 0 : i32
    %eq3A_894 = vector.broadcast %eq3A_893 : i32 to vector<16xi32>
    %eq3A_895 = arith.cmpi eq, %sub3A_892, %eq3A_894 : vector<16xi32>
    %eq3A_896 = arith.constant 1 : i32
    %eq3A_897 = vector.broadcast %eq3A_896 : i32 to vector<16xi32>
    %eq3A_898 = arith.cmpi eq, %sub3A_892, %eq3A_897 : vector<16xi32>
    %select_n3A_899 = arith.select %eq3A_898, %masked_sort3A_747, %masked_sort3A_780 : vector<16xi1>, vector<16xf32>
    %select_n3A_900 = arith.select %eq3A_895, %masked_sort3A_714, %select_n3A_899 : vector<16xi1>, vector<16xf32>
    %eq3A_901 = arith.constant 0 : i32
    %eq3A_902 = vector.broadcast %eq3A_901 : i32 to vector<16xi32>
    %eq3A_903 = arith.cmpi eq, %sub3A_892, %eq3A_902 : vector<16xi32>
    %eq3A_904 = arith.constant 1 : i32
    %eq3A_905 = vector.broadcast %eq3A_904 : i32 to vector<16xi32>
    %eq3A_906 = arith.cmpi eq, %sub3A_892, %eq3A_905 : vector<16xi32>
    %select_n3A_907 = arith.select %eq3A_906, %masked_sort3A_759, %masked_sort3A_792 : vector<16xi1>, vector<16xi32>
    %select_n3A_908 = arith.select %eq3A_903, %masked_sort3A_726, %select_n3A_907 : vector<16xi1>, vector<16xi32>
    %add3A_909 = arith.constant 48 : i32
    %add3A_910 = arith.addi %mul3A_2, %add3A_909 : i32
    %add3A_911 = vector.broadcast %add3A_910 : i32 to vector<16xi32>
    %add3A_912 = arith.addi %add3A_911, %shift_right_arithmetic3A_888 : vector<16xi32>
    %swap3A_913 = arith.constant 176 : index
    %swap3A_914 = tpu.vector_load %arg8[%swap3A_913] {strides = array<i32>} : memref<768xf32, #tpu.memory_space<vmem>>, vector<16xf32>,
    tpu.vector_store %arg8[%swap3A_913], %select_n3A_900 {strides = array<i32>} : memref<768xf32, #tpu.memory_space<vmem>>, vector<16xf32>,
    %swap3A_915 = arith.constant 0 : i32
    %swap3A_916 = arith.index_cast %swap3A_915 : i32 to index
    %swap3A_917 = arith.constant 176 : index
    %swap3A_918 = tpu.vector_load %arg9[%swap3A_916, %swap3A_917] {strides = array<i32>} : memref<1x768xi32, #tpu.memory_space<vmem>>, vector<16xi32>,
    tpu.vector_store %arg9[%swap3A_916, %swap3A_917], %add3A_912 {strides = array<i32>} : memref<1x768xi32, #tpu.memory_space<vmem>>, vector<16xi32>,
    %swap3A_919 = arith.constant 0 : i32
    %swap3A_920 = arith.index_cast %swap3A_919 : i32 to index
    %swap3A_921 = arith.constant 176 : index
    %swap3A_922 = tpu.vector_load %arg10[%swap3A_920, %swap3A_921] {strides = array<i32>} : memref<1x768xi32, #tpu.memory_space<vmem>>, vector<16xi32>,
    tpu.vector_store %arg10[%swap3A_920, %swap3A_921], %select_n3A_908 {strides = array<i32>} : memref<1x768xi32, #tpu.memory_space<vmem>>, vector<16xi32>,
    %mul3A_923 = arith.constant 3 : i32
    %mul3A_924 = vector.broadcast %mul3A_923 : i32 to vector<16xi32>
    %mul3A_925 = arith.muli %mul3A_924, %iota3A : vector<16xi32>
    %add3A_926 = arith.constant 0 : i32
    %add3A_927 = vector.broadcast %add3A_926 : i32 to vector<16xi32>
    %add3A_928 = arith.addi %mul3A_925, %add3A_927 : vector<16xi32>
    %and3A_929 = arith.constant 15 : i32
    %and3A_930 = vector.broadcast %and3A_929 : i32 to vector<16xi32>
    %and3A_931 = arith.andi %add3A_928, %and3A_930 : vector<16xi32>
    %get3A_932 = arith.constant 0 : i32
    %get3A_933 = arith.index_cast %get3A_932 : i32 to index
    %get3A_934 = arith.constant 64 : index
    %get3A_935 = tpu.vector_load %arg6[%get3A_933, %get3A_934] {strides = array<i32>} : memref<3x256xf32, #tpu.memory_space<vmem>>, vector<16xf32>,
    %masked_sort3A_936 = arith.constant dense<true> : vector<16xi1>
    %masked_sort3A_937 = arith.constant -2147483648 : i32
    %masked_sort3A_938 = vector.broadcast %masked_sort3A_937 : i32 to vector<16xi32>
    %masked_sort3A_939 = arith.xori %and3A_931, %masked_sort3A_938 : vector<16xi32>
    %masked_sort3A_940, %masked_sort3A_941, %masked_sort3A_942 = tpu.sort %masked_sort3A_939, %get3A_935 masked %masked_sort3A_936 : (vector<16xi32>, vector<16xf32>, vector<16xi1>) -> (vector<16xi1>, vector<16xi32>, vector<16xf32>)
    %masked_sort3A_943 = arith.xori %masked_sort3A_941, %masked_sort3A_938 : vector<16xi32>
    %get3A_944 = arith.constant 0 : i32
    %get3A_945 = arith.index_cast %get3A_944 : i32 to index
    %get3A_946 = arith.constant 64 : index
    %get3A_947 = tpu.vector_load %arg7[%get3A_945, %get3A_946] {strides = array<i32>} : memref<3x256xi32, #tpu.memory_space<vmem>>, vector<16xi32>,
    %masked_sort3A_948 = arith.constant dense<true> : vector<16xi1>
    %masked_sort3A_949 = arith.constant -2147483648 : i32
    %masked_sort3A_950 = vector.broadcast %masked_sort3A_949 : i32 to vector<16xi32>
    %masked_sort3A_951 = arith.xori %and3A_931, %masked_sort3A_950 : vector<16xi32>
    %masked_sort3A_952, %masked_sort3A_953, %masked_sort3A_954 = tpu.sort %masked_sort3A_951, %get3A_947 masked %masked_sort3A_948 : (vector<16xi32>, vector<16xi32>, vector<16xi1>) -> (vector<16xi1>, vector<16xi32>, vector<16xi32>)
    %masked_sort3A_955 = arith.xori %masked_sort3A_953, %masked_sort3A_950 : vector<16xi32>
    %mul3A_956 = arith.constant 3 : i32
    %mul3A_957 = vector.broadcast %mul3A_956 : i32 to vector<16xi32>
    %mul3A_958 = arith.muli %mul3A_957, %iota3A : vector<16xi32>
    %add3A_959 = arith.constant 1 : i32
    %add3A_960 = vector.broadcast %add3A_959 : i32 to vector<16xi32>
    %add3A_961 = arith.addi %mul3A_958, %add3A_960 : vector<16xi32>
    %and3A_962 = arith.constant 15 : i32
    %and3A_963 = vector.broadcast %and3A_962 : i32 to vector<16xi32>
    %and3A_964 = arith.andi %add3A_961, %and3A_963 : vector<16xi32>
    %get3A_965 = arith.constant 1 : i32
    %get3A_966 = arith.index_cast %get3A_965 : i32 to index
    %get3A_967 = arith.constant 64 : index
    %get3A_968 = tpu.vector_load %arg6[%get3A_966, %get3A_967] {strides = array<i32>} : memref<3x256xf32, #tpu.memory_space<vmem>>, vector<16xf32>,
    %masked_sort3A_969 = arith.constant dense<true> : vector<16xi1>
    %masked_sort3A_970 = arith.constant -2147483648 : i32
    %masked_sort3A_971 = vector.broadcast %masked_sort3A_970 : i32 to vector<16xi32>
    %masked_sort3A_972 = arith.xori %and3A_964, %masked_sort3A_971 : vector<16xi32>
    %masked_sort3A_973, %masked_sort3A_974, %masked_sort3A_975 = tpu.sort %masked_sort3A_972, %get3A_968 masked %masked_sort3A_969 : (vector<16xi32>, vector<16xf32>, vector<16xi1>) -> (vector<16xi1>, vector<16xi32>, vector<16xf32>)
    %masked_sort3A_976 = arith.xori %masked_sort3A_974, %masked_sort3A_971 : vector<16xi32>
    %get3A_977 = arith.constant 1 : i32
    %get3A_978 = arith.index_cast %get3A_977 : i32 to index
    %get3A_979 = arith.constant 64 : index
    %get3A_980 = tpu.vector_load %arg7[%get3A_978, %get3A_979] {strides = array<i32>} : memref<3x256xi32, #tpu.memory_space<vmem>>, vector<16xi32>,
    %masked_sort3A_981 = arith.constant dense<true> : vector<16xi1>
    %masked_sort3A_982 = arith.constant -2147483648 : i32
    %masked_sort3A_983 = vector.broadcast %masked_sort3A_982 : i32 to vector<16xi32>
    %masked_sort3A_984 = arith.xori %and3A_964, %masked_sort3A_983 : vector<16xi32>
    %masked_sort3A_985, %masked_sort3A_986, %masked_sort3A_987 = tpu.sort %masked_sort3A_984, %get3A_980 masked %masked_sort3A_981 : (vector<16xi32>, vector<16xi32>, vector<16xi1>) -> (vector<16xi1>, vector<16xi32>, vector<16xi32>)
    %masked_sort3A_988 = arith.xori %masked_sort3A_986, %masked_sort3A_983 : vector<16xi32>
    %mul3A_989 = arith.constant 3 : i32
    %mul3A_990 = vector.broadcast %mul3A_989 : i32 to vector<16xi32>
    %mul3A_991 = arith.muli %mul3A_990, %iota3A : vector<16xi32>
    %add3A_992 = arith.constant 2 : i32
    %add3A_993 = vector.broadcast %add3A_992 : i32 to vector<16xi32>
    %add3A_994 = arith.addi %mul3A_991, %add3A_993 : vector<16xi32>
    %and3A_995 = arith.constant 15 : i32
    %and3A_996 = vector.broadcast %and3A_995 : i32 to vector<16xi32>
    %and3A_997 = arith.andi %add3A_994, %and3A_996 : vector<16xi32>
    %get3A_998 = arith.constant 2 : i32
    %get3A_999 = arith.index_cast %get3A_998 : i32 to index
    %get3A_1000 = arith.constant 64 : index
    %get3A_1001 = tpu.vector_load %arg6[%get3A_999, %get3A_1000] {strides = array<i32>} : memref<3x256xf32, #tpu.memory_space<vmem>>, vector<16xf32>,
    %masked_sort3A_1002 = arith.constant dense<true> : vector<16xi1>
    %masked_sort3A_1003 = arith.constant -2147483648 : i32
    %masked_sort3A_1004 = vector.broadcast %masked_sort3A_1003 : i32 to vector<16xi32>
    %masked_sort3A_1005 = arith.xori %and3A_997, %masked_sort3A_1004 : vector<16xi32>
    %masked_sort3A_1006, %masked_sort3A_1007, %masked_sort3A_1008 = tpu.sort %masked_sort3A_1005, %get3A_1001 masked %masked_sort3A_1002 : (vector<16xi32>, vector<16xf32>, vector<16xi1>) -> (vector<16xi1>, vector<16xi32>, vector<16xf32>)
    %masked_sort3A_1009 = arith.xori %masked_sort3A_1007, %masked_sort3A_1004 : vector<16xi32>
    %get3A_1010 = arith.constant 2 : i32
    %get3A_1011 = arith.index_cast %get3A_1010 : i32 to index
    %get3A_1012 = arith.constant 64 : index
    %get3A_1013 = tpu.vector_load %arg7[%get3A_1011, %get3A_1012] {strides = array<i32>} : memref<3x256xi32, #tpu.memory_space<vmem>>, vector<16xi32>,
    %masked_sort3A_1014 = arith.constant dense<true> : vector<16xi1>
    %masked_sort3A_1015 = arith.constant -2147483648 : i32
    %masked_sort3A_1016 = vector.broadcast %masked_sort3A_1015 : i32 to vector<16xi32>
    %masked_sort3A_1017 = arith.xori %and3A_997, %masked_sort3A_1016 : vector<16xi32>
    %masked_sort3A_1018, %masked_sort3A_1019, %masked_sort3A_1020 = tpu.sort %masked_sort3A_1017, %get3A_1013 masked %masked_sort3A_1014 : (vector<16xi32>, vector<16xi32>, vector<16xi1>) -> (vector<16xi1>, vector<16xi32>, vector<16xi32>)
    %masked_sort3A_1021 = arith.xori %masked_sort3A_1019, %masked_sort3A_1016 : vector<16xi32>
    %add3A_1022 = arith.constant 0 : i32
    %add3A_1023 = vector.broadcast %add3A_1022 : i32 to vector<16xi32>
    %add3A_1024 = arith.addi %add3A_1023, %iota3A : vector<16xi32>
    %mul3A_1025 = arith.constant 21846 : i32
    %mul3A_1026 = vector.broadcast %mul3A_1025 : i32 to vector<16xi32>
    %mul3A_1027 = arith.muli %add3A_1024, %mul3A_1026 : vector<16xi32>
    %shift_right_arithmetic3A_1028 = arith.constant 16 : i32
    %shift_right_arithmetic3A_1029 = vector.broadcast %shift_right_arithmetic3A_1028 : i32 to vector<16xi32>
    %shift_right_arithmetic3A_1030 = arith.shrsi %mul3A_1027, %shift_right_arithmetic3A_1029 : vector<16xi32>
    %mul3A_1031 = arith.constant 3 : i32
    %mul3A_1032 = vector.broadcast %mul3A_1031 : i32 to vector<16xi32>
    %mul3A_1033 = arith.muli %mul3A_1032, %shift_right_arithmetic3A_1030 : vector<16xi32>
    %sub3A_1034 = arith.subi %add3A_1024, %mul3A_1033 : vector<16xi32>
    %eq3A_1035 = arith.constant 0 : i32
    %eq3A_1036 = vector.broadcast %eq3A_1035 : i32 to vector<16xi32>
    %eq3A_1037 = arith.cmpi eq, %sub3A_1034, %eq3A_1036 : vector<16xi32>
    %eq3A_1038 = arith.constant 1 : i32
    %eq3A_1039 = vector.broadcast %eq3A_1038 : i32 to vector<16xi32>
    %eq3A_1040 = arith.cmpi eq, %sub3A_1034, %eq3A_1039 : vector<16xi32>
    %select_n3A_1041 = arith.select %eq3A_1040, %masked_sort3A_975, %masked_sort3A_1008 : vector<16xi1>, vector<16xf32>
    %select_n3A_1042 = arith.select %eq3A_1037, %masked_sort3A_942, %select_n3A_1041 : vector<16xi1>, vector<16xf32>
    %eq3A_1043 = arith.constant 0 : i32
    %eq3A_1044 = vector.broadcast %eq3A_1043 : i32 to vector<16xi32>
    %eq3A_1045 = arith.cmpi eq, %sub3A_1034, %eq3A_1044 : vector<16xi32>
    %eq3A_1046 = arith.constant 1 : i32
    %eq3A_1047 = vector.broadcast %eq3A_1046 : i32 to vector<16xi32>
    %eq3A_1048 = arith.cmpi eq, %sub3A_1034, %eq3A_1047 : vector<16xi32>
    %select_n3A_1049 = arith.select %eq3A_1048, %masked_sort3A_987, %masked_sort3A_1020 : vector<16xi1>, vector<16xi32>
    %select_n3A_1050 = arith.select %eq3A_1045, %masked_sort3A_954, %select_n3A_1049 : vector<16xi1>, vector<16xi32>
    %add3A_1051 = arith.constant 64 : i32
    %add3A_1052 = arith.addi %mul3A_2, %add3A_1051 : i32
    %add3A_1053 = vector.broadcast %add3A_1052 : i32 to vector<16xi32>
    %add3A_1054 = arith.addi %add3A_1053, %shift_right_arithmetic3A_1030 : vector<16xi32>
    %swap3A_1055 = arith.constant 192 : index
    %swap3A_1056 = tpu.vector_load %arg8[%swap3A_1055] {strides = array<i32>} : memref<768xf32, #tpu.memory_space<vmem>>, vector<16xf32>,
    tpu.vector_store %arg8[%swap3A_1055], %select_n3A_1042 {strides = array<i32>} : memref<768xf32, #tpu.memory_space<vmem>>, vector<16xf32>,
    %swap3A_1057 = arith.constant 0 : i32
    %swap3A_1058 = arith.index_cast %swap3A_1057 : i32 to index
    %swap3A_1059 = arith.constant 192 : index
    %swap3A_1060 = tpu.vector_load %arg9[%swap3A_1058, %swap3A_1059] {strides = array<i32>} : memref<1x768xi32, #tpu.memory_space<vmem>>, vector<16xi32>,
    tpu.vector_store %arg9[%swap3A_1058, %swap3A_1059], %add3A_1054 {strides = array<i32>} : memref<1x768xi32, #tpu.memory_space<vmem>>, vector<16xi32>,
    %swap3A_1061 = arith.constant 0 : i32
    %swap3A_1062 = arith.index_cast %swap3A_1061 : i32 to index
    %swap3A_1063 = arith.constant 192 : index
    %swap3A_1064 = tpu.vector_load %arg10[%swap3A_1062, %swap3A_1063] {strides = array<i32>} : memref<1x768xi32, #tpu.memory_space<vmem>>, vector<16xi32>,
    tpu.vector_store %arg10[%swap3A_1062, %swap3A_1063], %select_n3A_1050 {strides = array<i32>} : memref<1x768xi32, #tpu.memory_space<vmem>>, vector<16xi32>,
    %add3A_1065 = arith.constant 16 : i32
    %add3A_1066 = vector.broadcast %add3A_1065 : i32 to vector<16xi32>
    %add3A_1067 = arith.addi %add3A_1066, %iota3A : vector<16xi32>
    %mul3A_1068 = arith.constant 21846 : i32
    %mul3A_1069 = vector.broadcast %mul3A_1068 : i32 to vector<16xi32>
    %mul3A_1070 = arith.muli %add3A_1067, %mul3A_1069 : vector<16xi32>
    %shift_right_arithmetic3A_1071 = arith.constant 16 : i32
    %shift_right_arithmetic3A_1072 = vector.broadcast %shift_right_arithmetic3A_1071 : i32 to vector<16xi32>
    %shift_right_arithmetic3A_1073 = arith.shrsi %mul3A_1070, %shift_right_arithmetic3A_1072 : vector<16xi32>
    %mul3A_1074 = arith.constant 3 : i32
    %mul3A_1075 = vector.broadcast %mul3A_1074 : i32 to vector<16xi32>
    %mul3A_1076 = arith.muli %mul3A_1075, %shift_right_arithmetic3A_1073 : vector<16xi32>
    %sub3A_1077 = arith.subi %add3A_1067, %mul3A_1076 : vector<16xi32>
    %eq3A_1078 = arith.constant 0 : i32
    %eq3A_1079 = vector.broadcast %eq3A_1078 : i32 to vector<16xi32>
    %eq3A_1080 = arith.cmpi eq, %sub3A_1077, %eq3A_1079 : vector<16xi32>
    %eq3A_1081 = arith.constant 1 : i32
    %eq3A_1082 = vector.broadcast %eq3A_1081 : i32 to vector<16xi32>
    %eq3A_1083 = arith.cmpi eq, %sub3A_1077, %eq3A_1082 : vector<16xi32>
    %select_n3A_1084 = arith.select %eq3A_1083, %masked_sort3A_975, %masked_sort3A_1008 : vector<16xi1>, vector<16xf32>
    %select_n3A_1085 = arith.select %eq3A_1080, %masked_sort3A_942, %select_n3A_1084 : vector<16xi1>, vector<16xf32>
    %eq3A_1086 = arith.constant 0 : i32
    %eq3A_1087 = vector.broadcast %eq3A_1086 : i32 to vector<16xi32>
    %eq3A_1088 = arith.cmpi eq, %sub3A_1077, %eq3A_1087 : vector<16xi32>
    %eq3A_1089 = arith.constant 1 : i32
    %eq3A_1090 = vector.broadcast %eq3A_1089 : i32 to vector<16xi32>
    %eq3A_1091 = arith.cmpi eq, %sub3A_1077, %eq3A_1090 : vector<16xi32>
    %select_n3A_1092 = arith.select %eq3A_1091, %masked_sort3A_987, %masked_sort3A_1020 : vector<16xi1>, vector<16xi32>
    %select_n3A_1093 = arith.select %eq3A_1088, %masked_sort3A_954, %select_n3A_1092 : vector<16xi1>, vector<16xi32>
    %add3A_1094 = arith.constant 64 : i32
    %add3A_1095 = arith.addi %mul3A_2, %add3A_1094 : i32
    %add3A_1096 = vector.broadcast %add3A_1095 : i32 to vector<16xi32>
    %add3A_1097 = arith.addi %add3A_1096, %shift_right_arithmetic3A_1073 : vector<16xi32>
    %swap3A_1098 = arith.constant 208 : index
    %swap3A_1099 = tpu.vector_load %arg8[%swap3A_1098] {strides = array<i32>} : memref<768xf32, #tpu.memory_space<vmem>>, vector<16xf32>,
    tpu.vector_store %arg8[%swap3A_1098], %select_n3A_1085 {strides = array<i32>} : memref<768xf32, #tpu.memory_space<vmem>>, vector<16xf32>,
    %swap3A_1100 = arith.constant 0 : i32
    %swap3A_1101 = arith.index_cast %swap3A_1100 : i32 to index
    %swap3A_1102 = arith.constant 208 : index
    %swap3A_1103 = tpu.vector_load %arg9[%swap3A_1101, %swap3A_1102] {strides = array<i32>} : memref<1x768xi32, #tpu.memory_space<vmem>>, vector<16xi32>,
    tpu.vector_store %arg9[%swap3A_1101, %swap3A_1102], %add3A_1097 {strides = array<i32>} : memref<1x768xi32, #tpu.memory_space<vmem>>, vector<16xi32>,
    %swap3A_1104 = arith.constant 0 : i32
    %swap3A_1105 = arith.index_cast %swap3A_1104 : i32 to index
    %swap3A_1106 = arith.constant 208 : index
    %swap3A_1107 = tpu.vector_load %arg10[%swap3A_1105, %swap3A_1106] {strides = array<i32>} : memref<1x768xi32, #tpu.memory_space<vmem>>, vector<16xi32>,
    tpu.vector_store %arg10[%swap3A_1105, %swap3A_1106], %select_n3A_1093 {strides = array<i32>} : memref<1x768xi32, #tpu.memory_space<vmem>>, vector<16xi32>,
    %add3A_1108 = arith.constant 32 : i32
    %add3A_1109 = vector.broadcast %add3A_1108 : i32 to vector<16xi32>
    %add3A_1110 = arith.addi %add3A_1109, %iota3A : vector<16xi32>
    %mul3A_1111 = arith.constant 21846 : i32
    %mul3A_1112 = vector.broadcast %mul3A_1111 : i32 to vector<16xi32>
    %mul3A_1113 = arith.muli %add3A_1110, %mul3A_1112 : vector<16xi32>
    %shift_right_arithmetic3A_1114 = arith.constant 16 : i32
    %shift_right_arithmetic3A_1115 = vector.broadcast %shift_right_arithmetic3A_1114 : i32 to vector<16xi32>
    %shift_right_arithmetic3A_1116 = arith.shrsi %mul3A_1113, %shift_right_arithmetic3A_1115 : vector<16xi32>
    %mul3A_1117 = arith.constant 3 : i32
    %mul3A_1118 = vector.broadcast %mul3A_1117 : i32 to vector<16xi32>
    %mul3A_1119 = arith.muli %mul3A_1118, %shift_right_arithmetic3A_1116 : vector<16xi32>
    %sub3A_1120 = arith.subi %add3A_1110, %mul3A_1119 : vector<16xi32>
    %eq3A_1121 = arith.constant 0 : i32
    %eq3A_1122 = vector.broadcast %eq3A_1121 : i32 to vector<16xi32>
    %eq3A_1123 = arith.cmpi eq, %sub3A_1120, %eq3A_1122 : vector<16xi32>
    %eq3A_1124 = arith.constant 1 : i32
    %eq3A_1125 = vector.broadcast %eq3A_1124 : i32 to vector<16xi32>
    %eq3A_1126 = arith.cmpi eq, %sub3A_1120, %eq3A_1125 : vector<16xi32>
    %select_n3A_1127 = arith.select %eq3A_1126, %masked_sort3A_975, %masked_sort3A_1008 : vector<16xi1>, vector<16xf32>
    %select_n3A_1128 = arith.select %eq3A_1123, %masked_sort3A_942, %select_n3A_1127 : vector<16xi1>, vector<16xf32>
    %eq3A_1129 = arith.constant 0 : i32
    %eq3A_1130 = vector.broadcast %eq3A_1129 : i32 to vector<16xi32>
    %eq3A_1131 = arith.cmpi eq, %sub3A_1120, %eq3A_1130 : vector<16xi32>
    %eq3A_1132 = arith.constant 1 : i32
    %eq3A_1133 = vector.broadcast %eq3A_1132 : i32 to vector<16xi32>
    %eq3A_1134 = arith.cmpi eq, %sub3A_1120, %eq3A_1133 : vector<16xi32>
    %select_n3A_1135 = arith.select %eq3A_1134, %masked_sort3A_987, %masked_sort3A_1020 : vector<16xi1>, vector<16xi32>
    %select_n3A_1136 = arith.select %eq3A_1131, %masked_sort3A_954, %select_n3A_1135 : vector<16xi1>, vector<16xi32>
    %add3A_1137 = arith.constant 64 : i32
    %add3A_1138 = arith.addi %mul3A_2, %add3A_1137 : i32
    %add3A_1139 = vector.broadcast %add3A_1138 : i32 to vector<16xi32>
    %add3A_1140 = arith.addi %add3A_1139, %shift_right_arithmetic3A_1116 : vector<16xi32>
    %swap3A_1141 = arith.constant 224 : index
    %swap3A_1142 = tpu.vector_load %arg8[%swap3A_1141] {strides = array<i32>} : memref<768xf32, #tpu.memory_space<vmem>>, vector<16xf32>,
    tpu.vector_store %arg8[%swap3A_1141], %select_n3A_1128 {strides = array<i32>} : memref<768xf32, #tpu.memory_space<vmem>>, vector<16xf32>,
    %swap3A_1143 = arith.constant 0 : i32
    %swap3A_1144 = arith.index_cast %swap3A_1143 : i32 to index
    %swap3A_1145 = arith.constant 224 : index
    %swap3A_1146 = tpu.vector_load %arg9[%swap3A_1144, %swap3A_1145] {strides = array<i32>} : memref<1x768xi32, #tpu.memory_space<vmem>>, vector<16xi32>,
    tpu.vector_store %arg9[%swap3A_1144, %swap3A_1145], %add3A_1140 {strides = array<i32>} : memref<1x768xi32, #tpu.memory_space<vmem>>, vector<16xi32>,
    %swap3A_1147 = arith.constant 0 : i32
    %swap3A_1148 = arith.index_cast %swap3A_1147 : i32 to index
    %swap3A_1149 = arith.constant 224 : index
    %swap3A_1150 = tpu.vector_load %arg10[%swap3A_1148, %swap3A_1149] {strides = array<i32>} : memref<1x768xi32, #tpu.memory_space<vmem>>, vector<16xi32>,
    tpu.vector_store %arg10[%swap3A_1148, %swap3A_1149], %select_n3A_1136 {strides = array<i32>} : memref<1x768xi32, #tpu.memory_space<vmem>>, vector<16xi32>,
    %mul3A_1151 = arith.constant 3 : i32
    %mul3A_1152 = vector.broadcast %mul3A_1151 : i32 to vector<16xi32>
    %mul3A_1153 = arith.muli %mul3A_1152, %iota3A : vector<16xi32>
    %add3A_1154 = arith.constant 0 : i32
    %add3A_1155 = vector.broadcast %add3A_1154 : i32 to vector<16xi32>
    %add3A_1156 = arith.addi %mul3A_1153, %add3A_1155 : vector<16xi32>
    %and3A_1157 = arith.constant 15 : i32
    %and3A_1158 = vector.broadcast %and3A_1157 : i32 to vector<16xi32>
    %and3A_1159 = arith.andi %add3A_1156, %and3A_1158 : vector<16xi32>
    %get3A_1160 = arith.constant 0 : i32
    %get3A_1161 = arith.index_cast %get3A_1160 : i32 to index
    %get3A_1162 = arith.constant 80 : index
    %get3A_1163 = tpu.vector_load %arg6[%get3A_1161, %get3A_1162] {strides = array<i32>} : memref<3x256xf32, #tpu.memory_space<vmem>>, vector<16xf32>,
    %masked_sort3A_1164 = arith.constant dense<true> : vector<16xi1>
    %masked_sort3A_1165 = arith.constant -2147483648 : i32
    %masked_sort3A_1166 = vector.broadcast %masked_sort3A_1165 : i32 to vector<16xi32>
    %masked_sort3A_1167 = arith.xori %and3A_1159, %masked_sort3A_1166 : vector<16xi32>
    %masked_sort3A_1168, %masked_sort3A_1169, %masked_sort3A_1170 = tpu.sort %masked_sort3A_1167, %get3A_1163 masked %masked_sort3A_1164 : (vector<16xi32>, vector<16xf32>, vector<16xi1>) -> (vector<16xi1>, vector<16xi32>, vector<16xf32>)
    %masked_sort3A_1171 = arith.xori %masked_sort3A_1169, %masked_sort3A_1166 : vector<16xi32>
    %get3A_1172 = arith.constant 0 : i32
    %get3A_1173 = arith.index_cast %get3A_1172 : i32 to index
    %get3A_1174 = arith.constant 80 : index
    %get3A_1175 = tpu.vector_load %arg7[%get3A_1173, %get3A_1174] {strides = array<i32>} : memref<3x256xi32, #tpu.memory_space<vmem>>, vector<16xi32>,
    %masked_sort3A_1176 = arith.constant dense<true> : vector<16xi1>
    %masked_sort3A_1177 = arith.constant -2147483648 : i32
    %masked_sort3A_1178 = vector.broadcast %masked_sort3A_1177 : i32 to vector<16xi32>
    %masked_sort3A_1179 = arith.xori %and3A_1159, %masked_sort3A_1178 : vector<16xi32>
    %masked_sort3A_1180, %masked_sort3A_1181, %masked_sort3A_1182 = tpu.sort %masked_sort3A_1179, %get3A_1175 masked %masked_sort3A_1176 : (vector<16xi32>, vector<16xi32>, vector<16xi1>) -> (vector<16xi1>, vector<16xi32>, vector<16xi32>)
    %masked_sort3A_1183 = arith.xori %masked_sort3A_1181, %masked_sort3A_1178 : vector<16xi32>
    %mul3A_1184 = arith.constant 3 : i32
    %mul3A_1185 = vector.broadcast %mul3A_1184 : i32 to vector<16xi32>
    %mul3A_1186 = arith.muli %mul3A_1185, %iota3A : vector<16xi32>
    %add3A_1187 = arith.constant 1 : i32
    %add3A_1188 = vector.broadcast %add3A_1187 : i32 to vector<16xi32>
    %add3A_1189 = arith.addi %mul3A_1186, %add3A_1188 : vector<16xi32>
    %and3A_1190 = arith.constant 15 : i32
    %and3A_1191 = vector.broadcast %and3A_1190 : i32 to vector<16xi32>
    %and3A_1192 = arith.andi %add3A_1189, %and3A_1191 : vector<16xi32>
    %get3A_1193 = arith.constant 1 : i32
    %get3A_1194 = arith.index_cast %get3A_1193 : i32 to index
    %get3A_1195 = arith.constant 80 : index
    %get3A_1196 = tpu.vector_load %arg6[%get3A_1194, %get3A_1195] {strides = array<i32>} : memref<3x256xf32, #tpu.memory_space<vmem>>, vector<16xf32>,
    %masked_sort3A_1197 = arith.constant dense<true> : vector<16xi1>
    %masked_sort3A_1198 = arith.constant -2147483648 : i32
    %masked_sort3A_1199 = vector.broadcast %masked_sort3A_1198 : i32 to vector<16xi32>
    %masked_sort3A_1200 = arith.xori %and3A_1192, %masked_sort3A_1199 : vector<16xi32>
    %masked_sort3A_1201, %masked_sort3A_1202, %masked_sort3A_1203 = tpu.sort %masked_sort3A_1200, %get3A_1196 masked %masked_sort3A_1197 : (vector<16xi32>, vector<16xf32>, vector<16xi1>) -> (vector<16xi1>, vector<16xi32>, vector<16xf32>)
    %masked_sort3A_1204 = arith.xori %masked_sort3A_1202, %masked_sort3A_1199 : vector<16xi32>
    %get3A_1205 = arith.constant 1 : i32
    %get3A_1206 = arith.index_cast %get3A_1205 : i32 to index
    %get3A_1207 = arith.constant 80 : index
    %get3A_1208 = tpu.vector_load %arg7[%get3A_1206, %get3A_1207] {strides = array<i32>} : memref<3x256xi32, #tpu.memory_space<vmem>>, vector<16xi32>,
    %masked_sort3A_1209 = arith.constant dense<true> : vector<16xi1>
    %masked_sort3A_1210 = arith.constant -2147483648 : i32
    %masked_sort3A_1211 = vector.broadcast %masked_sort3A_1210 : i32 to vector<16xi32>
    %masked_sort3A_1212 = arith.xori %and3A_1192, %masked_sort3A_1211 : vector<16xi32>
    %masked_sort3A_1213, %masked_sort3A_1214, %masked_sort3A_1215 = tpu.sort %masked_sort3A_1212, %get3A_1208 masked %masked_sort3A_1209 : (vector<16xi32>, vector<16xi32>, vector<16xi1>) -> (vector<16xi1>, vector<16xi32>, vector<16xi32>)
    %masked_sort3A_1216 = arith.xori %masked_sort3A_1214, %masked_sort3A_1211 : vector<16xi32>
    %mul3A_1217 = arith.constant 3 : i32
    %mul3A_1218 = vector.broadcast %mul3A_1217 : i32 to vector<16xi32>
    %mul3A_1219 = arith.muli %mul3A_1218, %iota3A : vector<16xi32>
    %add3A_1220 = arith.constant 2 : i32
    %add3A_1221 = vector.broadcast %add3A_1220 : i32 to vector<16xi32>
    %add3A_1222 = arith.addi %mul3A_1219, %add3A_1221 : vector<16xi32>
    %and3A_1223 = arith.constant 15 : i32
    %and3A_1224 = vector.broadcast %and3A_1223 : i32 to vector<16xi32>
    %and3A_1225 = arith.andi %add3A_1222, %and3A_1224 : vector<16xi32>
    %get3A_1226 = arith.constant 2 : i32
    %get3A_1227 = arith.index_cast %get3A_1226 : i32 to index
    %get3A_1228 = arith.constant 80 : index
    %get3A_1229 = tpu.vector_load %arg6[%get3A_1227, %get3A_1228] {strides = array<i32>} : memref<3x256xf32, #tpu.memory_space<vmem>>, vector<16xf32>,
    %masked_sort3A_1230 = arith.constant dense<true> : vector<16xi1>
    %masked_sort3A_1231 = arith.constant -2147483648 : i32
    %masked_sort3A_1232 = vector.broadcast %masked_sort3A_1231 : i32 to vector<16xi32>
    %masked_sort3A_1233 = arith.xori %and3A_1225, %masked_sort3A_1232 : vector<16xi32>
    %masked_sort3A_1234, %masked_sort3A_1235, %masked_sort3A_1236 = tpu.sort %masked_sort3A_1233, %get3A_1229 masked %masked_sort3A_1230 : (vector<16xi32>, vector<16xf32>, vector<16xi1>) -> (vector<16xi1>, vector<16xi32>, vector<16xf32>)
    %masked_sort3A_1237 = arith.xori %masked_sort3A_1235, %masked_sort3A_1232 : vector<16xi32>
    %get3A_1238 = arith.constant 2 : i32
    %get3A_1239 = arith.index_cast %get3A_1238 : i32 to index
    %get3A_1240 = arith.constant 80 : index
    %get3A_1241 = tpu.vector_load %arg7[%get3A_1239, %get3A_1240] {strides = array<i32>} : memref<3x256xi32, #tpu.memory_space<vmem>>, vector<16xi32>,
    %masked_sort3A_1242 = arith.constant dense<true> : vector<16xi1>
    %masked_sort3A_1243 = arith.constant -2147483648 : i32
    %masked_sort3A_1244 = vector.broadcast %masked_sort3A_1243 : i32 to vector<16xi32>
    %masked_sort3A_1245 = arith.xori %and3A_1225, %masked_sort3A_1244 : vector<16xi32>
    %masked_sort3A_1246, %masked_sort3A_1247, %masked_sort3A_1248 = tpu.sort %masked_sort3A_1245, %get3A_1241 masked %masked_sort3A_1242 : (vector<16xi32>, vector<16xi32>, vector<16xi1>) -> (vector<16xi1>, vector<16xi32>, vector<16xi32>)
    %masked_sort3A_1249 = arith.xori %masked_sort3A_1247, %masked_sort3A_1244 : vector<16xi32>
    %add3A_1250 = arith.constant 0 : i32
    %add3A_1251 = vector.broadcast %add3A_1250 : i32 to vector<16xi32>
    %add3A_1252 = arith.addi %add3A_1251, %iota3A : vector<16xi32>
    %mul3A_1253 = arith.constant 21846 : i32
    %mul3A_1254 = vector.broadcast %mul3A_1253 : i32 to vector<16xi32>
    %mul3A_1255 = arith.muli %add3A_1252, %mul3A_1254 : vector<16xi32>
    %shift_right_arithmetic3A_1256 = arith.constant 16 : i32
    %shift_right_arithmetic3A_1257 = vector.broadcast %shift_right_arithmetic3A_1256 : i32 to vector<16xi32>
    %shift_right_arithmetic3A_1258 = arith.shrsi %mul3A_1255, %shift_right_arithmetic3A_1257 : vector<16xi32>
    %mul3A_1259 = arith.constant 3 : i32
    %mul3A_1260 = vector.broadcast %mul3A_1259 : i32 to vector<16xi32>
    %mul3A_1261 = arith.muli %mul3A_1260, %shift_right_arithmetic3A_1258 : vector<16xi32>
    %sub3A_1262 = arith.subi %add3A_1252, %mul3A_1261 : vector<16xi32>
    %eq3A_1263 = arith.constant 0 : i32
    %eq3A_1264 = vector.broadcast %eq3A_1263 : i32 to vector<16xi32>
    %eq3A_1265 = arith.cmpi eq, %sub3A_1262, %eq3A_1264 : vector<16xi32>
    %eq3A_1266 = arith.constant 1 : i32
    %eq3A_1267 = vector.broadcast %eq3A_1266 : i32 to vector<16xi32>
    %eq3A_1268 = arith.cmpi eq, %sub3A_1262, %eq3A_1267 : vector<16xi32>
    %select_n3A_1269 = arith.select %eq3A_1268, %masked_sort3A_1203, %masked_sort3A_1236 : vector<16xi1>, vector<16xf32>
    %select_n3A_1270 = arith.select %eq3A_1265, %masked_sort3A_1170, %select_n3A_1269 : vector<16xi1>, vector<16xf32>
    %eq3A_1271 = arith.constant 0 : i32
    %eq3A_1272 = vector.broadcast %eq3A_1271 : i32 to vector<16xi32>
    %eq3A_1273 = arith.cmpi eq, %sub3A_1262, %eq3A_1272 : vector<16xi32>
    %eq3A_1274 = arith.constant 1 : i32
    %eq3A_1275 = vector.broadcast %eq3A_1274 : i32 to vector<16xi32>
    %eq3A_1276 = arith.cmpi eq, %sub3A_1262, %eq3A_1275 : vector<16xi32>
    %select_n3A_1277 = arith.select %eq3A_1276, %masked_sort3A_1215, %masked_sort3A_1248 : vector<16xi1>, vector<16xi32>
    %select_n3A_1278 = arith.select %eq3A_1273, %masked_sort3A_1182, %select_n3A_1277 : vector<16xi1>, vector<16xi32>
    %add3A_1279 = arith.constant 80 : i32
    %add3A_1280 = arith.addi %mul3A_2, %add3A_1279 : i32
    %add3A_1281 = vector.broadcast %add3A_1280 : i32 to vector<16xi32>
    %add3A_1282 = arith.addi %add3A_1281, %shift_right_arithmetic3A_1258 : vector<16xi32>
    %swap3A_1283 = arith.constant 240 : index
    %swap3A_1284 = tpu.vector_load %arg8[%swap3A_1283] {strides = array<i32>} : memref<768xf32, #tpu.memory_space<vmem>>, vector<16xf32>,
    tpu.vector_store %arg8[%swap3A_1283], %select_n3A_1270 {strides = array<i32>} : memref<768xf32, #tpu.memory_space<vmem>>, vector<16xf32>,
    %swap3A_1285 = arith.constant 0 : i32
    %swap3A_1286 = arith.index_cast %swap3A_1285 : i32 to index
    %swap3A_1287 = arith.constant 240 : index
    %swap3A_1288 = tpu.vector_load %arg9[%swap3A_1286, %swap3A_1287] {strides = array<i32>} : memref<1x768xi32, #tpu.memory_space<vmem>>, vector<16xi32>,
    tpu.vector_store %arg9[%swap3A_1286, %swap3A_1287], %add3A_1282 {strides = array<i32>} : memref<1x768xi32, #tpu.memory_space<vmem>>, vector<16xi32>,
    %swap3A_1289 = arith.constant 0 : i32
    %swap3A_1290 = arith.index_cast %swap3A_1289 : i32 to index
    %swap3A_1291 = arith.constant 240 : index
    %swap3A_1292 = tpu.vector_load %arg10[%swap3A_1290, %swap3A_1291] {strides = array<i32>} : memref<1x768xi32, #tpu.memory_space<vmem>>, vector<16xi32>,
    tpu.vector_store %arg10[%swap3A_1290, %swap3A_1291], %select_n3A_1278 {strides = array<i32>} : memref<1x768xi32, #tpu.memory_space<vmem>>, vector<16xi32>,
    %add3A_1293 = arith.constant 16 : i32
    %add3A_1294 = vector.broadcast %add3A_1293 : i32 to vector<16xi32>
    %add3A_1295 = arith.addi %add3A_1294, %iota3A : vector<16xi32>
    %mul3A_1296 = arith.constant 21846 : i32
    %mul3A_1297 = vector.broadcast %mul3A_1296 : i32 to vector<16xi32>
    %mul3A_1298 = arith.muli %add3A_1295, %mul3A_1297 : vector<16xi32>
    %shift_right_arithmetic3A_1299 = arith.constant 16 : i32
    %shift_right_arithmetic3A_1300 = vector.broadcast %shift_right_arithmetic3A_1299 : i32 to vector<16xi32>
    %shift_right_arithmetic3A_1301 = arith.shrsi %mul3A_1298, %shift_right_arithmetic3A_1300 : vector<16xi32>
    %mul3A_1302 = arith.constant 3 : i32
    %mul3A_1303 = vector.broadcast %mul3A_1302 : i32 to vector<16xi32>
    %mul3A_1304 = arith.muli %mul3A_1303, %shift_right_arithmetic3A_1301 : vector<16xi32>
    %sub3A_1305 = arith.subi %add3A_1295, %mul3A_1304 : vector<16xi32>
    %eq3A_1306 = arith.constant 0 : i32
    %eq3A_1307 = vector.broadcast %eq3A_1306 : i32 to vector<16xi32>
    %eq3A_1308 = arith.cmpi eq, %sub3A_1305, %eq3A_1307 : vector<16xi32>
    %eq3A_1309 = arith.constant 1 : i32
    %eq3A_1310 = vector.broadcast %eq3A_1309 : i32 to vector<16xi32>
    %eq3A_1311 = arith.cmpi eq, %sub3A_1305, %eq3A_1310 : vector<16xi32>
    %select_n3A_1312 = arith.select %eq3A_1311, %masked_sort3A_1203, %masked_sort3A_1236 : vector<16xi1>, vector<16xf32>
    %select_n3A_1313 = arith.select %eq3A_1308, %masked_sort3A_1170, %select_n3A_1312 : vector<16xi1>, vector<16xf32>
    %eq3A_1314 = arith.constant 0 : i32
    %eq3A_1315 = vector.broadcast %eq3A_1314 : i32 to vector<16xi32>
    %eq3A_1316 = arith.cmpi eq, %sub3A_1305, %eq3A_1315 : vector<16xi32>
    %eq3A_1317 = arith.constant 1 : i32
    %eq3A_1318 = vector.broadcast %eq3A_1317 : i32 to vector<16xi32>
    %eq3A_1319 = arith.cmpi eq, %sub3A_1305, %eq3A_1318 : vector<16xi32>
    %select_n3A_1320 = arith.select %eq3A_1319, %masked_sort3A_1215, %masked_sort3A_1248 : vector<16xi1>, vector<16xi32>
    %select_n3A_1321 = arith.select %eq3A_1316, %masked_sort3A_1182, %select_n3A_1320 : vector<16xi1>, vector<16xi32>
    %add3A_1322 = arith.constant 80 : i32
    %add3A_1323 = arith.addi %mul3A_2, %add3A_1322 : i32
    %add3A_1324 = vector.broadcast %add3A_1323 : i32 to vector<16xi32>
    %add3A_1325 = arith.addi %add3A_1324, %shift_right_arithmetic3A_1301 : vector<16xi32>
    %swap3A_1326 = arith.constant 256 : index
    %swap3A_1327 = tpu.vector_load %arg8[%swap3A_1326] {strides = array<i32>} : memref<768xf32, #tpu.memory_space<vmem>>, vector<16xf32>,
    tpu.vector_store %arg8[%swap3A_1326], %select_n3A_1313 {strides = array<i32>} : memref<768xf32, #tpu.memory_space<vmem>>, vector<16xf32>,
    %swap3A_1328 = arith.constant 0 : i32
    %swap3A_1329 = arith.index_cast %swap3A_1328 : i32 to index
    %swap3A_1330 = arith.constant 256 : index
    %swap3A_1331 = tpu.vector_load %arg9[%swap3A_1329, %swap3A_1330] {strides = array<i32>} : memref<1x768xi32, #tpu.memory_space<vmem>>, vector<16xi32>,
    tpu.vector_store %arg9[%swap3A_1329, %swap3A_1330], %add3A_1325 {strides = array<i32>} : memref<1x768xi32, #tpu.memory_space<vmem>>, vector<16xi32>,
    %swap3A_1332 = arith.constant 0 : i32
    %swap3A_1333 = arith.index_cast %swap3A_1332 : i32 to index
    %swap3A_1334 = arith.constant 256 : index
    %swap3A_1335 = tpu.vector_load %arg10[%swap3A_1333, %swap3A_1334] {strides = array<i32>} : memref<1x768xi32, #tpu.memory_space<vmem>>, vector<16xi32>,
    tpu.vector_store %arg10[%swap3A_1333, %swap3A_1334], %select_n3A_1321 {strides = array<i32>} : memref<1x768xi32, #tpu.memory_space<vmem>>, vector<16xi32>,
    %add3A_1336 = arith.constant 32 : i32
    %add3A_1337 = vector.broadcast %add3A_1336 : i32 to vector<16xi32>
    %add3A_1338 = arith.addi %add3A_1337, %iota3A : vector<16xi32>
    %mul3A_1339 = arith.constant 21846 : i32
    %mul3A_1340 = vector.broadcast %mul3A_1339 : i32 to vector<16xi32>
    %mul3A_1341 = arith.muli %add3A_1338, %mul3A_1340 : vector<16xi32>
    %shift_right_arithmetic3A_1342 = arith.constant 16 : i32
    %shift_right_arithmetic3A_1343 = vector.broadcast %shift_right_arithmetic3A_1342 : i32 to vector<16xi32>
    %shift_right_arithmetic3A_1344 = arith.shrsi %mul3A_1341, %shift_right_arithmetic3A_1343 : vector<16xi32>
    %mul3A_1345 = arith.constant 3 : i32
    %mul3A_1346 = vector.broadcast %mul3A_1345 : i32 to vector<16xi32>
    %mul3A_1347 = arith.muli %mul3A_1346, %shift_right_arithmetic3A_1344 : vector<16xi32>
    %sub3A_1348 = arith.subi %add3A_1338, %mul3A_1347 : vector<16xi32>
    %eq3A_1349 = arith.constant 0 : i32
    %eq3A_1350 = vector.broadcast %eq3A_1349 : i32 to vector<16xi32>
    %eq3A_1351 = arith.cmpi eq, %sub3A_1348, %eq3A_1350 : vector<16xi32>
    %eq3A_1352 = arith.constant 1 : i32
    %eq3A_1353 = vector.broadcast %eq3A_1352 : i32 to vector<16xi32>
    %eq3A_1354 = arith.cmpi eq, %sub3A_1348, %eq3A_1353 : vector<16xi32>
    %select_n3A_1355 = arith.select %eq3A_1354, %masked_sort3A_1203, %masked_sort3A_1236 : vector<16xi1>, vector<16xf32>
    %select_n3A_1356 = arith.select %eq3A_1351, %masked_sort3A_1170, %select_n3A_1355 : vector<16xi1>, vector<16xf32>
    %eq3A_1357 = arith.constant 0 : i32
    %eq3A_1358 = vector.broadcast %eq3A_1357 : i32 to vector<16xi32>
    %eq3A_1359 = arith.cmpi eq, %sub3A_1348, %eq3A_1358 : vector<16xi32>
    %eq3A_1360 = arith.constant 1 : i32
    %eq3A_1361 = vector.broadcast %eq3A_1360 : i32 to vector<16xi32>
    %eq3A_1362 = arith.cmpi eq, %sub3A_1348, %eq3A_1361 : vector<16xi32>
    %select_n3A_1363 = arith.select %eq3A_1362, %masked_sort3A_1215, %masked_sort3A_1248 : vector<16xi1>, vector<16xi32>
    %select_n3A_1364 = arith.select %eq3A_1359, %masked_sort3A_1182, %select_n3A_1363 : vector<16xi1>, vector<16xi32>
    %add3A_1365 = arith.constant 80 : i32
    %add3A_1366 = arith.addi %mul3A_2, %add3A_1365 : i32
    %add3A_1367 = vector.broadcast %add3A_1366 : i32 to vector<16xi32>
    %add3A_1368 = arith.addi %add3A_1367, %shift_right_arithmetic3A_1344 : vector<16xi32>
    %swap3A_1369 = arith.constant 272 : index
    %swap3A_1370 = tpu.vector_load %arg8[%swap3A_1369] {strides = array<i32>} : memref<768xf32, #tpu.memory_space<vmem>>, vector<16xf32>,
    tpu.vector_store %arg8[%swap3A_1369], %select_n3A_1356 {strides = array<i32>} : memref<768xf32, #tpu.memory_space<vmem>>, vector<16xf32>,
    %swap3A_1371 = arith.constant 0 : i32
    %swap3A_1372 = arith.index_cast %swap3A_1371 : i32 to index
    %swap3A_1373 = arith.constant 272 : index
    %swap3A_1374 = tpu.vector_load %arg9[%swap3A_1372, %swap3A_1373] {strides = array<i32>} : memref<1x768xi32, #tpu.memory_space<vmem>>, vector<16xi32>,
    tpu.vector_store %arg9[%swap3A_1372, %swap3A_1373], %add3A_1368 {strides = array<i32>} : memref<1x768xi32, #tpu.memory_space<vmem>>, vector<16xi32>,
    %swap3A_1375 = arith.constant 0 : i32
    %swap3A_1376 = arith.index_cast %swap3A_1375 : i32 to index
    %swap3A_1377 = arith.constant 272 : index
    %swap3A_1378 = tpu.vector_load %arg10[%swap3A_1376, %swap3A_1377] {strides = array<i32>} : memref<1x768xi32, #tpu.memory_space<vmem>>, vector<16xi32>,
    tpu.vector_store %arg10[%swap3A_1376, %swap3A_1377], %select_n3A_1364 {strides = array<i32>} : memref<1x768xi32, #tpu.memory_space<vmem>>, vector<16xi32>,
    %mul3A_1379 = arith.constant 3 : i32
    %mul3A_1380 = vector.broadcast %mul3A_1379 : i32 to vector<16xi32>
    %mul3A_1381 = arith.muli %mul3A_1380, %iota3A : vector<16xi32>
    %add3A_1382 = arith.constant 0 : i32
    %add3A_1383 = vector.broadcast %add3A_1382 : i32 to vector<16xi32>
    %add3A_1384 = arith.addi %mul3A_1381, %add3A_1383 : vector<16xi32>
    %and3A_1385 = arith.constant 15 : i32
    %and3A_1386 = vector.broadcast %and3A_1385 : i32 to vector<16xi32>
    %and3A_1387 = arith.andi %add3A_1384, %and3A_1386 : vector<16xi32>
    %get3A_1388 = arith.constant 0 : i32
    %get3A_1389 = arith.index_cast %get3A_1388 : i32 to index
    %get3A_1390 = arith.constant 96 : index
    %get3A_1391 = tpu.vector_load %arg6[%get3A_1389, %get3A_1390] {strides = array<i32>} : memref<3x256xf32, #tpu.memory_space<vmem>>, vector<16xf32>,
    %masked_sort3A_1392 = arith.constant dense<true> : vector<16xi1>
    %masked_sort3A_1393 = arith.constant -2147483648 : i32
    %masked_sort3A_1394 = vector.broadcast %masked_sort3A_1393 : i32 to vector<16xi32>
    %masked_sort3A_1395 = arith.xori %and3A_1387, %masked_sort3A_1394 : vector<16xi32>
    %masked_sort3A_1396, %masked_sort3A_1397, %masked_sort3A_1398 = tpu.sort %masked_sort3A_1395, %get3A_1391 masked %masked_sort3A_1392 : (vector<16xi32>, vector<16xf32>, vector<16xi1>) -> (vector<16xi1>, vector<16xi32>, vector<16xf32>)
    %masked_sort3A_1399 = arith.xori %masked_sort3A_1397, %masked_sort3A_1394 : vector<16xi32>
    %get3A_1400 = arith.constant 0 : i32
    %get3A_1401 = arith.index_cast %get3A_1400 : i32 to index
    %get3A_1402 = arith.constant 96 : index
    %get3A_1403 = tpu.vector_load %arg7[%get3A_1401, %get3A_1402] {strides = array<i32>} : memref<3x256xi32, #tpu.memory_space<vmem>>, vector<16xi32>,
    %masked_sort3A_1404 = arith.constant dense<true> : vector<16xi1>
    %masked_sort3A_1405 = arith.constant -2147483648 : i32
    %masked_sort3A_1406 = vector.broadcast %masked_sort3A_1405 : i32 to vector<16xi32>
    %masked_sort3A_1407 = arith.xori %and3A_1387, %masked_sort3A_1406 : vector<16xi32>
    %masked_sort3A_1408, %masked_sort3A_1409, %masked_sort3A_1410 = tpu.sort %masked_sort3A_1407, %get3A_1403 masked %masked_sort3A_1404 : (vector<16xi32>, vector<16xi32>, vector<16xi1>) -> (vector<16xi1>, vector<16xi32>, vector<16xi32>)
    %masked_sort3A_1411 = arith.xori %masked_sort3A_1409, %masked_sort3A_1406 : vector<16xi32>
    %mul3A_1412 = arith.constant 3 : i32
    %mul3A_1413 = vector.broadcast %mul3A_1412 : i32 to vector<16xi32>
    %mul3A_1414 = arith.muli %mul3A_1413, %iota3A : vector<16xi32>
    %add3A_1415 = arith.constant 1 : i32
    %add3A_1416 = vector.broadcast %add3A_1415 : i32 to vector<16xi32>
    %add3A_1417 = arith.addi %mul3A_1414, %add3A_1416 : vector<16xi32>
    %and3A_1418 = arith.constant 15 : i32
    %and3A_1419 = vector.broadcast %and3A_1418 : i32 to vector<16xi32>
    %and3A_1420 = arith.andi %add3A_1417, %and3A_1419 : vector<16xi32>
    %get3A_1421 = arith.constant 1 : i32
    %get3A_1422 = arith.index_cast %get3A_1421 : i32 to index
    %get3A_1423 = arith.constant 96 : index
    %get3A_1424 = tpu.vector_load %arg6[%get3A_1422, %get3A_1423] {strides = array<i32>} : memref<3x256xf32, #tpu.memory_space<vmem>>, vector<16xf32>,
    %masked_sort3A_1425 = arith.constant dense<true> : vector<16xi1>
    %masked_sort3A_1426 = arith.constant -2147483648 : i32
    %masked_sort3A_1427 = vector.broadcast %masked_sort3A_1426 : i32 to vector<16xi32>
    %masked_sort3A_1428 = arith.xori %and3A_1420, %masked_sort3A_1427 : vector<16xi32>
    %masked_sort3A_1429, %masked_sort3A_1430, %masked_sort3A_1431 = tpu.sort %masked_sort3A_1428, %get3A_1424 masked %masked_sort3A_1425 : (vector<16xi32>, vector<16xf32>, vector<16xi1>) -> (vector<16xi1>, vector<16xi32>, vector<16xf32>)
    %masked_sort3A_1432 = arith.xori %masked_sort3A_1430, %masked_sort3A_1427 : vector<16xi32>
    %get3A_1433 = arith.constant 1 : i32
    %get3A_1434 = arith.index_cast %get3A_1433 : i32 to index
    %get3A_1435 = arith.constant 96 : index
    %get3A_1436 = tpu.vector_load %arg7[%get3A_1434, %get3A_1435] {strides = array<i32>} : memref<3x256xi32, #tpu.memory_space<vmem>>, vector<16xi32>,
    %masked_sort3A_1437 = arith.constant dense<true> : vector<16xi1>
    %masked_sort3A_1438 = arith.constant -2147483648 : i32
    %masked_sort3A_1439 = vector.broadcast %masked_sort3A_1438 : i32 to vector<16xi32>
    %masked_sort3A_1440 = arith.xori %and3A_1420, %masked_sort3A_1439 : vector<16xi32>
    %masked_sort3A_1441, %masked_sort3A_1442, %masked_sort3A_1443 = tpu.sort %masked_sort3A_1440, %get3A_1436 masked %masked_sort3A_1437 : (vector<16xi32>, vector<16xi32>, vector<16xi1>) -> (vector<16xi1>, vector<16xi32>, vector<16xi32>)
    %masked_sort3A_1444 = arith.xori %masked_sort3A_1442, %masked_sort3A_1439 : vector<16xi32>
    %mul3A_1445 = arith.constant 3 : i32
    %mul3A_1446 = vector.broadcast %mul3A_1445 : i32 to vector<16xi32>
    %mul3A_1447 = arith.muli %mul3A_1446, %iota3A : vector<16xi32>
    %add3A_1448 = arith.constant 2 : i32
    %add3A_1449 = vector.broadcast %add3A_1448 : i32 to vector<16xi32>
    %add3A_1450 = arith.addi %mul3A_1447, %add3A_1449 : vector<16xi32>
    %and3A_1451 = arith.constant 15 : i32
    %and3A_1452 = vector.broadcast %and3A_1451 : i32 to vector<16xi32>
    %and3A_1453 = arith.andi %add3A_1450, %and3A_1452 : vector<16xi32>
    %get3A_1454 = arith.constant 2 : i32
    %get3A_1455 = arith.index_cast %get3A_1454 : i32 to index
    %get3A_1456 = arith.constant 96 : index
    %get3A_1457 = tpu.vector_load %arg6[%get3A_1455, %get3A_1456] {strides = array<i32>} : memref<3x256xf32, #tpu.memory_space<vmem>>, vector<16xf32>,
    %masked_sort3A_1458 = arith.constant dense<true> : vector<16xi1>
    %masked_sort3A_1459 = arith.constant -2147483648 : i32
    %masked_sort3A_1460 = vector.broadcast %masked_sort3A_1459 : i32 to vector<16xi32>
    %masked_sort3A_1461 = arith.xori %and3A_1453, %masked_sort3A_1460 : vector<16xi32>
    %masked_sort3A_1462, %masked_sort3A_1463, %masked_sort3A_1464 = tpu.sort %masked_sort3A_1461, %get3A_1457 masked %masked_sort3A_1458 : (vector<16xi32>, vector<16xf32>, vector<16xi1>) -> (vector<16xi1>, vector<16xi32>, vector<16xf32>)
    %masked_sort3A_1465 = arith.xori %masked_sort3A_1463, %masked_sort3A_1460 : vector<16xi32>
    %get3A_1466 = arith.constant 2 : i32
    %get3A_1467 = arith.index_cast %get3A_1466 : i32 to index
    %get3A_1468 = arith.constant 96 : index
    %get3A_1469 = tpu.vector_load %arg7[%get3A_1467, %get3A_1468] {strides = array<i32>} : memref<3x256xi32, #tpu.memory_space<vmem>>, vector<16xi32>,
    %masked_sort3A_1470 = arith.constant dense<true> : vector<16xi1>
    %masked_sort3A_1471 = arith.constant -2147483648 : i32
    %masked_sort3A_1472 = vector.broadcast %masked_sort3A_1471 : i32 to vector<16xi32>
    %masked_sort3A_1473 = arith.xori %and3A_1453, %masked_sort3A_1472 : vector<16xi32>
    %masked_sort3A_1474, %masked_sort3A_1475, %masked_sort3A_1476 = tpu.sort %masked_sort3A_1473, %get3A_1469 masked %masked_sort3A_1470 : (vector<16xi32>, vector<16xi32>, vector<16xi1>) -> (vector<16xi1>, vector<16xi32>, vector<16xi32>)
    %masked_sort3A_1477 = arith.xori %masked_sort3A_1475, %masked_sort3A_1472 : vector<16xi32>
    %add3A_1478 = arith.constant 0 : i32
    %add3A_1479 = vector.broadcast %add3A_1478 : i32 to vector<16xi32>
    %add3A_1480 = arith.addi %add3A_1479, %iota3A : vector<16xi32>
    %mul3A_1481 = arith.constant 21846 : i32
    %mul3A_1482 = vector.broadcast %mul3A_1481 : i32 to vector<16xi32>
    %mul3A_1483 = arith.muli %add3A_1480, %mul3A_1482 : vector<16xi32>
    %shift_right_arithmetic3A_1484 = arith.constant 16 : i32
    %shift_right_arithmetic3A_1485 = vector.broadcast %shift_right_arithmetic3A_1484 : i32 to vector<16xi32>
    %shift_right_arithmetic3A_1486 = arith.shrsi %mul3A_1483, %shift_right_arithmetic3A_1485 : vector<16xi32>
    %mul3A_1487 = arith.constant 3 : i32
    %mul3A_1488 = vector.broadcast %mul3A_1487 : i32 to vector<16xi32>
    %mul3A_1489 = arith.muli %mul3A_1488, %shift_right_arithmetic3A_1486 : vector<16xi32>
    %sub3A_1490 = arith.subi %add3A_1480, %mul3A_1489 : vector<16xi32>
    %eq3A_1491 = arith.constant 0 : i32
    %eq3A_1492 = vector.broadcast %eq3A_1491 : i32 to vector<16xi32>
    %eq3A_1493 = arith.cmpi eq, %sub3A_1490, %eq3A_1492 : vector<16xi32>
    %eq3A_1494 = arith.constant 1 : i32
    %eq3A_1495 = vector.broadcast %eq3A_1494 : i32 to vector<16xi32>
    %eq3A_1496 = arith.cmpi eq, %sub3A_1490, %eq3A_1495 : vector<16xi32>
    %select_n3A_1497 = arith.select %eq3A_1496, %masked_sort3A_1431, %masked_sort3A_1464 : vector<16xi1>, vector<16xf32>
    %select_n3A_1498 = arith.select %eq3A_1493, %masked_sort3A_1398, %select_n3A_1497 : vector<16xi1>, vector<16xf32>
    %eq3A_1499 = arith.constant 0 : i32
    %eq3A_1500 = vector.broadcast %eq3A_1499 : i32 to vector<16xi32>
    %eq3A_1501 = arith.cmpi eq, %sub3A_1490, %eq3A_1500 : vector<16xi32>
    %eq3A_1502 = arith.constant 1 : i32
    %eq3A_1503 = vector.broadcast %eq3A_1502 : i32 to vector<16xi32>
    %eq3A_1504 = arith.cmpi eq, %sub3A_1490, %eq3A_1503 : vector<16xi32>
    %select_n3A_1505 = arith.select %eq3A_1504, %masked_sort3A_1443, %masked_sort3A_1476 : vector<16xi1>, vector<16xi32>
    %select_n3A_1506 = arith.select %eq3A_1501, %masked_sort3A_1410, %select_n3A_1505 : vector<16xi1>, vector<16xi32>
    %add3A_1507 = arith.constant 96 : i32
    %add3A_1508 = arith.addi %mul3A_2, %add3A_1507 : i32
    %add3A_1509 = vector.broadcast %add3A_1508 : i32 to vector<16xi32>
    %add3A_1510 = arith.addi %add3A_1509, %shift_right_arithmetic3A_1486 : vector<16xi32>
    %swap3A_1511 = arith.constant 288 : index
    %swap3A_1512 = tpu.vector_load %arg8[%swap3A_1511] {strides = array<i32>} : memref<768xf32, #tpu.memory_space<vmem>>, vector<16xf32>,
    tpu.vector_store %arg8[%swap3A_1511], %select_n3A_1498 {strides = array<i32>} : memref<768xf32, #tpu.memory_space<vmem>>, vector<16xf32>,
    %swap3A_1513 = arith.constant 0 : i32
    %swap3A_1514 = arith.index_cast %swap3A_1513 : i32 to index
    %swap3A_1515 = arith.constant 288 : index
    %swap3A_1516 = tpu.vector_load %arg9[%swap3A_1514, %swap3A_1515] {strides = array<i32>} : memref<1x768xi32, #tpu.memory_space<vmem>>, vector<16xi32>,
    tpu.vector_store %arg9[%swap3A_1514, %swap3A_1515], %add3A_1510 {strides = array<i32>} : memref<1x768xi32, #tpu.memory_space<vmem>>, vector<16xi32>,
    %swap3A_1517 = arith.constant 0 : i32
    %swap3A_1518 = arith.index_cast %swap3A_1517 : i32 to index
    %swap3A_1519 = arith.constant 288 : index
    %swap3A_1520 = tpu.vector_load %arg10[%swap3A_1518, %swap3A_1519] {strides = array<i32>} : memref<1x768xi32, #tpu.memory_space<vmem>>, vector<16xi32>,
    tpu.vector_store %arg10[%swap3A_1518, %swap3A_1519], %select_n3A_1506 {strides = array<i32>} : memref<1x768xi32, #tpu.memory_space<vmem>>, vector<16xi32>,
    %add3A_1521 = arith.constant 16 : i32
    %add3A_1522 = vector.broadcast %add3A_1521 : i32 to vector<16xi32>
    %add3A_1523 = arith.addi %add3A_1522, %iota3A : vector<16xi32>
    %mul3A_1524 = arith.constant 21846 : i32
    %mul3A_1525 = vector.broadcast %mul3A_1524 : i32 to vector<16xi32>
    %mul3A_1526 = arith.muli %add3A_1523, %mul3A_1525 : vector<16xi32>
    %shift_right_arithmetic3A_1527 = arith.constant 16 : i32
    %shift_right_arithmetic3A_1528 = vector.broadcast %shift_right_arithmetic3A_1527 : i32 to vector<16xi32>
    %shift_right_arithmetic3A_1529 = arith.shrsi %mul3A_1526, %shift_right_arithmetic3A_1528 : vector<16xi32>
    %mul3A_1530 = arith.constant 3 : i32
    %mul3A_1531 = vector.broadcast %mul3A_1530 : i32 to vector<16xi32>
    %mul3A_1532 = arith.muli %mul3A_1531, %shift_right_arithmetic3A_1529 : vector<16xi32>
    %sub3A_1533 = arith.subi %add3A_1523, %mul3A_1532 : vector<16xi32>
    %eq3A_1534 = arith.constant 0 : i32
    %eq3A_1535 = vector.broadcast %eq3A_1534 : i32 to vector<16xi32>
    %eq3A_1536 = arith.cmpi eq, %sub3A_1533, %eq3A_1535 : vector<16xi32>
    %eq3A_1537 = arith.constant 1 : i32
    %eq3A_1538 = vector.broadcast %eq3A_1537 : i32 to vector<16xi32>
    %eq3A_1539 = arith.cmpi eq, %sub3A_1533, %eq3A_1538 : vector<16xi32>
    %select_n3A_1540 = arith.select %eq3A_1539, %masked_sort3A_1431, %masked_sort3A_1464 : vector<16xi1>, vector<16xf32>
    %select_n3A_1541 = arith.select %eq3A_1536, %masked_sort3A_1398, %select_n3A_1540 : vector<16xi1>, vector<16xf32>
    %eq3A_1542 = arith.constant 0 : i32
    %eq3A_1543 = vector.broadcast %eq3A_1542 : i32 to vector<16xi32>
    %eq3A_1544 = arith.cmpi eq, %sub3A_1533, %eq3A_1543 : vector<16xi32>
    %eq3A_1545 = arith.constant 1 : i32
    %eq3A_1546 = vector.broadcast %eq3A_1545 : i32 to vector<16xi32>
    %eq3A_1547 = arith.cmpi eq, %sub3A_1533, %eq3A_1546 : vector<16xi32>
    %select_n3A_1548 = arith.select %eq3A_1547, %masked_sort3A_1443, %masked_sort3A_1476 : vector<16xi1>, vector<16xi32>
    %select_n3A_1549 = arith.select %eq3A_1544, %masked_sort3A_1410, %select_n3A_1548 : vector<16xi1>, vector<16xi32>
    %add3A_1550 = arith.constant 96 : i32
    %add3A_1551 = arith.addi %mul3A_2, %add3A_1550 : i32
    %add3A_1552 = vector.broadcast %add3A_1551 : i32 to vector<16xi32>
    %add3A_1553 = arith.addi %add3A_1552, %shift_right_arithmetic3A_1529 : vector<16xi32>
    %swap3A_1554 = arith.constant 304 : index
    %swap3A_1555 = tpu.vector_load %arg8[%swap3A_1554] {strides = array<i32>} : memref<768xf32, #tpu.memory_space<vmem>>, vector<16xf32>,
    tpu.vector_store %arg8[%swap3A_1554], %select_n3A_1541 {strides = array<i32>} : memref<768xf32, #tpu.memory_space<vmem>>, vector<16xf32>,
    %swap3A_1556 = arith.constant 0 : i32
    %swap3A_1557 = arith.index_cast %swap3A_1556 : i32 to index
    %swap3A_1558 = arith.constant 304 : index
    %swap3A_1559 = tpu.vector_load %arg9[%swap3A_1557, %swap3A_1558] {strides = array<i32>} : memref<1x768xi32, #tpu.memory_space<vmem>>, vector<16xi32>,
    tpu.vector_store %arg9[%swap3A_1557, %swap3A_1558], %add3A_1553 {strides = array<i32>} : memref<1x768xi32, #tpu.memory_space<vmem>>, vector<16xi32>,
    %swap3A_1560 = arith.constant 0 : i32
    %swap3A_1561 = arith.index_cast %swap3A_1560 : i32 to index
    %swap3A_1562 = arith.constant 304 : index
    %swap3A_1563 = tpu.vector_load %arg10[%swap3A_1561, %swap3A_1562] {strides = array<i32>} : memref<1x768xi32, #tpu.memory_space<vmem>>, vector<16xi32>,
    tpu.vector_store %arg10[%swap3A_1561, %swap3A_1562], %select_n3A_1549 {strides = array<i32>} : memref<1x768xi32, #tpu.memory_space<vmem>>, vector<16xi32>,
    %add3A_1564 = arith.constant 32 : i32
    %add3A_1565 = vector.broadcast %add3A_1564 : i32 to vector<16xi32>
    %add3A_1566 = arith.addi %add3A_1565, %iota3A : vector<16xi32>
    %mul3A_1567 = arith.constant 21846 : i32
    %mul3A_1568 = vector.broadcast %mul3A_1567 : i32 to vector<16xi32>
    %mul3A_1569 = arith.muli %add3A_1566, %mul3A_1568 : vector<16xi32>
    %shift_right_arithmetic3A_1570 = arith.constant 16 : i32
    %shift_right_arithmetic3A_1571 = vector.broadcast %shift_right_arithmetic3A_1570 : i32 to vector<16xi32>
    %shift_right_arithmetic3A_1572 = arith.shrsi %mul3A_1569, %shift_right_arithmetic3A_1571 : vector<16xi32>
    %mul3A_1573 = arith.constant 3 : i32
    %mul3A_1574 = vector.broadcast %mul3A_1573 : i32 to vector<16xi32>
    %mul3A_1575 = arith.muli %mul3A_1574, %shift_right_arithmetic3A_1572 : vector<16xi32>
    %sub3A_1576 = arith.subi %add3A_1566, %mul3A_1575 : vector<16xi32>
    %eq3A_1577 = arith.constant 0 : i32
    %eq3A_1578 = vector.broadcast %eq3A_1577 : i32 to vector<16xi32>
    %eq3A_1579 = arith.cmpi eq, %sub3A_1576, %eq3A_1578 : vector<16xi32>
    %eq3A_1580 = arith.constant 1 : i32
    %eq3A_1581 = vector.broadcast %eq3A_1580 : i32 to vector<16xi32>
    %eq3A_1582 = arith.cmpi eq, %sub3A_1576, %eq3A_1581 : vector<16xi32>
    %select_n3A_1583 = arith.select %eq3A_1582, %masked_sort3A_1431, %masked_sort3A_1464 : vector<16xi1>, vector<16xf32>
    %select_n3A_1584 = arith.select %eq3A_1579, %masked_sort3A_1398, %select_n3A_1583 : vector<16xi1>, vector<16xf32>
    %eq3A_1585 = arith.constant 0 : i32
    %eq3A_1586 = vector.broadcast %eq3A_1585 : i32 to vector<16xi32>
    %eq3A_1587 = arith.cmpi eq, %sub3A_1576, %eq3A_1586 : vector<16xi32>
    %eq3A_1588 = arith.constant 1 : i32
    %eq3A_1589 = vector.broadcast %eq3A_1588 : i32 to vector<16xi32>
    %eq3A_1590 = arith.cmpi eq, %sub3A_1576, %eq3A_1589 : vector<16xi32>
    %select_n3A_1591 = arith.select %eq3A_1590, %masked_sort3A_1443, %masked_sort3A_1476 : vector<16xi1>, vector<16xi32>
    %select_n3A_1592 = arith.select %eq3A_1587, %masked_sort3A_1410, %select_n3A_1591 : vector<16xi1>, vector<16xi32>
    %add3A_1593 = arith.constant 96 : i32
    %add3A_1594 = arith.addi %mul3A_2, %add3A_1593 : i32
    %add3A_1595 = vector.broadcast %add3A_1594 : i32 to vector<16xi32>
    %add3A_1596 = arith.addi %add3A_1595, %shift_right_arithmetic3A_1572 : vector<16xi32>
    %swap3A_1597 = arith.constant 320 : index
    %swap3A_1598 = tpu.vector_load %arg8[%swap3A_1597] {strides = array<i32>} : memref<768xf32, #tpu.memory_space<vmem>>, vector<16xf32>,
    tpu.vector_store %arg8[%swap3A_1597], %select_n3A_1584 {strides = array<i32>} : memref<768xf32, #tpu.memory_space<vmem>>, vector<16xf32>,
    %swap3A_1599 = arith.constant 0 : i32
    %swap3A_1600 = arith.index_cast %swap3A_1599 : i32 to index
    %swap3A_1601 = arith.constant 320 : index
    %swap3A_1602 = tpu.vector_load %arg9[%swap3A_1600, %swap3A_1601] {strides = array<i32>} : memref<1x768xi32, #tpu.memory_space<vmem>>, vector<16xi32>,
    tpu.vector_store %arg9[%swap3A_1600, %swap3A_1601], %add3A_1596 {strides = array<i32>} : memref<1x768xi32, #tpu.memory_space<vmem>>, vector<16xi32>,
    %swap3A_1603 = arith.constant 0 : i32
    %swap3A_1604 = arith.index_cast %swap3A_1603 : i32 to index
    %swap3A_1605 = arith.constant 320 : index
    %swap3A_1606 = tpu.vector_load %arg10[%swap3A_1604, %swap3A_1605] {strides = array<i32>} : memref<1x768xi32, #tpu.memory_space<vmem>>, vector<16xi32>,
    tpu.vector_store %arg10[%swap3A_1604, %swap3A_1605], %select_n3A_1592 {strides = array<i32>} : memref<1x768xi32, #tpu.memory_space<vmem>>, vector<16xi32>,
    %mul3A_1607 = arith.constant 3 : i32
    %mul3A_1608 = vector.broadcast %mul3A_1607 : i32 to vector<16xi32>
    %mul3A_1609 = arith.muli %mul3A_1608, %iota3A : vector<16xi32>
    %add3A_1610 = arith.constant 0 : i32
    %add3A_1611 = vector.broadcast %add3A_1610 : i32 to vector<16xi32>
    %add3A_1612 = arith.addi %mul3A_1609, %add3A_1611 : vector<16xi32>
    %and3A_1613 = arith.constant 15 : i32
    %and3A_1614 = vector.broadcast %and3A_1613 : i32 to vector<16xi32>
    %and3A_1615 = arith.andi %add3A_1612, %and3A_1614 : vector<16xi32>
    %get3A_1616 = arith.constant 0 : i32
    %get3A_1617 = arith.index_cast %get3A_1616 : i32 to index
    %get3A_1618 = arith.constant 112 : index
    %get3A_1619 = tpu.vector_load %arg6[%get3A_1617, %get3A_1618] {strides = array<i32>} : memref<3x256xf32, #tpu.memory_space<vmem>>, vector<16xf32>,
    %masked_sort3A_1620 = arith.constant dense<true> : vector<16xi1>
    %masked_sort3A_1621 = arith.constant -2147483648 : i32
    %masked_sort3A_1622 = vector.broadcast %masked_sort3A_1621 : i32 to vector<16xi32>
    %masked_sort3A_1623 = arith.xori %and3A_1615, %masked_sort3A_1622 : vector<16xi32>
    %masked_sort3A_1624, %masked_sort3A_1625, %masked_sort3A_1626 = tpu.sort %masked_sort3A_1623, %get3A_1619 masked %masked_sort3A_1620 : (vector<16xi32>, vector<16xf32>, vector<16xi1>) -> (vector<16xi1>, vector<16xi32>, vector<16xf32>)
    %masked_sort3A_1627 = arith.xori %masked_sort3A_1625, %masked_sort3A_1622 : vector<16xi32>
    %get3A_1628 = arith.constant 0 : i32
    %get3A_1629 = arith.index_cast %get3A_1628 : i32 to index
    %get3A_1630 = arith.constant 112 : index
    %get3A_1631 = tpu.vector_load %arg7[%get3A_1629, %get3A_1630] {strides = array<i32>} : memref<3x256xi32, #tpu.memory_space<vmem>>, vector<16xi32>,
    %masked_sort3A_1632 = arith.constant dense<true> : vector<16xi1>
    %masked_sort3A_1633 = arith.constant -2147483648 : i32
    %masked_sort3A_1634 = vector.broadcast %masked_sort3A_1633 : i32 to vector<16xi32>
    %masked_sort3A_1635 = arith.xori %and3A_1615, %masked_sort3A_1634 : vector<16xi32>
    %masked_sort3A_1636, %masked_sort3A_1637, %masked_sort3A_1638 = tpu.sort %masked_sort3A_1635, %get3A_1631 masked %masked_sort3A_1632 : (vector<16xi32>, vector<16xi32>, vector<16xi1>) -> (vector<16xi1>, vector<16xi32>, vector<16xi32>)
    %masked_sort3A_1639 = arith.xori %masked_sort3A_1637, %masked_sort3A_1634 : vector<16xi32>
    %mul3A_1640 = arith.constant 3 : i32
    %mul3A_1641 = vector.broadcast %mul3A_1640 : i32 to vector<16xi32>
    %mul3A_1642 = arith.muli %mul3A_1641, %iota3A : vector<16xi32>
    %add3A_1643 = arith.constant 1 : i32
    %add3A_1644 = vector.broadcast %add3A_1643 : i32 to vector<16xi32>
    %add3A_1645 = arith.addi %mul3A_1642, %add3A_1644 : vector<16xi32>
    %and3A_1646 = arith.constant 15 : i32
    %and3A_1647 = vector.broadcast %and3A_1646 : i32 to vector<16xi32>
    %and3A_1648 = arith.andi %add3A_1645, %and3A_1647 : vector<16xi32>
    %get3A_1649 = arith.constant 1 : i32
    %get3A_1650 = arith.index_cast %get3A_1649 : i32 to index
    %get3A_1651 = arith.constant 112 : index
    %get3A_1652 = tpu.vector_load %arg6[%get3A_1650, %get3A_1651] {strides = array<i32>} : memref<3x256xf32, #tpu.memory_space<vmem>>, vector<16xf32>,
    %masked_sort3A_1653 = arith.constant dense<true> : vector<16xi1>
    %masked_sort3A_1654 = arith.constant -2147483648 : i32
    %masked_sort3A_1655 = vector.broadcast %masked_sort3A_1654 : i32 to vector<16xi32>
    %masked_sort3A_1656 = arith.xori %and3A_1648, %masked_sort3A_1655 : vector<16xi32>
    %masked_sort3A_1657, %masked_sort3A_1658, %masked_sort3A_1659 = tpu.sort %masked_sort3A_1656, %get3A_1652 masked %masked_sort3A_1653 : (vector<16xi32>, vector<16xf32>, vector<16xi1>) -> (vector<16xi1>, vector<16xi32>, vector<16xf32>)
    %masked_sort3A_1660 = arith.xori %masked_sort3A_1658, %masked_sort3A_1655 : vector<16xi32>
    %get3A_1661 = arith.constant 1 : i32
    %get3A_1662 = arith.index_cast %get3A_1661 : i32 to index
    %get3A_1663 = arith.constant 112 : index
    %get3A_1664 = tpu.vector_load %arg7[%get3A_1662, %get3A_1663] {strides = array<i32>} : memref<3x256xi32, #tpu.memory_space<vmem>>, vector<16xi32>,
    %masked_sort3A_1665 = arith.constant dense<true> : vector<16xi1>
    %masked_sort3A_1666 = arith.constant -2147483648 : i32
    %masked_sort3A_1667 = vector.broadcast %masked_sort3A_1666 : i32 to vector<16xi32>
    %masked_sort3A_1668 = arith.xori %and3A_1648, %masked_sort3A_1667 : vector<16xi32>
    %masked_sort3A_1669, %masked_sort3A_1670, %masked_sort3A_1671 = tpu.sort %masked_sort3A_1668, %get3A_1664 masked %masked_sort3A_1665 : (vector<16xi32>, vector<16xi32>, vector<16xi1>) -> (vector<16xi1>, vector<16xi32>, vector<16xi32>)
    %masked_sort3A_1672 = arith.xori %masked_sort3A_1670, %masked_sort3A_1667 : vector<16xi32>
    %mul3A_1673 = arith.constant 3 : i32
    %mul3A_1674 = vector.broadcast %mul3A_1673 : i32 to vector<16xi32>
    %mul3A_1675 = arith.muli %mul3A_1674, %iota3A : vector<16xi32>
    %add3A_1676 = arith.constant 2 : i32
    %add3A_1677 = vector.broadcast %add3A_1676 : i32 to vector<16xi32>
    %add3A_1678 = arith.addi %mul3A_1675, %add3A_1677 : vector<16xi32>
    %and3A_1679 = arith.constant 15 : i32
    %and3A_1680 = vector.broadcast %and3A_1679 : i32 to vector<16xi32>
    %and3A_1681 = arith.andi %add3A_1678, %and3A_1680 : vector<16xi32>
    %get3A_1682 = arith.constant 2 : i32
    %get3A_1683 = arith.index_cast %get3A_1682 : i32 to index
    %get3A_1684 = arith.constant 112 : index
    %get3A_1685 = tpu.vector_load %arg6[%get3A_1683, %get3A_1684] {strides = array<i32>} : memref<3x256xf32, #tpu.memory_space<vmem>>, vector<16xf32>,
    %masked_sort3A_1686 = arith.constant dense<true> : vector<16xi1>
    %masked_sort3A_1687 = arith.constant -2147483648 : i32
    %masked_sort3A_1688 = vector.broadcast %masked_sort3A_1687 : i32 to vector<16xi32>
    %masked_sort3A_1689 = arith.xori %and3A_1681, %masked_sort3A_1688 : vector<16xi32>
    %masked_sort3A_1690, %masked_sort3A_1691, %masked_sort3A_1692 = tpu.sort %masked_sort3A_1689, %get3A_1685 masked %masked_sort3A_1686 : (vector<16xi32>, vector<16xf32>, vector<16xi1>) -> (vector<16xi1>, vector<16xi32>, vector<16xf32>)
    %masked_sort3A_1693 = arith.xori %masked_sort3A_1691, %masked_sort3A_1688 : vector<16xi32>
    %get3A_1694 = arith.constant 2 : i32
    %get3A_1695 = arith.index_cast %get3A_1694 : i32 to index
    %get3A_1696 = arith.constant 112 : index
    %get3A_1697 = tpu.vector_load %arg7[%get3A_1695, %get3A_1696] {strides = array<i32>} : memref<3x256xi32, #tpu.memory_space<vmem>>, vector<16xi32>,
    %masked_sort3A_1698 = arith.constant dense<true> : vector<16xi1>
    %masked_sort3A_1699 = arith.constant -2147483648 : i32
    %masked_sort3A_1700 = vector.broadcast %masked_sort3A_1699 : i32 to vector<16xi32>
    %masked_sort3A_1701 = arith.xori %and3A_1681, %masked_sort3A_1700 : vector<16xi32>
    %masked_sort3A_1702, %masked_sort3A_1703, %masked_sort3A_1704 = tpu.sort %masked_sort3A_1701, %get3A_1697 masked %masked_sort3A_1698 : (vector<16xi32>, vector<16xi32>, vector<16xi1>) -> (vector<16xi1>, vector<16xi32>, vector<16xi32>)
    %masked_sort3A_1705 = arith.xori %masked_sort3A_1703, %masked_sort3A_1700 : vector<16xi32>
    %add3A_1706 = arith.constant 0 : i32
    %add3A_1707 = vector.broadcast %add3A_1706 : i32 to vector<16xi32>
    %add3A_1708 = arith.addi %add3A_1707, %iota3A : vector<16xi32>
    %mul3A_1709 = arith.constant 21846 : i32
    %mul3A_1710 = vector.broadcast %mul3A_1709 : i32 to vector<16xi32>
    %mul3A_1711 = arith.muli %add3A_1708, %mul3A_1710 : vector<16xi32>
    %shift_right_arithmetic3A_1712 = arith.constant 16 : i32
    %shift_right_arithmetic3A_1713 = vector.broadcast %shift_right_arithmetic3A_1712 : i32 to vector<16xi32>
    %shift_right_arithmetic3A_1714 = arith.shrsi %mul3A_1711, %shift_right_arithmetic3A_1713 : vector<16xi32>
    %mul3A_1715 = arith.constant 3 : i32
    %mul3A_1716 = vector.broadcast %mul3A_1715 : i32 to vector<16xi32>
    %mul3A_1717 = arith.muli %mul3A_1716, %shift_right_arithmetic3A_1714 : vector<16xi32>
    %sub3A_1718 = arith.subi %add3A_1708, %mul3A_1717 : vector<16xi32>
    %eq3A_1719 = arith.constant 0 : i32
    %eq3A_1720 = vector.broadcast %eq3A_1719 : i32 to vector<16xi32>
    %eq3A_1721 = arith.cmpi eq, %sub3A_1718, %eq3A_1720 : vector<16xi32>
    %eq3A_1722 = arith.constant 1 : i32
    %eq3A_1723 = vector.broadcast %eq3A_1722 : i32 to vector<16xi32>
    %eq3A_1724 = arith.cmpi eq, %sub3A_1718, %eq3A_1723 : vector<16xi32>
    %select_n3A_1725 = arith.select %eq3A_1724, %masked_sort3A_1659, %masked_sort3A_1692 : vector<16xi1>, vector<16xf32>
    %select_n3A_1726 = arith.select %eq3A_1721, %masked_sort3A_1626, %select_n3A_1725 : vector<16xi1>, vector<16xf32>
    %eq3A_1727 = arith.constant 0 : i32
    %eq3A_1728 = vector.broadcast %eq3A_1727 : i32 to vector<16xi32>
    %eq3A_1729 = arith.cmpi eq, %sub3A_1718, %eq3A_1728 : vector<16xi32>
    %eq3A_1730 = arith.constant 1 : i32
    %eq3A_1731 = vector.broadcast %eq3A_1730 : i32 to vector<16xi32>
    %eq3A_1732 = arith.cmpi eq, %sub3A_1718, %eq3A_1731 : vector<16xi32>
    %select_n3A_1733 = arith.select %eq3A_1732, %masked_sort3A_1671, %masked_sort3A_1704 : vector<16xi1>, vector<16xi32>
    %select_n3A_1734 = arith.select %eq3A_1729, %masked_sort3A_1638, %select_n3A_1733 : vector<16xi1>, vector<16xi32>
    %add3A_1735 = arith.constant 112 : i32
    %add3A_1736 = arith.addi %mul3A_2, %add3A_1735 : i32
    %add3A_1737 = vector.broadcast %add3A_1736 : i32 to vector<16xi32>
    %add3A_1738 = arith.addi %add3A_1737, %shift_right_arithmetic3A_1714 : vector<16xi32>
    %swap3A_1739 = arith.constant 336 : index
    %swap3A_1740 = tpu.vector_load %arg8[%swap3A_1739] {strides = array<i32>} : memref<768xf32, #tpu.memory_space<vmem>>, vector<16xf32>,
    tpu.vector_store %arg8[%swap3A_1739], %select_n3A_1726 {strides = array<i32>} : memref<768xf32, #tpu.memory_space<vmem>>, vector<16xf32>,
    %swap3A_1741 = arith.constant 0 : i32
    %swap3A_1742 = arith.index_cast %swap3A_1741 : i32 to index
    %swap3A_1743 = arith.constant 336 : index
    %swap3A_1744 = tpu.vector_load %arg9[%swap3A_1742, %swap3A_1743] {strides = array<i32>} : memref<1x768xi32, #tpu.memory_space<vmem>>, vector<16xi32>,
    tpu.vector_store %arg9[%swap3A_1742, %swap3A_1743], %add3A_1738 {strides = array<i32>} : memref<1x768xi32, #tpu.memory_space<vmem>>, vector<16xi32>,
    %swap3A_1745 = arith.constant 0 : i32
    %swap3A_1746 = arith.index_cast %swap3A_1745 : i32 to index
    %swap3A_1747 = arith.constant 336 : index
    %swap3A_1748 = tpu.vector_load %arg10[%swap3A_1746, %swap3A_1747] {strides = array<i32>} : memref<1x768xi32, #tpu.memory_space<vmem>>, vector<16xi32>,
    tpu.vector_store %arg10[%swap3A_1746, %swap3A_1747], %select_n3A_1734 {strides = array<i32>} : memref<1x768xi32, #tpu.memory_space<vmem>>, vector<16xi32>,
    %add3A_1749 = arith.constant 16 : i32
    %add3A_1750 = vector.broadcast %add3A_1749 : i32 to vector<16xi32>
    %add3A_1751 = arith.addi %add3A_1750, %iota3A : vector<16xi32>
    %mul3A_1752 = arith.constant 21846 : i32
    %mul3A_1753 = vector.broadcast %mul3A_1752 : i32 to vector<16xi32>
    %mul3A_1754 = arith.muli %add3A_1751, %mul3A_1753 : vector<16xi32>
    %shift_right_arithmetic3A_1755 = arith.constant 16 : i32
    %shift_right_arithmetic3A_1756 = vector.broadcast %shift_right_arithmetic3A_1755 : i32 to vector<16xi32>
    %shift_right_arithmetic3A_1757 = arith.shrsi %mul3A_1754, %shift_right_arithmetic3A_1756 : vector<16xi32>
    %mul3A_1758 = arith.constant 3 : i32
    %mul3A_1759 = vector.broadcast %mul3A_1758 : i32 to vector<16xi32>
    %mul3A_1760 = arith.muli %mul3A_1759, %shift_right_arithmetic3A_1757 : vector<16xi32>
    %sub3A_1761 = arith.subi %add3A_1751, %mul3A_1760 : vector<16xi32>
    %eq3A_1762 = arith.constant 0 : i32
    %eq3A_1763 = vector.broadcast %eq3A_1762 : i32 to vector<16xi32>
    %eq3A_1764 = arith.cmpi eq, %sub3A_1761, %eq3A_1763 : vector<16xi32>
    %eq3A_1765 = arith.constant 1 : i32
    %eq3A_1766 = vector.broadcast %eq3A_1765 : i32 to vector<16xi32>
    %eq3A_1767 = arith.cmpi eq, %sub3A_1761, %eq3A_1766 : vector<16xi32>
    %select_n3A_1768 = arith.select %eq3A_1767, %masked_sort3A_1659, %masked_sort3A_1692 : vector<16xi1>, vector<16xf32>
    %select_n3A_1769 = arith.select %eq3A_1764, %masked_sort3A_1626, %select_n3A_1768 : vector<16xi1>, vector<16xf32>
    %eq3A_1770 = arith.constant 0 : i32
    %eq3A_1771 = vector.broadcast %eq3A_1770 : i32 to vector<16xi32>
    %eq3A_1772 = arith.cmpi eq, %sub3A_1761, %eq3A_1771 : vector<16xi32>
    %eq3A_1773 = arith.constant 1 : i32
    %eq3A_1774 = vector.broadcast %eq3A_1773 : i32 to vector<16xi32>
    %eq3A_1775 = arith.cmpi eq, %sub3A_1761, %eq3A_1774 : vector<16xi32>
    %select_n3A_1776 = arith.select %eq3A_1775, %masked_sort3A_1671, %masked_sort3A_1704 : vector<16xi1>, vector<16xi32>
    %select_n3A_1777 = arith.select %eq3A_1772, %masked_sort3A_1638, %select_n3A_1776 : vector<16xi1>, vector<16xi32>
    %add3A_1778 = arith.constant 112 : i32
    %add3A_1779 = arith.addi %mul3A_2, %add3A_1778 : i32
    %add3A_1780 = vector.broadcast %add3A_1779 : i32 to vector<16xi32>
    %add3A_1781 = arith.addi %add3A_1780, %shift_right_arithmetic3A_1757 : vector<16xi32>
    %swap3A_1782 = arith.constant 352 : index
    %swap3A_1783 = tpu.vector_load %arg8[%swap3A_1782] {strides = array<i32>} : memref<768xf32, #tpu.memory_space<vmem>>, vector<16xf32>,
    tpu.vector_store %arg8[%swap3A_1782], %select_n3A_1769 {strides = array<i32>} : memref<768xf32, #tpu.memory_space<vmem>>, vector<16xf32>,
    %swap3A_1784 = arith.constant 0 : i32
    %swap3A_1785 = arith.index_cast %swap3A_1784 : i32 to index
    %swap3A_1786 = arith.constant 352 : index
    %swap3A_1787 = tpu.vector_load %arg9[%swap3A_1785, %swap3A_1786] {strides = array<i32>} : memref<1x768xi32, #tpu.memory_space<vmem>>, vector<16xi32>,
    tpu.vector_store %arg9[%swap3A_1785, %swap3A_1786], %add3A_1781 {strides = array<i32>} : memref<1x768xi32, #tpu.memory_space<vmem>>, vector<16xi32>,
    %swap3A_1788 = arith.constant 0 : i32
    %swap3A_1789 = arith.index_cast %swap3A_1788 : i32 to index
    %swap3A_1790 = arith.constant 352 : index
    %swap3A_1791 = tpu.vector_load %arg10[%swap3A_1789, %swap3A_1790] {strides = array<i32>} : memref<1x768xi32, #tpu.memory_space<vmem>>, vector<16xi32>,
    tpu.vector_store %arg10[%swap3A_1789, %swap3A_1790], %select_n3A_1777 {strides = array<i32>} : memref<1x768xi32, #tpu.memory_space<vmem>>, vector<16xi32>,
    %add3A_1792 = arith.constant 32 : i32
    %add3A_1793 = vector.broadcast %add3A_1792 : i32 to vector<16xi32>
    %add3A_1794 = arith.addi %add3A_1793, %iota3A : vector<16xi32>
    %mul3A_1795 = arith.constant 21846 : i32
    %mul3A_1796 = vector.broadcast %mul3A_1795 : i32 to vector<16xi32>
    %mul3A_1797 = arith.muli %add3A_1794, %mul3A_1796 : vector<16xi32>
    %shift_right_arithmetic3A_1798 = arith.constant 16 : i32
    %shift_right_arithmetic3A_1799 = vector.broadcast %shift_right_arithmetic3A_1798 : i32 to vector<16xi32>
    %shift_right_arithmetic3A_1800 = arith.shrsi %mul3A_1797, %shift_right_arithmetic3A_1799 : vector<16xi32>
    %mul3A_1801 = arith.constant 3 : i32
    %mul3A_1802 = vector.broadcast %mul3A_1801 : i32 to vector<16xi32>
    %mul3A_1803 = arith.muli %mul3A_1802, %shift_right_arithmetic3A_1800 : vector<16xi32>
    %sub3A_1804 = arith.subi %add3A_1794, %mul3A_1803 : vector<16xi32>
    %eq3A_1805 = arith.constant 0 : i32
    %eq3A_1806 = vector.broadcast %eq3A_1805 : i32 to vector<16xi32>
    %eq3A_1807 = arith.cmpi eq, %sub3A_1804, %eq3A_1806 : vector<16xi32>
    %eq3A_1808 = arith.constant 1 : i32
    %eq3A_1809 = vector.broadcast %eq3A_1808 : i32 to vector<16xi32>
    %eq3A_1810 = arith.cmpi eq, %sub3A_1804, %eq3A_1809 : vector<16xi32>
    %select_n3A_1811 = arith.select %eq3A_1810, %masked_sort3A_1659, %masked_sort3A_1692 : vector<16xi1>, vector<16xf32>
    %select_n3A_1812 = arith.select %eq3A_1807, %masked_sort3A_1626, %select_n3A_1811 : vector<16xi1>, vector<16xf32>
    %eq3A_1813 = arith.constant 0 : i32
    %eq3A_1814 = vector.broadcast %eq3A_1813 : i32 to vector<16xi32>
    %eq3A_1815 = arith.cmpi eq, %sub3A_1804, %eq3A_1814 : vector<16xi32>
    %eq3A_1816 = arith.constant 1 : i32
    %eq3A_1817 = vector.broadcast %eq3A_1816 : i32 to vector<16xi32>
    %eq3A_1818 = arith.cmpi eq, %sub3A_1804, %eq3A_1817 : vector<16xi32>
    %select_n3A_1819 = arith.select %eq3A_1818, %masked_sort3A_1671, %masked_sort3A_1704 : vector<16xi1>, vector<16xi32>
    %select_n3A_1820 = arith.select %eq3A_1815, %masked_sort3A_1638, %select_n3A_1819 : vector<16xi1>, vector<16xi32>
    %add3A_1821 = arith.constant 112 : i32
    %add3A_1822 = arith.addi %mul3A_2, %add3A_1821 : i32
    %add3A_1823 = vector.broadcast %add3A_1822 : i32 to vector<16xi32>
    %add3A_1824 = arith.addi %add3A_1823, %shift_right_arithmetic3A_1800 : vector<16xi32>
    %swap3A_1825 = arith.constant 368 : index
    %swap3A_1826 = tpu.vector_load %arg8[%swap3A_1825] {strides = array<i32>} : memref<768xf32, #tpu.memory_space<vmem>>, vector<16xf32>,
    tpu.vector_store %arg8[%swap3A_1825], %select_n3A_1812 {strides = array<i32>} : memref<768xf32, #tpu.memory_space<vmem>>, vector<16xf32>,
    %swap3A_1827 = arith.constant 0 : i32
    %swap3A_1828 = arith.index_cast %swap3A_1827 : i32 to index
    %swap3A_1829 = arith.constant 368 : index
    %swap3A_1830 = tpu.vector_load %arg9[%swap3A_1828, %swap3A_1829] {strides = array<i32>} : memref<1x768xi32, #tpu.memory_space<vmem>>, vector<16xi32>,
    tpu.vector_store %arg9[%swap3A_1828, %swap3A_1829], %add3A_1824 {strides = array<i32>} : memref<1x768xi32, #tpu.memory_space<vmem>>, vector<16xi32>,
    %swap3A_1831 = arith.constant 0 : i32
    %swap3A_1832 = arith.index_cast %swap3A_1831 : i32 to index
    %swap3A_1833 = arith.constant 368 : index
    %swap3A_1834 = tpu.vector_load %arg10[%swap3A_1832, %swap3A_1833] {strides = array<i32>} : memref<1x768xi32, #tpu.memory_space<vmem>>, vector<16xi32>,
    tpu.vector_store %arg10[%swap3A_1832, %swap3A_1833], %select_n3A_1820 {strides = array<i32>} : memref<1x768xi32, #tpu.memory_space<vmem>>, vector<16xi32>,
    %mul3A_1835 = arith.constant 3 : i32
    %mul3A_1836 = vector.broadcast %mul3A_1835 : i32 to vector<16xi32>
    %mul3A_1837 = arith.muli %mul3A_1836, %iota3A : vector<16xi32>
    %add3A_1838 = arith.constant 0 : i32
    %add3A_1839 = vector.broadcast %add3A_1838 : i32 to vector<16xi32>
    %add3A_1840 = arith.addi %mul3A_1837, %add3A_1839 : vector<16xi32>
    %and3A_1841 = arith.constant 15 : i32
    %and3A_1842 = vector.broadcast %and3A_1841 : i32 to vector<16xi32>
    %and3A_1843 = arith.andi %add3A_1840, %and3A_1842 : vector<16xi32>
    %get3A_1844 = arith.constant 0 : i32
    %get3A_1845 = arith.index_cast %get3A_1844 : i32 to index
    %get3A_1846 = arith.constant 128 : index
    %get3A_1847 = tpu.vector_load %arg6[%get3A_1845, %get3A_1846] {strides = array<i32>} : memref<3x256xf32, #tpu.memory_space<vmem>>, vector<16xf32>,
    %masked_sort3A_1848 = arith.constant dense<true> : vector<16xi1>
    %masked_sort3A_1849 = arith.constant -2147483648 : i32
    %masked_sort3A_1850 = vector.broadcast %masked_sort3A_1849 : i32 to vector<16xi32>
    %masked_sort3A_1851 = arith.xori %and3A_1843, %masked_sort3A_1850 : vector<16xi32>
    %masked_sort3A_1852, %masked_sort3A_1853, %masked_sort3A_1854 = tpu.sort %masked_sort3A_1851, %get3A_1847 masked %masked_sort3A_1848 : (vector<16xi32>, vector<16xf32>, vector<16xi1>) -> (vector<16xi1>, vector<16xi32>, vector<16xf32>)
    %masked_sort3A_1855 = arith.xori %masked_sort3A_1853, %masked_sort3A_1850 : vector<16xi32>
    %get3A_1856 = arith.constant 0 : i32
    %get3A_1857 = arith.index_cast %get3A_1856 : i32 to index
    %get3A_1858 = arith.constant 128 : index
    %get3A_1859 = tpu.vector_load %arg7[%get3A_1857, %get3A_1858] {strides = array<i32>} : memref<3x256xi32, #tpu.memory_space<vmem>>, vector<16xi32>,
    %masked_sort3A_1860 = arith.constant dense<true> : vector<16xi1>
    %masked_sort3A_1861 = arith.constant -2147483648 : i32
    %masked_sort3A_1862 = vector.broadcast %masked_sort3A_1861 : i32 to vector<16xi32>
    %masked_sort3A_1863 = arith.xori %and3A_1843, %masked_sort3A_1862 : vector<16xi32>
    %masked_sort3A_1864, %masked_sort3A_1865, %masked_sort3A_1866 = tpu.sort %masked_sort3A_1863, %get3A_1859 masked %masked_sort3A_1860 : (vector<16xi32>, vector<16xi32>, vector<16xi1>) -> (vector<16xi1>, vector<16xi32>, vector<16xi32>)
    %masked_sort3A_1867 = arith.xori %masked_sort3A_1865, %masked_sort3A_1862 : vector<16xi32>
    %mul3A_1868 = arith.constant 3 : i32
    %mul3A_1869 = vector.broadcast %mul3A_1868 : i32 to vector<16xi32>
    %mul3A_1870 = arith.muli %mul3A_1869, %iota3A : vector<16xi32>
    %add3A_1871 = arith.constant 1 : i32
    %add3A_1872 = vector.broadcast %add3A_1871 : i32 to vector<16xi32>
    %add3A_1873 = arith.addi %mul3A_1870, %add3A_1872 : vector<16xi32>
    %and3A_1874 = arith.constant 15 : i32
    %and3A_1875 = vector.broadcast %and3A_1874 : i32 to vector<16xi32>
    %and3A_1876 = arith.andi %add3A_1873, %and3A_1875 : vector<16xi32>
    %get3A_1877 = arith.constant 1 : i32
    %get3A_1878 = arith.index_cast %get3A_1877 : i32 to index
    %get3A_1879 = arith.constant 128 : index
    %get3A_1880 = tpu.vector_load %arg6[%get3A_1878, %get3A_1879] {strides = array<i32>} : memref<3x256xf32, #tpu.memory_space<vmem>>, vector<16xf32>,
    %masked_sort3A_1881 = arith.constant dense<true> : vector<16xi1>
    %masked_sort3A_1882 = arith.constant -2147483648 : i32
    %masked_sort3A_1883 = vector.broadcast %masked_sort3A_1882 : i32 to vector<16xi32>
    %masked_sort3A_1884 = arith.xori %and3A_1876, %masked_sort3A_1883 : vector<16xi32>
    %masked_sort3A_1885, %masked_sort3A_1886, %masked_sort3A_1887 = tpu.sort %masked_sort3A_1884, %get3A_1880 masked %masked_sort3A_1881 : (vector<16xi32>, vector<16xf32>, vector<16xi1>) -> (vector<16xi1>, vector<16xi32>, vector<16xf32>)
    %masked_sort3A_1888 = arith.xori %masked_sort3A_1886, %masked_sort3A_1883 : vector<16xi32>
    %get3A_1889 = arith.constant 1 : i32
    %get3A_1890 = arith.index_cast %get3A_1889 : i32 to index
    %get3A_1891 = arith.constant 128 : index
    %get3A_1892 = tpu.vector_load %arg7[%get3A_1890, %get3A_1891] {strides = array<i32>} : memref<3x256xi32, #tpu.memory_space<vmem>>, vector<16xi32>,
    %masked_sort3A_1893 = arith.constant dense<true> : vector<16xi1>
    %masked_sort3A_1894 = arith.constant -2147483648 : i32
    %masked_sort3A_1895 = vector.broadcast %masked_sort3A_1894 : i32 to vector<16xi32>
    %masked_sort3A_1896 = arith.xori %and3A_1876, %masked_sort3A_1895 : vector<16xi32>
    %masked_sort3A_1897, %masked_sort3A_1898, %masked_sort3A_1899 = tpu.sort %masked_sort3A_1896, %get3A_1892 masked %masked_sort3A_1893 : (vector<16xi32>, vector<16xi32>, vector<16xi1>) -> (vector<16xi1>, vector<16xi32>, vector<16xi32>)
    %masked_sort3A_1900 = arith.xori %masked_sort3A_1898, %masked_sort3A_1895 : vector<16xi32>
    %mul3A_1901 = arith.constant 3 : i32
    %mul3A_1902 = vector.broadcast %mul3A_1901 : i32 to vector<16xi32>
    %mul3A_1903 = arith.muli %mul3A_1902, %iota3A : vector<16xi32>
    %add3A_1904 = arith.constant 2 : i32
    %add3A_1905 = vector.broadcast %add3A_1904 : i32 to vector<16xi32>
    %add3A_1906 = arith.addi %mul3A_1903, %add3A_1905 : vector<16xi32>
    %and3A_1907 = arith.constant 15 : i32
    %and3A_1908 = vector.broadcast %and3A_1907 : i32 to vector<16xi32>
    %and3A_1909 = arith.andi %add3A_1906, %and3A_1908 : vector<16xi32>
    %get3A_1910 = arith.constant 2 : i32
    %get3A_1911 = arith.index_cast %get3A_1910 : i32 to index
    %get3A_1912 = arith.constant 128 : index
    %get3A_1913 = tpu.vector_load %arg6[%get3A_1911, %get3A_1912] {strides = array<i32>} : memref<3x256xf32, #tpu.memory_space<vmem>>, vector<16xf32>,
    %masked_sort3A_1914 = arith.constant dense<true> : vector<16xi1>
    %masked_sort3A_1915 = arith.constant -2147483648 : i32
    %masked_sort3A_1916 = vector.broadcast %masked_sort3A_1915 : i32 to vector<16xi32>
    %masked_sort3A_1917 = arith.xori %and3A_1909, %masked_sort3A_1916 : vector<16xi32>
    %masked_sort3A_1918, %masked_sort3A_1919, %masked_sort3A_1920 = tpu.sort %masked_sort3A_1917, %get3A_1913 masked %masked_sort3A_1914 : (vector<16xi32>, vector<16xf32>, vector<16xi1>) -> (vector<16xi1>, vector<16xi32>, vector<16xf32>)
    %masked_sort3A_1921 = arith.xori %masked_sort3A_1919, %masked_sort3A_1916 : vector<16xi32>
    %get3A_1922 = arith.constant 2 : i32
    %get3A_1923 = arith.index_cast %get3A_1922 : i32 to index
    %get3A_1924 = arith.constant 128 : index
    %get3A_1925 = tpu.vector_load %arg7[%get3A_1923, %get3A_1924] {strides = array<i32>} : memref<3x256xi32, #tpu.memory_space<vmem>>, vector<16xi32>,
    %masked_sort3A_1926 = arith.constant dense<true> : vector<16xi1>
    %masked_sort3A_1927 = arith.constant -2147483648 : i32
    %masked_sort3A_1928 = vector.broadcast %masked_sort3A_1927 : i32 to vector<16xi32>
    %masked_sort3A_1929 = arith.xori %and3A_1909, %masked_sort3A_1928 : vector<16xi32>
    %masked_sort3A_1930, %masked_sort3A_1931, %masked_sort3A_1932 = tpu.sort %masked_sort3A_1929, %get3A_1925 masked %masked_sort3A_1926 : (vector<16xi32>, vector<16xi32>, vector<16xi1>) -> (vector<16xi1>, vector<16xi32>, vector<16xi32>)
    %masked_sort3A_1933 = arith.xori %masked_sort3A_1931, %masked_sort3A_1928 : vector<16xi32>
    %add3A_1934 = arith.constant 0 : i32
    %add3A_1935 = vector.broadcast %add3A_1934 : i32 to vector<16xi32>
    %add3A_1936 = arith.addi %add3A_1935, %iota3A : vector<16xi32>
    %mul3A_1937 = arith.constant 21846 : i32
    %mul3A_1938 = vector.broadcast %mul3A_1937 : i32 to vector<16xi32>
    %mul3A_1939 = arith.muli %add3A_1936, %mul3A_1938 : vector<16xi32>
    %shift_right_arithmetic3A_1940 = arith.constant 16 : i32
    %shift_right_arithmetic3A_1941 = vector.broadcast %shift_right_arithmetic3A_1940 : i32 to vector<16xi32>
    %shift_right_arithmetic3A_1942 = arith.shrsi %mul3A_1939, %shift_right_arithmetic3A_1941 : vector<16xi32>
    %mul3A_1943 = arith.constant 3 : i32
    %mul3A_1944 = vector.broadcast %mul3A_1943 : i32 to vector<16xi32>
    %mul3A_1945 = arith.muli %mul3A_1944, %shift_right_arithmetic3A_1942 : vector<16xi32>
    %sub3A_1946 = arith.subi %add3A_1936, %mul3A_1945 : vector<16xi32>
    %eq3A_1947 = arith.constant 0 : i32
    %eq3A_1948 = vector.broadcast %eq3A_1947 : i32 to vector<16xi32>
    %eq3A_1949 = arith.cmpi eq, %sub3A_1946, %eq3A_1948 : vector<16xi32>
    %eq3A_1950 = arith.constant 1 : i32
    %eq3A_1951 = vector.broadcast %eq3A_1950 : i32 to vector<16xi32>
    %eq3A_1952 = arith.cmpi eq, %sub3A_1946, %eq3A_1951 : vector<16xi32>
    %select_n3A_1953 = arith.select %eq3A_1952, %masked_sort3A_1887, %masked_sort3A_1920 : vector<16xi1>, vector<16xf32>
    %select_n3A_1954 = arith.select %eq3A_1949, %masked_sort3A_1854, %select_n3A_1953 : vector<16xi1>, vector<16xf32>
    %eq3A_1955 = arith.constant 0 : i32
    %eq3A_1956 = vector.broadcast %eq3A_1955 : i32 to vector<16xi32>
    %eq3A_1957 = arith.cmpi eq, %sub3A_1946, %eq3A_1956 : vector<16xi32>
    %eq3A_1958 = arith.constant 1 : i32
    %eq3A_1959 = vector.broadcast %eq3A_1958 : i32 to vector<16xi32>
    %eq3A_1960 = arith.cmpi eq, %sub3A_1946, %eq3A_1959 : vector<16xi32>
    %select_n3A_1961 = arith.select %eq3A_1960, %masked_sort3A_1899, %masked_sort3A_1932 : vector<16xi1>, vector<16xi32>
    %select_n3A_1962 = arith.select %eq3A_1957, %masked_sort3A_1866, %select_n3A_1961 : vector<16xi1>, vector<16xi32>
    %add3A_1963 = arith.constant 128 : i32
    %add3A_1964 = arith.addi %mul3A_2, %add3A_1963 : i32
    %add3A_1965 = vector.broadcast %add3A_1964 : i32 to vector<16xi32>
    %add3A_1966 = arith.addi %add3A_1965, %shift_right_arithmetic3A_1942 : vector<16xi32>
    %swap3A_1967 = arith.constant 384 : index
    %swap3A_1968 = tpu.vector_load %arg8[%swap3A_1967] {strides = array<i32>} : memref<768xf32, #tpu.memory_space<vmem>>, vector<16xf32>,
    tpu.vector_store %arg8[%swap3A_1967], %select_n3A_1954 {strides = array<i32>} : memref<768xf32, #tpu.memory_space<vmem>>, vector<16xf32>,
    %swap3A_1969 = arith.constant 0 : i32
    %swap3A_1970 = arith.index_cast %swap3A_1969 : i32 to index
    %swap3A_1971 = arith.constant 384 : index
    %swap3A_1972 = tpu.vector_load %arg9[%swap3A_1970, %swap3A_1971] {strides = array<i32>} : memref<1x768xi32, #tpu.memory_space<vmem>>, vector<16xi32>,
    tpu.vector_store %arg9[%swap3A_1970, %swap3A_1971], %add3A_1966 {strides = array<i32>} : memref<1x768xi32, #tpu.memory_space<vmem>>, vector<16xi32>,
    %swap3A_1973 = arith.constant 0 : i32
    %swap3A_1974 = arith.index_cast %swap3A_1973 : i32 to index
    %swap3A_1975 = arith.constant 384 : index
    %swap3A_1976 = tpu.vector_load %arg10[%swap3A_1974, %swap3A_1975] {strides = array<i32>} : memref<1x768xi32, #tpu.memory_space<vmem>>, vector<16xi32>,
    tpu.vector_store %arg10[%swap3A_1974, %swap3A_1975], %select_n3A_1962 {strides = array<i32>} : memref<1x768xi32, #tpu.memory_space<vmem>>, vector<16xi32>,
    %add3A_1977 = arith.constant 16 : i32
    %add3A_1978 = vector.broadcast %add3A_1977 : i32 to vector<16xi32>
    %add3A_1979 = arith.addi %add3A_1978, %iota3A : vector<16xi32>
    %mul3A_1980 = arith.constant 21846 : i32
    %mul3A_1981 = vector.broadcast %mul3A_1980 : i32 to vector<16xi32>
    %mul3A_1982 = arith.muli %add3A_1979, %mul3A_1981 : vector<16xi32>
    %shift_right_arithmetic3A_1983 = arith.constant 16 : i32
    %shift_right_arithmetic3A_1984 = vector.broadcast %shift_right_arithmetic3A_1983 : i32 to vector<16xi32>
    %shift_right_arithmetic3A_1985 = arith.shrsi %mul3A_1982, %shift_right_arithmetic3A_1984 : vector<16xi32>
    %mul3A_1986 = arith.constant 3 : i32
    %mul3A_1987 = vector.broadcast %mul3A_1986 : i32 to vector<16xi32>
    %mul3A_1988 = arith.muli %mul3A_1987, %shift_right_arithmetic3A_1985 : vector<16xi32>
    %sub3A_1989 = arith.subi %add3A_1979, %mul3A_1988 : vector<16xi32>
    %eq3A_1990 = arith.constant 0 : i32
    %eq3A_1991 = vector.broadcast %eq3A_1990 : i32 to vector<16xi32>
    %eq3A_1992 = arith.cmpi eq, %sub3A_1989, %eq3A_1991 : vector<16xi32>
    %eq3A_1993 = arith.constant 1 : i32
    %eq3A_1994 = vector.broadcast %eq3A_1993 : i32 to vector<16xi32>
    %eq3A_1995 = arith.cmpi eq, %sub3A_1989, %eq3A_1994 : vector<16xi32>
    %select_n3A_1996 = arith.select %eq3A_1995, %masked_sort3A_1887, %masked_sort3A_1920 : vector<16xi1>, vector<16xf32>
    %select_n3A_1997 = arith.select %eq3A_1992, %masked_sort3A_1854, %select_n3A_1996 : vector<16xi1>, vector<16xf32>
    %eq3A_1998 = arith.constant 0 : i32
    %eq3A_1999 = vector.broadcast %eq3A_1998 : i32 to vector<16xi32>
    %eq3A_2000 = arith.cmpi eq, %sub3A_1989, %eq3A_1999 : vector<16xi32>
    %eq3A_2001 = arith.constant 1 : i32
    %eq3A_2002 = vector.broadcast %eq3A_2001 : i32 to vector<16xi32>
    %eq3A_2003 = arith.cmpi eq, %sub3A_1989, %eq3A_2002 : vector<16xi32>
    %select_n3A_2004 = arith.select %eq3A_2003, %masked_sort3A_1899, %masked_sort3A_1932 : vector<16xi1>, vector<16xi32>
    %select_n3A_2005 = arith.select %eq3A_2000, %masked_sort3A_1866, %select_n3A_2004 : vector<16xi1>, vector<16xi32>
    %add3A_2006 = arith.constant 128 : i32
    %add3A_2007 = arith.addi %mul3A_2, %add3A_2006 : i32
    %add3A_2008 = vector.broadcast %add3A_2007 : i32 to vector<16xi32>
    %add3A_2009 = arith.addi %add3A_2008, %shift_right_arithmetic3A_1985 : vector<16xi32>
    %swap3A_2010 = arith.constant 400 : index
    %swap3A_2011 = tpu.vector_load %arg8[%swap3A_2010] {strides = array<i32>} : memref<768xf32, #tpu.memory_space<vmem>>, vector<16xf32>,
    tpu.vector_store %arg8[%swap3A_2010], %select_n3A_1997 {strides = array<i32>} : memref<768xf32, #tpu.memory_space<vmem>>, vector<16xf32>,
    %swap3A_2012 = arith.constant 0 : i32
    %swap3A_2013 = arith.index_cast %swap3A_2012 : i32 to index
    %swap3A_2014 = arith.constant 400 : index
    %swap3A_2015 = tpu.vector_load %arg9[%swap3A_2013, %swap3A_2014] {strides = array<i32>} : memref<1x768xi32, #tpu.memory_space<vmem>>, vector<16xi32>,
    tpu.vector_store %arg9[%swap3A_2013, %swap3A_2014], %add3A_2009 {strides = array<i32>} : memref<1x768xi32, #tpu.memory_space<vmem>>, vector<16xi32>,
    %swap3A_2016 = arith.constant 0 : i32
    %swap3A_2017 = arith.index_cast %swap3A_2016 : i32 to index
    %swap3A_2018 = arith.constant 400 : index
    %swap3A_2019 = tpu.vector_load %arg10[%swap3A_2017, %swap3A_2018] {strides = array<i32>} : memref<1x768xi32, #tpu.memory_space<vmem>>, vector<16xi32>,
    tpu.vector_store %arg10[%swap3A_2017, %swap3A_2018], %select_n3A_2005 {strides = array<i32>} : memref<1x768xi32, #tpu.memory_space<vmem>>, vector<16xi32>,
    %add3A_2020 = arith.constant 32 : i32
    %add3A_2021 = vector.broadcast %add3A_2020 : i32 to vector<16xi32>
    %add3A_2022 = arith.addi %add3A_2021, %iota3A : vector<16xi32>
    %mul3A_2023 = arith.constant 21846 : i32
    %mul3A_2024 = vector.broadcast %mul3A_2023 : i32 to vector<16xi32>
    %mul3A_2025 = arith.muli %add3A_2022, %mul3A_2024 : vector<16xi32>
    %shift_right_arithmetic3A_2026 = arith.constant 16 : i32
    %shift_right_arithmetic3A_2027 = vector.broadcast %shift_right_arithmetic3A_2026 : i32 to vector<16xi32>
    %shift_right_arithmetic3A_2028 = arith.shrsi %mul3A_2025, %shift_right_arithmetic3A_2027 : vector<16xi32>
    %mul3A_2029 = arith.constant 3 : i32
    %mul3A_2030 = vector.broadcast %mul3A_2029 : i32 to vector<16xi32>
    %mul3A_2031 = arith.muli %mul3A_2030, %shift_right_arithmetic3A_2028 : vector<16xi32>
    %sub3A_2032 = arith.subi %add3A_2022, %mul3A_2031 : vector<16xi32>
    %eq3A_2033 = arith.constant 0 : i32
    %eq3A_2034 = vector.broadcast %eq3A_2033 : i32 to vector<16xi32>
    %eq3A_2035 = arith.cmpi eq, %sub3A_2032, %eq3A_2034 : vector<16xi32>
    %eq3A_2036 = arith.constant 1 : i32
    %eq3A_2037 = vector.broadcast %eq3A_2036 : i32 to vector<16xi32>
    %eq3A_2038 = arith.cmpi eq, %sub3A_2032, %eq3A_2037 : vector<16xi32>
    %select_n3A_2039 = arith.select %eq3A_2038, %masked_sort3A_1887, %masked_sort3A_1920 : vector<16xi1>, vector<16xf32>
    %select_n3A_2040 = arith.select %eq3A_2035, %masked_sort3A_1854, %select_n3A_2039 : vector<16xi1>, vector<16xf32>
    %eq3A_2041 = arith.constant 0 : i32
    %eq3A_2042 = vector.broadcast %eq3A_2041 : i32 to vector<16xi32>
    %eq3A_2043 = arith.cmpi eq, %sub3A_2032, %eq3A_2042 : vector<16xi32>
    %eq3A_2044 = arith.constant 1 : i32
    %eq3A_2045 = vector.broadcast %eq3A_2044 : i32 to vector<16xi32>
    %eq3A_2046 = arith.cmpi eq, %sub3A_2032, %eq3A_2045 : vector<16xi32>
    %select_n3A_2047 = arith.select %eq3A_2046, %masked_sort3A_1899, %masked_sort3A_1932 : vector<16xi1>, vector<16xi32>
    %select_n3A_2048 = arith.select %eq3A_2043, %masked_sort3A_1866, %select_n3A_2047 : vector<16xi1>, vector<16xi32>
    %add3A_2049 = arith.constant 128 : i32
    %add3A_2050 = arith.addi %mul3A_2, %add3A_2049 : i32
    %add3A_2051 = vector.broadcast %add3A_2050 : i32 to vector<16xi32>
    %add3A_2052 = arith.addi %add3A_2051, %shift_right_arithmetic3A_2028 : vector<16xi32>
    %swap3A_2053 = arith.constant 416 : index
    %swap3A_2054 = tpu.vector_load %arg8[%swap3A_2053] {strides = array<i32>} : memref<768xf32, #tpu.memory_space<vmem>>, vector<16xf32>,
    tpu.vector_store %arg8[%swap3A_2053], %select_n3A_2040 {strides = array<i32>} : memref<768xf32, #tpu.memory_space<vmem>>, vector<16xf32>,
    %swap3A_2055 = arith.constant 0 : i32
    %swap3A_2056 = arith.index_cast %swap3A_2055 : i32 to index
    %swap3A_2057 = arith.constant 416 : index
    %swap3A_2058 = tpu.vector_load %arg9[%swap3A_2056, %swap3A_2057] {strides = array<i32>} : memref<1x768xi32, #tpu.memory_space<vmem>>, vector<16xi32>,
    tpu.vector_store %arg9[%swap3A_2056, %swap3A_2057], %add3A_2052 {strides = array<i32>} : memref<1x768xi32, #tpu.memory_space<vmem>>, vector<16xi32>,
    %swap3A_2059 = arith.constant 0 : i32
    %swap3A_2060 = arith.index_cast %swap3A_2059 : i32 to index
    %swap3A_2061 = arith.constant 416 : index
    %swap3A_2062 = tpu.vector_load %arg10[%swap3A_2060, %swap3A_2061] {strides = array<i32>} : memref<1x768xi32, #tpu.memory_space<vmem>>, vector<16xi32>,
    tpu.vector_store %arg10[%swap3A_2060, %swap3A_2061], %select_n3A_2048 {strides = array<i32>} : memref<1x768xi32, #tpu.memory_space<vmem>>, vector<16xi32>,
    %mul3A_2063 = arith.constant 3 : i32
    %mul3A_2064 = vector.broadcast %mul3A_2063 : i32 to vector<16xi32>
    %mul3A_2065 = arith.muli %mul3A_2064, %iota3A : vector<16xi32>
    %add3A_2066 = arith.constant 0 : i32
    %add3A_2067 = vector.broadcast %add3A_2066 : i32 to vector<16xi32>
    %add3A_2068 = arith.addi %mul3A_2065, %add3A_2067 : vector<16xi32>
    %and3A_2069 = arith.constant 15 : i32
    %and3A_2070 = vector.broadcast %and3A_2069 : i32 to vector<16xi32>
    %and3A_2071 = arith.andi %add3A_2068, %and3A_2070 : vector<16xi32>
    %get3A_2072 = arith.constant 0 : i32
    %get3A_2073 = arith.index_cast %get3A_2072 : i32 to index
    %get3A_2074 = arith.constant 144 : index
    %get3A_2075 = tpu.vector_load %arg6[%get3A_2073, %get3A_2074] {strides = array<i32>} : memref<3x256xf32, #tpu.memory_space<vmem>>, vector<16xf32>,
    %masked_sort3A_2076 = arith.constant dense<true> : vector<16xi1>
    %masked_sort3A_2077 = arith.constant -2147483648 : i32
    %masked_sort3A_2078 = vector.broadcast %masked_sort3A_2077 : i32 to vector<16xi32>
    %masked_sort3A_2079 = arith.xori %and3A_2071, %masked_sort3A_2078 : vector<16xi32>
    %masked_sort3A_2080, %masked_sort3A_2081, %masked_sort3A_2082 = tpu.sort %masked_sort3A_2079, %get3A_2075 masked %masked_sort3A_2076 : (vector<16xi32>, vector<16xf32>, vector<16xi1>) -> (vector<16xi1>, vector<16xi32>, vector<16xf32>)
    %masked_sort3A_2083 = arith.xori %masked_sort3A_2081, %masked_sort3A_2078 : vector<16xi32>
    %get3A_2084 = arith.constant 0 : i32
    %get3A_2085 = arith.index_cast %get3A_2084 : i32 to index
    %get3A_2086 = arith.constant 144 : index
    %get3A_2087 = tpu.vector_load %arg7[%get3A_2085, %get3A_2086] {strides = array<i32>} : memref<3x256xi32, #tpu.memory_space<vmem>>, vector<16xi32>,
    %masked_sort3A_2088 = arith.constant dense<true> : vector<16xi1>
    %masked_sort3A_2089 = arith.constant -2147483648 : i32
    %masked_sort3A_2090 = vector.broadcast %masked_sort3A_2089 : i32 to vector<16xi32>
    %masked_sort3A_2091 = arith.xori %and3A_2071, %masked_sort3A_2090 : vector<16xi32>
    %masked_sort3A_2092, %masked_sort3A_2093, %masked_sort3A_2094 = tpu.sort %masked_sort3A_2091, %get3A_2087 masked %masked_sort3A_2088 : (vector<16xi32>, vector<16xi32>, vector<16xi1>) -> (vector<16xi1>, vector<16xi32>, vector<16xi32>)
    %masked_sort3A_2095 = arith.xori %masked_sort3A_2093, %masked_sort3A_2090 : vector<16xi32>
    %mul3A_2096 = arith.constant 3 : i32
    %mul3A_2097 = vector.broadcast %mul3A_2096 : i32 to vector<16xi32>
    %mul3A_2098 = arith.muli %mul3A_2097, %iota3A : vector<16xi32>
    %add3A_2099 = arith.constant 1 : i32
    %add3A_2100 = vector.broadcast %add3A_2099 : i32 to vector<16xi32>
    %add3A_2101 = arith.addi %mul3A_2098, %add3A_2100 : vector<16xi32>
    %and3A_2102 = arith.constant 15 : i32
    %and3A_2103 = vector.broadcast %and3A_2102 : i32 to vector<16xi32>
    %and3A_2104 = arith.andi %add3A_2101, %and3A_2103 : vector<16xi32>
    %get3A_2105 = arith.constant 1 : i32
    %get3A_2106 = arith.index_cast %get3A_2105 : i32 to index
    %get3A_2107 = arith.constant 144 : index
    %get3A_2108 = tpu.vector_load %arg6[%get3A_2106, %get3A_2107] {strides = array<i32>} : memref<3x256xf32, #tpu.memory_space<vmem>>, vector<16xf32>,
    %masked_sort3A_2109 = arith.constant dense<true> : vector<16xi1>
    %masked_sort3A_2110 = arith.constant -2147483648 : i32
    %masked_sort3A_2111 = vector.broadcast %masked_sort3A_2110 : i32 to vector<16xi32>
    %masked_sort3A_2112 = arith.xori %and3A_2104, %masked_sort3A_2111 : vector<16xi32>
    %masked_sort3A_2113, %masked_sort3A_2114, %masked_sort3A_2115 = tpu.sort %masked_sort3A_2112, %get3A_2108 masked %masked_sort3A_2109 : (vector<16xi32>, vector<16xf32>, vector<16xi1>) -> (vector<16xi1>, vector<16xi32>, vector<16xf32>)
    %masked_sort3A_2116 = arith.xori %masked_sort3A_2114, %masked_sort3A_2111 : vector<16xi32>
    %get3A_2117 = arith.constant 1 : i32
    %get3A_2118 = arith.index_cast %get3A_2117 : i32 to index
    %get3A_2119 = arith.constant 144 : index
    %get3A_2120 = tpu.vector_load %arg7[%get3A_2118, %get3A_2119] {strides = array<i32>} : memref<3x256xi32, #tpu.memory_space<vmem>>, vector<16xi32>,
    %masked_sort3A_2121 = arith.constant dense<true> : vector<16xi1>
    %masked_sort3A_2122 = arith.constant -2147483648 : i32
    %masked_sort3A_2123 = vector.broadcast %masked_sort3A_2122 : i32 to vector<16xi32>
    %masked_sort3A_2124 = arith.xori %and3A_2104, %masked_sort3A_2123 : vector<16xi32>
    %masked_sort3A_2125, %masked_sort3A_2126, %masked_sort3A_2127 = tpu.sort %masked_sort3A_2124, %get3A_2120 masked %masked_sort3A_2121 : (vector<16xi32>, vector<16xi32>, vector<16xi1>) -> (vector<16xi1>, vector<16xi32>, vector<16xi32>)
    %masked_sort3A_2128 = arith.xori %masked_sort3A_2126, %masked_sort3A_2123 : vector<16xi32>
    %mul3A_2129 = arith.constant 3 : i32
    %mul3A_2130 = vector.broadcast %mul3A_2129 : i32 to vector<16xi32>
    %mul3A_2131 = arith.muli %mul3A_2130, %iota3A : vector<16xi32>
    %add3A_2132 = arith.constant 2 : i32
    %add3A_2133 = vector.broadcast %add3A_2132 : i32 to vector<16xi32>
    %add3A_2134 = arith.addi %mul3A_2131, %add3A_2133 : vector<16xi32>
    %and3A_2135 = arith.constant 15 : i32
    %and3A_2136 = vector.broadcast %and3A_2135 : i32 to vector<16xi32>
    %and3A_2137 = arith.andi %add3A_2134, %and3A_2136 : vector<16xi32>
    %get3A_2138 = arith.constant 2 : i32
    %get3A_2139 = arith.index_cast %get3A_2138 : i32 to index
    %get3A_2140 = arith.constant 144 : index
    %get3A_2141 = tpu.vector_load %arg6[%get3A_2139, %get3A_2140] {strides = array<i32>} : memref<3x256xf32, #tpu.memory_space<vmem>>, vector<16xf32>,
    %masked_sort3A_2142 = arith.constant dense<true> : vector<16xi1>
    %masked_sort3A_2143 = arith.constant -2147483648 : i32
    %masked_sort3A_2144 = vector.broadcast %masked_sort3A_2143 : i32 to vector<16xi32>
    %masked_sort3A_2145 = arith.xori %and3A_2137, %masked_sort3A_2144 : vector<16xi32>
    %masked_sort3A_2146, %masked_sort3A_2147, %masked_sort3A_2148 = tpu.sort %masked_sort3A_2145, %get3A_2141 masked %masked_sort3A_2142 : (vector<16xi32>, vector<16xf32>, vector<16xi1>) -> (vector<16xi1>, vector<16xi32>, vector<16xf32>)
    %masked_sort3A_2149 = arith.xori %masked_sort3A_2147, %masked_sort3A_2144 : vector<16xi32>
    %get3A_2150 = arith.constant 2 : i32
    %get3A_2151 = arith.index_cast %get3A_2150 : i32 to index
    %get3A_2152 = arith.constant 144 : index
    %get3A_2153 = tpu.vector_load %arg7[%get3A_2151, %get3A_2152] {strides = array<i32>} : memref<3x256xi32, #tpu.memory_space<vmem>>, vector<16xi32>,
    %masked_sort3A_2154 = arith.constant dense<true> : vector<16xi1>
    %masked_sort3A_2155 = arith.constant -2147483648 : i32
    %masked_sort3A_2156 = vector.broadcast %masked_sort3A_2155 : i32 to vector<16xi32>
    %masked_sort3A_2157 = arith.xori %and3A_2137, %masked_sort3A_2156 : vector<16xi32>
    %masked_sort3A_2158, %masked_sort3A_2159, %masked_sort3A_2160 = tpu.sort %masked_sort3A_2157, %get3A_2153 masked %masked_sort3A_2154 : (vector<16xi32>, vector<16xi32>, vector<16xi1>) -> (vector<16xi1>, vector<16xi32>, vector<16xi32>)
    %masked_sort3A_2161 = arith.xori %masked_sort3A_2159, %masked_sort3A_2156 : vector<16xi32>
    %add3A_2162 = arith.constant 0 : i32
    %add3A_2163 = vector.broadcast %add3A_2162 : i32 to vector<16xi32>
    %add3A_2164 = arith.addi %add3A_2163, %iota3A : vector<16xi32>
    %mul3A_2165 = arith.constant 21846 : i32
    %mul3A_2166 = vector.broadcast %mul3A_2165 : i32 to vector<16xi32>
    %mul3A_2167 = arith.muli %add3A_2164, %mul3A_2166 : vector<16xi32>
    %shift_right_arithmetic3A_2168 = arith.constant 16 : i32
    %shift_right_arithmetic3A_2169 = vector.broadcast %shift_right_arithmetic3A_2168 : i32 to vector<16xi32>
    %shift_right_arithmetic3A_2170 = arith.shrsi %mul3A_2167, %shift_right_arithmetic3A_2169 : vector<16xi32>
    %mul3A_2171 = arith.constant 3 : i32
    %mul3A_2172 = vector.broadcast %mul3A_2171 : i32 to vector<16xi32>
    %mul3A_2173 = arith.muli %mul3A_2172, %shift_right_arithmetic3A_2170 : vector<16xi32>
    %sub3A_2174 = arith.subi %add3A_2164, %mul3A_2173 : vector<16xi32>
    %eq3A_2175 = arith.constant 0 : i32
    %eq3A_2176 = vector.broadcast %eq3A_2175 : i32 to vector<16xi32>
    %eq3A_2177 = arith.cmpi eq, %sub3A_2174, %eq3A_2176 : vector<16xi32>
    %eq3A_2178 = arith.constant 1 : i32
    %eq3A_2179 = vector.broadcast %eq3A_2178 : i32 to vector<16xi32>
    %eq3A_2180 = arith.cmpi eq, %sub3A_2174, %eq3A_2179 : vector<16xi32>
    %select_n3A_2181 = arith.select %eq3A_2180, %masked_sort3A_2115, %masked_sort3A_2148 : vector<16xi1>, vector<16xf32>
    %select_n3A_2182 = arith.select %eq3A_2177, %masked_sort3A_2082, %select_n3A_2181 : vector<16xi1>, vector<16xf32>
    %eq3A_2183 = arith.constant 0 : i32
    %eq3A_2184 = vector.broadcast %eq3A_2183 : i32 to vector<16xi32>
    %eq3A_2185 = arith.cmpi eq, %sub3A_2174, %eq3A_2184 : vector<16xi32>
    %eq3A_2186 = arith.constant 1 : i32
    %eq3A_2187 = vector.broadcast %eq3A_2186 : i32 to vector<16xi32>
    %eq3A_2188 = arith.cmpi eq, %sub3A_2174, %eq3A_2187 : vector<16xi32>
    %select_n3A_2189 = arith.select %eq3A_2188, %masked_sort3A_2127, %masked_sort3A_2160 : vector<16xi1>, vector<16xi32>
    %select_n3A_2190 = arith.select %eq3A_2185, %masked_sort3A_2094, %select_n3A_2189 : vector<16xi1>, vector<16xi32>
    %add3A_2191 = arith.constant 144 : i32
    %add3A_2192 = arith.addi %mul3A_2, %add3A_2191 : i32
    %add3A_2193 = vector.broadcast %add3A_2192 : i32 to vector<16xi32>
    %add3A_2194 = arith.addi %add3A_2193, %shift_right_arithmetic3A_2170 : vector<16xi32>
    %swap3A_2195 = arith.constant 432 : index
    %swap3A_2196 = tpu.vector_load %arg8[%swap3A_2195] {strides = array<i32>} : memref<768xf32, #tpu.memory_space<vmem>>, vector<16xf32>,
    tpu.vector_store %arg8[%swap3A_2195], %select_n3A_2182 {strides = array<i32>} : memref<768xf32, #tpu.memory_space<vmem>>, vector<16xf32>,
    %swap3A_2197 = arith.constant 0 : i32
    %swap3A_2198 = arith.index_cast %swap3A_2197 : i32 to index
    %swap3A_2199 = arith.constant 432 : index
    %swap3A_2200 = tpu.vector_load %arg9[%swap3A_2198, %swap3A_2199] {strides = array<i32>} : memref<1x768xi32, #tpu.memory_space<vmem>>, vector<16xi32>,
    tpu.vector_store %arg9[%swap3A_2198, %swap3A_2199], %add3A_2194 {strides = array<i32>} : memref<1x768xi32, #tpu.memory_space<vmem>>, vector<16xi32>,
    %swap3A_2201 = arith.constant 0 : i32
    %swap3A_2202 = arith.index_cast %swap3A_2201 : i32 to index
    %swap3A_2203 = arith.constant 432 : index
    %swap3A_2204 = tpu.vector_load %arg10[%swap3A_2202, %swap3A_2203] {strides = array<i32>} : memref<1x768xi32, #tpu.memory_space<vmem>>, vector<16xi32>,
    tpu.vector_store %arg10[%swap3A_2202, %swap3A_2203], %select_n3A_2190 {strides = array<i32>} : memref<1x768xi32, #tpu.memory_space<vmem>>, vector<16xi32>,
    %add3A_2205 = arith.constant 16 : i32
    %add3A_2206 = vector.broadcast %add3A_2205 : i32 to vector<16xi32>
    %add3A_2207 = arith.addi %add3A_2206, %iota3A : vector<16xi32>
    %mul3A_2208 = arith.constant 21846 : i32
    %mul3A_2209 = vector.broadcast %mul3A_2208 : i32 to vector<16xi32>
    %mul3A_2210 = arith.muli %add3A_2207, %mul3A_2209 : vector<16xi32>
    %shift_right_arithmetic3A_2211 = arith.constant 16 : i32
    %shift_right_arithmetic3A_2212 = vector.broadcast %shift_right_arithmetic3A_2211 : i32 to vector<16xi32>
    %shift_right_arithmetic3A_2213 = arith.shrsi %mul3A_2210, %shift_right_arithmetic3A_2212 : vector<16xi32>
    %mul3A_2214 = arith.constant 3 : i32
    %mul3A_2215 = vector.broadcast %mul3A_2214 : i32 to vector<16xi32>
    %mul3A_2216 = arith.muli %mul3A_2215, %shift_right_arithmetic3A_2213 : vector<16xi32>
    %sub3A_2217 = arith.subi %add3A_2207, %mul3A_2216 : vector<16xi32>
    %eq3A_2218 = arith.constant 0 : i32
    %eq3A_2219 = vector.broadcast %eq3A_2218 : i32 to vector<16xi32>
    %eq3A_2220 = arith.cmpi eq, %sub3A_2217, %eq3A_2219 : vector<16xi32>
    %eq3A_2221 = arith.constant 1 : i32
    %eq3A_2222 = vector.broadcast %eq3A_2221 : i32 to vector<16xi32>
    %eq3A_2223 = arith.cmpi eq, %sub3A_2217, %eq3A_2222 : vector<16xi32>
    %select_n3A_2224 = arith.select %eq3A_2223, %masked_sort3A_2115, %masked_sort3A_2148 : vector<16xi1>, vector<16xf32>
    %select_n3A_2225 = arith.select %eq3A_2220, %masked_sort3A_2082, %select_n3A_2224 : vector<16xi1>, vector<16xf32>
    %eq3A_2226 = arith.constant 0 : i32
    %eq3A_2227 = vector.broadcast %eq3A_2226 : i32 to vector<16xi32>
    %eq3A_2228 = arith.cmpi eq, %sub3A_2217, %eq3A_2227 : vector<16xi32>
    %eq3A_2229 = arith.constant 1 : i32
    %eq3A_2230 = vector.broadcast %eq3A_2229 : i32 to vector<16xi32>
    %eq3A_2231 = arith.cmpi eq, %sub3A_2217, %eq3A_2230 : vector<16xi32>
    %select_n3A_2232 = arith.select %eq3A_2231, %masked_sort3A_2127, %masked_sort3A_2160 : vector<16xi1>, vector<16xi32>
    %select_n3A_2233 = arith.select %eq3A_2228, %masked_sort3A_2094, %select_n3A_2232 : vector<16xi1>, vector<16xi32>
    %add3A_2234 = arith.constant 144 : i32
    %add3A_2235 = arith.addi %mul3A_2, %add3A_2234 : i32
    %add3A_2236 = vector.broadcast %add3A_2235 : i32 to vector<16xi32>
    %add3A_2237 = arith.addi %add3A_2236, %shift_right_arithmetic3A_2213 : vector<16xi32>
    %swap3A_2238 = arith.constant 448 : index
    %swap3A_2239 = tpu.vector_load %arg8[%swap3A_2238] {strides = array<i32>} : memref<768xf32, #tpu.memory_space<vmem>>, vector<16xf32>,
    tpu.vector_store %arg8[%swap3A_2238], %select_n3A_2225 {strides = array<i32>} : memref<768xf32, #tpu.memory_space<vmem>>, vector<16xf32>,
    %swap3A_2240 = arith.constant 0 : i32
    %swap3A_2241 = arith.index_cast %swap3A_2240 : i32 to index
    %swap3A_2242 = arith.constant 448 : index
    %swap3A_2243 = tpu.vector_load %arg9[%swap3A_2241, %swap3A_2242] {strides = array<i32>} : memref<1x768xi32, #tpu.memory_space<vmem>>, vector<16xi32>,
    tpu.vector_store %arg9[%swap3A_2241, %swap3A_2242], %add3A_2237 {strides = array<i32>} : memref<1x768xi32, #tpu.memory_space<vmem>>, vector<16xi32>,
    %swap3A_2244 = arith.constant 0 : i32
    %swap3A_2245 = arith.index_cast %swap3A_2244 : i32 to index
    %swap3A_2246 = arith.constant 448 : index
    %swap3A_2247 = tpu.vector_load %arg10[%swap3A_2245, %swap3A_2246] {strides = array<i32>} : memref<1x768xi32, #tpu.memory_space<vmem>>, vector<16xi32>,
    tpu.vector_store %arg10[%swap3A_2245, %swap3A_2246], %select_n3A_2233 {strides = array<i32>} : memref<1x768xi32, #tpu.memory_space<vmem>>, vector<16xi32>,
    %add3A_2248 = arith.constant 32 : i32
    %add3A_2249 = vector.broadcast %add3A_2248 : i32 to vector<16xi32>
    %add3A_2250 = arith.addi %add3A_2249, %iota3A : vector<16xi32>
    %mul3A_2251 = arith.constant 21846 : i32
    %mul3A_2252 = vector.broadcast %mul3A_2251 : i32 to vector<16xi32>
    %mul3A_2253 = arith.muli %add3A_2250, %mul3A_2252 : vector<16xi32>
    %shift_right_arithmetic3A_2254 = arith.constant 16 : i32
    %shift_right_arithmetic3A_2255 = vector.broadcast %shift_right_arithmetic3A_2254 : i32 to vector<16xi32>
    %shift_right_arithmetic3A_2256 = arith.shrsi %mul3A_2253, %shift_right_arithmetic3A_2255 : vector<16xi32>
    %mul3A_2257 = arith.constant 3 : i32
    %mul3A_2258 = vector.broadcast %mul3A_2257 : i32 to vector<16xi32>
    %mul3A_2259 = arith.muli %mul3A_2258, %shift_right_arithmetic3A_2256 : vector<16xi32>
    %sub3A_2260 = arith.subi %add3A_2250, %mul3A_2259 : vector<16xi32>
    %eq3A_2261 = arith.constant 0 : i32
    %eq3A_2262 = vector.broadcast %eq3A_2261 : i32 to vector<16xi32>
    %eq3A_2263 = arith.cmpi eq, %sub3A_2260, %eq3A_2262 : vector<16xi32>
    %eq3A_2264 = arith.constant 1 : i32
    %eq3A_2265 = vector.broadcast %eq3A_2264 : i32 to vector<16xi32>
    %eq3A_2266 = arith.cmpi eq, %sub3A_2260, %eq3A_2265 : vector<16xi32>
    %select_n3A_2267 = arith.select %eq3A_2266, %masked_sort3A_2115, %masked_sort3A_2148 : vector<16xi1>, vector<16xf32>
    %select_n3A_2268 = arith.select %eq3A_2263, %masked_sort3A_2082, %select_n3A_2267 : vector<16xi1>, vector<16xf32>
    %eq3A_2269 = arith.constant 0 : i32
    %eq3A_2270 = vector.broadcast %eq3A_2269 : i32 to vector<16xi32>
    %eq3A_2271 = arith.cmpi eq, %sub3A_2260, %eq3A_2270 : vector<16xi32>
    %eq3A_2272 = arith.constant 1 : i32
    %eq3A_2273 = vector.broadcast %eq3A_2272 : i32 to vector<16xi32>
    %eq3A_2274 = arith.cmpi eq, %sub3A_2260, %eq3A_2273 : vector<16xi32>
    %select_n3A_2275 = arith.select %eq3A_2274, %masked_sort3A_2127, %masked_sort3A_2160 : vector<16xi1>, vector<16xi32>
    %select_n3A_2276 = arith.select %eq3A_2271, %masked_sort3A_2094, %select_n3A_2275 : vector<16xi1>, vector<16xi32>
    %add3A_2277 = arith.constant 144 : i32
    %add3A_2278 = arith.addi %mul3A_2, %add3A_2277 : i32
    %add3A_2279 = vector.broadcast %add3A_2278 : i32 to vector<16xi32>
    %add3A_2280 = arith.addi %add3A_2279, %shift_right_arithmetic3A_2256 : vector<16xi32>
    %swap3A_2281 = arith.constant 464 : index
    %swap3A_2282 = tpu.vector_load %arg8[%swap3A_2281] {strides = array<i32>} : memref<768xf32, #tpu.memory_space<vmem>>, vector<16xf32>,
    tpu.vector_store %arg8[%swap3A_2281], %select_n3A_2268 {strides = array<i32>} : memref<768xf32, #tpu.memory_space<vmem>>, vector<16xf32>,
    %swap3A_2283 = arith.constant 0 : i32
    %swap3A_2284 = arith.index_cast %swap3A_2283 : i32 to index
    %swap3A_2285 = arith.constant 464 : index
    %swap3A_2286 = tpu.vector_load %arg9[%swap3A_2284, %swap3A_2285] {strides = array<i32>} : memref<1x768xi32, #tpu.memory_space<vmem>>, vector<16xi32>,
    tpu.vector_store %arg9[%swap3A_2284, %swap3A_2285], %add3A_2280 {strides = array<i32>} : memref<1x768xi32, #tpu.memory_space<vmem>>, vector<16xi32>,
    %swap3A_2287 = arith.constant 0 : i32
    %swap3A_2288 = arith.index_cast %swap3A_2287 : i32 to index
    %swap3A_2289 = arith.constant 464 : index
    %swap3A_2290 = tpu.vector_load %arg10[%swap3A_2288, %swap3A_2289] {strides = array<i32>} : memref<1x768xi32, #tpu.memory_space<vmem>>, vector<16xi32>,
    tpu.vector_store %arg10[%swap3A_2288, %swap3A_2289], %select_n3A_2276 {strides = array<i32>} : memref<1x768xi32, #tpu.memory_space<vmem>>, vector<16xi32>,
    %mul3A_2291 = arith.constant 3 : i32
    %mul3A_2292 = vector.broadcast %mul3A_2291 : i32 to vector<16xi32>
    %mul3A_2293 = arith.muli %mul3A_2292, %iota3A : vector<16xi32>
    %add3A_2294 = arith.constant 0 : i32
    %add3A_2295 = vector.broadcast %add3A_2294 : i32 to vector<16xi32>
    %add3A_2296 = arith.addi %mul3A_2293, %add3A_2295 : vector<16xi32>
    %and3A_2297 = arith.constant 15 : i32
    %and3A_2298 = vector.broadcast %and3A_2297 : i32 to vector<16xi32>
    %and3A_2299 = arith.andi %add3A_2296, %and3A_2298 : vector<16xi32>
    %get3A_2300 = arith.constant 0 : i32
    %get3A_2301 = arith.index_cast %get3A_2300 : i32 to index
    %get3A_2302 = arith.constant 160 : index
    %get3A_2303 = tpu.vector_load %arg6[%get3A_2301, %get3A_2302] {strides = array<i32>} : memref<3x256xf32, #tpu.memory_space<vmem>>, vector<16xf32>,
    %masked_sort3A_2304 = arith.constant dense<true> : vector<16xi1>
    %masked_sort3A_2305 = arith.constant -2147483648 : i32
    %masked_sort3A_2306 = vector.broadcast %masked_sort3A_2305 : i32 to vector<16xi32>
    %masked_sort3A_2307 = arith.xori %and3A_2299, %masked_sort3A_2306 : vector<16xi32>
    %masked_sort3A_2308, %masked_sort3A_2309, %masked_sort3A_2310 = tpu.sort %masked_sort3A_2307, %get3A_2303 masked %masked_sort3A_2304 : (vector<16xi32>, vector<16xf32>, vector<16xi1>) -> (vector<16xi1>, vector<16xi32>, vector<16xf32>)
    %masked_sort3A_2311 = arith.xori %masked_sort3A_2309, %masked_sort3A_2306 : vector<16xi32>
    %get3A_2312 = arith.constant 0 : i32
    %get3A_2313 = arith.index_cast %get3A_2312 : i32 to index
    %get3A_2314 = arith.constant 160 : index
    %get3A_2315 = tpu.vector_load %arg7[%get3A_2313, %get3A_2314] {strides = array<i32>} : memref<3x256xi32, #tpu.memory_space<vmem>>, vector<16xi32>,
    %masked_sort3A_2316 = arith.constant dense<true> : vector<16xi1>
    %masked_sort3A_2317 = arith.constant -2147483648 : i32
    %masked_sort3A_2318 = vector.broadcast %masked_sort3A_2317 : i32 to vector<16xi32>
    %masked_sort3A_2319 = arith.xori %and3A_2299, %masked_sort3A_2318 : vector<16xi32>
    %masked_sort3A_2320, %masked_sort3A_2321, %masked_sort3A_2322 = tpu.sort %masked_sort3A_2319, %get3A_2315 masked %masked_sort3A_2316 : (vector<16xi32>, vector<16xi32>, vector<16xi1>) -> (vector<16xi1>, vector<16xi32>, vector<16xi32>)
    %masked_sort3A_2323 = arith.xori %masked_sort3A_2321, %masked_sort3A_2318 : vector<16xi32>
    %mul3A_2324 = arith.constant 3 : i32
    %mul3A_2325 = vector.broadcast %mul3A_2324 : i32 to vector<16xi32>
    %mul3A_2326 = arith.muli %mul3A_2325, %iota3A : vector<16xi32>
    %add3A_2327 = arith.constant 1 : i32
    %add3A_2328 = vector.broadcast %add3A_2327 : i32 to vector<16xi32>
    %add3A_2329 = arith.addi %mul3A_2326, %add3A_2328 : vector<16xi32>
    %and3A_2330 = arith.constant 15 : i32
    %and3A_2331 = vector.broadcast %and3A_2330 : i32 to vector<16xi32>
    %and3A_2332 = arith.andi %add3A_2329, %and3A_2331 : vector<16xi32>
    %get3A_2333 = arith.constant 1 : i32
    %get3A_2334 = arith.index_cast %get3A_2333 : i32 to index
    %get3A_2335 = arith.constant 160 : index
    %get3A_2336 = tpu.vector_load %arg6[%get3A_2334, %get3A_2335] {strides = array<i32>} : memref<3x256xf32, #tpu.memory_space<vmem>>, vector<16xf32>,
    %masked_sort3A_2337 = arith.constant dense<true> : vector<16xi1>
    %masked_sort3A_2338 = arith.constant -2147483648 : i32
    %masked_sort3A_2339 = vector.broadcast %masked_sort3A_2338 : i32 to vector<16xi32>
    %masked_sort3A_2340 = arith.xori %and3A_2332, %masked_sort3A_2339 : vector<16xi32>
    %masked_sort3A_2341, %masked_sort3A_2342, %masked_sort3A_2343 = tpu.sort %masked_sort3A_2340, %get3A_2336 masked %masked_sort3A_2337 : (vector<16xi32>, vector<16xf32>, vector<16xi1>) -> (vector<16xi1>, vector<16xi32>, vector<16xf32>)
    %masked_sort3A_2344 = arith.xori %masked_sort3A_2342, %masked_sort3A_2339 : vector<16xi32>
    %get3A_2345 = arith.constant 1 : i32
    %get3A_2346 = arith.index_cast %get3A_2345 : i32 to index
    %get3A_2347 = arith.constant 160 : index
    %get3A_2348 = tpu.vector_load %arg7[%get3A_2346, %get3A_2347] {strides = array<i32>} : memref<3x256xi32, #tpu.memory_space<vmem>>, vector<16xi32>,
    %masked_sort3A_2349 = arith.constant dense<true> : vector<16xi1>
    %masked_sort3A_2350 = arith.constant -2147483648 : i32
    %masked_sort3A_2351 = vector.broadcast %masked_sort3A_2350 : i32 to vector<16xi32>
    %masked_sort3A_2352 = arith.xori %and3A_2332, %masked_sort3A_2351 : vector<16xi32>
    %masked_sort3A_2353, %masked_sort3A_2354, %masked_sort3A_2355 = tpu.sort %masked_sort3A_2352, %get3A_2348 masked %masked_sort3A_2349 : (vector<16xi32>, vector<16xi32>, vector<16xi1>) -> (vector<16xi1>, vector<16xi32>, vector<16xi32>)
    %masked_sort3A_2356 = arith.xori %masked_sort3A_2354, %masked_sort3A_2351 : vector<16xi32>
    %mul3A_2357 = arith.constant 3 : i32
    %mul3A_2358 = vector.broadcast %mul3A_2357 : i32 to vector<16xi32>
    %mul3A_2359 = arith.muli %mul3A_2358, %iota3A : vector<16xi32>
    %add3A_2360 = arith.constant 2 : i32
    %add3A_2361 = vector.broadcast %add3A_2360 : i32 to vector<16xi32>
    %add3A_2362 = arith.addi %mul3A_2359, %add3A_2361 : vector<16xi32>
    %and3A_2363 = arith.constant 15 : i32
    %and3A_2364 = vector.broadcast %and3A_2363 : i32 to vector<16xi32>
    %and3A_2365 = arith.andi %add3A_2362, %and3A_2364 : vector<16xi32>
    %get3A_2366 = arith.constant 2 : i32
    %get3A_2367 = arith.index_cast %get3A_2366 : i32 to index
    %get3A_2368 = arith.constant 160 : index
    %get3A_2369 = tpu.vector_load %arg6[%get3A_2367, %get3A_2368] {strides = array<i32>} : memref<3x256xf32, #tpu.memory_space<vmem>>, vector<16xf32>,
    %masked_sort3A_2370 = arith.constant dense<true> : vector<16xi1>
    %masked_sort3A_2371 = arith.constant -2147483648 : i32
    %masked_sort3A_2372 = vector.broadcast %masked_sort3A_2371 : i32 to vector<16xi32>
    %masked_sort3A_2373 = arith.xori %and3A_2365, %masked_sort3A_2372 : vector<16xi32>
    %masked_sort3A_2374, %masked_sort3A_2375, %masked_sort3A_2376 = tpu.sort %masked_sort3A_2373, %get3A_2369 masked %masked_sort3A_2370 : (vector<16xi32>, vector<16xf32>, vector<16xi1>) -> (vector<16xi1>, vector<16xi32>, vector<16xf32>)
    %masked_sort3A_2377 = arith.xori %masked_sort3A_2375, %masked_sort3A_2372 : vector<16xi32>
    %get3A_2378 = arith.constant 2 : i32
    %get3A_2379 = arith.index_cast %get3A_2378 : i32 to index
    %get3A_2380 = arith.constant 160 : index
    %get3A_2381 = tpu.vector_load %arg7[%get3A_2379, %get3A_2380] {strides = array<i32>} : memref<3x256xi32, #tpu.memory_space<vmem>>, vector<16xi32>,
    %masked_sort3A_2382 = arith.constant dense<true> : vector<16xi1>
    %masked_sort3A_2383 = arith.constant -2147483648 : i32
    %masked_sort3A_2384 = vector.broadcast %masked_sort3A_2383 : i32 to vector<16xi32>
    %masked_sort3A_2385 = arith.xori %and3A_2365, %masked_sort3A_2384 : vector<16xi32>
    %masked_sort3A_2386, %masked_sort3A_2387, %masked_sort3A_2388 = tpu.sort %masked_sort3A_2385, %get3A_2381 masked %masked_sort3A_2382 : (vector<16xi32>, vector<16xi32>, vector<16xi1>) -> (vector<16xi1>, vector<16xi32>, vector<16xi32>)
    %masked_sort3A_2389 = arith.xori %masked_sort3A_2387, %masked_sort3A_2384 : vector<16xi32>
    %add3A_2390 = arith.constant 0 : i32
    %add3A_2391 = vector.broadcast %add3A_2390 : i32 to vector<16xi32>
    %add3A_2392 = arith.addi %add3A_2391, %iota3A : vector<16xi32>
    %mul3A_2393 = arith.constant 21846 : i32
    %mul3A_2394 = vector.broadcast %mul3A_2393 : i32 to vector<16xi32>
    %mul3A_2395 = arith.muli %add3A_2392, %mul3A_2394 : vector<16xi32>
    %shift_right_arithmetic3A_2396 = arith.constant 16 : i32
    %shift_right_arithmetic3A_2397 = vector.broadcast %shift_right_arithmetic3A_2396 : i32 to vector<16xi32>
    %shift_right_arithmetic3A_2398 = arith.shrsi %mul3A_2395, %shift_right_arithmetic3A_2397 : vector<16xi32>
    %mul3A_2399 = arith.constant 3 : i32
    %mul3A_2400 = vector.broadcast %mul3A_2399 : i32 to vector<16xi32>
    %mul3A_2401 = arith.muli %mul3A_2400, %shift_right_arithmetic3A_2398 : vector<16xi32>
    %sub3A_2402 = arith.subi %add3A_2392, %mul3A_2401 : vector<16xi32>
    %eq3A_2403 = arith.constant 0 : i32
    %eq3A_2404 = vector.broadcast %eq3A_2403 : i32 to vector<16xi32>
    %eq3A_2405 = arith.cmpi eq, %sub3A_2402, %eq3A_2404 : vector<16xi32>
    %eq3A_2406 = arith.constant 1 : i32
    %eq3A_2407 = vector.broadcast %eq3A_2406 : i32 to vector<16xi32>
    %eq3A_2408 = arith.cmpi eq, %sub3A_2402, %eq3A_2407 : vector<16xi32>
    %select_n3A_2409 = arith.select %eq3A_2408, %masked_sort3A_2343, %masked_sort3A_2376 : vector<16xi1>, vector<16xf32>
    %select_n3A_2410 = arith.select %eq3A_2405, %masked_sort3A_2310, %select_n3A_2409 : vector<16xi1>, vector<16xf32>
    %eq3A_2411 = arith.constant 0 : i32
    %eq3A_2412 = vector.broadcast %eq3A_2411 : i32 to vector<16xi32>
    %eq3A_2413 = arith.cmpi eq, %sub3A_2402, %eq3A_2412 : vector<16xi32>
    %eq3A_2414 = arith.constant 1 : i32
    %eq3A_2415 = vector.broadcast %eq3A_2414 : i32 to vector<16xi32>
    %eq3A_2416 = arith.cmpi eq, %sub3A_2402, %eq3A_2415 : vector<16xi32>
    %select_n3A_2417 = arith.select %eq3A_2416, %masked_sort3A_2355, %masked_sort3A_2388 : vector<16xi1>, vector<16xi32>
    %select_n3A_2418 = arith.select %eq3A_2413, %masked_sort3A_2322, %select_n3A_2417 : vector<16xi1>, vector<16xi32>
    %add3A_2419 = arith.constant 160 : i32
    %add3A_2420 = arith.addi %mul3A_2, %add3A_2419 : i32
    %add3A_2421 = vector.broadcast %add3A_2420 : i32 to vector<16xi32>
    %add3A_2422 = arith.addi %add3A_2421, %shift_right_arithmetic3A_2398 : vector<16xi32>
    %swap3A_2423 = arith.constant 480 : index
    %swap3A_2424 = tpu.vector_load %arg8[%swap3A_2423] {strides = array<i32>} : memref<768xf32, #tpu.memory_space<vmem>>, vector<16xf32>,
    tpu.vector_store %arg8[%swap3A_2423], %select_n3A_2410 {strides = array<i32>} : memref<768xf32, #tpu.memory_space<vmem>>, vector<16xf32>,
    %swap3A_2425 = arith.constant 0 : i32
    %swap3A_2426 = arith.index_cast %swap3A_2425 : i32 to index
    %swap3A_2427 = arith.constant 480 : index
    %swap3A_2428 = tpu.vector_load %arg9[%swap3A_2426, %swap3A_2427] {strides = array<i32>} : memref<1x768xi32, #tpu.memory_space<vmem>>, vector<16xi32>,
    tpu.vector_store %arg9[%swap3A_2426, %swap3A_2427], %add3A_2422 {strides = array<i32>} : memref<1x768xi32, #tpu.memory_space<vmem>>, vector<16xi32>,
    %swap3A_2429 = arith.constant 0 : i32
    %swap3A_2430 = arith.index_cast %swap3A_2429 : i32 to index
    %swap3A_2431 = arith.constant 480 : index
    %swap3A_2432 = tpu.vector_load %arg10[%swap3A_2430, %swap3A_2431] {strides = array<i32>} : memref<1x768xi32, #tpu.memory_space<vmem>>, vector<16xi32>,
    tpu.vector_store %arg10[%swap3A_2430, %swap3A_2431], %select_n3A_2418 {strides = array<i32>} : memref<1x768xi32, #tpu.memory_space<vmem>>, vector<16xi32>,
    %add3A_2433 = arith.constant 16 : i32
    %add3A_2434 = vector.broadcast %add3A_2433 : i32 to vector<16xi32>
    %add3A_2435 = arith.addi %add3A_2434, %iota3A : vector<16xi32>
    %mul3A_2436 = arith.constant 21846 : i32
    %mul3A_2437 = vector.broadcast %mul3A_2436 : i32 to vector<16xi32>
    %mul3A_2438 = arith.muli %add3A_2435, %mul3A_2437 : vector<16xi32>
    %shift_right_arithmetic3A_2439 = arith.constant 16 : i32
    %shift_right_arithmetic3A_2440 = vector.broadcast %shift_right_arithmetic3A_2439 : i32 to vector<16xi32>
    %shift_right_arithmetic3A_2441 = arith.shrsi %mul3A_2438, %shift_right_arithmetic3A_2440 : vector<16xi32>
    %mul3A_2442 = arith.constant 3 : i32
    %mul3A_2443 = vector.broadcast %mul3A_2442 : i32 to vector<16xi32>
    %mul3A_2444 = arith.muli %mul3A_2443, %shift_right_arithmetic3A_2441 : vector<16xi32>
    %sub3A_2445 = arith.subi %add3A_2435, %mul3A_2444 : vector<16xi32>
    %eq3A_2446 = arith.constant 0 : i32
    %eq3A_2447 = vector.broadcast %eq3A_2446 : i32 to vector<16xi32>
    %eq3A_2448 = arith.cmpi eq, %sub3A_2445, %eq3A_2447 : vector<16xi32>
    %eq3A_2449 = arith.constant 1 : i32
    %eq3A_2450 = vector.broadcast %eq3A_2449 : i32 to vector<16xi32>
    %eq3A_2451 = arith.cmpi eq, %sub3A_2445, %eq3A_2450 : vector<16xi32>
    %select_n3A_2452 = arith.select %eq3A_2451, %masked_sort3A_2343, %masked_sort3A_2376 : vector<16xi1>, vector<16xf32>
    %select_n3A_2453 = arith.select %eq3A_2448, %masked_sort3A_2310, %select_n3A_2452 : vector<16xi1>, vector<16xf32>
    %eq3A_2454 = arith.constant 0 : i32
    %eq3A_2455 = vector.broadcast %eq3A_2454 : i32 to vector<16xi32>
    %eq3A_2456 = arith.cmpi eq, %sub3A_2445, %eq3A_2455 : vector<16xi32>
    %eq3A_2457 = arith.constant 1 : i32
    %eq3A_2458 = vector.broadcast %eq3A_2457 : i32 to vector<16xi32>
    %eq3A_2459 = arith.cmpi eq, %sub3A_2445, %eq3A_2458 : vector<16xi32>
    %select_n3A_2460 = arith.select %eq3A_2459, %masked_sort3A_2355, %masked_sort3A_2388 : vector<16xi1>, vector<16xi32>
    %select_n3A_2461 = arith.select %eq3A_2456, %masked_sort3A_2322, %select_n3A_2460 : vector<16xi1>, vector<16xi32>
    %add3A_2462 = arith.constant 160 : i32
    %add3A_2463 = arith.addi %mul3A_2, %add3A_2462 : i32
    %add3A_2464 = vector.broadcast %add3A_2463 : i32 to vector<16xi32>
    %add3A_2465 = arith.addi %add3A_2464, %shift_right_arithmetic3A_2441 : vector<16xi32>
    %swap3A_2466 = arith.constant 496 : index
    %swap3A_2467 = tpu.vector_load %arg8[%swap3A_2466] {strides = array<i32>} : memref<768xf32, #tpu.memory_space<vmem>>, vector<16xf32>,
    tpu.vector_store %arg8[%swap3A_2466], %select_n3A_2453 {strides = array<i32>} : memref<768xf32, #tpu.memory_space<vmem>>, vector<16xf32>,
    %swap3A_2468 = arith.constant 0 : i32
    %swap3A_2469 = arith.index_cast %swap3A_2468 : i32 to index
    %swap3A_2470 = arith.constant 496 : index
    %swap3A_2471 = tpu.vector_load %arg9[%swap3A_2469, %swap3A_2470] {strides = array<i32>} : memref<1x768xi32, #tpu.memory_space<vmem>>, vector<16xi32>,
    tpu.vector_store %arg9[%swap3A_2469, %swap3A_2470], %add3A_2465 {strides = array<i32>} : memref<1x768xi32, #tpu.memory_space<vmem>>, vector<16xi32>,
    %swap3A_2472 = arith.constant 0 : i32
    %swap3A_2473 = arith.index_cast %swap3A_2472 : i32 to index
    %swap3A_2474 = arith.constant 496 : index
    %swap3A_2475 = tpu.vector_load %arg10[%swap3A_2473, %swap3A_2474] {strides = array<i32>} : memref<1x768xi32, #tpu.memory_space<vmem>>, vector<16xi32>,
    tpu.vector_store %arg10[%swap3A_2473, %swap3A_2474], %select_n3A_2461 {strides = array<i32>} : memref<1x768xi32, #tpu.memory_space<vmem>>, vector<16xi32>,
    %add3A_2476 = arith.constant 32 : i32
    %add3A_2477 = vector.broadcast %add3A_2476 : i32 to vector<16xi32>
    %add3A_2478 = arith.addi %add3A_2477, %iota3A : vector<16xi32>
    %mul3A_2479 = arith.constant 21846 : i32
    %mul3A_2480 = vector.broadcast %mul3A_2479 : i32 to vector<16xi32>
    %mul3A_2481 = arith.muli %add3A_2478, %mul3A_2480 : vector<16xi32>
    %shift_right_arithmetic3A_2482 = arith.constant 16 : i32
    %shift_right_arithmetic3A_2483 = vector.broadcast %shift_right_arithmetic3A_2482 : i32 to vector<16xi32>
    %shift_right_arithmetic3A_2484 = arith.shrsi %mul3A_2481, %shift_right_arithmetic3A_2483 : vector<16xi32>
    %mul3A_2485 = arith.constant 3 : i32
    %mul3A_2486 = vector.broadcast %mul3A_2485 : i32 to vector<16xi32>
    %mul3A_2487 = arith.muli %mul3A_2486, %shift_right_arithmetic3A_2484 : vector<16xi32>
    %sub3A_2488 = arith.subi %add3A_2478, %mul3A_2487 : vector<16xi32>
    %eq3A_2489 = arith.constant 0 : i32
    %eq3A_2490 = vector.broadcast %eq3A_2489 : i32 to vector<16xi32>
    %eq3A_2491 = arith.cmpi eq, %sub3A_2488, %eq3A_2490 : vector<16xi32>
    %eq3A_2492 = arith.constant 1 : i32
    %eq3A_2493 = vector.broadcast %eq3A_2492 : i32 to vector<16xi32>
    %eq3A_2494 = arith.cmpi eq, %sub3A_2488, %eq3A_2493 : vector<16xi32>
    %select_n3A_2495 = arith.select %eq3A_2494, %masked_sort3A_2343, %masked_sort3A_2376 : vector<16xi1>, vector<16xf32>
    %select_n3A_2496 = arith.select %eq3A_2491, %masked_sort3A_2310, %select_n3A_2495 : vector<16xi1>, vector<16xf32>
    %eq3A_2497 = arith.constant 0 : i32
    %eq3A_2498 = vector.broadcast %eq3A_2497 : i32 to vector<16xi32>
    %eq3A_2499 = arith.cmpi eq, %sub3A_2488, %eq3A_2498 : vector<16xi32>
    %eq3A_2500 = arith.constant 1 : i32
    %eq3A_2501 = vector.broadcast %eq3A_2500 : i32 to vector<16xi32>
    %eq3A_2502 = arith.cmpi eq, %sub3A_2488, %eq3A_2501 : vector<16xi32>
    %select_n3A_2503 = arith.select %eq3A_2502, %masked_sort3A_2355, %masked_sort3A_2388 : vector<16xi1>, vector<16xi32>
    %select_n3A_2504 = arith.select %eq3A_2499, %masked_sort3A_2322, %select_n3A_2503 : vector<16xi1>, vector<16xi32>
    %add3A_2505 = arith.constant 160 : i32
    %add3A_2506 = arith.addi %mul3A_2, %add3A_2505 : i32
    %add3A_2507 = vector.broadcast %add3A_2506 : i32 to vector<16xi32>
    %add3A_2508 = arith.addi %add3A_2507, %shift_right_arithmetic3A_2484 : vector<16xi32>
    %swap3A_2509 = arith.constant 512 : index
    %swap3A_2510 = tpu.vector_load %arg8[%swap3A_2509] {strides = array<i32>} : memref<768xf32, #tpu.memory_space<vmem>>, vector<16xf32>,
    tpu.vector_store %arg8[%swap3A_2509], %select_n3A_2496 {strides = array<i32>} : memref<768xf32, #tpu.memory_space<vmem>>, vector<16xf32>,
    %swap3A_2511 = arith.constant 0 : i32
    %swap3A_2512 = arith.index_cast %swap3A_2511 : i32 to index
    %swap3A_2513 = arith.constant 512 : index
    %swap3A_2514 = tpu.vector_load %arg9[%swap3A_2512, %swap3A_2513] {strides = array<i32>} : memref<1x768xi32, #tpu.memory_space<vmem>>, vector<16xi32>,
    tpu.vector_store %arg9[%swap3A_2512, %swap3A_2513], %add3A_2508 {strides = array<i32>} : memref<1x768xi32, #tpu.memory_space<vmem>>, vector<16xi32>,
    %swap3A_2515 = arith.constant 0 : i32
    %swap3A_2516 = arith.index_cast %swap3A_2515 : i32 to index
    %swap3A_2517 = arith.constant 512 : index
    %swap3A_2518 = tpu.vector_load %arg10[%swap3A_2516, %swap3A_2517] {strides = array<i32>} : memref<1x768xi32, #tpu.memory_space<vmem>>, vector<16xi32>,
    tpu.vector_store %arg10[%swap3A_2516, %swap3A_2517], %select_n3A_2504 {strides = array<i32>} : memref<1x768xi32, #tpu.memory_space<vmem>>, vector<16xi32>,
    %mul3A_2519 = arith.constant 3 : i32
    %mul3A_2520 = vector.broadcast %mul3A_2519 : i32 to vector<16xi32>
    %mul3A_2521 = arith.muli %mul3A_2520, %iota3A : vector<16xi32>
    %add3A_2522 = arith.constant 0 : i32
    %add3A_2523 = vector.broadcast %add3A_2522 : i32 to vector<16xi32>
    %add3A_2524 = arith.addi %mul3A_2521, %add3A_2523 : vector<16xi32>
    %and3A_2525 = arith.constant 15 : i32
    %and3A_2526 = vector.broadcast %and3A_2525 : i32 to vector<16xi32>
    %and3A_2527 = arith.andi %add3A_2524, %and3A_2526 : vector<16xi32>
    %get3A_2528 = arith.constant 0 : i32
    %get3A_2529 = arith.index_cast %get3A_2528 : i32 to index
    %get3A_2530 = arith.constant 176 : index
    %get3A_2531 = tpu.vector_load %arg6[%get3A_2529, %get3A_2530] {strides = array<i32>} : memref<3x256xf32, #tpu.memory_space<vmem>>, vector<16xf32>,
    %masked_sort3A_2532 = arith.constant dense<true> : vector<16xi1>
    %masked_sort3A_2533 = arith.constant -2147483648 : i32
    %masked_sort3A_2534 = vector.broadcast %masked_sort3A_2533 : i32 to vector<16xi32>
    %masked_sort3A_2535 = arith.xori %and3A_2527, %masked_sort3A_2534 : vector<16xi32>
    %masked_sort3A_2536, %masked_sort3A_2537, %masked_sort3A_2538 = tpu.sort %masked_sort3A_2535, %get3A_2531 masked %masked_sort3A_2532 : (vector<16xi32>, vector<16xf32>, vector<16xi1>) -> (vector<16xi1>, vector<16xi32>, vector<16xf32>)
    %masked_sort3A_2539 = arith.xori %masked_sort3A_2537, %masked_sort3A_2534 : vector<16xi32>
    %get3A_2540 = arith.constant 0 : i32
    %get3A_2541 = arith.index_cast %get3A_2540 : i32 to index
    %get3A_2542 = arith.constant 176 : index
    %get3A_2543 = tpu.vector_load %arg7[%get3A_2541, %get3A_2542] {strides = array<i32>} : memref<3x256xi32, #tpu.memory_space<vmem>>, vector<16xi32>,
    %masked_sort3A_2544 = arith.constant dense<true> : vector<16xi1>
    %masked_sort3A_2545 = arith.constant -2147483648 : i32
    %masked_sort3A_2546 = vector.broadcast %masked_sort3A_2545 : i32 to vector<16xi32>
    %masked_sort3A_2547 = arith.xori %and3A_2527, %masked_sort3A_2546 : vector<16xi32>
    %masked_sort3A_2548, %masked_sort3A_2549, %masked_sort3A_2550 = tpu.sort %masked_sort3A_2547, %get3A_2543 masked %masked_sort3A_2544 : (vector<16xi32>, vector<16xi32>, vector<16xi1>) -> (vector<16xi1>, vector<16xi32>, vector<16xi32>)
    %masked_sort3A_2551 = arith.xori %masked_sort3A_2549, %masked_sort3A_2546 : vector<16xi32>
    %mul3A_2552 = arith.constant 3 : i32
    %mul3A_2553 = vector.broadcast %mul3A_2552 : i32 to vector<16xi32>
    %mul3A_2554 = arith.muli %mul3A_2553, %iota3A : vector<16xi32>
    %add3A_2555 = arith.constant 1 : i32
    %add3A_2556 = vector.broadcast %add3A_2555 : i32 to vector<16xi32>
    %add3A_2557 = arith.addi %mul3A_2554, %add3A_2556 : vector<16xi32>
    %and3A_2558 = arith.constant 15 : i32
    %and3A_2559 = vector.broadcast %and3A_2558 : i32 to vector<16xi32>
    %and3A_2560 = arith.andi %add3A_2557, %and3A_2559 : vector<16xi32>
    %get3A_2561 = arith.constant 1 : i32
    %get3A_2562 = arith.index_cast %get3A_2561 : i32 to index
    %get3A_2563 = arith.constant 176 : index
    %get3A_2564 = tpu.vector_load %arg6[%get3A_2562, %get3A_2563] {strides = array<i32>} : memref<3x256xf32, #tpu.memory_space<vmem>>, vector<16xf32>,
    %masked_sort3A_2565 = arith.constant dense<true> : vector<16xi1>
    %masked_sort3A_2566 = arith.constant -2147483648 : i32
    %masked_sort3A_2567 = vector.broadcast %masked_sort3A_2566 : i32 to vector<16xi32>
    %masked_sort3A_2568 = arith.xori %and3A_2560, %masked_sort3A_2567 : vector<16xi32>
    %masked_sort3A_2569, %masked_sort3A_2570, %masked_sort3A_2571 = tpu.sort %masked_sort3A_2568, %get3A_2564 masked %masked_sort3A_2565 : (vector<16xi32>, vector<16xf32>, vector<16xi1>) -> (vector<16xi1>, vector<16xi32>, vector<16xf32>)
    %masked_sort3A_2572 = arith.xori %masked_sort3A_2570, %masked_sort3A_2567 : vector<16xi32>
    %get3A_2573 = arith.constant 1 : i32
    %get3A_2574 = arith.index_cast %get3A_2573 : i32 to index
    %get3A_2575 = arith.constant 176 : index
    %get3A_2576 = tpu.vector_load %arg7[%get3A_2574, %get3A_2575] {strides = array<i32>} : memref<3x256xi32, #tpu.memory_space<vmem>>, vector<16xi32>,
    %masked_sort3A_2577 = arith.constant dense<true> : vector<16xi1>
    %masked_sort3A_2578 = arith.constant -2147483648 : i32
    %masked_sort3A_2579 = vector.broadcast %masked_sort3A_2578 : i32 to vector<16xi32>
    %masked_sort3A_2580 = arith.xori %and3A_2560, %masked_sort3A_2579 : vector<16xi32>
    %masked_sort3A_2581, %masked_sort3A_2582, %masked_sort3A_2583 = tpu.sort %masked_sort3A_2580, %get3A_2576 masked %masked_sort3A_2577 : (vector<16xi32>, vector<16xi32>, vector<16xi1>) -> (vector<16xi1>, vector<16xi32>, vector<16xi32>)
    %masked_sort3A_2584 = arith.xori %masked_sort3A_2582, %masked_sort3A_2579 : vector<16xi32>
    %mul3A_2585 = arith.constant 3 : i32
    %mul3A_2586 = vector.broadcast %mul3A_2585 : i32 to vector<16xi32>
    %mul3A_2587 = arith.muli %mul3A_2586, %iota3A : vector<16xi32>
    %add3A_2588 = arith.constant 2 : i32
    %add3A_2589 = vector.broadcast %add3A_2588 : i32 to vector<16xi32>
    %add3A_2590 = arith.addi %mul3A_2587, %add3A_2589 : vector<16xi32>
    %and3A_2591 = arith.constant 15 : i32
    %and3A_2592 = vector.broadcast %and3A_2591 : i32 to vector<16xi32>
    %and3A_2593 = arith.andi %add3A_2590, %and3A_2592 : vector<16xi32>
    %get3A_2594 = arith.constant 2 : i32
    %get3A_2595 = arith.index_cast %get3A_2594 : i32 to index
    %get3A_2596 = arith.constant 176 : index
    %get3A_2597 = tpu.vector_load %arg6[%get3A_2595, %get3A_2596] {strides = array<i32>} : memref<3x256xf32, #tpu.memory_space<vmem>>, vector<16xf32>,
    %masked_sort3A_2598 = arith.constant dense<true> : vector<16xi1>
    %masked_sort3A_2599 = arith.constant -2147483648 : i32
    %masked_sort3A_2600 = vector.broadcast %masked_sort3A_2599 : i32 to vector<16xi32>
    %masked_sort3A_2601 = arith.xori %and3A_2593, %masked_sort3A_2600 : vector<16xi32>
    %masked_sort3A_2602, %masked_sort3A_2603, %masked_sort3A_2604 = tpu.sort %masked_sort3A_2601, %get3A_2597 masked %masked_sort3A_2598 : (vector<16xi32>, vector<16xf32>, vector<16xi1>) -> (vector<16xi1>, vector<16xi32>, vector<16xf32>)
    %masked_sort3A_2605 = arith.xori %masked_sort3A_2603, %masked_sort3A_2600 : vector<16xi32>
    %get3A_2606 = arith.constant 2 : i32
    %get3A_2607 = arith.index_cast %get3A_2606 : i32 to index
    %get3A_2608 = arith.constant 176 : index
    %get3A_2609 = tpu.vector_load %arg7[%get3A_2607, %get3A_2608] {strides = array<i32>} : memref<3x256xi32, #tpu.memory_space<vmem>>, vector<16xi32>,
    %masked_sort3A_2610 = arith.constant dense<true> : vector<16xi1>
    %masked_sort3A_2611 = arith.constant -2147483648 : i32
    %masked_sort3A_2612 = vector.broadcast %masked_sort3A_2611 : i32 to vector<16xi32>
    %masked_sort3A_2613 = arith.xori %and3A_2593, %masked_sort3A_2612 : vector<16xi32>
    %masked_sort3A_2614, %masked_sort3A_2615, %masked_sort3A_2616 = tpu.sort %masked_sort3A_2613, %get3A_2609 masked %masked_sort3A_2610 : (vector<16xi32>, vector<16xi32>, vector<16xi1>) -> (vector<16xi1>, vector<16xi32>, vector<16xi32>)
    %masked_sort3A_2617 = arith.xori %masked_sort3A_2615, %masked_sort3A_2612 : vector<16xi32>
    %add3A_2618 = arith.constant 0 : i32
    %add3A_2619 = vector.broadcast %add3A_2618 : i32 to vector<16xi32>
    %add3A_2620 = arith.addi %add3A_2619, %iota3A : vector<16xi32>
    %mul3A_2621 = arith.constant 21846 : i32
    %mul3A_2622 = vector.broadcast %mul3A_2621 : i32 to vector<16xi32>
    %mul3A_2623 = arith.muli %add3A_2620, %mul3A_2622 : vector<16xi32>
    %shift_right_arithmetic3A_2624 = arith.constant 16 : i32
    %shift_right_arithmetic3A_2625 = vector.broadcast %shift_right_arithmetic3A_2624 : i32 to vector<16xi32>
    %shift_right_arithmetic3A_2626 = arith.shrsi %mul3A_2623, %shift_right_arithmetic3A_2625 : vector<16xi32>
    %mul3A_2627 = arith.constant 3 : i32
    %mul3A_2628 = vector.broadcast %mul3A_2627 : i32 to vector<16xi32>
    %mul3A_2629 = arith.muli %mul3A_2628, %shift_right_arithmetic3A_2626 : vector<16xi32>
    %sub3A_2630 = arith.subi %add3A_2620, %mul3A_2629 : vector<16xi32>
    %eq3A_2631 = arith.constant 0 : i32
    %eq3A_2632 = vector.broadcast %eq3A_2631 : i32 to vector<16xi32>
    %eq3A_2633 = arith.cmpi eq, %sub3A_2630, %eq3A_2632 : vector<16xi32>
    %eq3A_2634 = arith.constant 1 : i32
    %eq3A_2635 = vector.broadcast %eq3A_2634 : i32 to vector<16xi32>
    %eq3A_2636 = arith.cmpi eq, %sub3A_2630, %eq3A_2635 : vector<16xi32>
    %select_n3A_2637 = arith.select %eq3A_2636, %masked_sort3A_2571, %masked_sort3A_2604 : vector<16xi1>, vector<16xf32>
    %select_n3A_2638 = arith.select %eq3A_2633, %masked_sort3A_2538, %select_n3A_2637 : vector<16xi1>, vector<16xf32>
    %eq3A_2639 = arith.constant 0 : i32
    %eq3A_2640 = vector.broadcast %eq3A_2639 : i32 to vector<16xi32>
    %eq3A_2641 = arith.cmpi eq, %sub3A_2630, %eq3A_2640 : vector<16xi32>
    %eq3A_2642 = arith.constant 1 : i32
    %eq3A_2643 = vector.broadcast %eq3A_2642 : i32 to vector<16xi32>
    %eq3A_2644 = arith.cmpi eq, %sub3A_2630, %eq3A_2643 : vector<16xi32>
    %select_n3A_2645 = arith.select %eq3A_2644, %masked_sort3A_2583, %masked_sort3A_2616 : vector<16xi1>, vector<16xi32>
    %select_n3A_2646 = arith.select %eq3A_2641, %masked_sort3A_2550, %select_n3A_2645 : vector<16xi1>, vector<16xi32>
    %add3A_2647 = arith.constant 176 : i32
    %add3A_2648 = arith.addi %mul3A_2, %add3A_2647 : i32
    %add3A_2649 = vector.broadcast %add3A_2648 : i32 to vector<16xi32>
    %add3A_2650 = arith.addi %add3A_2649, %shift_right_arithmetic3A_2626 : vector<16xi32>
    %swap3A_2651 = arith.constant 528 : index
    %swap3A_2652 = tpu.vector_load %arg8[%swap3A_2651] {strides = array<i32>} : memref<768xf32, #tpu.memory_space<vmem>>, vector<16xf32>,
    tpu.vector_store %arg8[%swap3A_2651], %select_n3A_2638 {strides = array<i32>} : memref<768xf32, #tpu.memory_space<vmem>>, vector<16xf32>,
    %swap3A_2653 = arith.constant 0 : i32
    %swap3A_2654 = arith.index_cast %swap3A_2653 : i32 to index
    %swap3A_2655 = arith.constant 528 : index
    %swap3A_2656 = tpu.vector_load %arg9[%swap3A_2654, %swap3A_2655] {strides = array<i32>} : memref<1x768xi32, #tpu.memory_space<vmem>>, vector<16xi32>,
    tpu.vector_store %arg9[%swap3A_2654, %swap3A_2655], %add3A_2650 {strides = array<i32>} : memref<1x768xi32, #tpu.memory_space<vmem>>, vector<16xi32>,
    %swap3A_2657 = arith.constant 0 : i32
    %swap3A_2658 = arith.index_cast %swap3A_2657 : i32 to index
    %swap3A_2659 = arith.constant 528 : index
    %swap3A_2660 = tpu.vector_load %arg10[%swap3A_2658, %swap3A_2659] {strides = array<i32>} : memref<1x768xi32, #tpu.memory_space<vmem>>, vector<16xi32>,
    tpu.vector_store %arg10[%swap3A_2658, %swap3A_2659], %select_n3A_2646 {strides = array<i32>} : memref<1x768xi32, #tpu.memory_space<vmem>>, vector<16xi32>,
    %add3A_2661 = arith.constant 16 : i32
    %add3A_2662 = vector.broadcast %add3A_2661 : i32 to vector<16xi32>
    %add3A_2663 = arith.addi %add3A_2662, %iota3A : vector<16xi32>
    %mul3A_2664 = arith.constant 21846 : i32
    %mul3A_2665 = vector.broadcast %mul3A_2664 : i32 to vector<16xi32>
    %mul3A_2666 = arith.muli %add3A_2663, %mul3A_2665 : vector<16xi32>
    %shift_right_arithmetic3A_2667 = arith.constant 16 : i32
    %shift_right_arithmetic3A_2668 = vector.broadcast %shift_right_arithmetic3A_2667 : i32 to vector<16xi32>
    %shift_right_arithmetic3A_2669 = arith.shrsi %mul3A_2666, %shift_right_arithmetic3A_2668 : vector<16xi32>
    %mul3A_2670 = arith.constant 3 : i32
    %mul3A_2671 = vector.broadcast %mul3A_2670 : i32 to vector<16xi32>
    %mul3A_2672 = arith.muli %mul3A_2671, %shift_right_arithmetic3A_2669 : vector<16xi32>
    %sub3A_2673 = arith.subi %add3A_2663, %mul3A_2672 : vector<16xi32>
    %eq3A_2674 = arith.constant 0 : i32
    %eq3A_2675 = vector.broadcast %eq3A_2674 : i32 to vector<16xi32>
    %eq3A_2676 = arith.cmpi eq, %sub3A_2673, %eq3A_2675 : vector<16xi32>
    %eq3A_2677 = arith.constant 1 : i32
    %eq3A_2678 = vector.broadcast %eq3A_2677 : i32 to vector<16xi32>
    %eq3A_2679 = arith.cmpi eq, %sub3A_2673, %eq3A_2678 : vector<16xi32>
    %select_n3A_2680 = arith.select %eq3A_2679, %masked_sort3A_2571, %masked_sort3A_2604 : vector<16xi1>, vector<16xf32>
    %select_n3A_2681 = arith.select %eq3A_2676, %masked_sort3A_2538, %select_n3A_2680 : vector<16xi1>, vector<16xf32>
    %eq3A_2682 = arith.constant 0 : i32
    %eq3A_2683 = vector.broadcast %eq3A_2682 : i32 to vector<16xi32>
    %eq3A_2684 = arith.cmpi eq, %sub3A_2673, %eq3A_2683 : vector<16xi32>
    %eq3A_2685 = arith.constant 1 : i32
    %eq3A_2686 = vector.broadcast %eq3A_2685 : i32 to vector<16xi32>
    %eq3A_2687 = arith.cmpi eq, %sub3A_2673, %eq3A_2686 : vector<16xi32>
    %select_n3A_2688 = arith.select %eq3A_2687, %masked_sort3A_2583, %masked_sort3A_2616 : vector<16xi1>, vector<16xi32>
    %select_n3A_2689 = arith.select %eq3A_2684, %masked_sort3A_2550, %select_n3A_2688 : vector<16xi1>, vector<16xi32>
    %add3A_2690 = arith.constant 176 : i32
    %add3A_2691 = arith.addi %mul3A_2, %add3A_2690 : i32
    %add3A_2692 = vector.broadcast %add3A_2691 : i32 to vector<16xi32>
    %add3A_2693 = arith.addi %add3A_2692, %shift_right_arithmetic3A_2669 : vector<16xi32>
    %swap3A_2694 = arith.constant 544 : index
    %swap3A_2695 = tpu.vector_load %arg8[%swap3A_2694] {strides = array<i32>} : memref<768xf32, #tpu.memory_space<vmem>>, vector<16xf32>,
    tpu.vector_store %arg8[%swap3A_2694], %select_n3A_2681 {strides = array<i32>} : memref<768xf32, #tpu.memory_space<vmem>>, vector<16xf32>,
    %swap3A_2696 = arith.constant 0 : i32
    %swap3A_2697 = arith.index_cast %swap3A_2696 : i32 to index
    %swap3A_2698 = arith.constant 544 : index
    %swap3A_2699 = tpu.vector_load %arg9[%swap3A_2697, %swap3A_2698] {strides = array<i32>} : memref<1x768xi32, #tpu.memory_space<vmem>>, vector<16xi32>,
    tpu.vector_store %arg9[%swap3A_2697, %swap3A_2698], %add3A_2693 {strides = array<i32>} : memref<1x768xi32, #tpu.memory_space<vmem>>, vector<16xi32>,
    %swap3A_2700 = arith.constant 0 : i32
    %swap3A_2701 = arith.index_cast %swap3A_2700 : i32 to index
    %swap3A_2702 = arith.constant 544 : index
    %swap3A_2703 = tpu.vector_load %arg10[%swap3A_2701, %swap3A_2702] {strides = array<i32>} : memref<1x768xi32, #tpu.memory_space<vmem>>, vector<16xi32>,
    tpu.vector_store %arg10[%swap3A_2701, %swap3A_2702], %select_n3A_2689 {strides = array<i32>} : memref<1x768xi32, #tpu.memory_space<vmem>>, vector<16xi32>,
    %add3A_2704 = arith.constant 32 : i32
    %add3A_2705 = vector.broadcast %add3A_2704 : i32 to vector<16xi32>
    %add3A_2706 = arith.addi %add3A_2705, %iota3A : vector<16xi32>
    %mul3A_2707 = arith.constant 21846 : i32
    %mul3A_2708 = vector.broadcast %mul3A_2707 : i32 to vector<16xi32>
    %mul3A_2709 = arith.muli %add3A_2706, %mul3A_2708 : vector<16xi32>
    %shift_right_arithmetic3A_2710 = arith.constant 16 : i32
    %shift_right_arithmetic3A_2711 = vector.broadcast %shift_right_arithmetic3A_2710 : i32 to vector<16xi32>
    %shift_right_arithmetic3A_2712 = arith.shrsi %mul3A_2709, %shift_right_arithmetic3A_2711 : vector<16xi32>
    %mul3A_2713 = arith.constant 3 : i32
    %mul3A_2714 = vector.broadcast %mul3A_2713 : i32 to vector<16xi32>
    %mul3A_2715 = arith.muli %mul3A_2714, %shift_right_arithmetic3A_2712 : vector<16xi32>
    %sub3A_2716 = arith.subi %add3A_2706, %mul3A_2715 : vector<16xi32>
    %eq3A_2717 = arith.constant 0 : i32
    %eq3A_2718 = vector.broadcast %eq3A_2717 : i32 to vector<16xi32>
    %eq3A_2719 = arith.cmpi eq, %sub3A_2716, %eq3A_2718 : vector<16xi32>
    %eq3A_2720 = arith.constant 1 : i32
    %eq3A_2721 = vector.broadcast %eq3A_2720 : i32 to vector<16xi32>
    %eq3A_2722 = arith.cmpi eq, %sub3A_2716, %eq3A_2721 : vector<16xi32>
    %select_n3A_2723 = arith.select %eq3A_2722, %masked_sort3A_2571, %masked_sort3A_2604 : vector<16xi1>, vector<16xf32>
    %select_n3A_2724 = arith.select %eq3A_2719, %masked_sort3A_2538, %select_n3A_2723 : vector<16xi1>, vector<16xf32>
    %eq3A_2725 = arith.constant 0 : i32
    %eq3A_2726 = vector.broadcast %eq3A_2725 : i32 to vector<16xi32>
    %eq3A_2727 = arith.cmpi eq, %sub3A_2716, %eq3A_2726 : vector<16xi32>
    %eq3A_2728 = arith.constant 1 : i32
    %eq3A_2729 = vector.broadcast %eq3A_2728 : i32 to vector<16xi32>
    %eq3A_2730 = arith.cmpi eq, %sub3A_2716, %eq3A_2729 : vector<16xi32>
    %select_n3A_2731 = arith.select %eq3A_2730, %masked_sort3A_2583, %masked_sort3A_2616 : vector<16xi1>, vector<16xi32>
    %select_n3A_2732 = arith.select %eq3A_2727, %masked_sort3A_2550, %select_n3A_2731 : vector<16xi1>, vector<16xi32>
    %add3A_2733 = arith.constant 176 : i32
    %add3A_2734 = arith.addi %mul3A_2, %add3A_2733 : i32
    %add3A_2735 = vector.broadcast %add3A_2734 : i32 to vector<16xi32>
    %add3A_2736 = arith.addi %add3A_2735, %shift_right_arithmetic3A_2712 : vector<16xi32>
    %swap3A_2737 = arith.constant 560 : index
    %swap3A_2738 = tpu.vector_load %arg8[%swap3A_2737] {strides = array<i32>} : memref<768xf32, #tpu.memory_space<vmem>>, vector<16xf32>,
    tpu.vector_store %arg8[%swap3A_2737], %select_n3A_2724 {strides = array<i32>} : memref<768xf32, #tpu.memory_space<vmem>>, vector<16xf32>,
    %swap3A_2739 = arith.constant 0 : i32
    %swap3A_2740 = arith.index_cast %swap3A_2739 : i32 to index
    %swap3A_2741 = arith.constant 560 : index
    %swap3A_2742 = tpu.vector_load %arg9[%swap3A_2740, %swap3A_2741] {strides = array<i32>} : memref<1x768xi32, #tpu.memory_space<vmem>>, vector<16xi32>,
    tpu.vector_store %arg9[%swap3A_2740, %swap3A_2741], %add3A_2736 {strides = array<i32>} : memref<1x768xi32, #tpu.memory_space<vmem>>, vector<16xi32>,
    %swap3A_2743 = arith.constant 0 : i32
    %swap3A_2744 = arith.index_cast %swap3A_2743 : i32 to index
    %swap3A_2745 = arith.constant 560 : index
    %swap3A_2746 = tpu.vector_load %arg10[%swap3A_2744, %swap3A_2745] {strides = array<i32>} : memref<1x768xi32, #tpu.memory_space<vmem>>, vector<16xi32>,
    tpu.vector_store %arg10[%swap3A_2744, %swap3A_2745], %select_n3A_2732 {strides = array<i32>} : memref<1x768xi32, #tpu.memory_space<vmem>>, vector<16xi32>,
    %mul3A_2747 = arith.constant 3 : i32
    %mul3A_2748 = vector.broadcast %mul3A_2747 : i32 to vector<16xi32>
    %mul3A_2749 = arith.muli %mul3A_2748, %iota3A : vector<16xi32>
    %add3A_2750 = arith.constant 0 : i32
    %add3A_2751 = vector.broadcast %add3A_2750 : i32 to vector<16xi32>
    %add3A_2752 = arith.addi %mul3A_2749, %add3A_2751 : vector<16xi32>
    %and3A_2753 = arith.constant 15 : i32
    %and3A_2754 = vector.broadcast %and3A_2753 : i32 to vector<16xi32>
    %and3A_2755 = arith.andi %add3A_2752, %and3A_2754 : vector<16xi32>
    %get3A_2756 = arith.constant 0 : i32
    %get3A_2757 = arith.index_cast %get3A_2756 : i32 to index
    %get3A_2758 = arith.constant 192 : index
    %get3A_2759 = tpu.vector_load %arg6[%get3A_2757, %get3A_2758] {strides = array<i32>} : memref<3x256xf32, #tpu.memory_space<vmem>>, vector<16xf32>,
    %masked_sort3A_2760 = arith.constant dense<true> : vector<16xi1>
    %masked_sort3A_2761 = arith.constant -2147483648 : i32
    %masked_sort3A_2762 = vector.broadcast %masked_sort3A_2761 : i32 to vector<16xi32>
    %masked_sort3A_2763 = arith.xori %and3A_2755, %masked_sort3A_2762 : vector<16xi32>
    %masked_sort3A_2764, %masked_sort3A_2765, %masked_sort3A_2766 = tpu.sort %masked_sort3A_2763, %get3A_2759 masked %masked_sort3A_2760 : (vector<16xi32>, vector<16xf32>, vector<16xi1>) -> (vector<16xi1>, vector<16xi32>, vector<16xf32>)
    %masked_sort3A_2767 = arith.xori %masked_sort3A_2765, %masked_sort3A_2762 : vector<16xi32>
    %get3A_2768 = arith.constant 0 : i32
    %get3A_2769 = arith.index_cast %get3A_2768 : i32 to index
    %get3A_2770 = arith.constant 192 : index
    %get3A_2771 = tpu.vector_load %arg7[%get3A_2769, %get3A_2770] {strides = array<i32>} : memref<3x256xi32, #tpu.memory_space<vmem>>, vector<16xi32>,
    %masked_sort3A_2772 = arith.constant dense<true> : vector<16xi1>
    %masked_sort3A_2773 = arith.constant -2147483648 : i32
    %masked_sort3A_2774 = vector.broadcast %masked_sort3A_2773 : i32 to vector<16xi32>
    %masked_sort3A_2775 = arith.xori %and3A_2755, %masked_sort3A_2774 : vector<16xi32>
    %masked_sort3A_2776, %masked_sort3A_2777, %masked_sort3A_2778 = tpu.sort %masked_sort3A_2775, %get3A_2771 masked %masked_sort3A_2772 : (vector<16xi32>, vector<16xi32>, vector<16xi1>) -> (vector<16xi1>, vector<16xi32>, vector<16xi32>)
    %masked_sort3A_2779 = arith.xori %masked_sort3A_2777, %masked_sort3A_2774 : vector<16xi32>
    %mul3A_2780 = arith.constant 3 : i32
    %mul3A_2781 = vector.broadcast %mul3A_2780 : i32 to vector<16xi32>
    %mul3A_2782 = arith.muli %mul3A_2781, %iota3A : vector<16xi32>
    %add3A_2783 = arith.constant 1 : i32
    %add3A_2784 = vector.broadcast %add3A_2783 : i32 to vector<16xi32>
    %add3A_2785 = arith.addi %mul3A_2782, %add3A_2784 : vector<16xi32>
    %and3A_2786 = arith.constant 15 : i32
    %and3A_2787 = vector.broadcast %and3A_2786 : i32 to vector<16xi32>
    %and3A_2788 = arith.andi %add3A_2785, %and3A_2787 : vector<16xi32>
    %get3A_2789 = arith.constant 1 : i32
    %get3A_2790 = arith.index_cast %get3A_2789 : i32 to index
    %get3A_2791 = arith.constant 192 : index
    %get3A_2792 = tpu.vector_load %arg6[%get3A_2790, %get3A_2791] {strides = array<i32>} : memref<3x256xf32, #tpu.memory_space<vmem>>, vector<16xf32>,
    %masked_sort3A_2793 = arith.constant dense<true> : vector<16xi1>
    %masked_sort3A_2794 = arith.constant -2147483648 : i32
    %masked_sort3A_2795 = vector.broadcast %masked_sort3A_2794 : i32 to vector<16xi32>
    %masked_sort3A_2796 = arith.xori %and3A_2788, %masked_sort3A_2795 : vector<16xi32>
    %masked_sort3A_2797, %masked_sort3A_2798, %masked_sort3A_2799 = tpu.sort %masked_sort3A_2796, %get3A_2792 masked %masked_sort3A_2793 : (vector<16xi32>, vector<16xf32>, vector<16xi1>) -> (vector<16xi1>, vector<16xi32>, vector<16xf32>)
    %masked_sort3A_2800 = arith.xori %masked_sort3A_2798, %masked_sort3A_2795 : vector<16xi32>
    %get3A_2801 = arith.constant 1 : i32
    %get3A_2802 = arith.index_cast %get3A_2801 : i32 to index
    %get3A_2803 = arith.constant 192 : index
    %get3A_2804 = tpu.vector_load %arg7[%get3A_2802, %get3A_2803] {strides = array<i32>} : memref<3x256xi32, #tpu.memory_space<vmem>>, vector<16xi32>,
    %masked_sort3A_2805 = arith.constant dense<true> : vector<16xi1>
    %masked_sort3A_2806 = arith.constant -2147483648 : i32
    %masked_sort3A_2807 = vector.broadcast %masked_sort3A_2806 : i32 to vector<16xi32>
    %masked_sort3A_2808 = arith.xori %and3A_2788, %masked_sort3A_2807 : vector<16xi32>
    %masked_sort3A_2809, %masked_sort3A_2810, %masked_sort3A_2811 = tpu.sort %masked_sort3A_2808, %get3A_2804 masked %masked_sort3A_2805 : (vector<16xi32>, vector<16xi32>, vector<16xi1>) -> (vector<16xi1>, vector<16xi32>, vector<16xi32>)
    %masked_sort3A_2812 = arith.xori %masked_sort3A_2810, %masked_sort3A_2807 : vector<16xi32>
    %mul3A_2813 = arith.constant 3 : i32
    %mul3A_2814 = vector.broadcast %mul3A_2813 : i32 to vector<16xi32>
    %mul3A_2815 = arith.muli %mul3A_2814, %iota3A : vector<16xi32>
    %add3A_2816 = arith.constant 2 : i32
    %add3A_2817 = vector.broadcast %add3A_2816 : i32 to vector<16xi32>
    %add3A_2818 = arith.addi %mul3A_2815, %add3A_2817 : vector<16xi32>
    %and3A_2819 = arith.constant 15 : i32
    %and3A_2820 = vector.broadcast %and3A_2819 : i32 to vector<16xi32>
    %and3A_2821 = arith.andi %add3A_2818, %and3A_2820 : vector<16xi32>
    %get3A_2822 = arith.constant 2 : i32
    %get3A_2823 = arith.index_cast %get3A_2822 : i32 to index
    %get3A_2824 = arith.constant 192 : index
    %get3A_2825 = tpu.vector_load %arg6[%get3A_2823, %get3A_2824] {strides = array<i32>} : memref<3x256xf32, #tpu.memory_space<vmem>>, vector<16xf32>,
    %masked_sort3A_2826 = arith.constant dense<true> : vector<16xi1>
    %masked_sort3A_2827 = arith.constant -2147483648 : i32
    %masked_sort3A_2828 = vector.broadcast %masked_sort3A_2827 : i32 to vector<16xi32>
    %masked_sort3A_2829 = arith.xori %and3A_2821, %masked_sort3A_2828 : vector<16xi32>
    %masked_sort3A_2830, %masked_sort3A_2831, %masked_sort3A_2832 = tpu.sort %masked_sort3A_2829, %get3A_2825 masked %masked_sort3A_2826 : (vector<16xi32>, vector<16xf32>, vector<16xi1>) -> (vector<16xi1>, vector<16xi32>, vector<16xf32>)
    %masked_sort3A_2833 = arith.xori %masked_sort3A_2831, %masked_sort3A_2828 : vector<16xi32>
    %get3A_2834 = arith.constant 2 : i32
    %get3A_2835 = arith.index_cast %get3A_2834 : i32 to index
    %get3A_2836 = arith.constant 192 : index
    %get3A_2837 = tpu.vector_load %arg7[%get3A_2835, %get3A_2836] {strides = array<i32>} : memref<3x256xi32, #tpu.memory_space<vmem>>, vector<16xi32>,
    %masked_sort3A_2838 = arith.constant dense<true> : vector<16xi1>
    %masked_sort3A_2839 = arith.constant -2147483648 : i32
    %masked_sort3A_2840 = vector.broadcast %masked_sort3A_2839 : i32 to vector<16xi32>
    %masked_sort3A_2841 = arith.xori %and3A_2821, %masked_sort3A_2840 : vector<16xi32>
    %masked_sort3A_2842, %masked_sort3A_2843, %masked_sort3A_2844 = tpu.sort %masked_sort3A_2841, %get3A_2837 masked %masked_sort3A_2838 : (vector<16xi32>, vector<16xi32>, vector<16xi1>) -> (vector<16xi1>, vector<16xi32>, vector<16xi32>)
    %masked_sort3A_2845 = arith.xori %masked_sort3A_2843, %masked_sort3A_2840 : vector<16xi32>
    %add3A_2846 = arith.constant 0 : i32
    %add3A_2847 = vector.broadcast %add3A_2846 : i32 to vector<16xi32>
    %add3A_2848 = arith.addi %add3A_2847, %iota3A : vector<16xi32>
    %mul3A_2849 = arith.constant 21846 : i32
    %mul3A_2850 = vector.broadcast %mul3A_2849 : i32 to vector<16xi32>
    %mul3A_2851 = arith.muli %add3A_2848, %mul3A_2850 : vector<16xi32>
    %shift_right_arithmetic3A_2852 = arith.constant 16 : i32
    %shift_right_arithmetic3A_2853 = vector.broadcast %shift_right_arithmetic3A_2852 : i32 to vector<16xi32>
    %shift_right_arithmetic3A_2854 = arith.shrsi %mul3A_2851, %shift_right_arithmetic3A_2853 : vector<16xi32>
    %mul3A_2855 = arith.constant 3 : i32
    %mul3A_2856 = vector.broadcast %mul3A_2855 : i32 to vector<16xi32>
    %mul3A_2857 = arith.muli %mul3A_2856, %shift_right_arithmetic3A_2854 : vector<16xi32>
    %sub3A_2858 = arith.subi %add3A_2848, %mul3A_2857 : vector<16xi32>
    %eq3A_2859 = arith.constant 0 : i32
    %eq3A_2860 = vector.broadcast %eq3A_2859 : i32 to vector<16xi32>
    %eq3A_2861 = arith.cmpi eq, %sub3A_2858, %eq3A_2860 : vector<16xi32>
    %eq3A_2862 = arith.constant 1 : i32
    %eq3A_2863 = vector.broadcast %eq3A_2862 : i32 to vector<16xi32>
    %eq3A_2864 = arith.cmpi eq, %sub3A_2858, %eq3A_2863 : vector<16xi32>
    %select_n3A_2865 = arith.select %eq3A_2864, %masked_sort3A_2799, %masked_sort3A_2832 : vector<16xi1>, vector<16xf32>
    %select_n3A_2866 = arith.select %eq3A_2861, %masked_sort3A_2766, %select_n3A_2865 : vector<16xi1>, vector<16xf32>
    %eq3A_2867 = arith.constant 0 : i32
    %eq3A_2868 = vector.broadcast %eq3A_2867 : i32 to vector<16xi32>
    %eq3A_2869 = arith.cmpi eq, %sub3A_2858, %eq3A_2868 : vector<16xi32>
    %eq3A_2870 = arith.constant 1 : i32
    %eq3A_2871 = vector.broadcast %eq3A_2870 : i32 to vector<16xi32>
    %eq3A_2872 = arith.cmpi eq, %sub3A_2858, %eq3A_2871 : vector<16xi32>
    %select_n3A_2873 = arith.select %eq3A_2872, %masked_sort3A_2811, %masked_sort3A_2844 : vector<16xi1>, vector<16xi32>
    %select_n3A_2874 = arith.select %eq3A_2869, %masked_sort3A_2778, %select_n3A_2873 : vector<16xi1>, vector<16xi32>
    %add3A_2875 = arith.constant 192 : i32
    %add3A_2876 = arith.addi %mul3A_2, %add3A_2875 : i32
    %add3A_2877 = vector.broadcast %add3A_2876 : i32 to vector<16xi32>
    %add3A_2878 = arith.addi %add3A_2877, %shift_right_arithmetic3A_2854 : vector<16xi32>
    %swap3A_2879 = arith.constant 576 : index
    %swap3A_2880 = tpu.vector_load %arg8[%swap3A_2879] {strides = array<i32>} : memref<768xf32, #tpu.memory_space<vmem>>, vector<16xf32>,
    tpu.vector_store %arg8[%swap3A_2879], %select_n3A_2866 {strides = array<i32>} : memref<768xf32, #tpu.memory_space<vmem>>, vector<16xf32>,
    %swap3A_2881 = arith.constant 0 : i32
    %swap3A_2882 = arith.index_cast %swap3A_2881 : i32 to index
    %swap3A_2883 = arith.constant 576 : index
    %swap3A_2884 = tpu.vector_load %arg9[%swap3A_2882, %swap3A_2883] {strides = array<i32>} : memref<1x768xi32, #tpu.memory_space<vmem>>, vector<16xi32>,
    tpu.vector_store %arg9[%swap3A_2882, %swap3A_2883], %add3A_2878 {strides = array<i32>} : memref<1x768xi32, #tpu.memory_space<vmem>>, vector<16xi32>,
    %swap3A_2885 = arith.constant 0 : i32
    %swap3A_2886 = arith.index_cast %swap3A_2885 : i32 to index
    %swap3A_2887 = arith.constant 576 : index
    %swap3A_2888 = tpu.vector_load %arg10[%swap3A_2886, %swap3A_2887] {strides = array<i32>} : memref<1x768xi32, #tpu.memory_space<vmem>>, vector<16xi32>,
    tpu.vector_store %arg10[%swap3A_2886, %swap3A_2887], %select_n3A_2874 {strides = array<i32>} : memref<1x768xi32, #tpu.memory_space<vmem>>, vector<16xi32>,
    %add3A_2889 = arith.constant 16 : i32
    %add3A_2890 = vector.broadcast %add3A_2889 : i32 to vector<16xi32>
    %add3A_2891 = arith.addi %add3A_2890, %iota3A : vector<16xi32>
    %mul3A_2892 = arith.constant 21846 : i32
    %mul3A_2893 = vector.broadcast %mul3A_2892 : i32 to vector<16xi32>
    %mul3A_2894 = arith.muli %add3A_2891, %mul3A_2893 : vector<16xi32>
    %shift_right_arithmetic3A_2895 = arith.constant 16 : i32
    %shift_right_arithmetic3A_2896 = vector.broadcast %shift_right_arithmetic3A_2895 : i32 to vector<16xi32>
    %shift_right_arithmetic3A_2897 = arith.shrsi %mul3A_2894, %shift_right_arithmetic3A_2896 : vector<16xi32>
    %mul3A_2898 = arith.constant 3 : i32
    %mul3A_2899 = vector.broadcast %mul3A_2898 : i32 to vector<16xi32>
    %mul3A_2900 = arith.muli %mul3A_2899, %shift_right_arithmetic3A_2897 : vector<16xi32>
    %sub3A_2901 = arith.subi %add3A_2891, %mul3A_2900 : vector<16xi32>
    %eq3A_2902 = arith.constant 0 : i32
    %eq3A_2903 = vector.broadcast %eq3A_2902 : i32 to vector<16xi32>
    %eq3A_2904 = arith.cmpi eq, %sub3A_2901, %eq3A_2903 : vector<16xi32>
    %eq3A_2905 = arith.constant 1 : i32
    %eq3A_2906 = vector.broadcast %eq3A_2905 : i32 to vector<16xi32>
    %eq3A_2907 = arith.cmpi eq, %sub3A_2901, %eq3A_2906 : vector<16xi32>
    %select_n3A_2908 = arith.select %eq3A_2907, %masked_sort3A_2799, %masked_sort3A_2832 : vector<16xi1>, vector<16xf32>
    %select_n3A_2909 = arith.select %eq3A_2904, %masked_sort3A_2766, %select_n3A_2908 : vector<16xi1>, vector<16xf32>
    %eq3A_2910 = arith.constant 0 : i32
    %eq3A_2911 = vector.broadcast %eq3A_2910 : i32 to vector<16xi32>
    %eq3A_2912 = arith.cmpi eq, %sub3A_2901, %eq3A_2911 : vector<16xi32>
    %eq3A_2913 = arith.constant 1 : i32
    %eq3A_2914 = vector.broadcast %eq3A_2913 : i32 to vector<16xi32>
    %eq3A_2915 = arith.cmpi eq, %sub3A_2901, %eq3A_2914 : vector<16xi32>
    %select_n3A_2916 = arith.select %eq3A_2915, %masked_sort3A_2811, %masked_sort3A_2844 : vector<16xi1>, vector<16xi32>
    %select_n3A_2917 = arith.select %eq3A_2912, %masked_sort3A_2778, %select_n3A_2916 : vector<16xi1>, vector<16xi32>
    %add3A_2918 = arith.constant 192 : i32
    %add3A_2919 = arith.addi %mul3A_2, %add3A_2918 : i32
    %add3A_2920 = vector.broadcast %add3A_2919 : i32 to vector<16xi32>
    %add3A_2921 = arith.addi %add3A_2920, %shift_right_arithmetic3A_2897 : vector<16xi32>
    %swap3A_2922 = arith.constant 592 : index
    %swap3A_2923 = tpu.vector_load %arg8[%swap3A_2922] {strides = array<i32>} : memref<768xf32, #tpu.memory_space<vmem>>, vector<16xf32>,
    tpu.vector_store %arg8[%swap3A_2922], %select_n3A_2909 {strides = array<i32>} : memref<768xf32, #tpu.memory_space<vmem>>, vector<16xf32>,
    %swap3A_2924 = arith.constant 0 : i32
    %swap3A_2925 = arith.index_cast %swap3A_2924 : i32 to index
    %swap3A_2926 = arith.constant 592 : index
    %swap3A_2927 = tpu.vector_load %arg9[%swap3A_2925, %swap3A_2926] {strides = array<i32>} : memref<1x768xi32, #tpu.memory_space<vmem>>, vector<16xi32>,
    tpu.vector_store %arg9[%swap3A_2925, %swap3A_2926], %add3A_2921 {strides = array<i32>} : memref<1x768xi32, #tpu.memory_space<vmem>>, vector<16xi32>,
    %swap3A_2928 = arith.constant 0 : i32
    %swap3A_2929 = arith.index_cast %swap3A_2928 : i32 to index
    %swap3A_2930 = arith.constant 592 : index
    %swap3A_2931 = tpu.vector_load %arg10[%swap3A_2929, %swap3A_2930] {strides = array<i32>} : memref<1x768xi32, #tpu.memory_space<vmem>>, vector<16xi32>,
    tpu.vector_store %arg10[%swap3A_2929, %swap3A_2930], %select_n3A_2917 {strides = array<i32>} : memref<1x768xi32, #tpu.memory_space<vmem>>, vector<16xi32>,
    %add3A_2932 = arith.constant 32 : i32
    %add3A_2933 = vector.broadcast %add3A_2932 : i32 to vector<16xi32>
    %add3A_2934 = arith.addi %add3A_2933, %iota3A : vector<16xi32>
    %mul3A_2935 = arith.constant 21846 : i32
    %mul3A_2936 = vector.broadcast %mul3A_2935 : i32 to vector<16xi32>
    %mul3A_2937 = arith.muli %add3A_2934, %mul3A_2936 : vector<16xi32>
    %shift_right_arithmetic3A_2938 = arith.constant 16 : i32
    %shift_right_arithmetic3A_2939 = vector.broadcast %shift_right_arithmetic3A_2938 : i32 to vector<16xi32>
    %shift_right_arithmetic3A_2940 = arith.shrsi %mul3A_2937, %shift_right_arithmetic3A_2939 : vector<16xi32>
    %mul3A_2941 = arith.constant 3 : i32
    %mul3A_2942 = vector.broadcast %mul3A_2941 : i32 to vector<16xi32>
    %mul3A_2943 = arith.muli %mul3A_2942, %shift_right_arithmetic3A_2940 : vector<16xi32>
    %sub3A_2944 = arith.subi %add3A_2934, %mul3A_2943 : vector<16xi32>
    %eq3A_2945 = arith.constant 0 : i32
    %eq3A_2946 = vector.broadcast %eq3A_2945 : i32 to vector<16xi32>
    %eq3A_2947 = arith.cmpi eq, %sub3A_2944, %eq3A_2946 : vector<16xi32>
    %eq3A_2948 = arith.constant 1 : i32
    %eq3A_2949 = vector.broadcast %eq3A_2948 : i32 to vector<16xi32>
    %eq3A_2950 = arith.cmpi eq, %sub3A_2944, %eq3A_2949 : vector<16xi32>
    %select_n3A_2951 = arith.select %eq3A_2950, %masked_sort3A_2799, %masked_sort3A_2832 : vector<16xi1>, vector<16xf32>
    %select_n3A_2952 = arith.select %eq3A_2947, %masked_sort3A_2766, %select_n3A_2951 : vector<16xi1>, vector<16xf32>
    %eq3A_2953 = arith.constant 0 : i32
    %eq3A_2954 = vector.broadcast %eq3A_2953 : i32 to vector<16xi32>
    %eq3A_2955 = arith.cmpi eq, %sub3A_2944, %eq3A_2954 : vector<16xi32>
    %eq3A_2956 = arith.constant 1 : i32
    %eq3A_2957 = vector.broadcast %eq3A_2956 : i32 to vector<16xi32>
    %eq3A_2958 = arith.cmpi eq, %sub3A_2944, %eq3A_2957 : vector<16xi32>
    %select_n3A_2959 = arith.select %eq3A_2958, %masked_sort3A_2811, %masked_sort3A_2844 : vector<16xi1>, vector<16xi32>
    %select_n3A_2960 = arith.select %eq3A_2955, %masked_sort3A_2778, %select_n3A_2959 : vector<16xi1>, vector<16xi32>
    %add3A_2961 = arith.constant 192 : i32
    %add3A_2962 = arith.addi %mul3A_2, %add3A_2961 : i32
    %add3A_2963 = vector.broadcast %add3A_2962 : i32 to vector<16xi32>
    %add3A_2964 = arith.addi %add3A_2963, %shift_right_arithmetic3A_2940 : vector<16xi32>
    %swap3A_2965 = arith.constant 608 : index
    %swap3A_2966 = tpu.vector_load %arg8[%swap3A_2965] {strides = array<i32>} : memref<768xf32, #tpu.memory_space<vmem>>, vector<16xf32>,
    tpu.vector_store %arg8[%swap3A_2965], %select_n3A_2952 {strides = array<i32>} : memref<768xf32, #tpu.memory_space<vmem>>, vector<16xf32>,
    %swap3A_2967 = arith.constant 0 : i32
    %swap3A_2968 = arith.index_cast %swap3A_2967 : i32 to index
    %swap3A_2969 = arith.constant 608 : index
    %swap3A_2970 = tpu.vector_load %arg9[%swap3A_2968, %swap3A_2969] {strides = array<i32>} : memref<1x768xi32, #tpu.memory_space<vmem>>, vector<16xi32>,
    tpu.vector_store %arg9[%swap3A_2968, %swap3A_2969], %add3A_2964 {strides = array<i32>} : memref<1x768xi32, #tpu.memory_space<vmem>>, vector<16xi32>,
    %swap3A_2971 = arith.constant 0 : i32
    %swap3A_2972 = arith.index_cast %swap3A_2971 : i32 to index
    %swap3A_2973 = arith.constant 608 : index
    %swap3A_2974 = tpu.vector_load %arg10[%swap3A_2972, %swap3A_2973] {strides = array<i32>} : memref<1x768xi32, #tpu.memory_space<vmem>>, vector<16xi32>,
    tpu.vector_store %arg10[%swap3A_2972, %swap3A_2973], %select_n3A_2960 {strides = array<i32>} : memref<1x768xi32, #tpu.memory_space<vmem>>, vector<16xi32>,
    %mul3A_2975 = arith.constant 3 : i32
    %mul3A_2976 = vector.broadcast %mul3A_2975 : i32 to vector<16xi32>
    %mul3A_2977 = arith.muli %mul3A_2976, %iota3A : vector<16xi32>
    %add3A_2978 = arith.constant 0 : i32
    %add3A_2979 = vector.broadcast %add3A_2978 : i32 to vector<16xi32>
    %add3A_2980 = arith.addi %mul3A_2977, %add3A_2979 : vector<16xi32>
    %and3A_2981 = arith.constant 15 : i32
    %and3A_2982 = vector.broadcast %and3A_2981 : i32 to vector<16xi32>
    %and3A_2983 = arith.andi %add3A_2980, %and3A_2982 : vector<16xi32>
    %get3A_2984 = arith.constant 0 : i32
    %get3A_2985 = arith.index_cast %get3A_2984 : i32 to index
    %get3A_2986 = arith.constant 208 : index
    %get3A_2987 = tpu.vector_load %arg6[%get3A_2985, %get3A_2986] {strides = array<i32>} : memref<3x256xf32, #tpu.memory_space<vmem>>, vector<16xf32>,
    %masked_sort3A_2988 = arith.constant dense<true> : vector<16xi1>
    %masked_sort3A_2989 = arith.constant -2147483648 : i32
    %masked_sort3A_2990 = vector.broadcast %masked_sort3A_2989 : i32 to vector<16xi32>
    %masked_sort3A_2991 = arith.xori %and3A_2983, %masked_sort3A_2990 : vector<16xi32>
    %masked_sort3A_2992, %masked_sort3A_2993, %masked_sort3A_2994 = tpu.sort %masked_sort3A_2991, %get3A_2987 masked %masked_sort3A_2988 : (vector<16xi32>, vector<16xf32>, vector<16xi1>) -> (vector<16xi1>, vector<16xi32>, vector<16xf32>)
    %masked_sort3A_2995 = arith.xori %masked_sort3A_2993, %masked_sort3A_2990 : vector<16xi32>
    %get3A_2996 = arith.constant 0 : i32
    %get3A_2997 = arith.index_cast %get3A_2996 : i32 to index
    %get3A_2998 = arith.constant 208 : index
    %get3A_2999 = tpu.vector_load %arg7[%get3A_2997, %get3A_2998] {strides = array<i32>} : memref<3x256xi32, #tpu.memory_space<vmem>>, vector<16xi32>,
    %masked_sort3A_3000 = arith.constant dense<true> : vector<16xi1>
    %masked_sort3A_3001 = arith.constant -2147483648 : i32
    %masked_sort3A_3002 = vector.broadcast %masked_sort3A_3001 : i32 to vector<16xi32>
    %masked_sort3A_3003 = arith.xori %and3A_2983, %masked_sort3A_3002 : vector<16xi32>
    %masked_sort3A_3004, %masked_sort3A_3005, %masked_sort3A_3006 = tpu.sort %masked_sort3A_3003, %get3A_2999 masked %masked_sort3A_3000 : (vector<16xi32>, vector<16xi32>, vector<16xi1>) -> (vector<16xi1>, vector<16xi32>, vector<16xi32>)
    %masked_sort3A_3007 = arith.xori %masked_sort3A_3005, %masked_sort3A_3002 : vector<16xi32>
    %mul3A_3008 = arith.constant 3 : i32
    %mul3A_3009 = vector.broadcast %mul3A_3008 : i32 to vector<16xi32>
    %mul3A_3010 = arith.muli %mul3A_3009, %iota3A : vector<16xi32>
    %add3A_3011 = arith.constant 1 : i32
    %add3A_3012 = vector.broadcast %add3A_3011 : i32 to vector<16xi32>
    %add3A_3013 = arith.addi %mul3A_3010, %add3A_3012 : vector<16xi32>
    %and3A_3014 = arith.constant 15 : i32
    %and3A_3015 = vector.broadcast %and3A_3014 : i32 to vector<16xi32>
    %and3A_3016 = arith.andi %add3A_3013, %and3A_3015 : vector<16xi32>
    %get3A_3017 = arith.constant 1 : i32
    %get3A_3018 = arith.index_cast %get3A_3017 : i32 to index
    %get3A_3019 = arith.constant 208 : index
    %get3A_3020 = tpu.vector_load %arg6[%get3A_3018, %get3A_3019] {strides = array<i32>} : memref<3x256xf32, #tpu.memory_space<vmem>>, vector<16xf32>,
    %masked_sort3A_3021 = arith.constant dense<true> : vector<16xi1>
    %masked_sort3A_3022 = arith.constant -2147483648 : i32
    %masked_sort3A_3023 = vector.broadcast %masked_sort3A_3022 : i32 to vector<16xi32>
    %masked_sort3A_3024 = arith.xori %and3A_3016, %masked_sort3A_3023 : vector<16xi32>
    %masked_sort3A_3025, %masked_sort3A_3026, %masked_sort3A_3027 = tpu.sort %masked_sort3A_3024, %get3A_3020 masked %masked_sort3A_3021 : (vector<16xi32>, vector<16xf32>, vector<16xi1>) -> (vector<16xi1>, vector<16xi32>, vector<16xf32>)
    %masked_sort3A_3028 = arith.xori %masked_sort3A_3026, %masked_sort3A_3023 : vector<16xi32>
    %get3A_3029 = arith.constant 1 : i32
    %get3A_3030 = arith.index_cast %get3A_3029 : i32 to index
    %get3A_3031 = arith.constant 208 : index
    %get3A_3032 = tpu.vector_load %arg7[%get3A_3030, %get3A_3031] {strides = array<i32>} : memref<3x256xi32, #tpu.memory_space<vmem>>, vector<16xi32>,
    %masked_sort3A_3033 = arith.constant dense<true> : vector<16xi1>
    %masked_sort3A_3034 = arith.constant -2147483648 : i32
    %masked_sort3A_3035 = vector.broadcast %masked_sort3A_3034 : i32 to vector<16xi32>
    %masked_sort3A_3036 = arith.xori %and3A_3016, %masked_sort3A_3035 : vector<16xi32>
    %masked_sort3A_3037, %masked_sort3A_3038, %masked_sort3A_3039 = tpu.sort %masked_sort3A_3036, %get3A_3032 masked %masked_sort3A_3033 : (vector<16xi32>, vector<16xi32>, vector<16xi1>) -> (vector<16xi1>, vector<16xi32>, vector<16xi32>)
    %masked_sort3A_3040 = arith.xori %masked_sort3A_3038, %masked_sort3A_3035 : vector<16xi32>
    %mul3A_3041 = arith.constant 3 : i32
    %mul3A_3042 = vector.broadcast %mul3A_3041 : i32 to vector<16xi32>
    %mul3A_3043 = arith.muli %mul3A_3042, %iota3A : vector<16xi32>
    %add3A_3044 = arith.constant 2 : i32
    %add3A_3045 = vector.broadcast %add3A_3044 : i32 to vector<16xi32>
    %add3A_3046 = arith.addi %mul3A_3043, %add3A_3045 : vector<16xi32>
    %and3A_3047 = arith.constant 15 : i32
    %and3A_3048 = vector.broadcast %and3A_3047 : i32 to vector<16xi32>
    %and3A_3049 = arith.andi %add3A_3046, %and3A_3048 : vector<16xi32>
    %get3A_3050 = arith.constant 2 : i32
    %get3A_3051 = arith.index_cast %get3A_3050 : i32 to index
    %get3A_3052 = arith.constant 208 : index
    %get3A_3053 = tpu.vector_load %arg6[%get3A_3051, %get3A_3052] {strides = array<i32>} : memref<3x256xf32, #tpu.memory_space<vmem>>, vector<16xf32>,
    %masked_sort3A_3054 = arith.constant dense<true> : vector<16xi1>
    %masked_sort3A_3055 = arith.constant -2147483648 : i32
    %masked_sort3A_3056 = vector.broadcast %masked_sort3A_3055 : i32 to vector<16xi32>
    %masked_sort3A_3057 = arith.xori %and3A_3049, %masked_sort3A_3056 : vector<16xi32>
    %masked_sort3A_3058, %masked_sort3A_3059, %masked_sort3A_3060 = tpu.sort %masked_sort3A_3057, %get3A_3053 masked %masked_sort3A_3054 : (vector<16xi32>, vector<16xf32>, vector<16xi1>) -> (vector<16xi1>, vector<16xi32>, vector<16xf32>)
    %masked_sort3A_3061 = arith.xori %masked_sort3A_3059, %masked_sort3A_3056 : vector<16xi32>
    %get3A_3062 = arith.constant 2 : i32
    %get3A_3063 = arith.index_cast %get3A_3062 : i32 to index
    %get3A_3064 = arith.constant 208 : index
    %get3A_3065 = tpu.vector_load %arg7[%get3A_3063, %get3A_3064] {strides = array<i32>} : memref<3x256xi32, #tpu.memory_space<vmem>>, vector<16xi32>,
    %masked_sort3A_3066 = arith.constant dense<true> : vector<16xi1>
    %masked_sort3A_3067 = arith.constant -2147483648 : i32
    %masked_sort3A_3068 = vector.broadcast %masked_sort3A_3067 : i32 to vector<16xi32>
    %masked_sort3A_3069 = arith.xori %and3A_3049, %masked_sort3A_3068 : vector<16xi32>
    %masked_sort3A_3070, %masked_sort3A_3071, %masked_sort3A_3072 = tpu.sort %masked_sort3A_3069, %get3A_3065 masked %masked_sort3A_3066 : (vector<16xi32>, vector<16xi32>, vector<16xi1>) -> (vector<16xi1>, vector<16xi32>, vector<16xi32>)
    %masked_sort3A_3073 = arith.xori %masked_sort3A_3071, %masked_sort3A_3068 : vector<16xi32>
    %add3A_3074 = arith.constant 0 : i32
    %add3A_3075 = vector.broadcast %add3A_3074 : i32 to vector<16xi32>
    %add3A_3076 = arith.addi %add3A_3075, %iota3A : vector<16xi32>
    %mul3A_3077 = arith.constant 21846 : i32
    %mul3A_3078 = vector.broadcast %mul3A_3077 : i32 to vector<16xi32>
    %mul3A_3079 = arith.muli %add3A_3076, %mul3A_3078 : vector<16xi32>
    %shift_right_arithmetic3A_3080 = arith.constant 16 : i32
    %shift_right_arithmetic3A_3081 = vector.broadcast %shift_right_arithmetic3A_3080 : i32 to vector<16xi32>
    %shift_right_arithmetic3A_3082 = arith.shrsi %mul3A_3079, %shift_right_arithmetic3A_3081 : vector<16xi32>
    %mul3A_3083 = arith.constant 3 : i32
    %mul3A_3084 = vector.broadcast %mul3A_3083 : i32 to vector<16xi32>
    %mul3A_3085 = arith.muli %mul3A_3084, %shift_right_arithmetic3A_3082 : vector<16xi32>
    %sub3A_3086 = arith.subi %add3A_3076, %mul3A_3085 : vector<16xi32>
    %eq3A_3087 = arith.constant 0 : i32
    %eq3A_3088 = vector.broadcast %eq3A_3087 : i32 to vector<16xi32>
    %eq3A_3089 = arith.cmpi eq, %sub3A_3086, %eq3A_3088 : vector<16xi32>
    %eq3A_3090 = arith.constant 1 : i32
    %eq3A_3091 = vector.broadcast %eq3A_3090 : i32 to vector<16xi32>
    %eq3A_3092 = arith.cmpi eq, %sub3A_3086, %eq3A_3091 : vector<16xi32>
    %select_n3A_3093 = arith.select %eq3A_3092, %masked_sort3A_3027, %masked_sort3A_3060 : vector<16xi1>, vector<16xf32>
    %select_n3A_3094 = arith.select %eq3A_3089, %masked_sort3A_2994, %select_n3A_3093 : vector<16xi1>, vector<16xf32>
    %eq3A_3095 = arith.constant 0 : i32
    %eq3A_3096 = vector.broadcast %eq3A_3095 : i32 to vector<16xi32>
    %eq3A_3097 = arith.cmpi eq, %sub3A_3086, %eq3A_3096 : vector<16xi32>
    %eq3A_3098 = arith.constant 1 : i32
    %eq3A_3099 = vector.broadcast %eq3A_3098 : i32 to vector<16xi32>
    %eq3A_3100 = arith.cmpi eq, %sub3A_3086, %eq3A_3099 : vector<16xi32>
    %select_n3A_3101 = arith.select %eq3A_3100, %masked_sort3A_3039, %masked_sort3A_3072 : vector<16xi1>, vector<16xi32>
    %select_n3A_3102 = arith.select %eq3A_3097, %masked_sort3A_3006, %select_n3A_3101 : vector<16xi1>, vector<16xi32>
    %add3A_3103 = arith.constant 208 : i32
    %add3A_3104 = arith.addi %mul3A_2, %add3A_3103 : i32
    %add3A_3105 = vector.broadcast %add3A_3104 : i32 to vector<16xi32>
    %add3A_3106 = arith.addi %add3A_3105, %shift_right_arithmetic3A_3082 : vector<16xi32>
    %swap3A_3107 = arith.constant 624 : index
    %swap3A_3108 = tpu.vector_load %arg8[%swap3A_3107] {strides = array<i32>} : memref<768xf32, #tpu.memory_space<vmem>>, vector<16xf32>,
    tpu.vector_store %arg8[%swap3A_3107], %select_n3A_3094 {strides = array<i32>} : memref<768xf32, #tpu.memory_space<vmem>>, vector<16xf32>,
    %swap3A_3109 = arith.constant 0 : i32
    %swap3A_3110 = arith.index_cast %swap3A_3109 : i32 to index
    %swap3A_3111 = arith.constant 624 : index
    %swap3A_3112 = tpu.vector_load %arg9[%swap3A_3110, %swap3A_3111] {strides = array<i32>} : memref<1x768xi32, #tpu.memory_space<vmem>>, vector<16xi32>,
    tpu.vector_store %arg9[%swap3A_3110, %swap3A_3111], %add3A_3106 {strides = array<i32>} : memref<1x768xi32, #tpu.memory_space<vmem>>, vector<16xi32>,
    %swap3A_3113 = arith.constant 0 : i32
    %swap3A_3114 = arith.index_cast %swap3A_3113 : i32 to index
    %swap3A_3115 = arith.constant 624 : index
    %swap3A_3116 = tpu.vector_load %arg10[%swap3A_3114, %swap3A_3115] {strides = array<i32>} : memref<1x768xi32, #tpu.memory_space<vmem>>, vector<16xi32>,
    tpu.vector_store %arg10[%swap3A_3114, %swap3A_3115], %select_n3A_3102 {strides = array<i32>} : memref<1x768xi32, #tpu.memory_space<vmem>>, vector<16xi32>,
    %add3A_3117 = arith.constant 16 : i32
    %add3A_3118 = vector.broadcast %add3A_3117 : i32 to vector<16xi32>
    %add3A_3119 = arith.addi %add3A_3118, %iota3A : vector<16xi32>
    %mul3A_3120 = arith.constant 21846 : i32
    %mul3A_3121 = vector.broadcast %mul3A_3120 : i32 to vector<16xi32>
    %mul3A_3122 = arith.muli %add3A_3119, %mul3A_3121 : vector<16xi32>
    %shift_right_arithmetic3A_3123 = arith.constant 16 : i32
    %shift_right_arithmetic3A_3124 = vector.broadcast %shift_right_arithmetic3A_3123 : i32 to vector<16xi32>
    %shift_right_arithmetic3A_3125 = arith.shrsi %mul3A_3122, %shift_right_arithmetic3A_3124 : vector<16xi32>
    %mul3A_3126 = arith.constant 3 : i32
    %mul3A_3127 = vector.broadcast %mul3A_3126 : i32 to vector<16xi32>
    %mul3A_3128 = arith.muli %mul3A_3127, %shift_right_arithmetic3A_3125 : vector<16xi32>
    %sub3A_3129 = arith.subi %add3A_3119, %mul3A_3128 : vector<16xi32>
    %eq3A_3130 = arith.constant 0 : i32
    %eq3A_3131 = vector.broadcast %eq3A_3130 : i32 to vector<16xi32>
    %eq3A_3132 = arith.cmpi eq, %sub3A_3129, %eq3A_3131 : vector<16xi32>
    %eq3A_3133 = arith.constant 1 : i32
    %eq3A_3134 = vector.broadcast %eq3A_3133 : i32 to vector<16xi32>
    %eq3A_3135 = arith.cmpi eq, %sub3A_3129, %eq3A_3134 : vector<16xi32>
    %select_n3A_3136 = arith.select %eq3A_3135, %masked_sort3A_3027, %masked_sort3A_3060 : vector<16xi1>, vector<16xf32>
    %select_n3A_3137 = arith.select %eq3A_3132, %masked_sort3A_2994, %select_n3A_3136 : vector<16xi1>, vector<16xf32>
    %eq3A_3138 = arith.constant 0 : i32
    %eq3A_3139 = vector.broadcast %eq3A_3138 : i32 to vector<16xi32>
    %eq3A_3140 = arith.cmpi eq, %sub3A_3129, %eq3A_3139 : vector<16xi32>
    %eq3A_3141 = arith.constant 1 : i32
    %eq3A_3142 = vector.broadcast %eq3A_3141 : i32 to vector<16xi32>
    %eq3A_3143 = arith.cmpi eq, %sub3A_3129, %eq3A_3142 : vector<16xi32>
    %select_n3A_3144 = arith.select %eq3A_3143, %masked_sort3A_3039, %masked_sort3A_3072 : vector<16xi1>, vector<16xi32>
    %select_n3A_3145 = arith.select %eq3A_3140, %masked_sort3A_3006, %select_n3A_3144 : vector<16xi1>, vector<16xi32>
    %add3A_3146 = arith.constant 208 : i32
    %add3A_3147 = arith.addi %mul3A_2, %add3A_3146 : i32
    %add3A_3148 = vector.broadcast %add3A_3147 : i32 to vector<16xi32>
    %add3A_3149 = arith.addi %add3A_3148, %shift_right_arithmetic3A_3125 : vector<16xi32>
    %swap3A_3150 = arith.constant 640 : index
    %swap3A_3151 = tpu.vector_load %arg8[%swap3A_3150] {strides = array<i32>} : memref<768xf32, #tpu.memory_space<vmem>>, vector<16xf32>,
    tpu.vector_store %arg8[%swap3A_3150], %select_n3A_3137 {strides = array<i32>} : memref<768xf32, #tpu.memory_space<vmem>>, vector<16xf32>,
    %swap3A_3152 = arith.constant 0 : i32
    %swap3A_3153 = arith.index_cast %swap3A_3152 : i32 to index
    %swap3A_3154 = arith.constant 640 : index
    %swap3A_3155 = tpu.vector_load %arg9[%swap3A_3153, %swap3A_3154] {strides = array<i32>} : memref<1x768xi32, #tpu.memory_space<vmem>>, vector<16xi32>,
    tpu.vector_store %arg9[%swap3A_3153, %swap3A_3154], %add3A_3149 {strides = array<i32>} : memref<1x768xi32, #tpu.memory_space<vmem>>, vector<16xi32>,
    %swap3A_3156 = arith.constant 0 : i32
    %swap3A_3157 = arith.index_cast %swap3A_3156 : i32 to index
    %swap3A_3158 = arith.constant 640 : index
    %swap3A_3159 = tpu.vector_load %arg10[%swap3A_3157, %swap3A_3158] {strides = array<i32>} : memref<1x768xi32, #tpu.memory_space<vmem>>, vector<16xi32>,
    tpu.vector_store %arg10[%swap3A_3157, %swap3A_3158], %select_n3A_3145 {strides = array<i32>} : memref<1x768xi32, #tpu.memory_space<vmem>>, vector<16xi32>,
    %add3A_3160 = arith.constant 32 : i32
    %add3A_3161 = vector.broadcast %add3A_3160 : i32 to vector<16xi32>
    %add3A_3162 = arith.addi %add3A_3161, %iota3A : vector<16xi32>
    %mul3A_3163 = arith.constant 21846 : i32
    %mul3A_3164 = vector.broadcast %mul3A_3163 : i32 to vector<16xi32>
    %mul3A_3165 = arith.muli %add3A_3162, %mul3A_3164 : vector<16xi32>
    %shift_right_arithmetic3A_3166 = arith.constant 16 : i32
    %shift_right_arithmetic3A_3167 = vector.broadcast %shift_right_arithmetic3A_3166 : i32 to vector<16xi32>
    %shift_right_arithmetic3A_3168 = arith.shrsi %mul3A_3165, %shift_right_arithmetic3A_3167 : vector<16xi32>
    %mul3A_3169 = arith.constant 3 : i32
    %mul3A_3170 = vector.broadcast %mul3A_3169 : i32 to vector<16xi32>
    %mul3A_3171 = arith.muli %mul3A_3170, %shift_right_arithmetic3A_3168 : vector<16xi32>
    %sub3A_3172 = arith.subi %add3A_3162, %mul3A_3171 : vector<16xi32>
    %eq3A_3173 = arith.constant 0 : i32
    %eq3A_3174 = vector.broadcast %eq3A_3173 : i32 to vector<16xi32>
    %eq3A_3175 = arith.cmpi eq, %sub3A_3172, %eq3A_3174 : vector<16xi32>
    %eq3A_3176 = arith.constant 1 : i32
    %eq3A_3177 = vector.broadcast %eq3A_3176 : i32 to vector<16xi32>
    %eq3A_3178 = arith.cmpi eq, %sub3A_3172, %eq3A_3177 : vector<16xi32>
    %select_n3A_3179 = arith.select %eq3A_3178, %masked_sort3A_3027, %masked_sort3A_3060 : vector<16xi1>, vector<16xf32>
    %select_n3A_3180 = arith.select %eq3A_3175, %masked_sort3A_2994, %select_n3A_3179 : vector<16xi1>, vector<16xf32>
    %eq3A_3181 = arith.constant 0 : i32
    %eq3A_3182 = vector.broadcast %eq3A_3181 : i32 to vector<16xi32>
    %eq3A_3183 = arith.cmpi eq, %sub3A_3172, %eq3A_3182 : vector<16xi32>
    %eq3A_3184 = arith.constant 1 : i32
    %eq3A_3185 = vector.broadcast %eq3A_3184 : i32 to vector<16xi32>
    %eq3A_3186 = arith.cmpi eq, %sub3A_3172, %eq3A_3185 : vector<16xi32>
    %select_n3A_3187 = arith.select %eq3A_3186, %masked_sort3A_3039, %masked_sort3A_3072 : vector<16xi1>, vector<16xi32>
    %select_n3A_3188 = arith.select %eq3A_3183, %masked_sort3A_3006, %select_n3A_3187 : vector<16xi1>, vector<16xi32>
    %add3A_3189 = arith.constant 208 : i32
    %add3A_3190 = arith.addi %mul3A_2, %add3A_3189 : i32
    %add3A_3191 = vector.broadcast %add3A_3190 : i32 to vector<16xi32>
    %add3A_3192 = arith.addi %add3A_3191, %shift_right_arithmetic3A_3168 : vector<16xi32>
    %swap3A_3193 = arith.constant 656 : index
    %swap3A_3194 = tpu.vector_load %arg8[%swap3A_3193] {strides = array<i32>} : memref<768xf32, #tpu.memory_space<vmem>>, vector<16xf32>,
    tpu.vector_store %arg8[%swap3A_3193], %select_n3A_3180 {strides = array<i32>} : memref<768xf32, #tpu.memory_space<vmem>>, vector<16xf32>,
    %swap3A_3195 = arith.constant 0 : i32
    %swap3A_3196 = arith.index_cast %swap3A_3195 : i32 to index
    %swap3A_3197 = arith.constant 656 : index
    %swap3A_3198 = tpu.vector_load %arg9[%swap3A_3196, %swap3A_3197] {strides = array<i32>} : memref<1x768xi32, #tpu.memory_space<vmem>>, vector<16xi32>,
    tpu.vector_store %arg9[%swap3A_3196, %swap3A_3197], %add3A_3192 {strides = array<i32>} : memref<1x768xi32, #tpu.memory_space<vmem>>, vector<16xi32>,
    %swap3A_3199 = arith.constant 0 : i32
    %swap3A_3200 = arith.index_cast %swap3A_3199 : i32 to index
    %swap3A_3201 = arith.constant 656 : index
    %swap3A_3202 = tpu.vector_load %arg10[%swap3A_3200, %swap3A_3201] {strides = array<i32>} : memref<1x768xi32, #tpu.memory_space<vmem>>, vector<16xi32>,
    tpu.vector_store %arg10[%swap3A_3200, %swap3A_3201], %select_n3A_3188 {strides = array<i32>} : memref<1x768xi32, #tpu.memory_space<vmem>>, vector<16xi32>,
    %mul3A_3203 = arith.constant 3 : i32
    %mul3A_3204 = vector.broadcast %mul3A_3203 : i32 to vector<16xi32>
    %mul3A_3205 = arith.muli %mul3A_3204, %iota3A : vector<16xi32>
    %add3A_3206 = arith.constant 0 : i32
    %add3A_3207 = vector.broadcast %add3A_3206 : i32 to vector<16xi32>
    %add3A_3208 = arith.addi %mul3A_3205, %add3A_3207 : vector<16xi32>
    %and3A_3209 = arith.constant 15 : i32
    %and3A_3210 = vector.broadcast %and3A_3209 : i32 to vector<16xi32>
    %and3A_3211 = arith.andi %add3A_3208, %and3A_3210 : vector<16xi32>
    %get3A_3212 = arith.constant 0 : i32
    %get3A_3213 = arith.index_cast %get3A_3212 : i32 to index
    %get3A_3214 = arith.constant 224 : index
    %get3A_3215 = tpu.vector_load %arg6[%get3A_3213, %get3A_3214] {strides = array<i32>} : memref<3x256xf32, #tpu.memory_space<vmem>>, vector<16xf32>,
    %masked_sort3A_3216 = arith.constant dense<true> : vector<16xi1>
    %masked_sort3A_3217 = arith.constant -2147483648 : i32
    %masked_sort3A_3218 = vector.broadcast %masked_sort3A_3217 : i32 to vector<16xi32>
    %masked_sort3A_3219 = arith.xori %and3A_3211, %masked_sort3A_3218 : vector<16xi32>
    %masked_sort3A_3220, %masked_sort3A_3221, %masked_sort3A_3222 = tpu.sort %masked_sort3A_3219, %get3A_3215 masked %masked_sort3A_3216 : (vector<16xi32>, vector<16xf32>, vector<16xi1>) -> (vector<16xi1>, vector<16xi32>, vector<16xf32>)
    %masked_sort3A_3223 = arith.xori %masked_sort3A_3221, %masked_sort3A_3218 : vector<16xi32>
    %get3A_3224 = arith.constant 0 : i32
    %get3A_3225 = arith.index_cast %get3A_3224 : i32 to index
    %get3A_3226 = arith.constant 224 : index
    %get3A_3227 = tpu.vector_load %arg7[%get3A_3225, %get3A_3226] {strides = array<i32>} : memref<3x256xi32, #tpu.memory_space<vmem>>, vector<16xi32>,
    %masked_sort3A_3228 = arith.constant dense<true> : vector<16xi1>
    %masked_sort3A_3229 = arith.constant -2147483648 : i32
    %masked_sort3A_3230 = vector.broadcast %masked_sort3A_3229 : i32 to vector<16xi32>
    %masked_sort3A_3231 = arith.xori %and3A_3211, %masked_sort3A_3230 : vector<16xi32>
    %masked_sort3A_3232, %masked_sort3A_3233, %masked_sort3A_3234 = tpu.sort %masked_sort3A_3231, %get3A_3227 masked %masked_sort3A_3228 : (vector<16xi32>, vector<16xi32>, vector<16xi1>) -> (vector<16xi1>, vector<16xi32>, vector<16xi32>)
    %masked_sort3A_3235 = arith.xori %masked_sort3A_3233, %masked_sort3A_3230 : vector<16xi32>
    %mul3A_3236 = arith.constant 3 : i32
    %mul3A_3237 = vector.broadcast %mul3A_3236 : i32 to vector<16xi32>
    %mul3A_3238 = arith.muli %mul3A_3237, %iota3A : vector<16xi32>
    %add3A_3239 = arith.constant 1 : i32
    %add3A_3240 = vector.broadcast %add3A_3239 : i32 to vector<16xi32>
    %add3A_3241 = arith.addi %mul3A_3238, %add3A_3240 : vector<16xi32>
    %and3A_3242 = arith.constant 15 : i32
    %and3A_3243 = vector.broadcast %and3A_3242 : i32 to vector<16xi32>
    %and3A_3244 = arith.andi %add3A_3241, %and3A_3243 : vector<16xi32>
    %get3A_3245 = arith.constant 1 : i32
    %get3A_3246 = arith.index_cast %get3A_3245 : i32 to index
    %get3A_3247 = arith.constant 224 : index
    %get3A_3248 = tpu.vector_load %arg6[%get3A_3246, %get3A_3247] {strides = array<i32>} : memref<3x256xf32, #tpu.memory_space<vmem>>, vector<16xf32>,
    %masked_sort3A_3249 = arith.constant dense<true> : vector<16xi1>
    %masked_sort3A_3250 = arith.constant -2147483648 : i32
    %masked_sort3A_3251 = vector.broadcast %masked_sort3A_3250 : i32 to vector<16xi32>
    %masked_sort3A_3252 = arith.xori %and3A_3244, %masked_sort3A_3251 : vector<16xi32>
    %masked_sort3A_3253, %masked_sort3A_3254, %masked_sort3A_3255 = tpu.sort %masked_sort3A_3252, %get3A_3248 masked %masked_sort3A_3249 : (vector<16xi32>, vector<16xf32>, vector<16xi1>) -> (vector<16xi1>, vector<16xi32>, vector<16xf32>)
    %masked_sort3A_3256 = arith.xori %masked_sort3A_3254, %masked_sort3A_3251 : vector<16xi32>
    %get3A_3257 = arith.constant 1 : i32
    %get3A_3258 = arith.index_cast %get3A_3257 : i32 to index
    %get3A_3259 = arith.constant 224 : index
    %get3A_3260 = tpu.vector_load %arg7[%get3A_3258, %get3A_3259] {strides = array<i32>} : memref<3x256xi32, #tpu.memory_space<vmem>>, vector<16xi32>,
    %masked_sort3A_3261 = arith.constant dense<true> : vector<16xi1>
    %masked_sort3A_3262 = arith.constant -2147483648 : i32
    %masked_sort3A_3263 = vector.broadcast %masked_sort3A_3262 : i32 to vector<16xi32>
    %masked_sort3A_3264 = arith.xori %and3A_3244, %masked_sort3A_3263 : vector<16xi32>
    %masked_sort3A_3265, %masked_sort3A_3266, %masked_sort3A_3267 = tpu.sort %masked_sort3A_3264, %get3A_3260 masked %masked_sort3A_3261 : (vector<16xi32>, vector<16xi32>, vector<16xi1>) -> (vector<16xi1>, vector<16xi32>, vector<16xi32>)
    %masked_sort3A_3268 = arith.xori %masked_sort3A_3266, %masked_sort3A_3263 : vector<16xi32>
    %mul3A_3269 = arith.constant 3 : i32
    %mul3A_3270 = vector.broadcast %mul3A_3269 : i32 to vector<16xi32>
    %mul3A_3271 = arith.muli %mul3A_3270, %iota3A : vector<16xi32>
    %add3A_3272 = arith.constant 2 : i32
    %add3A_3273 = vector.broadcast %add3A_3272 : i32 to vector<16xi32>
    %add3A_3274 = arith.addi %mul3A_3271, %add3A_3273 : vector<16xi32>
    %and3A_3275 = arith.constant 15 : i32
    %and3A_3276 = vector.broadcast %and3A_3275 : i32 to vector<16xi32>
    %and3A_3277 = arith.andi %add3A_3274, %and3A_3276 : vector<16xi32>
    %get3A_3278 = arith.constant 2 : i32
    %get3A_3279 = arith.index_cast %get3A_3278 : i32 to index
    %get3A_3280 = arith.constant 224 : index
    %get3A_3281 = tpu.vector_load %arg6[%get3A_3279, %get3A_3280] {strides = array<i32>} : memref<3x256xf32, #tpu.memory_space<vmem>>, vector<16xf32>,
    %masked_sort3A_3282 = arith.constant dense<true> : vector<16xi1>
    %masked_sort3A_3283 = arith.constant -2147483648 : i32
    %masked_sort3A_3284 = vector.broadcast %masked_sort3A_3283 : i32 to vector<16xi32>
    %masked_sort3A_3285 = arith.xori %and3A_3277, %masked_sort3A_3284 : vector<16xi32>
    %masked_sort3A_3286, %masked_sort3A_3287, %masked_sort3A_3288 = tpu.sort %masked_sort3A_3285, %get3A_3281 masked %masked_sort3A_3282 : (vector<16xi32>, vector<16xf32>, vector<16xi1>) -> (vector<16xi1>, vector<16xi32>, vector<16xf32>)
    %masked_sort3A_3289 = arith.xori %masked_sort3A_3287, %masked_sort3A_3284 : vector<16xi32>
    %get3A_3290 = arith.constant 2 : i32
    %get3A_3291 = arith.index_cast %get3A_3290 : i32 to index
    %get3A_3292 = arith.constant 224 : index
    %get3A_3293 = tpu.vector_load %arg7[%get3A_3291, %get3A_3292] {strides = array<i32>} : memref<3x256xi32, #tpu.memory_space<vmem>>, vector<16xi32>,
    %masked_sort3A_3294 = arith.constant dense<true> : vector<16xi1>
    %masked_sort3A_3295 = arith.constant -2147483648 : i32
    %masked_sort3A_3296 = vector.broadcast %masked_sort3A_3295 : i32 to vector<16xi32>
    %masked_sort3A_3297 = arith.xori %and3A_3277, %masked_sort3A_3296 : vector<16xi32>
    %masked_sort3A_3298, %masked_sort3A_3299, %masked_sort3A_3300 = tpu.sort %masked_sort3A_3297, %get3A_3293 masked %masked_sort3A_3294 : (vector<16xi32>, vector<16xi32>, vector<16xi1>) -> (vector<16xi1>, vector<16xi32>, vector<16xi32>)
    %masked_sort3A_3301 = arith.xori %masked_sort3A_3299, %masked_sort3A_3296 : vector<16xi32>
    %add3A_3302 = arith.constant 0 : i32
    %add3A_3303 = vector.broadcast %add3A_3302 : i32 to vector<16xi32>
    %add3A_3304 = arith.addi %add3A_3303, %iota3A : vector<16xi32>
    %mul3A_3305 = arith.constant 21846 : i32
    %mul3A_3306 = vector.broadcast %mul3A_3305 : i32 to vector<16xi32>
    %mul3A_3307 = arith.muli %add3A_3304, %mul3A_3306 : vector<16xi32>
    %shift_right_arithmetic3A_3308 = arith.constant 16 : i32
    %shift_right_arithmetic3A_3309 = vector.broadcast %shift_right_arithmetic3A_3308 : i32 to vector<16xi32>
    %shift_right_arithmetic3A_3310 = arith.shrsi %mul3A_3307, %shift_right_arithmetic3A_3309 : vector<16xi32>
    %mul3A_3311 = arith.constant 3 : i32
    %mul3A_3312 = vector.broadcast %mul3A_3311 : i32 to vector<16xi32>
    %mul3A_3313 = arith.muli %mul3A_3312, %shift_right_arithmetic3A_3310 : vector<16xi32>
    %sub3A_3314 = arith.subi %add3A_3304, %mul3A_3313 : vector<16xi32>
    %eq3A_3315 = arith.constant 0 : i32
    %eq3A_3316 = vector.broadcast %eq3A_3315 : i32 to vector<16xi32>
    %eq3A_3317 = arith.cmpi eq, %sub3A_3314, %eq3A_3316 : vector<16xi32>
    %eq3A_3318 = arith.constant 1 : i32
    %eq3A_3319 = vector.broadcast %eq3A_3318 : i32 to vector<16xi32>
    %eq3A_3320 = arith.cmpi eq, %sub3A_3314, %eq3A_3319 : vector<16xi32>
    %select_n3A_3321 = arith.select %eq3A_3320, %masked_sort3A_3255, %masked_sort3A_3288 : vector<16xi1>, vector<16xf32>
    %select_n3A_3322 = arith.select %eq3A_3317, %masked_sort3A_3222, %select_n3A_3321 : vector<16xi1>, vector<16xf32>
    %eq3A_3323 = arith.constant 0 : i32
    %eq3A_3324 = vector.broadcast %eq3A_3323 : i32 to vector<16xi32>
    %eq3A_3325 = arith.cmpi eq, %sub3A_3314, %eq3A_3324 : vector<16xi32>
    %eq3A_3326 = arith.constant 1 : i32
    %eq3A_3327 = vector.broadcast %eq3A_3326 : i32 to vector<16xi32>
    %eq3A_3328 = arith.cmpi eq, %sub3A_3314, %eq3A_3327 : vector<16xi32>
    %select_n3A_3329 = arith.select %eq3A_3328, %masked_sort3A_3267, %masked_sort3A_3300 : vector<16xi1>, vector<16xi32>
    %select_n3A_3330 = arith.select %eq3A_3325, %masked_sort3A_3234, %select_n3A_3329 : vector<16xi1>, vector<16xi32>
    %add3A_3331 = arith.constant 224 : i32
    %add3A_3332 = arith.addi %mul3A_2, %add3A_3331 : i32
    %add3A_3333 = vector.broadcast %add3A_3332 : i32 to vector<16xi32>
    %add3A_3334 = arith.addi %add3A_3333, %shift_right_arithmetic3A_3310 : vector<16xi32>
    %swap3A_3335 = arith.constant 672 : index
    %swap3A_3336 = tpu.vector_load %arg8[%swap3A_3335] {strides = array<i32>} : memref<768xf32, #tpu.memory_space<vmem>>, vector<16xf32>,
    tpu.vector_store %arg8[%swap3A_3335], %select_n3A_3322 {strides = array<i32>} : memref<768xf32, #tpu.memory_space<vmem>>, vector<16xf32>,
    %swap3A_3337 = arith.constant 0 : i32
    %swap3A_3338 = arith.index_cast %swap3A_3337 : i32 to index
    %swap3A_3339 = arith.constant 672 : index
    %swap3A_3340 = tpu.vector_load %arg9[%swap3A_3338, %swap3A_3339] {strides = array<i32>} : memref<1x768xi32, #tpu.memory_space<vmem>>, vector<16xi32>,
    tpu.vector_store %arg9[%swap3A_3338, %swap3A_3339], %add3A_3334 {strides = array<i32>} : memref<1x768xi32, #tpu.memory_space<vmem>>, vector<16xi32>,
    %swap3A_3341 = arith.constant 0 : i32
    %swap3A_3342 = arith.index_cast %swap3A_3341 : i32 to index
    %swap3A_3343 = arith.constant 672 : index
    %swap3A_3344 = tpu.vector_load %arg10[%swap3A_3342, %swap3A_3343] {strides = array<i32>} : memref<1x768xi32, #tpu.memory_space<vmem>>, vector<16xi32>,
    tpu.vector_store %arg10[%swap3A_3342, %swap3A_3343], %select_n3A_3330 {strides = array<i32>} : memref<1x768xi32, #tpu.memory_space<vmem>>, vector<16xi32>,
    %add3A_3345 = arith.constant 16 : i32
    %add3A_3346 = vector.broadcast %add3A_3345 : i32 to vector<16xi32>
    %add3A_3347 = arith.addi %add3A_3346, %iota3A : vector<16xi32>
    %mul3A_3348 = arith.constant 21846 : i32
    %mul3A_3349 = vector.broadcast %mul3A_3348 : i32 to vector<16xi32>
    %mul3A_3350 = arith.muli %add3A_3347, %mul3A_3349 : vector<16xi32>
    %shift_right_arithmetic3A_3351 = arith.constant 16 : i32
    %shift_right_arithmetic3A_3352 = vector.broadcast %shift_right_arithmetic3A_3351 : i32 to vector<16xi32>
    %shift_right_arithmetic3A_3353 = arith.shrsi %mul3A_3350, %shift_right_arithmetic3A_3352 : vector<16xi32>
    %mul3A_3354 = arith.constant 3 : i32
    %mul3A_3355 = vector.broadcast %mul3A_3354 : i32 to vector<16xi32>
    %mul3A_3356 = arith.muli %mul3A_3355, %shift_right_arithmetic3A_3353 : vector<16xi32>
    %sub3A_3357 = arith.subi %add3A_3347, %mul3A_3356 : vector<16xi32>
    %eq3A_3358 = arith.constant 0 : i32
    %eq3A_3359 = vector.broadcast %eq3A_3358 : i32 to vector<16xi32>
    %eq3A_3360 = arith.cmpi eq, %sub3A_3357, %eq3A_3359 : vector<16xi32>
    %eq3A_3361 = arith.constant 1 : i32
    %eq3A_3362 = vector.broadcast %eq3A_3361 : i32 to vector<16xi32>
    %eq3A_3363 = arith.cmpi eq, %sub3A_3357, %eq3A_3362 : vector<16xi32>
    %select_n3A_3364 = arith.select %eq3A_3363, %masked_sort3A_3255, %masked_sort3A_3288 : vector<16xi1>, vector<16xf32>
    %select_n3A_3365 = arith.select %eq3A_3360, %masked_sort3A_3222, %select_n3A_3364 : vector<16xi1>, vector<16xf32>
    %eq3A_3366 = arith.constant 0 : i32
    %eq3A_3367 = vector.broadcast %eq3A_3366 : i32 to vector<16xi32>
    %eq3A_3368 = arith.cmpi eq, %sub3A_3357, %eq3A_3367 : vector<16xi32>
    %eq3A_3369 = arith.constant 1 : i32
    %eq3A_3370 = vector.broadcast %eq3A_3369 : i32 to vector<16xi32>
    %eq3A_3371 = arith.cmpi eq, %sub3A_3357, %eq3A_3370 : vector<16xi32>
    %select_n3A_3372 = arith.select %eq3A_3371, %masked_sort3A_3267, %masked_sort3A_3300 : vector<16xi1>, vector<16xi32>
    %select_n3A_3373 = arith.select %eq3A_3368, %masked_sort3A_3234, %select_n3A_3372 : vector<16xi1>, vector<16xi32>
    %add3A_3374 = arith.constant 224 : i32
    %add3A_3375 = arith.addi %mul3A_2, %add3A_3374 : i32
    %add3A_3376 = vector.broadcast %add3A_3375 : i32 to vector<16xi32>
    %add3A_3377 = arith.addi %add3A_3376, %shift_right_arithmetic3A_3353 : vector<16xi32>
    %swap3A_3378 = arith.constant 688 : index
    %swap3A_3379 = tpu.vector_load %arg8[%swap3A_3378] {strides = array<i32>} : memref<768xf32, #tpu.memory_space<vmem>>, vector<16xf32>,
    tpu.vector_store %arg8[%swap3A_3378], %select_n3A_3365 {strides = array<i32>} : memref<768xf32, #tpu.memory_space<vmem>>, vector<16xf32>,
    %swap3A_3380 = arith.constant 0 : i32
    %swap3A_3381 = arith.index_cast %swap3A_3380 : i32 to index
    %swap3A_3382 = arith.constant 688 : index
    %swap3A_3383 = tpu.vector_load %arg9[%swap3A_3381, %swap3A_3382] {strides = array<i32>} : memref<1x768xi32, #tpu.memory_space<vmem>>, vector<16xi32>,
    tpu.vector_store %arg9[%swap3A_3381, %swap3A_3382], %add3A_3377 {strides = array<i32>} : memref<1x768xi32, #tpu.memory_space<vmem>>, vector<16xi32>,
    %swap3A_3384 = arith.constant 0 : i32
    %swap3A_3385 = arith.index_cast %swap3A_3384 : i32 to index
    %swap3A_3386 = arith.constant 688 : index
    %swap3A_3387 = tpu.vector_load %arg10[%swap3A_3385, %swap3A_3386] {strides = array<i32>} : memref<1x768xi32, #tpu.memory_space<vmem>>, vector<16xi32>,
    tpu.vector_store %arg10[%swap3A_3385, %swap3A_3386], %select_n3A_3373 {strides = array<i32>} : memref<1x768xi32, #tpu.memory_space<vmem>>, vector<16xi32>,
    %add3A_3388 = arith.constant 32 : i32
    %add3A_3389 = vector.broadcast %add3A_3388 : i32 to vector<16xi32>
    %add3A_3390 = arith.addi %add3A_3389, %iota3A : vector<16xi32>
    %mul3A_3391 = arith.constant 21846 : i32
    %mul3A_3392 = vector.broadcast %mul3A_3391 : i32 to vector<16xi32>
    %mul3A_3393 = arith.muli %add3A_3390, %mul3A_3392 : vector<16xi32>
    %shift_right_arithmetic3A_3394 = arith.constant 16 : i32
    %shift_right_arithmetic3A_3395 = vector.broadcast %shift_right_arithmetic3A_3394 : i32 to vector<16xi32>
    %shift_right_arithmetic3A_3396 = arith.shrsi %mul3A_3393, %shift_right_arithmetic3A_3395 : vector<16xi32>
    %mul3A_3397 = arith.constant 3 : i32
    %mul3A_3398 = vector.broadcast %mul3A_3397 : i32 to vector<16xi32>
    %mul3A_3399 = arith.muli %mul3A_3398, %shift_right_arithmetic3A_3396 : vector<16xi32>
    %sub3A_3400 = arith.subi %add3A_3390, %mul3A_3399 : vector<16xi32>
    %eq3A_3401 = arith.constant 0 : i32
    %eq3A_3402 = vector.broadcast %eq3A_3401 : i32 to vector<16xi32>
    %eq3A_3403 = arith.cmpi eq, %sub3A_3400, %eq3A_3402 : vector<16xi32>
    %eq3A_3404 = arith.constant 1 : i32
    %eq3A_3405 = vector.broadcast %eq3A_3404 : i32 to vector<16xi32>
    %eq3A_3406 = arith.cmpi eq, %sub3A_3400, %eq3A_3405 : vector<16xi32>
    %select_n3A_3407 = arith.select %eq3A_3406, %masked_sort3A_3255, %masked_sort3A_3288 : vector<16xi1>, vector<16xf32>
    %select_n3A_3408 = arith.select %eq3A_3403, %masked_sort3A_3222, %select_n3A_3407 : vector<16xi1>, vector<16xf32>
    %eq3A_3409 = arith.constant 0 : i32
    %eq3A_3410 = vector.broadcast %eq3A_3409 : i32 to vector<16xi32>
    %eq3A_3411 = arith.cmpi eq, %sub3A_3400, %eq3A_3410 : vector<16xi32>
    %eq3A_3412 = arith.constant 1 : i32
    %eq3A_3413 = vector.broadcast %eq3A_3412 : i32 to vector<16xi32>
    %eq3A_3414 = arith.cmpi eq, %sub3A_3400, %eq3A_3413 : vector<16xi32>
    %select_n3A_3415 = arith.select %eq3A_3414, %masked_sort3A_3267, %masked_sort3A_3300 : vector<16xi1>, vector<16xi32>
    %select_n3A_3416 = arith.select %eq3A_3411, %masked_sort3A_3234, %select_n3A_3415 : vector<16xi1>, vector<16xi32>
    %add3A_3417 = arith.constant 224 : i32
    %add3A_3418 = arith.addi %mul3A_2, %add3A_3417 : i32
    %add3A_3419 = vector.broadcast %add3A_3418 : i32 to vector<16xi32>
    %add3A_3420 = arith.addi %add3A_3419, %shift_right_arithmetic3A_3396 : vector<16xi32>
    %swap3A_3421 = arith.constant 704 : index
    %swap3A_3422 = tpu.vector_load %arg8[%swap3A_3421] {strides = array<i32>} : memref<768xf32, #tpu.memory_space<vmem>>, vector<16xf32>,
    tpu.vector_store %arg8[%swap3A_3421], %select_n3A_3408 {strides = array<i32>} : memref<768xf32, #tpu.memory_space<vmem>>, vector<16xf32>,
    %swap3A_3423 = arith.constant 0 : i32
    %swap3A_3424 = arith.index_cast %swap3A_3423 : i32 to index
    %swap3A_3425 = arith.constant 704 : index
    %swap3A_3426 = tpu.vector_load %arg9[%swap3A_3424, %swap3A_3425] {strides = array<i32>} : memref<1x768xi32, #tpu.memory_space<vmem>>, vector<16xi32>,
    tpu.vector_store %arg9[%swap3A_3424, %swap3A_3425], %add3A_3420 {strides = array<i32>} : memref<1x768xi32, #tpu.memory_space<vmem>>, vector<16xi32>,
    %swap3A_3427 = arith.constant 0 : i32
    %swap3A_3428 = arith.index_cast %swap3A_3427 : i32 to index
    %swap3A_3429 = arith.constant 704 : index
    %swap3A_3430 = tpu.vector_load %arg10[%swap3A_3428, %swap3A_3429] {strides = array<i32>} : memref<1x768xi32, #tpu.memory_space<vmem>>, vector<16xi32>,
    tpu.vector_store %arg10[%swap3A_3428, %swap3A_3429], %select_n3A_3416 {strides = array<i32>} : memref<1x768xi32, #tpu.memory_space<vmem>>, vector<16xi32>,
    %mul3A_3431 = arith.constant 3 : i32
    %mul3A_3432 = vector.broadcast %mul3A_3431 : i32 to vector<16xi32>
    %mul3A_3433 = arith.muli %mul3A_3432, %iota3A : vector<16xi32>
    %add3A_3434 = arith.constant 0 : i32
    %add3A_3435 = vector.broadcast %add3A_3434 : i32 to vector<16xi32>
    %add3A_3436 = arith.addi %mul3A_3433, %add3A_3435 : vector<16xi32>
    %and3A_3437 = arith.constant 15 : i32
    %and3A_3438 = vector.broadcast %and3A_3437 : i32 to vector<16xi32>
    %and3A_3439 = arith.andi %add3A_3436, %and3A_3438 : vector<16xi32>
    %get3A_3440 = arith.constant 0 : i32
    %get3A_3441 = arith.index_cast %get3A_3440 : i32 to index
    %get3A_3442 = arith.constant 240 : index
    %get3A_3443 = tpu.vector_load %arg6[%get3A_3441, %get3A_3442] {strides = array<i32>} : memref<3x256xf32, #tpu.memory_space<vmem>>, vector<16xf32>,
    %masked_sort3A_3444 = arith.constant dense<true> : vector<16xi1>
    %masked_sort3A_3445 = arith.constant -2147483648 : i32
    %masked_sort3A_3446 = vector.broadcast %masked_sort3A_3445 : i32 to vector<16xi32>
    %masked_sort3A_3447 = arith.xori %and3A_3439, %masked_sort3A_3446 : vector<16xi32>
    %masked_sort3A_3448, %masked_sort3A_3449, %masked_sort3A_3450 = tpu.sort %masked_sort3A_3447, %get3A_3443 masked %masked_sort3A_3444 : (vector<16xi32>, vector<16xf32>, vector<16xi1>) -> (vector<16xi1>, vector<16xi32>, vector<16xf32>)
    %masked_sort3A_3451 = arith.xori %masked_sort3A_3449, %masked_sort3A_3446 : vector<16xi32>
    %get3A_3452 = arith.constant 0 : i32
    %get3A_3453 = arith.index_cast %get3A_3452 : i32 to index
    %get3A_3454 = arith.constant 240 : index
    %get3A_3455 = tpu.vector_load %arg7[%get3A_3453, %get3A_3454] {strides = array<i32>} : memref<3x256xi32, #tpu.memory_space<vmem>>, vector<16xi32>,
    %masked_sort3A_3456 = arith.constant dense<true> : vector<16xi1>
    %masked_sort3A_3457 = arith.constant -2147483648 : i32
    %masked_sort3A_3458 = vector.broadcast %masked_sort3A_3457 : i32 to vector<16xi32>
    %masked_sort3A_3459 = arith.xori %and3A_3439, %masked_sort3A_3458 : vector<16xi32>
    %masked_sort3A_3460, %masked_sort3A_3461, %masked_sort3A_3462 = tpu.sort %masked_sort3A_3459, %get3A_3455 masked %masked_sort3A_3456 : (vector<16xi32>, vector<16xi32>, vector<16xi1>) -> (vector<16xi1>, vector<16xi32>, vector<16xi32>)
    %masked_sort3A_3463 = arith.xori %masked_sort3A_3461, %masked_sort3A_3458 : vector<16xi32>
    %mul3A_3464 = arith.constant 3 : i32
    %mul3A_3465 = vector.broadcast %mul3A_3464 : i32 to vector<16xi32>
    %mul3A_3466 = arith.muli %mul3A_3465, %iota3A : vector<16xi32>
    %add3A_3467 = arith.constant 1 : i32
    %add3A_3468 = vector.broadcast %add3A_3467 : i32 to vector<16xi32>
    %add3A_3469 = arith.addi %mul3A_3466, %add3A_3468 : vector<16xi32>
    %and3A_3470 = arith.constant 15 : i32
    %and3A_3471 = vector.broadcast %and3A_3470 : i32 to vector<16xi32>
    %and3A_3472 = arith.andi %add3A_3469, %and3A_3471 : vector<16xi32>
    %get3A_3473 = arith.constant 1 : i32
    %get3A_3474 = arith.index_cast %get3A_3473 : i32 to index
    %get3A_3475 = arith.constant 240 : index
    %get3A_3476 = tpu.vector_load %arg6[%get3A_3474, %get3A_3475] {strides = array<i32>} : memref<3x256xf32, #tpu.memory_space<vmem>>, vector<16xf32>,
    %masked_sort3A_3477 = arith.constant dense<true> : vector<16xi1>
    %masked_sort3A_3478 = arith.constant -2147483648 : i32
    %masked_sort3A_3479 = vector.broadcast %masked_sort3A_3478 : i32 to vector<16xi32>
    %masked_sort3A_3480 = arith.xori %and3A_3472, %masked_sort3A_3479 : vector<16xi32>
    %masked_sort3A_3481, %masked_sort3A_3482, %masked_sort3A_3483 = tpu.sort %masked_sort3A_3480, %get3A_3476 masked %masked_sort3A_3477 : (vector<16xi32>, vector<16xf32>, vector<16xi1>) -> (vector<16xi1>, vector<16xi32>, vector<16xf32>)
    %masked_sort3A_3484 = arith.xori %masked_sort3A_3482, %masked_sort3A_3479 : vector<16xi32>
    %get3A_3485 = arith.constant 1 : i32
    %get3A_3486 = arith.index_cast %get3A_3485 : i32 to index
    %get3A_3487 = arith.constant 240 : index
    %get3A_3488 = tpu.vector_load %arg7[%get3A_3486, %get3A_3487] {strides = array<i32>} : memref<3x256xi32, #tpu.memory_space<vmem>>, vector<16xi32>,
    %masked_sort3A_3489 = arith.constant dense<true> : vector<16xi1>
    %masked_sort3A_3490 = arith.constant -2147483648 : i32
    %masked_sort3A_3491 = vector.broadcast %masked_sort3A_3490 : i32 to vector<16xi32>
    %masked_sort3A_3492 = arith.xori %and3A_3472, %masked_sort3A_3491 : vector<16xi32>
    %masked_sort3A_3493, %masked_sort3A_3494, %masked_sort3A_3495 = tpu.sort %masked_sort3A_3492, %get3A_3488 masked %masked_sort3A_3489 : (vector<16xi32>, vector<16xi32>, vector<16xi1>) -> (vector<16xi1>, vector<16xi32>, vector<16xi32>)
    %masked_sort3A_3496 = arith.xori %masked_sort3A_3494, %masked_sort3A_3491 : vector<16xi32>
    %mul3A_3497 = arith.constant 3 : i32
    %mul3A_3498 = vector.broadcast %mul3A_3497 : i32 to vector<16xi32>
    %mul3A_3499 = arith.muli %mul3A_3498, %iota3A : vector<16xi32>
    %add3A_3500 = arith.constant 2 : i32
    %add3A_3501 = vector.broadcast %add3A_3500 : i32 to vector<16xi32>
    %add3A_3502 = arith.addi %mul3A_3499, %add3A_3501 : vector<16xi32>
    %and3A_3503 = arith.constant 15 : i32
    %and3A_3504 = vector.broadcast %and3A_3503 : i32 to vector<16xi32>
    %and3A_3505 = arith.andi %add3A_3502, %and3A_3504 : vector<16xi32>
    %get3A_3506 = arith.constant 2 : i32
    %get3A_3507 = arith.index_cast %get3A_3506 : i32 to index
    %get3A_3508 = arith.constant 240 : index
    %get3A_3509 = tpu.vector_load %arg6[%get3A_3507, %get3A_3508] {strides = array<i32>} : memref<3x256xf32, #tpu.memory_space<vmem>>, vector<16xf32>,
    %masked_sort3A_3510 = arith.constant dense<true> : vector<16xi1>
    %masked_sort3A_3511 = arith.constant -2147483648 : i32
    %masked_sort3A_3512 = vector.broadcast %masked_sort3A_3511 : i32 to vector<16xi32>
    %masked_sort3A_3513 = arith.xori %and3A_3505, %masked_sort3A_3512 : vector<16xi32>
    %masked_sort3A_3514, %masked_sort3A_3515, %masked_sort3A_3516 = tpu.sort %masked_sort3A_3513, %get3A_3509 masked %masked_sort3A_3510 : (vector<16xi32>, vector<16xf32>, vector<16xi1>) -> (vector<16xi1>, vector<16xi32>, vector<16xf32>)
    %masked_sort3A_3517 = arith.xori %masked_sort3A_3515, %masked_sort3A_3512 : vector<16xi32>
    %get3A_3518 = arith.constant 2 : i32
    %get3A_3519 = arith.index_cast %get3A_3518 : i32 to index
    %get3A_3520 = arith.constant 240 : index
    %get3A_3521 = tpu.vector_load %arg7[%get3A_3519, %get3A_3520] {strides = array<i32>} : memref<3x256xi32, #tpu.memory_space<vmem>>, vector<16xi32>,
    %masked_sort3A_3522 = arith.constant dense<true> : vector<16xi1>
    %masked_sort3A_3523 = arith.constant -2147483648 : i32
    %masked_sort3A_3524 = vector.broadcast %masked_sort3A_3523 : i32 to vector<16xi32>
    %masked_sort3A_3525 = arith.xori %and3A_3505, %masked_sort3A_3524 : vector<16xi32>
    %masked_sort3A_3526, %masked_sort3A_3527, %masked_sort3A_3528 = tpu.sort %masked_sort3A_3525, %get3A_3521 masked %masked_sort3A_3522 : (vector<16xi32>, vector<16xi32>, vector<16xi1>) -> (vector<16xi1>, vector<16xi32>, vector<16xi32>)
    %masked_sort3A_3529 = arith.xori %masked_sort3A_3527, %masked_sort3A_3524 : vector<16xi32>
    %add3A_3530 = arith.constant 0 : i32
    %add3A_3531 = vector.broadcast %add3A_3530 : i32 to vector<16xi32>
    %add3A_3532 = arith.addi %add3A_3531, %iota3A : vector<16xi32>
    %mul3A_3533 = arith.constant 21846 : i32
    %mul3A_3534 = vector.broadcast %mul3A_3533 : i32 to vector<16xi32>
    %mul3A_3535 = arith.muli %add3A_3532, %mul3A_3534 : vector<16xi32>
    %shift_right_arithmetic3A_3536 = arith.constant 16 : i32
    %shift_right_arithmetic3A_3537 = vector.broadcast %shift_right_arithmetic3A_3536 : i32 to vector<16xi32>
    %shift_right_arithmetic3A_3538 = arith.shrsi %mul3A_3535, %shift_right_arithmetic3A_3537 : vector<16xi32>
    %mul3A_3539 = arith.constant 3 : i32
    %mul3A_3540 = vector.broadcast %mul3A_3539 : i32 to vector<16xi32>
    %mul3A_3541 = arith.muli %mul3A_3540, %shift_right_arithmetic3A_3538 : vector<16xi32>
    %sub3A_3542 = arith.subi %add3A_3532, %mul3A_3541 : vector<16xi32>
    %eq3A_3543 = arith.constant 0 : i32
    %eq3A_3544 = vector.broadcast %eq3A_3543 : i32 to vector<16xi32>
    %eq3A_3545 = arith.cmpi eq, %sub3A_3542, %eq3A_3544 : vector<16xi32>
    %eq3A_3546 = arith.constant 1 : i32
    %eq3A_3547 = vector.broadcast %eq3A_3546 : i32 to vector<16xi32>
    %eq3A_3548 = arith.cmpi eq, %sub3A_3542, %eq3A_3547 : vector<16xi32>
    %select_n3A_3549 = arith.select %eq3A_3548, %masked_sort3A_3483, %masked_sort3A_3516 : vector<16xi1>, vector<16xf32>
    %select_n3A_3550 = arith.select %eq3A_3545, %masked_sort3A_3450, %select_n3A_3549 : vector<16xi1>, vector<16xf32>
    %eq3A_3551 = arith.constant 0 : i32
    %eq3A_3552 = vector.broadcast %eq3A_3551 : i32 to vector<16xi32>
    %eq3A_3553 = arith.cmpi eq, %sub3A_3542, %eq3A_3552 : vector<16xi32>
    %eq3A_3554 = arith.constant 1 : i32
    %eq3A_3555 = vector.broadcast %eq3A_3554 : i32 to vector<16xi32>
    %eq3A_3556 = arith.cmpi eq, %sub3A_3542, %eq3A_3555 : vector<16xi32>
    %select_n3A_3557 = arith.select %eq3A_3556, %masked_sort3A_3495, %masked_sort3A_3528 : vector<16xi1>, vector<16xi32>
    %select_n3A_3558 = arith.select %eq3A_3553, %masked_sort3A_3462, %select_n3A_3557 : vector<16xi1>, vector<16xi32>
    %add3A_3559 = arith.constant 240 : i32
    %add3A_3560 = arith.addi %mul3A_2, %add3A_3559 : i32
    %add3A_3561 = vector.broadcast %add3A_3560 : i32 to vector<16xi32>
    %add3A_3562 = arith.addi %add3A_3561, %shift_right_arithmetic3A_3538 : vector<16xi32>
    %swap3A_3563 = arith.constant 720 : index
    %swap3A_3564 = tpu.vector_load %arg8[%swap3A_3563] {strides = array<i32>} : memref<768xf32, #tpu.memory_space<vmem>>, vector<16xf32>,
    tpu.vector_store %arg8[%swap3A_3563], %select_n3A_3550 {strides = array<i32>} : memref<768xf32, #tpu.memory_space<vmem>>, vector<16xf32>,
    %swap3A_3565 = arith.constant 0 : i32
    %swap3A_3566 = arith.index_cast %swap3A_3565 : i32 to index
    %swap3A_3567 = arith.constant 720 : index
    %swap3A_3568 = tpu.vector_load %arg9[%swap3A_3566, %swap3A_3567] {strides = array<i32>} : memref<1x768xi32, #tpu.memory_space<vmem>>, vector<16xi32>,
    tpu.vector_store %arg9[%swap3A_3566, %swap3A_3567], %add3A_3562 {strides = array<i32>} : memref<1x768xi32, #tpu.memory_space<vmem>>, vector<16xi32>,
    %swap3A_3569 = arith.constant 0 : i32
    %swap3A_3570 = arith.index_cast %swap3A_3569 : i32 to index
    %swap3A_3571 = arith.constant 720 : index
    %swap3A_3572 = tpu.vector_load %arg10[%swap3A_3570, %swap3A_3571] {strides = array<i32>} : memref<1x768xi32, #tpu.memory_space<vmem>>, vector<16xi32>,
    tpu.vector_store %arg10[%swap3A_3570, %swap3A_3571], %select_n3A_3558 {strides = array<i32>} : memref<1x768xi32, #tpu.memory_space<vmem>>, vector<16xi32>,
    %add3A_3573 = arith.constant 16 : i32
    %add3A_3574 = vector.broadcast %add3A_3573 : i32 to vector<16xi32>
    %add3A_3575 = arith.addi %add3A_3574, %iota3A : vector<16xi32>
    %mul3A_3576 = arith.constant 21846 : i32
    %mul3A_3577 = vector.broadcast %mul3A_3576 : i32 to vector<16xi32>
    %mul3A_3578 = arith.muli %add3A_3575, %mul3A_3577 : vector<16xi32>
    %shift_right_arithmetic3A_3579 = arith.constant 16 : i32
    %shift_right_arithmetic3A_3580 = vector.broadcast %shift_right_arithmetic3A_3579 : i32 to vector<16xi32>
    %shift_right_arithmetic3A_3581 = arith.shrsi %mul3A_3578, %shift_right_arithmetic3A_3580 : vector<16xi32>
    %mul3A_3582 = arith.constant 3 : i32
    %mul3A_3583 = vector.broadcast %mul3A_3582 : i32 to vector<16xi32>
    %mul3A_3584 = arith.muli %mul3A_3583, %shift_right_arithmetic3A_3581 : vector<16xi32>
    %sub3A_3585 = arith.subi %add3A_3575, %mul3A_3584 : vector<16xi32>
    %eq3A_3586 = arith.constant 0 : i32
    %eq3A_3587 = vector.broadcast %eq3A_3586 : i32 to vector<16xi32>
    %eq3A_3588 = arith.cmpi eq, %sub3A_3585, %eq3A_3587 : vector<16xi32>
    %eq3A_3589 = arith.constant 1 : i32
    %eq3A_3590 = vector.broadcast %eq3A_3589 : i32 to vector<16xi32>
    %eq3A_3591 = arith.cmpi eq, %sub3A_3585, %eq3A_3590 : vector<16xi32>
    %select_n3A_3592 = arith.select %eq3A_3591, %masked_sort3A_3483, %masked_sort3A_3516 : vector<16xi1>, vector<16xf32>
    %select_n3A_3593 = arith.select %eq3A_3588, %masked_sort3A_3450, %select_n3A_3592 : vector<16xi1>, vector<16xf32>
    %eq3A_3594 = arith.constant 0 : i32
    %eq3A_3595 = vector.broadcast %eq3A_3594 : i32 to vector<16xi32>
    %eq3A_3596 = arith.cmpi eq, %sub3A_3585, %eq3A_3595 : vector<16xi32>
    %eq3A_3597 = arith.constant 1 : i32
    %eq3A_3598 = vector.broadcast %eq3A_3597 : i32 to vector<16xi32>
    %eq3A_3599 = arith.cmpi eq, %sub3A_3585, %eq3A_3598 : vector<16xi32>
    %select_n3A_3600 = arith.select %eq3A_3599, %masked_sort3A_3495, %masked_sort3A_3528 : vector<16xi1>, vector<16xi32>
    %select_n3A_3601 = arith.select %eq3A_3596, %masked_sort3A_3462, %select_n3A_3600 : vector<16xi1>, vector<16xi32>
    %add3A_3602 = arith.constant 240 : i32
    %add3A_3603 = arith.addi %mul3A_2, %add3A_3602 : i32
    %add3A_3604 = vector.broadcast %add3A_3603 : i32 to vector<16xi32>
    %add3A_3605 = arith.addi %add3A_3604, %shift_right_arithmetic3A_3581 : vector<16xi32>
    %swap3A_3606 = arith.constant 736 : index
    %swap3A_3607 = tpu.vector_load %arg8[%swap3A_3606] {strides = array<i32>} : memref<768xf32, #tpu.memory_space<vmem>>, vector<16xf32>,
    tpu.vector_store %arg8[%swap3A_3606], %select_n3A_3593 {strides = array<i32>} : memref<768xf32, #tpu.memory_space<vmem>>, vector<16xf32>,
    %swap3A_3608 = arith.constant 0 : i32
    %swap3A_3609 = arith.index_cast %swap3A_3608 : i32 to index
    %swap3A_3610 = arith.constant 736 : index
    %swap3A_3611 = tpu.vector_load %arg9[%swap3A_3609, %swap3A_3610] {strides = array<i32>} : memref<1x768xi32, #tpu.memory_space<vmem>>, vector<16xi32>,
    tpu.vector_store %arg9[%swap3A_3609, %swap3A_3610], %add3A_3605 {strides = array<i32>} : memref<1x768xi32, #tpu.memory_space<vmem>>, vector<16xi32>,
    %swap3A_3612 = arith.constant 0 : i32
    %swap3A_3613 = arith.index_cast %swap3A_3612 : i32 to index
    %swap3A_3614 = arith.constant 736 : index
    %swap3A_3615 = tpu.vector_load %arg10[%swap3A_3613, %swap3A_3614] {strides = array<i32>} : memref<1x768xi32, #tpu.memory_space<vmem>>, vector<16xi32>,
    tpu.vector_store %arg10[%swap3A_3613, %swap3A_3614], %select_n3A_3601 {strides = array<i32>} : memref<1x768xi32, #tpu.memory_space<vmem>>, vector<16xi32>,
    %add3A_3616 = arith.constant 32 : i32
    %add3A_3617 = vector.broadcast %add3A_3616 : i32 to vector<16xi32>
    %add3A_3618 = arith.addi %add3A_3617, %iota3A : vector<16xi32>
    %mul3A_3619 = arith.constant 21846 : i32
    %mul3A_3620 = vector.broadcast %mul3A_3619 : i32 to vector<16xi32>
    %mul3A_3621 = arith.muli %add3A_3618, %mul3A_3620 : vector<16xi32>
    %shift_right_arithmetic3A_3622 = arith.constant 16 : i32
    %shift_right_arithmetic3A_3623 = vector.broadcast %shift_right_arithmetic3A_3622 : i32 to vector<16xi32>
    %shift_right_arithmetic3A_3624 = arith.shrsi %mul3A_3621, %shift_right_arithmetic3A_3623 : vector<16xi32>
    %mul3A_3625 = arith.constant 3 : i32
    %mul3A_3626 = vector.broadcast %mul3A_3625 : i32 to vector<16xi32>
    %mul3A_3627 = arith.muli %mul3A_3626, %shift_right_arithmetic3A_3624 : vector<16xi32>
    %sub3A_3628 = arith.subi %add3A_3618, %mul3A_3627 : vector<16xi32>
    %eq3A_3629 = arith.constant 0 : i32
    %eq3A_3630 = vector.broadcast %eq3A_3629 : i32 to vector<16xi32>
    %eq3A_3631 = arith.cmpi eq, %sub3A_3628, %eq3A_3630 : vector<16xi32>
    %eq3A_3632 = arith.constant 1 : i32
    %eq3A_3633 = vector.broadcast %eq3A_3632 : i32 to vector<16xi32>
    %eq3A_3634 = arith.cmpi eq, %sub3A_3628, %eq3A_3633 : vector<16xi32>
    %select_n3A_3635 = arith.select %eq3A_3634, %masked_sort3A_3483, %masked_sort3A_3516 : vector<16xi1>, vector<16xf32>
    %select_n3A_3636 = arith.select %eq3A_3631, %masked_sort3A_3450, %select_n3A_3635 : vector<16xi1>, vector<16xf32>
    %eq3A_3637 = arith.constant 0 : i32
    %eq3A_3638 = vector.broadcast %eq3A_3637 : i32 to vector<16xi32>
    %eq3A_3639 = arith.cmpi eq, %sub3A_3628, %eq3A_3638 : vector<16xi32>
    %eq3A_3640 = arith.constant 1 : i32
    %eq3A_3641 = vector.broadcast %eq3A_3640 : i32 to vector<16xi32>
    %eq3A_3642 = arith.cmpi eq, %sub3A_3628, %eq3A_3641 : vector<16xi32>
    %select_n3A_3643 = arith.select %eq3A_3642, %masked_sort3A_3495, %masked_sort3A_3528 : vector<16xi1>, vector<16xi32>
    %select_n3A_3644 = arith.select %eq3A_3639, %masked_sort3A_3462, %select_n3A_3643 : vector<16xi1>, vector<16xi32>
    %add3A_3645 = arith.constant 240 : i32
    %add3A_3646 = arith.addi %mul3A_2, %add3A_3645 : i32
    %add3A_3647 = vector.broadcast %add3A_3646 : i32 to vector<16xi32>
    %add3A_3648 = arith.addi %add3A_3647, %shift_right_arithmetic3A_3624 : vector<16xi32>
    %swap3A_3649 = arith.constant 752 : index
    %swap3A_3650 = tpu.vector_load %arg8[%swap3A_3649] {strides = array<i32>} : memref<768xf32, #tpu.memory_space<vmem>>, vector<16xf32>,
    tpu.vector_store %arg8[%swap3A_3649], %select_n3A_3636 {strides = array<i32>} : memref<768xf32, #tpu.memory_space<vmem>>, vector<16xf32>,
    %swap3A_3651 = arith.constant 0 : i32
    %swap3A_3652 = arith.index_cast %swap3A_3651 : i32 to index
    %swap3A_3653 = arith.constant 752 : index
    %swap3A_3654 = tpu.vector_load %arg9[%swap3A_3652, %swap3A_3653] {strides = array<i32>} : memref<1x768xi32, #tpu.memory_space<vmem>>, vector<16xi32>,
    tpu.vector_store %arg9[%swap3A_3652, %swap3A_3653], %add3A_3648 {strides = array<i32>} : memref<1x768xi32, #tpu.memory_space<vmem>>, vector<16xi32>,
    %swap3A_3655 = arith.constant 0 : i32
    %swap3A_3656 = arith.index_cast %swap3A_3655 : i32 to index
    %swap3A_3657 = arith.constant 752 : index
    %swap3A_3658 = tpu.vector_load %arg10[%swap3A_3656, %swap3A_3657] {strides = array<i32>} : memref<1x768xi32, #tpu.memory_space<vmem>>, vector<16xi32>,
    tpu.vector_store %arg10[%swap3A_3656, %swap3A_3657], %select_n3A_3644 {strides = array<i32>} : memref<1x768xi32, #tpu.memory_space<vmem>>, vector<16xi32>,
    %dma_start3A_3659 = tpu.memref_slice %arg4[%mul3A_4] : memref<24576xf32, #tpu.memory_space<hbm>> -> memref<768xf32, #tpu.memory_space<hbm>>
    %dma_start3A_3660 = tpu.memref_slice %arg4[%mul3A_4] : memref<24576xf32, #tpu.memory_space<hbm>> -> memref<768xf32, #tpu.memory_space<hbm>>
    tpu.enqueue_dma source(%arg8 : memref<768xf32, #tpu.memory_space<vmem>>) target(%dma_start3A_3660 : memref<768xf32, #tpu.memory_space<hbm>>) target_semaphore(%arg11 : memref<!tpu.dma_semaphore, #tpu.memory_space<semaphore_mem>>)
    %dma_start3A_3661 = arith.constant 0 : i32
    %dma_start3A_3662 = tpu.memref_slice %arg5[%dma_start3A_3661, %mul3A_4] : memref<2x24576xi32, #tpu.memory_space<hbm>> -> memref<1x768xi32, #tpu.memory_space<hbm>>
    %dma_start3A_3663 = arith.constant 0 : i32
    %dma_start3A_3664 = tpu.memref_slice %arg5[%dma_start3A_3663, %mul3A_4] : memref<2x24576xi32, #tpu.memory_space<hbm>> -> memref<1x768xi32, #tpu.memory_space<hbm>>
    tpu.enqueue_dma source(%arg9 : memref<1x768xi32, #tpu.memory_space<vmem>>) target(%dma_start3A_3664 : memref<1x768xi32, #tpu.memory_space<hbm>>) target_semaphore(%arg12 : memref<!tpu.dma_semaphore, #tpu.memory_space<semaphore_mem>>)
    %dma_start3A_3665 = arith.constant 1 : i32
    %dma_start3A_3666 = tpu.memref_slice %arg5[%dma_start3A_3665, %mul3A_4] : memref<2x24576xi32, #tpu.memory_space<hbm>> -> memref<1x768xi32, #tpu.memory_space<hbm>>
    %dma_start3A_3667 = arith.constant 1 : i32
    %dma_start3A_3668 = tpu.memref_slice %arg5[%dma_start3A_3667, %mul3A_4] : memref<2x24576xi32, #tpu.memory_space<hbm>> -> memref<1x768xi32, #tpu.memory_space<hbm>>
    tpu.enqueue_dma source(%arg10 : memref<1x768xi32, #tpu.memory_space<vmem>>) target(%dma_start3A_3668 : memref<1x768xi32, #tpu.memory_space<hbm>>) target_semaphore(%arg11 : memref<!tpu.dma_semaphore, #tpu.memory_space<semaphore_mem>>)
    %dma_wait3A_3669 = tpu.memref_slice %arg4[%mul3A_4] : memref<24576xf32, #tpu.memory_space<hbm>> -> memref<768xf32, #tpu.memory_space<hbm>>
    %dma_wait3A_3670 = tpu.memref_slice %arg4[%mul3A_4] : memref<24576xf32, #tpu.memory_space<hbm>> -> memref<768xf32, #tpu.memory_space<hbm>>
    tpu.wait_dma2 semaphore(%arg11 : memref<!tpu.dma_semaphore, #tpu.memory_space<semaphore_mem>>) src(%arg8 : memref<768xf32, #tpu.memory_space<vmem>>) dst(%dma_wait3A_3670 : memref<768xf32, #tpu.memory_space<hbm>>)
    %dma_wait3A_3671 = arith.constant 0 : i32
    %dma_wait3A_3672 = tpu.memref_slice %arg5[%dma_wait3A_3671, %mul3A_4] : memref<2x24576xi32, #tpu.memory_space<hbm>> -> memref<1x768xi32, #tpu.memory_space<hbm>>
    %dma_wait3A_3673 = arith.constant 0 : i32
    %dma_wait3A_3674 = tpu.memref_slice %arg5[%dma_wait3A_3673, %mul3A_4] : memref<2x24576xi32, #tpu.memory_space<hbm>> -> memref<1x768xi32, #tpu.memory_space<hbm>>
    tpu.wait_dma2 semaphore(%arg12 : memref<!tpu.dma_semaphore, #tpu.memory_space<semaphore_mem>>) src(%arg9 : memref<1x768xi32, #tpu.memory_space<vmem>>) dst(%dma_wait3A_3674 : memref<1x768xi32, #tpu.memory_space<hbm>>)
    %dma_wait3A_3675 = arith.constant 1 : i32
    %dma_wait3A_3676 = tpu.memref_slice %arg5[%dma_wait3A_3675, %mul3A_4] : memref<2x24576xi32, #tpu.memory_space<hbm>> -> memref<1x768xi32, #tpu.memory_space<hbm>>
    %dma_wait3A_3677 = arith.constant 1 : i32
    %dma_wait3A_3678 = tpu.memref_slice %arg5[%dma_wait3A_3677, %mul3A_4] : memref<2x24576xi32, #tpu.memory_space<hbm>> -> memref<1x768xi32, #tpu.memory_space<hbm>>
    tpu.wait_dma2 semaphore(%arg11 : memref<!tpu.dma_semaphore, #tpu.memory_space<semaphore_mem>>) src(%arg10 : memref<1x768xi32, #tpu.memory_space<vmem>>) dst(%dma_wait3A_3678 : memref<1x768xi32, #tpu.memory_space<hbm>>)
    return
  }
}

module attributes {stable_mosaic.version = 14 : i64} {
  func.func @_hyper_kernel(%arg0: i32, %arg1: memref<4x1024xf32, #tpu.memory_space<vmem>>, %arg2: memref<1024x768xf32, #tpu.memory_space<vmem>>, %arg3: memref<64x768xf32, #tpu.memory_space<vmem>>, %arg4: memref<3x1024xf32, #tpu.memory_space<vmem>>, %arg5: memref<3x1024xi32, #tpu.memory_space<vmem>>) attributes {dimension_semantics = [#tpu.dimension_semantics<arbitrary>], iteration_bounds = array<i64: 8>, scalar_prefetch = 0 : i64, scratch_operands = 0 : i64, tpu.core_type = #tpu.core_type<tc>, window_params = [{transform_indices = @transform_0, window_bounds = array<i64: 4, 1024>}, {transform_indices = @transform_1, window_bounds = array<i64: 1024, 768>}, {pipeline_mode = #tpu.pipeline_mode<synchronous>, transform_indices = @transform_2, window_bounds = array<i64: 64, 768>}, {transform_indices = @transform_3, window_bounds = array<i64: 3, 1024>}, {transform_indices = @transform_4, window_bounds = array<i64: 3, 1024>}]} {
    %get3A = arith.constant 0 : index
    %get3A_0 = arith.constant 0 : index
    %get3A_1 = vector.load %arg2[%get3A, %get3A_0] : memref<1024x768xf32, #tpu.memory_space<vmem>>, vector<1024x768xf32>
    %get3A_2 = arith.constant 0 : index
    %get3A_3 = arith.constant 0 : index
    %get3A_4 = vector.load %arg3[%get3A_2, %get3A_3] : memref<64x768xf32, #tpu.memory_space<vmem>>, vector<64x768xf32>
    %dot_general3A = arith.constant dense<0.000000e+00> : vector<64x1024xf32>
    %dot_general3A_5 = tpu.matmul %get3A_4, %get3A_1, %dot_general3A {dimension_numbers = #tpu.dot_dimension_numbers<[1], [1], [0], [0], [0, 0, 1, 0], [], []>, transpose_lhs_hint = false} : vector<64x768xf32>, vector<1024x768xf32>, vector<64x1024xf32> -> vector<64x1024xf32>
    %mul3A = arith.constant 1.000000e+00 : f32
    %mul3A_6 = vector.broadcast %mul3A : f32 to vector<64x1024xf32>
    %mul3A_7 = arith.mulf %mul3A_6, %dot_general3A_5 : vector<64x1024xf32>
    %max3A = arith.constant 0.000000e+00 : f32
    %max3A_8 = vector.broadcast %max3A : f32 to vector<64x1024xf32>
    %max3A_9 = arith.maximumf %mul3A_7, %max3A_8 : vector<64x1024xf32>
    %get3A_10 = arith.constant 0 : index
    %get3A_11 = arith.constant 0 : index
    %get3A_12 = vector.load %arg1[%get3A_10, %get3A_11] : memref<4x1024xf32, #tpu.memory_space<vmem>>, vector<4x1024xf32>
    %reduce_sum3A = arith.constant dense<0.000000e+00> : vector<1024xf32>
    %reduce_sum3A_13 = vector.multi_reduction <add>, %get3A_12, %reduce_sum3A [0] : vector<4x1024xf32> to vector<1024xf32>
    %div3A = arith.constant 4.000000e+00 : f32
    %div3A_14 = vector.broadcast %div3A : f32 to vector<1024xf32>
    %div3A_15 = arith.divf %reduce_sum3A_13, %div3A_14 : vector<1024xf32>
    %broadcast_in_dim3A = vector.shape_cast %div3A_15 : vector<1024xf32> to vector<1x1024xf32>
    %lt3A = arith.constant 5.000000e-01 : f32
    %lt3A_16 = vector.broadcast %lt3A : f32 to vector<1x1024xf32>
    %lt3A_17 = arith.cmpf olt, %broadcast_in_dim3A, %lt3A_16 : vector<1x1024xf32>
    %jit3A = arith.constant -1.000000e+09 : f32
    %broadcast_in_dim3A_18 = vector.shape_cast %lt3A_17 : vector<1x1024xi1> to vector<1x1024xi1>
    %broadcast_in_dim3A_19 = vector.broadcast %broadcast_in_dim3A_18 : vector<1x1024xi1> to vector<64x1024xi1>
    %broadcast_in_dim3A_20 = vector.broadcast %jit3A : f32 to vector<64x1024xf32>
    %select_n3A = arith.select %broadcast_in_dim3A_19, %broadcast_in_dim3A_20, %max3A_9 : vector<64x1024xi1>, vector<64x1024xf32>
    %reduce_max3A = arith.constant dense<0xFF800000> : vector<1024xf32>
    %reduce_max3A_21 = vector.multi_reduction <maximumf>, %select_n3A, %reduce_max3A [0] : vector<64x1024xf32> to vector<1024xf32>
    %broadcast_in_dim3A_22 = vector.shape_cast %reduce_max3A_21 : vector<1024xf32> to vector<1x1024xf32>
    %sub3A = vector.broadcast %broadcast_in_dim3A_22 : vector<1x1024xf32> to vector<64x1024xf32>
    %sub3A_23 = arith.subf %select_n3A, %sub3A : vector<64x1024xf32>
    %exp3A = math.exp %sub3A_23 : vector<64x1024xf32>
    %reduce_sum3A_24 = arith.constant dense<0.000000e+00> : vector<1024xf32>
    %reduce_sum3A_25 = vector.multi_reduction <add>, %exp3A, %reduce_sum3A_24 [0] : vector<64x1024xf32> to vector<1024xf32>
    %broadcast_in_dim3A_26 = vector.shape_cast %reduce_sum3A_25 : vector<1024xf32> to vector<1x1024xf32>
    %div3A_27 = vector.broadcast %broadcast_in_dim3A_26 : vector<1x1024xf32> to vector<64x1024xf32>
    %div3A_28 = arith.divf %exp3A, %div3A_27 : vector<64x1024xf32>
    %iota3A = tpu.iota {dimensions = array<i32: 0>} : vector<64x1024xi32>
    %reduce_max3A_29 = arith.constant dense<0xFF800000> : vector<1024xf32>
    %reduce_max3A_30 = vector.multi_reduction <maximumf>, %div3A_28, %reduce_max3A_29 [0] : vector<64x1024xf32> to vector<1024xf32>
    %broadcast_in_dim3A_31 = vector.shape_cast %reduce_max3A_30 : vector<1024xf32> to vector<1x1024xf32>
    %eq3A = vector.broadcast %broadcast_in_dim3A_31 : vector<1x1024xf32> to vector<64x1024xf32>
    %eq3A_32 = arith.cmpf oeq, %div3A_28, %eq3A : vector<64x1024xf32>
    %jit3A_33 = arith.constant 64 : i32
    %broadcast_in_dim3A_34 = vector.broadcast %jit3A_33 : i32 to vector<64x1024xi32>
    %select_n3A_35 = arith.select %eq3A_32, %iota3A, %broadcast_in_dim3A_34 : vector<64x1024xi1>, vector<64x1024xi32>
    %reduce_min3A = arith.constant dense<2147483647> : vector<1024xi32>
    %reduce_min3A_36 = vector.multi_reduction <minsi>, %select_n3A_35, %reduce_min3A [0] : vector<64x1024xi32> to vector<1024xi32>
    %swap3A = arith.constant 0 : index
    %swap3A_37 = arith.constant 0 : index
    %swap3A_38 = vector.load %arg4[%swap3A, %swap3A_37] : memref<3x1024xf32, #tpu.memory_space<vmem>>, vector<1x1024xf32>
    %swap3A_39 = vector.shape_cast %swap3A_38 : vector<1x1024xf32> to vector<1024xf32>
    %swap3A_40 = vector.shape_cast %reduce_max3A_30 : vector<1024xf32> to vector<1x1024xf32>
    tpu.vector_store %arg4[%swap3A, %swap3A_37], %swap3A_40 {strides = array<i32>} : memref<3x1024xf32, #tpu.memory_space<vmem>>, vector<1x1024xf32>,
    %swap3A_41 = arith.constant 0 : index
    %swap3A_42 = arith.constant 0 : index
    %swap3A_43 = vector.load %arg5[%swap3A_41, %swap3A_42] : memref<3x1024xi32, #tpu.memory_space<vmem>>, vector<1x1024xi32>
    %swap3A_44 = vector.shape_cast %swap3A_43 : vector<1x1024xi32> to vector<1024xi32>
    %swap3A_45 = vector.shape_cast %reduce_min3A_36 : vector<1024xi32> to vector<1x1024xi32>
    tpu.vector_store %arg5[%swap3A_41, %swap3A_42], %swap3A_45 {strides = array<i32>} : memref<3x1024xi32, #tpu.memory_space<vmem>>, vector<1x1024xi32>,
    %broadcast_in_dim3A_46 = vector.shape_cast %reduce_min3A_36 : vector<1024xi32> to vector<1x1024xi32>
    %eq3A_47 = vector.broadcast %broadcast_in_dim3A_46 : vector<1x1024xi32> to vector<64x1024xi32>
    %eq3A_48 = arith.cmpi eq, %iota3A, %eq3A_47 : vector<64x1024xi32>
    %jit3A_49 = arith.constant -1.000000e+00 : f32
    %broadcast_in_dim3A_50 = vector.broadcast %jit3A_49 : f32 to vector<64x1024xf32>
    %select_n3A_51 = arith.select %eq3A_48, %broadcast_in_dim3A_50, %div3A_28 : vector<64x1024xi1>, vector<64x1024xf32>
    %reduce_max3A_52 = arith.constant dense<0xFF800000> : vector<1024xf32>
    %reduce_max3A_53 = vector.multi_reduction <maximumf>, %select_n3A_51, %reduce_max3A_52 [0] : vector<64x1024xf32> to vector<1024xf32>
    %broadcast_in_dim3A_54 = vector.shape_cast %reduce_max3A_53 : vector<1024xf32> to vector<1x1024xf32>
    %eq3A_55 = vector.broadcast %broadcast_in_dim3A_54 : vector<1x1024xf32> to vector<64x1024xf32>
    %eq3A_56 = arith.cmpf oeq, %select_n3A_51, %eq3A_55 : vector<64x1024xf32>
    %jit3A_57 = arith.constant 64 : i32
    %broadcast_in_dim3A_58 = vector.broadcast %jit3A_57 : i32 to vector<64x1024xi32>
    %select_n3A_59 = arith.select %eq3A_56, %iota3A, %broadcast_in_dim3A_58 : vector<64x1024xi1>, vector<64x1024xi32>
    %reduce_min3A_60 = arith.constant dense<2147483647> : vector<1024xi32>
    %reduce_min3A_61 = vector.multi_reduction <minsi>, %select_n3A_59, %reduce_min3A_60 [0] : vector<64x1024xi32> to vector<1024xi32>
    %swap3A_62 = arith.constant 1 : index
    %swap3A_63 = arith.constant 0 : index
    %swap3A_64 = vector.load %arg4[%swap3A_62, %swap3A_63] : memref<3x1024xf32, #tpu.memory_space<vmem>>, vector<1x1024xf32>
    %swap3A_65 = vector.shape_cast %swap3A_64 : vector<1x1024xf32> to vector<1024xf32>
    %swap3A_66 = vector.shape_cast %reduce_max3A_53 : vector<1024xf32> to vector<1x1024xf32>
    tpu.vector_store %arg4[%swap3A_62, %swap3A_63], %swap3A_66 {strides = array<i32>} : memref<3x1024xf32, #tpu.memory_space<vmem>>, vector<1x1024xf32>,
    %swap3A_67 = arith.constant 1 : index
    %swap3A_68 = arith.constant 0 : index
    %swap3A_69 = vector.load %arg5[%swap3A_67, %swap3A_68] : memref<3x1024xi32, #tpu.memory_space<vmem>>, vector<1x1024xi32>
    %swap3A_70 = vector.shape_cast %swap3A_69 : vector<1x1024xi32> to vector<1024xi32>
    %swap3A_71 = vector.shape_cast %reduce_min3A_61 : vector<1024xi32> to vector<1x1024xi32>
    tpu.vector_store %arg5[%swap3A_67, %swap3A_68], %swap3A_71 {strides = array<i32>} : memref<3x1024xi32, #tpu.memory_space<vmem>>, vector<1x1024xi32>,
    %broadcast_in_dim3A_72 = vector.shape_cast %reduce_min3A_61 : vector<1024xi32> to vector<1x1024xi32>
    %eq3A_73 = vector.broadcast %broadcast_in_dim3A_72 : vector<1x1024xi32> to vector<64x1024xi32>
    %eq3A_74 = arith.cmpi eq, %iota3A, %eq3A_73 : vector<64x1024xi32>
    %jit3A_75 = arith.constant -1.000000e+00 : f32
    %broadcast_in_dim3A_76 = vector.broadcast %jit3A_75 : f32 to vector<64x1024xf32>
    %select_n3A_77 = arith.select %eq3A_74, %broadcast_in_dim3A_76, %select_n3A_51 : vector<64x1024xi1>, vector<64x1024xf32>
    %reduce_max3A_78 = arith.constant dense<0xFF800000> : vector<1024xf32>
    %reduce_max3A_79 = vector.multi_reduction <maximumf>, %select_n3A_77, %reduce_max3A_78 [0] : vector<64x1024xf32> to vector<1024xf32>
    %broadcast_in_dim3A_80 = vector.shape_cast %reduce_max3A_79 : vector<1024xf32> to vector<1x1024xf32>
    %eq3A_81 = vector.broadcast %broadcast_in_dim3A_80 : vector<1x1024xf32> to vector<64x1024xf32>
    %eq3A_82 = arith.cmpf oeq, %select_n3A_77, %eq3A_81 : vector<64x1024xf32>
    %jit3A_83 = arith.constant 64 : i32
    %broadcast_in_dim3A_84 = vector.broadcast %jit3A_83 : i32 to vector<64x1024xi32>
    %select_n3A_85 = arith.select %eq3A_82, %iota3A, %broadcast_in_dim3A_84 : vector<64x1024xi1>, vector<64x1024xi32>
    %reduce_min3A_86 = arith.constant dense<2147483647> : vector<1024xi32>
    %reduce_min3A_87 = vector.multi_reduction <minsi>, %select_n3A_85, %reduce_min3A_86 [0] : vector<64x1024xi32> to vector<1024xi32>
    %swap3A_88 = arith.constant 2 : index
    %swap3A_89 = arith.constant 0 : index
    %swap3A_90 = vector.load %arg4[%swap3A_88, %swap3A_89] : memref<3x1024xf32, #tpu.memory_space<vmem>>, vector<1x1024xf32>
    %swap3A_91 = vector.shape_cast %swap3A_90 : vector<1x1024xf32> to vector<1024xf32>
    %swap3A_92 = vector.shape_cast %reduce_max3A_79 : vector<1024xf32> to vector<1x1024xf32>
    tpu.vector_store %arg4[%swap3A_88, %swap3A_89], %swap3A_92 {strides = array<i32>} : memref<3x1024xf32, #tpu.memory_space<vmem>>, vector<1x1024xf32>,
    %swap3A_93 = arith.constant 2 : index
    %swap3A_94 = arith.constant 0 : index
    %swap3A_95 = vector.load %arg5[%swap3A_93, %swap3A_94] : memref<3x1024xi32, #tpu.memory_space<vmem>>, vector<1x1024xi32>
    %swap3A_96 = vector.shape_cast %swap3A_95 : vector<1x1024xi32> to vector<1024xi32>
    %swap3A_97 = vector.shape_cast %reduce_min3A_87 : vector<1024xi32> to vector<1x1024xi32>
    tpu.vector_store %arg5[%swap3A_93, %swap3A_94], %swap3A_97 {strides = array<i32>} : memref<3x1024xi32, #tpu.memory_space<vmem>>, vector<1x1024xi32>,
    return
  }
  func.func @transform_0(%arg0: i32) -> (i32, i32) {
    %c0_i32 = arith.constant 0 : i32
    %c0_i32_0 = arith.constant 0 : i32
    return %c0_i32, %arg0 : i32, i32
  }
  func.func @transform_1(%arg0: i32) -> (i32, i32) {
    %c0_i32 = arith.constant 0 : i32
    %c0_i32_0 = arith.constant 0 : i32
    return %arg0, %c0_i32 : i32, i32
  }
  func.func @transform_2(%arg0: i32) -> (i32, i32) {
    %c0_i32 = arith.constant 0 : i32
    %c0_i32_0 = arith.constant 0 : i32
    %c0_i32_1 = arith.constant 0 : i32
    return %c0_i32, %c0_i32_0 : i32, i32
  }
  func.func @transform_3(%arg0: i32) -> (i32, i32) {
    %c0_i32 = arith.constant 0 : i32
    %c0_i32_0 = arith.constant 0 : i32
    return %c0_i32, %arg0 : i32, i32
  }
  func.func @transform_4(%arg0: i32) -> (i32, i32) {
    %c0_i32 = arith.constant 0 : i32
    %c0_i32_0 = arith.constant 0 : i32
    return %c0_i32, %arg0 : i32, i32
  }
}

</mosaic_0001>

<sc_bundles>
// kernel: kernel.4.cloned.1.call-start
scs
__scs_entry_jumppad:
0x0: {  	(pc) =	sbr.rel $0x88, $3  }
0x1: {  	(tag) =	ssettag $0x0;
	lr =	simm.s32 $0x1  }
0x2: {  	[smem:$0x3F9E] =	sst lr;
	_ =	strace $0xD0000000  }
0x3: {  	_ = 	snop  }
0x4: {  	_ = 	snop  }
0x5: {  	_ = 	snop  }
0x6: {  	_ = 	snop  }
0x7: {  	_ = 	snop  }
__scs_overlays_trampoline_lowered:
0x8: {  	[smem:$0x3FAD] =	sst s0  }
0x9: {  	[smem:$0x3FAE] =	sst s1  }
0xa: {  	[smem:$0x3FAF] =	sst s2  }
0xb: {  	[smem:$0x3FB0] =	sst s3  }
0xc: {  	[smem:$0x3FB1] =	sst s4  }
0xd: {  	[smem:$0x3FB2] =	sst s5  }
0xe: {  	[smem:$0x3FB3] =	sst s6  }
0xf: {  	[smem:$0x3FB4] =	sst s7  }
0x10: {  	[smem:$0x3FB5] =	sst s8  }
0x11: {  	[smem:$0x3FB6] =	sst s9;
	s0 =	simm.s32 @!p0 $0x0  }
0x12: {  	s1 =	sld [smem:$0x3F9C];
	s0 =	simm.s32 @p0 $0x1  }
0x13: {  	[smem:$0x3FB7] =	sst s0;
	s0 =	simm.s32 @!p1 $0x0  }
0x14: {  	s2 =	sld [smem:$0x3F9B];
	s0 =	simm.s32 @p1 $0x1  }
0x15: {  	[smem:$0x3FB8] =	sst s0;
	s0 =	simm.s32 @!p2 $0x0  }
0x16: {  	s3 =	sld [smem:$0x3FDB];
	s0 =	simm.s32 @p2 $0x1  }
0x17: {  	s4 =	simm.s32 $0x1BF5;
	[smem:$0x3FBA] =	sst s0  }
0x18: {  	s0 =	sld [smem:$0x3F9D];
	_ =	swait.ge [sflag:s4], $0x0  }
0x19: {  	s7 =	sld [smem:$0x3F9E]  }
0x1a: {  	s8 =	sadd.s32 $0xFFFFE003, lr  }
0x1b: {  	s9 =	sadd.s32 $0xFFFFFEF7, lr;
	s5 =	simm.s32 $0xFFFFFFFF;
	p2 =	slt.u32 s8, $0xFFFFF086  }
0x1c: {  	p1 =	slt.u32 s9, $0xF7A;
	s5 =	simm.s32 @!p2 $0x0  }
0x1d: {  	s5 =	simm.s32 @p1 $0x1;
	p0 =	seq.s32 s7, s2  }
0x1e: {  	s7 =	smul.u32 @!p0 $0xF7A, s2;
	p2 =	seq.s32 @!p0 s5, $0x0  }
0x1f: {  	s9 =	smul.u32 $0xF7A, s1;
	s8 =	simm.s32 @!p0 $0x1BF5;
	p2 =	por !p2, p0  }
0x20: {  	[sflag:s8] =	ssyncset.s32 @!p0 $0xFFFFF086;
	s6 =	sadd.s32 @!p0 s3, s7;
	s7 =	simm.s32 @!p0 $0x108  }
0x21: {  	s3 =	sadd.s32 s3, s9;
	s6 =	sadd.s32 @!p0 $0x88, s6;
	s7 =	simm.s32 @p2 $0x1082  }
0x22: {  	[simem:s7], [sflag:s8] =	dma.local @!p0 [hbm:s6], $0xF7A  }
0x23: {  	s9 =	sor.u32 $0xD0000000, s2;
	s6 =	simm.s32 $0x108;
	_ =	swait.ge @!p0 [sflag:s8], $0x0  }
0x24: {  	s3 =	sadd.s32 $0x88, s3;
	s6 =	simm.s32 @!p1 $0x1082;
	[sflag:s4] =	ssyncset.s32 $0xFFFFF086  }
0x25: {  	[simem:s6], [sflag:s4] =	dma.local [hbm:s3], $0xF7A  }
0x26: {  	[smem:$0x3F9E] =	sst s1;
	(tag) =	ssettag s2;
	_ =	strace s9  }
0x27: {  	s1 =	sld [smem:$0x3FAE]  }
0x28: {  	s2 =	sld [smem:$0x3FAF]  }
0x29: {  	s4 =	sld [smem:$0x3FB1]  }
0x2a: {  	p0 =	seq.s32 s5, $0x0;
	s5 =	sld [smem:$0x3FB2]  }
0x2b: {  	s6 =	sld [smem:$0x3FB3]  }
0x2c: {  	s7 =	sld [smem:$0x3FB4]  }
0x2d: {  	s3 =	simm.s32 $0x108;
	s8 =	sld [smem:$0x3FB5]  }
0x2e: {  	s3 =	simm.s32 @!p0 $0x1082;
	s9 =	sld [smem:$0x3FB6]  }
0x2f: {  	lr =	sadd.s32 s0, s3;
	s0 =	sld [smem:$0x3FAD]  }
0x30: {  	s3 =	sld [smem:$0x3FB0]  }
0x31: {  	[smem:$0x3FB9] =	sst s10  }
0x32: {  	s10 =	sld [smem:$0x3FB7];
	_ =	sdelay $0x3  }
0x33: {  	p0 =	seq.s32 s10, $0x1;
	s10 =	sld [smem:$0x3FB9];
	_ =	sdelay $0x3  }
0x34: {  	[smem:$0x3FB9] =	sst s10  }
0x35: {  	s10 =	sld [smem:$0x3FB8];
	_ =	sdelay $0x3  }
0x36: {  	p1 =	seq.s32 s10, $0x1;
	s10 =	sld [smem:$0x3FB9];
	_ =	sdelay $0x3  }
0x37: {  	[smem:$0x3FB9] =	sst s10  }
0x38: {  	s10 =	sld [smem:$0x3FBA]  }
0x39: {  	_ = 	snop;
	(pc) =	sbr.ind lr, $3  }
0x3a: {  	_ = 	snop  }
0x3b: {  	_ = 	snop  }
0x3c: {  	p2 =	seq.s32 s10, $0x1;
	s10 =	sld [smem:$0x3FB9]  }
0x3d: {  	_ =	shalt  }
0x3e: {  	_ =	shalt  }
0x3f: {  	_ =	shalt  }
0x40: {  	_ =	shalt  }
0x41: {  	_ =	shalt  }
0x42: {  	_ =	shalt  }
0x43: {  	_ =	shalt  }
0x44: {  	_ =	shalt  }
0x45: {  	_ =	shalt  }
0x46: {  	_ =	shalt  }
0x47: {  	_ =	shalt  }
0x48: {  	_ =	shalt  }
0x49: {  	_ =	shalt  }
0x4a: {  	_ =	shalt  }
0x4b: {  	_ =	shalt  }
0x4c: {  	_ =	shalt  }
0x4d: {  	_ =	shalt  }
0x4e: {  	_ =	shalt  }
0x4f: {  	_ =	shalt  }
0x50: {  	_ =	shalt  }
0x51: {  	_ =	shalt  }
0x52: {  	_ =	shalt  }
0x53: {  	_ =	shalt  }
0x54: {  	_ =	shalt  }
0x55: {  	_ =	shalt  }
0x56: {  	_ =	shalt  }
0x57: {  	_ =	shalt  }
0x58: {  	_ =	shalt  }
0x59: {  	_ =	shalt  }
0x5a: {  	_ =	shalt  }
0x5b: {  	_ =	shalt  }
0x5c: {  	_ =	shalt  }
0x5d: {  	_ =	shalt  }
0x5e: {  	_ =	shalt  }
0x5f: {  	_ =	shalt  }
0x60: {  	_ =	shalt  }
0x61: {  	_ =	shalt  }
0x62: {  	_ =	shalt  }
0x63: {  	_ =	shalt  }
0x64: {  	_ =	shalt  }
0x65: {  	_ =	shalt  }
0x66: {  	_ =	shalt  }
0x67: {  	_ =	shalt  }
0x68: {  	_ =	shalt  }
0x69: {  	_ =	shalt  }
0x6a: {  	_ =	shalt  }
0x6b: {  	_ =	shalt  }
0x6c: {  	_ =	shalt  }
0x6d: {  	_ =	shalt  }
0x6e: {  	_ =	shalt  }
0x6f: {  	_ =	shalt  }
0x70: {  	_ =	shalt  }
0x71: {  	_ =	shalt  }
0x72: {  	_ =	shalt  }
0x73: {  	_ =	shalt  }
0x74: {  	_ =	shalt  }
0x75: {  	_ =	shalt  }
0x76: {  	_ =	shalt  }
0x77: {  	_ =	shalt  }
0x78: {  	_ =	shalt  }
0x79: {  	_ =	shalt  }
0x7a: {  	_ =	shalt  }
0x7b: {  	_ =	shalt  }
0x7c: {  	_ =	shalt  }
0x7d: {  	_ =	shalt  }
0x7e: {  	_ =	shalt  }
0x7f: {  	_ =	shalt  }
0x80: {  	_ =	shalt  }
0x81: {  	_ =	shalt  }
0x82: {  	_ =	shalt  }
0x83: {  	_ =	shalt  }
0x84: {  	_ =	shalt  }
0x85: {  	_ =	shalt  }
0x86: {  	_ =	shalt  }
0x87: {  	_ =	shalt  }
.Lfunc_end0:
.L_simem_size_0:
called_computation_lowered:
.L_overlay_start_0:
0x88: {  	s2 =	sld [smem:$0x3FD9]  }
0x89: {  	s3 =	sld [smem:$0x3FFE];
	_ =	sdelay $0x1  }
0x8a: {  	s1 =	srdreg.scid  }
0x8b: {  	s0 =	sand.u32 $0x1, s1  }
0x8c: {  	s14 =	sshll.u32 s0, $0xA;
	s2 =	sadd.s32 s3, s2  }
0x8d: {  	s2 =	sadd.s32 s2, s14  }
0x8e: {  	[smem:$0x3FC5] =	sst s2  }
0x8f: {  	_ = 	snop  }
0x90: {  	s2 =	sld [smem:$0x3FD0];
	_ =	sdelay $0x2  }
0x91: {  	s15 =	simm.s32 $0xA;
	s4 =	simm.s32 $0x10  }
0x92: {  	[smem:s4], [sflag:s15] =	dma.local [hbm:s2], $0x1  }
0x93: {  	_ =	swait.eq [sflag:s15], $0x1  }
0x94: {  	[sflag:s15] =	ssyncset.done $0x0  }
0x95: {  	s16 =	sld [smem:$0x10];
	[sflag:s15] =	ssyncadd.s32 $0xFFFFFFFF  }
0x96: {  	s17 =	sld [smem:$0x11];
	(tm) =	ssettm $0x1  }
0x97: {  	s18 =	sld [smem:$0x3FFB];
	_ =	sdelay $0x3  }
0x98: {  	_ =	strace s18  }
0x99: {  	s4 =	sld [smem:$0x3FFC];
	_ =	sdelay $0x3  }
0x9a: {  	_ =	strace s4  }
0x9b: {  	s4 =	sld [smem:$0x3FFD];
	_ =	sdelay $0x3  }
0x9c: {  	_ =	strace s4  }
0x9d: {  	_ =	strace $0x8FFFFFFF  }
0x9e: {  	s19 =	sld [smem:$0x3FDB];
	_ =	sdelay $0x1  }
0x9f: {  	s5 =	simm.s32 $_scs_section_size  }
0xa0: {  	s6 =	simm.s32 $_size__tile_overlayer_lowered;
	s7 =	simm.s32 $_tile_overlayer_lowered  }
0xa1: {  	s22 =	simm.s32 $0x1BFF;
	s21 =	sshll.u32 s7, $0x1;
	s4 =	sadd.s32 s5, s19  }
0xa2: {  	s8 =	simm.s32 $0x0;
	s20 =	sshll.u32 s6, $0x1;
	s6 =	sadd.s32 s21, s4  }
0xa3: {  	[timem:s8], [sflag:s22] =	dma.local [hbm:s6], s20  }
0xa4: {  	_ =	swait.ge [sflag:s22], s20  }
0xa5: {  	s5 =	ssub.s32 $0x0, s20;
	[sflag:s22] =	ssyncset.done $0x0  }
0xa6: {  	[sflag:s22] =	ssyncadd.s32 s5;
	_ =	sdelay $0x1  }
0xa7: {  	s23 =	simm.s32 $0x1B8B  }
0xa8: {  	_ =	swait.ge [sflag:s23], $0x1  }
0xa9: {  	[sflag:s23] =	ssyncset.done $0x0  }
0xaa: {  	s25 =	simm.s32 $0x1B8E;
	s24 =	sld [smem:$0x3FFE];
	[sflag:s23] =	ssyncadd.s32 $0xFFFFFFFF  }
0xab: {  	s26 =	simm.s32 $execute0_lowered;
	[smem:$0x3FD2] =	sst s25  }
0xac: {  	s6 =	sshll.u32 s26, $0x1;
	_ =	strace $0x80000046;
	[dreg:$0x1] =	wrdreg $0xFFFFFFFF  }
0xad: {  	s28 =	simm.s32 $_size_execute0_lowered;
	s4 =	sadd.s32 s4, s6;
	[dreg:$0x0] =	wrdreg $0x0  }
0xae: {  	s6 =	sshll.u32 s28, $0x1;
	[dreg:$0x2] =	wrdreg s4  }
0xaf: {  	[dreg:$0x3] =	wrdreg s6  }
0xb0: {  	[dreg:$0x4] =	wrdreg $0xC0  }
0xb1: {  	_ =	task [dreg:s8], $0x5FFFF  }
0xb2: {  	[dreg:$0x1] =	wrdreg $0xFFFFFFFF  }
0xb3: {  	[dreg:$0x0] =	wrdreg $0x60  }
0xb4: {  	[dreg:$0x2] =	wrdreg s24  }
0xb5: {  	[dreg:$0x3] =	wrdreg s17  }
0xb6: {  	[dreg:$0x4] =	wrdreg s16  }
0xb7: {  	[dreg:$0x5] =	wrdreg $0x9  }
0xb8: {  	_ =	task.clear_ibuf [dreg:s8], $0x6FFFF;
	_ =	strace $0x90000046  }
0xb9: {  	s29 =	simm.s32 $0x9;
	_ =	strace $0x80000048  }
0xba: {  	_ =	swait.ge [sflag:s29], $0x1  }
0xbb: {  	[sflag:s29] =	ssyncadd.s32 $0xFFFFFFFF  }
0xbc: {  	_ =	strace $0x90000048  }
0xbd: {  	_ =	sfence  }
0xbe: {  	s30 =	sld [smem:$0x0];
	_ =	sdelay $0x2  }
0xbf: {  	s31 =	sshll.u32 s1, $0xD;
	s1 =	sshrl.u32 s1, $0x2  }
0xc0: {  	s3 =	sand.u32 $0x4000, s31;
	s1 =	sadd.s32 s1, s30  }
0xc1: {  	s0 =	sor.u32 s3, s0;
	s1 =	sshll.u32 s1, $0x11  }
0xc2: {  	s0 =	sor.u32 s1, s0  }
0xc3: {  	s0 =	sadd.s32 $0x8F2B, s0  }
0xc4: {  	[sflag:s0] =	ssyncadd.remote.s32 $0x1  }
0xc5: {  	_ =	sfence.sel $0xFFFF  }
0xc6: {  	[dreg:$0x0] =	wrdreg $0xFFFFFFFF;
	(pc) =	sbr.abs _section_cstart, $3  }
0xc7: {  	[dreg:$0x1] =	wrdreg $0xFFFFFFFF  }
0xc8: {  	_ =	task.clear_ibuf [dreg:s8], $0x2FFFF;
	_ =	strace $0x9FFFFFFF  }
0xc9: {  	(tm) =	ssettm $0x7FFFFFFF  }
tec
execute0_lowered:
.L_overlay_start_1:
0x0: {  	(tag) =	ssettag $0x1  }
0x1: {  	v0 =	vimm.s32 $0xFEA540;
	v1 =	vimm.s32 $0x77766655  }
0x2: {  	v2 =	vimm.s32 $0xDCCCBBBA;
	vm0 =	vcmask $0x2F00;
	vm1 =	vcmask $0x1F00  }
0x3: {  	v3 =	vimm.s32 $0x9080808;
	v4 =	vimm.s32 $0xE0E0D0D;
	vm3 =	vcmask $0x2F20  }
0x4: {  	vm2 =	vcmask $0x3730;
	vm5 =	vcmask $0x300;
	v42 =	vimm.s32 $0x8000000D  }
0x5: {  	vm8 =	vcmask $0x704;
	vm9 =	vcmask $0x1310;
	vm6 =	vcmask $0x1714  }
0x6: {  	vm4 =	vcmask $0x1B18;
	vm10 =	vcmask $0x1F1C;
	v49 =	vimm.s32 $0x8000000E  }
0x7: {  	vm7 =	vcmask $0x2320;
	v50 =	vimm.s32 $0x8000000F;
	vm11 =	vcmask $0x2B28  }
0x8: {  	vm15 =	vcmask $0x2F2C;
	vm12 =	vcmask $0x3734;
	vm13 =	vcmask $0x3B38  }
0x9: {  	vm14 =	vcmask $0x33C;
	v0 =	vunpack.c.l.s2.s4 v0;
	v1 =	vunpack.c.l.s4.s8 v1  }
0xa: {  	v2 =	vunpack.c.l.s4.s8 v2;
	v3 =	vunpack.c.0.s8.s32 v3;
	v4 =	vunpack.c.0.s8.s32 v4  }
0xb: {  	v43 =	vsel vm5, $0x80000000, v42;
	v49 =	vsel vm5, $0x80000001, v49;
	v0 =	vunpack.c.l.s4.s8 v0  }
0xc: {  	v50 =	vsel vm5, $0x80000002, v50;
	vm5 =	vcmask $0x2724;
	v1 =	vunpack.c.0.s8.s32 v1  }
0xd: {  	s1 =	srdreg.scid;
	s0 =	stileid.u32;
	v44 =	vsel vm8, $0x80000003, v43;
	v2 =	vunpack.c.0.s8.s32 v2;
	v0 =	vunpack.c.0.s8.s32 v0  }
0xe: {  	s4 =	sand.u32 $0x1, s1;
	s16 =	sshll.u32 s0, $0x1;
	v49 =	vsel vm8, $0x80000004, v49;
	v50 =	vsel vm8, $0x80000005, v50;
	v1 =	vand.u32 $0xF, v1  }
0xf: {  	s3 =	sor.u32 s4, s16;
	v2 =	vand.u32 $0xF, v2;
	v1 =	vnsel vm1, $0xA, v1;
	v0 =	vand.u32 $0x3, v0  }
0x10: {  	s1 =	sshll.u32 s3, $0x8;
	v1 =	vsel vm3, v3, v1;
	v0 =	vnsel vm0, $0x5, v0;
	vm0 =	vcmask $0x3B30  }
0x11: {  	s5 =	sor.u32 $0x20, s1;
	v46 =	vsel vm2, $0x9, v1;
	v45 =	vsel vm0, $0x4, v0;
	v0 =	vnsel vm1, $0xF, v2  }
0x12: {  	s17 =	sor.u32 $0x30, s1;
	s18 =	sor.u32 $0x40, s1;
	s19 =	sor.u32 $0x50, s1;
	vm1 =	vcmask $0x3330;
	v1 =	vor.u32 s1, v46;
	v7 =	vor.u32 s5, v46  }
0x13: {  	s20 =	sor.u32 $0x60, s1;
	s21 =	sor.u32 $0x70, s1;
	s22 =	sor.u32 $0x80, s1;
	v10 =	vor.u32 s17, v46;
	v13 =	vor.u32 s18, v46;
	v16 =	vor.u32 s19, v46  }
0x14: {  	s23 =	sor.u32 $0x90, s1;
	s24 =	sor.u32 $0xA0, s1;
	s25 =	sor.u32 $0xB0, s1;
	v19 =	vor.u32 s20, v46;
	v22 =	vor.u32 s21, v46;
	v25 =	vor.u32 s22, v46  }
0x15: {  	s26 =	sor.u32 $0xC0, s1;
	s28 =	sor.u32 $0xD0, s1;
	s29 =	sor.u32 $0xE0, s1;
	v28 =	vor.u32 s23, v46;
	v31 =	vor.u32 s24, v46;
	v34 =	vor.u32 s25, v46  }
0x16: {  	v37 =	vor.u32 s26, v46;
	v40 =	vor.u32 s28, v46;
	v43 =	vor.u32 s29, v46  }
0x17: {  	s2 =	sor.u32 $0x10, s1;
	vm0 =	vcmask $0xF0C;
	v2 =	vsel vm3, v4, v0;
	v0 =	vor.u32 s1, v45  }
0x18: {  	v3 =	vor.u32 s2, v45;
	v4 =	vor.u32 s2, v46;
	v6 =	vor.u32 s5, v45  }
0x19: {  	v9 =	vor.u32 s17, v45;
	v12 =	vor.u32 s18, v45;
	v15 =	vor.u32 s19, v45  }
0x1a: {  	v18 =	vor.u32 s20, v45;
	v21 =	vor.u32 s21, v45;
	v24 =	vor.u32 s22, v45  }
0x1b: {  	v27 =	vor.u32 s23, v45;
	v30 =	vor.u32 s24, v45;
	v33 =	vor.u32 s25, v45  }
0x1c: {  	v36 =	vor.u32 s26, v45;
	v39 =	vor.u32 s28, v45;
	vm3 =	vcmask $0xB08  }
0x1d: {  	v42 =	vor.u32 s29, v45;
	v47 =	vsel vm1, $0xE, v2;
	v48 =	vsel vm3, $0x80000006, v44  }
0x1e: {  	v49 =	vsel vm3, $0x80000007, v49;
	v50 =	vsel vm3, $0x80000008, v50;
	vm3 =	vmor vm3, vm6  }
0x1f: {  	v2 =	vor.u32 s1, v47;
	v5 =	vor.u32 s2, v47;
	v8 =	vor.u32 s5, v47  }
0x20: {  	v11 =	vor.u32 s17, v47;
	v14 =	vor.u32 s18, v47;
	v17 =	vor.u32 s19, v47  }
0x21: {  	v20 =	vor.u32 s20, v47;
	v23 =	vor.u32 s21, v47;
	v26 =	vor.u32 s22, v47  }
0x22: {  	v29 =	vor.u32 s23, v47;
	v32 =	vor.u32 s24, v47;
	v35 =	vor.u32 s25, v47  }
0x23: {  	v38 =	vor.u32 s26, v47;
	v41 =	vor.u32 s28, v47;
	v44 =	vor.u32 s29, v47  }
0x24: {  	v48 =	vsel vm0, $0x80000009, v48;
	v49 =	vsel vm0, $0x8000000A, v49;
	v50 =	vsel vm0, $0x8000000B, v50  }
0x25: {  	s1 =	sor.u32 $0xF0, s1;
	vm3 =	vmor vm3, vm7;
	vm0 =	vmor vm14, vm0;
	vm14 =	vcmask $0x2720  }
0x26: {  	v45 =	vor.u32 s1, v45;
	v48 =	vsel vm9, $0x8000000C, v48;
	v46 =	vor.u32 s1, v46  }
0x27: {  	v47 =	vor.u32 s1, v47;
	v49 =	vsel vm9, $0x8000000D, v49;
	v50 =	vsel vm9, $0x8000000E, v50  }
0x28: {  	vm3 =	vmor vm3, vm15;
	vm9 =	vcmask $0x73C;
	v48 =	vsel vm6, $0x8000000F, v48  }
0x29: {  	v49 =	vsel vm6, $0x80000000, v49;
	v50 =	vsel vm6, $0x80000001, v50;
	v48 =	vsel vm4, $0x80000002, v48  }
0x2a: {  	v49 =	vsel vm4, $0x80000003, v49;
	v50 =	vsel vm4, $0x80000004, v50;
	vm4 =	vmor vm0, vm4  }
0x2b: {  	vm0 =	vmor vm3, vm13;
	v48 =	vsel vm10, $0x80000005, v48;
	v49 =	vsel vm10, $0x80000006, v49  }
0x2c: {  	v50 =	vsel vm10, $0x80000007, v50;
	vm3 =	vmor vm4, vm5;
	vm10 =	vcmask $0xF08  }
0x2d: {  	v48 =	vsel vm7, $0x80000008, v48;
	v49 =	vsel vm7, $0x80000009, v49;
	v50 =	vsel vm7, $0x8000000A, v50  }
0x2e: {  	v48 =	vsel vm5, $0x8000000B, v48;
	v49 =	vsel vm5, $0x8000000C, v49;
	v50 =	vsel vm5, $0x8000000D, v50  }
0x2f: {  	s30 =	rddreg [dreg:$0x0];
	vm5 =	vcmask $0x1F18;
	v48 =	vsel vm11, $0x8000000E, v48;
	v49 =	vsel vm11, $0x8000000F, v49  }
0x30: {  	s6 =	rddreg [dreg:$0x1];
	s12 =	simm.s32 $0x800;
	s15 =	simm.s32 $0xB00;
	v50 =	vsel vm11, $0x80000000, v50;
	vm11 =	vcmask $0x338;
	v48 =	vsel vm15, $0x80000001, v48  }
0x31: {  	s7 =	rddreg [dreg:$0x2];
	s11 =	simm.s32 $0x2;
	s13 =	simm.s32 $0x80;
	v49 =	vsel vm15, $0x80000002, v49;
	v50 =	vsel vm15, $0x80000003, v50;
	vm15 =	vcmask $0x130C  }
0x32: {  	s14 =	simm.s32 $0x100;
	s4 =	ssub.s32 $0x2, s4;
	s10 =	smul.u32 $0x60, s3;
	v48 =	vsel vm1, $0x80000004, v48;
	v49 =	vsel vm1, $0x80000005, v49;
	v50 =	vsel vm1, $0x80000006, v50  }
0x33: {  	s16 =	simm.s32 $0xE00;
	s8 =	sshll.u32 s3, $0x7;
	s9 =	smul.u32 $0xC0, s3;
	vm4 =	vmor vm9, vm15;
	v48 =	vsel vm12, $0x80000007, v48;
	v49 =	vsel vm12, $0x80000008, v49  }
0x34: {  	s31 =	sshrl.u32 s4, $0x1;
	s6 =	sadd.s32 s6, s10;
	s10 =	simm.s32 $0x1;
	v50 =	vsel vm12, $0x80000009, v50;
	vm4 =	vmor vm4, vm5;
	vm5 =	vmor vm11, vm10  }
0x35: {  	s2 =	simm.s32 $0x0;
	s5 =	sadd.s32 s8, s30;
	s8 =	ssub.s32 s4, s31;
	vm12 =	vcmask $0x1B14;
	v48 =	vsel vm13, $0x8000000A, v48;
	v49 =	vsel vm13, $0x8000000B, v49  }
0x36: {  	s4 =	sadd.s32 s7, s9;
	s9 =	simm.s32 $0x400;
	s1 =	rddreg [dreg:$0x3];
	v50 =	vsel vm13, $0x8000000C, v50;
	vm13 =	vcmask $0x2B24;
	vm5 =	vmor vm5, vm12  }
0x37: {  	[tilespmem:$0x1FFF0] =	vst v0;
	[smem:$0x7FF] =	sst s2;
	s3 =	sadd.s32 $0x1200, s5;
	s5 =	sadd.s32 $0x2200, s5;
	vm15 =	vcmask $0x332C;
	vm4 =	vmor vm4, vm13;
	vm5 =	vmor vm5, vm14  }
0x38: {  	s7 =	sadd.s32 $0x10, s4;
	s8 =	smax.u32 s8, $0x1;
	_ =	strace $0x80000047;
	vm1 =	vmor vm3, vm1;
	vm2 =	vmor vm4, vm2;
	vm3 =	vmor vm5, vm15  }
.LBB2_1:
0x39: {  	[tilespmem:s2], [sflag:$0x1] =	stream.linear.gather [hbm4b:s3+s2], $0x400, $0x38;
	[tilespmem:$0x1100] =	vst v63  }
0x3a: {  	_ = 	snop  }
0x3b: {  	[tilespmem:s9], [sflag:$0x2] =	stream.linear.gather [hbm4b:s5+s2], $0x400, $0x38;
	[tilespmem:$0x1100] =	vst v63  }
0x3c: {  	_ =	swait.ge [sflag:s10], $0x400  }
0x3d: {  	[sflag:s10] =	ssyncset.done $0x0  }
0x3e: {  	[sflag:s10] =	ssyncadd.s32 $0xFFFFFC00  }
0x3f: {  	_ =	swait.ge [sflag:s11], $0x400  }
0x40: {  	[sflag:s11] =	ssyncset.done $0x0  }
0x41: {  	[sflag:s11] =	ssyncadd.s32 $0xFFFFFC00  }
0x42: {  	v51 =	vld [tilespmem:$0x0]  }
0x43: {  	v52 =	vld [tilespmem:$0x400]  }
0x44: {  	v53 =	vld [tilespmem:$0x80]  }
0x45: {  	v54 =	vld [tilespmem:$0x480]  }
0x46: {  	v55 =	vld [tilespmem:$0x100]  }
0x47: {  	v56 =	vld [tilespmem:$0x500];
	(xrf1) =	vsort.ascd.msk.u32 $0xffff, v48, v51  }
0x48: {  	(xrf1) =	vsort.ascd.msk.u32 $0xffff, v48, v52  }
0x49: {  	(xrf1) =	vsort.ascd.msk.u32 $0xffff, v49, v53  }
0x4a: {  	(xrf1) =	vsort.ascd.msk.u32 $0xffff, v49, v54  }
0x4b: {  	(xrf1) =	vsort.ascd.msk.u32 $0xffff, v50, v55  }
0x4c: {  	(xrf1) =	vsort.ascd.msk.u32 $0xffff, v50, v56  }
0x4d: {  	v57 =	vld [tilespmem:$0x10]  }
0x4e: {  	v58 =	vld [tilespmem:$0x410]  }
0x4f: {  	v59 =	vld [tilespmem:$0x90]  }
0x50: {  	v60 =	vld [tilespmem:$0x490]  }
0x51: {  	v61 =	vld [tilespmem:$0x110]  }
0x52: {  	v62 =	vld [tilespmem:$0x510];
	(xrf1) =	vsort.ascd.msk.u32 $0xffff, v48, v57  }
0x53: {  	(xrf1) =	vsort.ascd.msk.u32 $0xffff, v48, v58  }
0x54: {  	(xrf1) =	vsort.ascd.msk.u32 $0xffff, v49, v59  }
0x55: {  	v51 =	vld [tilespmem:$0x20];
	(xrf1) =	vsort.ascd.msk.u32 $0xffff, v49, v60;
	_, v53, _ =	vpop (xrf1)  }
0x56: {  	v54 =	vld [tilespmem:$0x420];
	(xrf1) =	vsort.ascd.msk.u32 $0xffff, v50, v61;
	_, v55, _ =	vpop (xrf1)  }
0x57: {  	(xrf1) =	vsort.ascd.msk.u32 $0xffff, v50, v62;
	_, v56, _ =	vpop (xrf1)  }
0x58: {  	v52 =	vld [tilespmem:$0xA0];
	_, v58, _ =	vpop (xrf1)  }
0x59: {  	v57 =	vld [tilespmem:$0x4A0];
	_, v60, _ =	vpop (xrf1)  }
0x5a: {  	v59 =	vld [tilespmem:$0x120];
	(xrf1) =	vsort.ascd.msk.u32 $0xffff, v48, v51;
	_, v61, _ =	vpop (xrf1)  }
0x5b: {  	(xrf1) =	vsort.ascd.msk.u32 $0xffff, v48, v54;
	v51 =	vsel vm0, v60, v56;
	v63 =	vsel vm0, v61, v58  }
0x5c: {  	v54 =	vld [tilespmem:$0x520];
	v51 =	vsel vm1, v53, v51;
	v62 =	vsel vm1, v55, v63;
	v63 =	vsel vm1, v56, v60  }
0x5d: {  	(xrf1) =	vsort.ascd.msk.u32 $0xffff, v49, v52;
	[tilespmem:$0x800] =	vst v51;
	v51 =	vsel vm2, v63, v53  }
0x5e: {  	(xrf1) =	vsort.ascd.msk.u32 $0xffff, v49, v57  }
0x5f: {  	v57 =	vld [tilespmem:$0x30];
	(xrf1) =	vsort.ascd.msk.u32 $0xffff, v50, v59;
	v56 =	vsel vm1, v60, v56  }
0x60: {  	_, v52, _ =	vpop (xrf1);
	v59 =	vld [tilespmem:$0x430];
	[tilespmem:$0xE00] =	vst v62;
	v62 =	vsel vm1, v58, v61;
	v53 =	vsel vm3, v56, v53;
	v58 =	vsel vm1, v61, v58  }
0x61: {  	[tilespmem:$0x810] =	vst v51;
	v62 =	vsel vm2, v62, v55;
	v55 =	vsel vm3, v58, v55;
	_, v51, _ =	vpop (xrf1);
	(xrf1) =	vsort.ascd.msk.u32 $0xffff, v50, v54;
	v54 =	vld [tilespmem:$0xB0]  }
0x62: {  	v63 =	vld [tilespmem:$0x4B0];
	_, v60, _ =	vpop (xrf1)  }
0x63: {  	_, v56, _ =	vpop (xrf1)  }
0x64: {  	[tilespmem:$0x820] =	vst v53;
	(xrf1) =	vsort.ascd.msk.u32 $0xffff, v48, v57;
	_, v53, _ =	vpop (xrf1)  }
0x65: {  	[tilespmem:$0xE20] =	vst v55;
	(xrf1) =	vsort.ascd.msk.u32 $0xffff, v48, v59;
	v61 =	vsel vm0, v53, v60;
	_, v55, _ =	vpop (xrf1)  }
0x66: {  	[tilespmem:$0xE10] =	vst v62;
	v62 =	vld [tilespmem:$0x130];
	v57 =	vsel vm1, v52, v61;
	(xrf1) =	vsort.ascd.msk.u32 $0xffff, v49, v54;
	v61 =	vsel vm0, v55, v56  }
0x67: {  	v58 =	vld [tilespmem:$0x530];
	(xrf1) =	vsort.ascd.msk.u32 $0xffff, v49, v63;
	v54 =	vsel vm1, v51, v61;
	v63 =	vsel vm1, v60, v53  }
0x68: {  	[tilespmem:$0xE30] =	vst v54;
	v54 =	vsel vm2, v63, v52;
	_ =	sdelay $0x1  }
0x69: {  	v59 =	vld [tilespmem:$0x40]  }
0x6a: {  	[tilespmem:$0x830] =	vst v57;
	v61 =	vld [tilespmem:$0x440];
	v53 =	vsel vm1, v53, v60;
	(xrf1) =	vsort.ascd.msk.u32 $0xffff, v50, v62;
	_, v57, _ =	vpop (xrf1)  }
0x6b: {  	v52 =	vsel vm3, v53, v52;
	[tilespmem:$0x840] =	vst v54;
	_, v54, _ =	vpop (xrf1);
	(xrf1) =	vsort.ascd.msk.u32 $0xffff, v50, v58;
	v58 =	vld [tilespmem:$0xC0]  }
0x6c: {  	v63 =	vld [tilespmem:$0x4C0]  }
0x6d: {  	v62 =	vsel vm1, v56, v55;
	v55 =	vsel vm1, v55, v56;
	_, v60, _ =	vpop (xrf1)  }
0x6e: {  	v62 =	vsel vm2, v62, v51;
	v51 =	vsel vm3, v55, v51;
	(xrf1) =	vsort.ascd.msk.u32 $0xffff, v48, v59;
	_, v53, _ =	vpop (xrf1)  }
0x6f: {  	[tilespmem:$0x850] =	vst v52;
	(xrf1) =	vsort.ascd.msk.u32 $0xffff, v48, v61;
	_, v52, _ =	vpop (xrf1)  }
0x70: {  	[tilespmem:$0xE40] =	vst v62;
	v62 =	vld [tilespmem:$0x140];
	v55 =	vsel vm0, v52, v60;
	(xrf1) =	vsort.ascd.msk.u32 $0xffff, v49, v58  }
0x71: {  	v56 =	vld [tilespmem:$0x540];
	[tilespmem:$0xE50] =	vst v51;
	v55 =	vsel vm1, v57, v55;
	(xrf1) =	vsort.ascd.msk.u32 $0xffff, v49, v63;
	v63 =	vsel vm1, v60, v52  }
0x72: {  	_, v51, _ =	vpop (xrf1);
	[tilespmem:$0x860] =	vst v55;
	v55 =	vsel vm2, v63, v57  }
0x73: {  	v61 =	vsel vm0, v51, v53  }
0x74: {  	v59 =	vld [tilespmem:$0x50];
	v61 =	vsel vm1, v54, v61  }
0x75: {  	_, v58, _ =	vpop (xrf1);
	v52 =	vsel vm1, v52, v60;
	(xrf1) =	vsort.ascd.msk.u32 $0xffff, v50, v62;
	[tilespmem:$0xE60] =	vst v61;
	v61 =	vld [tilespmem:$0x450]  }
0x76: {  	v52 =	vsel vm3, v52, v57;
	[tilespmem:$0x870] =	vst v55;
	_, v55, _ =	vpop (xrf1);
	(xrf1) =	vsort.ascd.msk.u32 $0xffff, v50, v56;
	v56 =	vld [tilespmem:$0xD0]  }
0x77: {  	v63 =	vld [tilespmem:$0x4D0]  }
0x78: {  	v62 =	vsel vm1, v53, v51;
	v51 =	vsel vm1, v51, v53;
	_, v60, _ =	vpop (xrf1)  }
0x79: {  	v62 =	vsel vm2, v62, v54;
	[tilespmem:$0x880] =	vst v52;
	v51 =	vsel vm3, v51, v54;
	(xrf1) =	vsort.ascd.msk.u32 $0xffff, v48, v59;
	_, v57, _ =	vpop (xrf1)  }
0x7a: {  	[tilespmem:$0xE70] =	vst v62;
	v62 =	vld [tilespmem:$0x150];
	_, v52, _ =	vpop (xrf1);
	(xrf1) =	vsort.ascd.msk.u32 $0xffff, v48, v61  }
0x7b: {  	v59 =	vsel vm0, v52, v60;
	(xrf1) =	vsort.ascd.msk.u32 $0xffff, v49, v56  }
0x7c: {  	v54 =	vld [tilespmem:$0x550];
	[tilespmem:$0xE80] =	vst v51;
	v53 =	vsel vm1, v58, v59;
	(xrf1) =	vsort.ascd.msk.u32 $0xffff, v49, v63;
	v63 =	vsel vm1, v60, v52  }
0x7d: {  	_, v51, _ =	vpop (xrf1);
	[tilespmem:$0x890] =	vst v53;
	v53 =	vsel vm2, v63, v58  }
0x7e: {  	v61 =	vsel vm0, v51, v57  }
0x7f: {  	v59 =	vld [tilespmem:$0x60];
	v61 =	vsel vm1, v55, v61;
	v52 =	vsel vm1, v52, v60;
	(xrf1) =	vsort.ascd.msk.u32 $0xffff, v50, v62  }
0x80: {  	_, v56, _ =	vpop (xrf1);
	[tilespmem:$0xE90] =	vst v61;
	v61 =	vld [tilespmem:$0x460];
	v62 =	vsel vm1, v57, v51;
	v52 =	vsel vm3, v52, v58;
	v51 =	vsel vm1, v51, v57  }
0x81: {  	[tilespmem:$0x8A0] =	vst v53;
	v51 =	vsel vm3, v51, v55;
	_, v53, _ =	vpop (xrf1);
	(xrf1) =	vsort.ascd.msk.u32 $0xffff, v50, v54;
	v54 =	vld [tilespmem:$0xE0]  }
0x82: {  	v63 =	vld [tilespmem:$0x4E0];
	_, v60, _ =	vpop (xrf1)  }
0x83: {  	_, v58, _ =	vpop (xrf1)  }
0x84: {  	[tilespmem:$0x8B0] =	vst v52;
	(xrf1) =	vsort.ascd.msk.u32 $0xffff, v48, v59;
	_, v52, _ =	vpop (xrf1)  }
0x85: {  	v62 =	vsel vm2, v62, v55;
	[tilespmem:$0xEB0] =	vst v51;
	(xrf1) =	vsort.ascd.msk.u32 $0xffff, v48, v61;
	v55 =	vsel vm0, v52, v60;
	_, v51, _ =	vpop (xrf1)  }
0x86: {  	[tilespmem:$0xEA0] =	vst v62;
	v62 =	vld [tilespmem:$0x160];
	v55 =	vsel vm1, v56, v55;
	(xrf1) =	vsort.ascd.msk.u32 $0xffff, v49, v54;
	v61 =	vsel vm0, v51, v58  }
0x87: {  	v57 =	vld [tilespmem:$0x560];
	(xrf1) =	vsort.ascd.msk.u32 $0xffff, v49, v63;
	v54 =	vsel vm1, v53, v61;
	v63 =	vsel vm1, v60, v52  }
0x88: {  	[tilespmem:$0xEC0] =	vst v54;
	v54 =	vsel vm2, v63, v56;
	_ =	sdelay $0x1  }
0x89: {  	v59 =	vld [tilespmem:$0x70]  }
0x8a: {  	[tilespmem:$0x8C0] =	vst v55;
	v61 =	vld [tilespmem:$0x470];
	v52 =	vsel vm1, v52, v60;
	(xrf1) =	vsort.ascd.msk.u32 $0xffff, v50, v62;
	_, v55, _ =	vpop (xrf1)  }
0x8b: {  	v52 =	vsel vm3, v52, v56;
	[tilespmem:$0x8D0] =	vst v54;
	_, v54, _ =	vpop (xrf1);
	(xrf1) =	vsort.ascd.msk.u32 $0xffff, v50, v57;
	v57 =	vld [tilespmem:$0xF0]  }
0x8c: {  	v62 =	vsel vm1, v58, v51;
	v63 =	vld [tilespmem:$0x4F0];
	v51 =	vsel vm1, v51, v58  }
0x8d: {  	v51 =	vsel vm3, v51, v53;
	_, v60, _ =	vpop (xrf1)  }
0x8e: {  	v62 =	vsel vm2, v62, v53;
	[tilespmem:$0x8E0] =	vst v52;
	(xrf1) =	vsort.ascd.msk.u32 $0xffff, v48, v59;
	_, v56, _ =	vpop (xrf1)  }
0x8f: {  	[tilespmem:$0xED0] =	vst v62;
	v62 =	vld [tilespmem:$0x170];
	(xrf1) =	vsort.ascd.msk.u32 $0xffff, v48, v61;
	_, v52, _ =	vpop (xrf1)  }
0x90: {  	v58 =	vld [tilespmem:$0x570];
	v53 =	vsel vm0, v52, v60;
	(xrf1) =	vsort.ascd.msk.u32 $0xffff, v49, v57  }
0x91: {  	[tilespmem:$0xEE0] =	vst v51;
	_, v51, _ =	vpop (xrf1);
	v53 =	vsel vm1, v55, v53;
	(xrf1) =	vsort.ascd.msk.u32 $0xffff, v49, v63;
	v63 =	vsel vm1, v60, v52  }
0x92: {  	v61 =	vsel vm0, v51, v56;
	[tilespmem:$0x8F0] =	vst v53;
	v53 =	vsel vm2, v63, v55  }
0x93: {  	v59 =	vld [tilespmem:$0x200];
	v61 =	vsel vm1, v54, v61  }
0x94: {  	v52 =	vsel vm1, v52, v60;
	(xrf1) =	vsort.ascd.msk.u32 $0xffff, v50, v62;
	[tilespmem:$0xEF0] =	vst v61;
	v61 =	vld [tilespmem:$0x600];
	v62 =	vsel vm1, v56, v51  }
0x95: {  	_, v57, _ =	vpop (xrf1);
	v52 =	vsel vm3, v52, v55;
	v51 =	vsel vm1, v51, v56;
	(xrf1) =	vsort.ascd.msk.u32 $0xffff, v50, v58;
	v58 =	vld [tilespmem:$0x280]  }
0x96: {  	v63 =	vld [tilespmem:$0x680];
	[tilespmem:$0x900] =	vst v53;
	v51 =	vsel vm3, v51, v54;
	_, v53, _ =	vpop (xrf1)  }
0x97: {  	_, v60, _ =	vpop (xrf1)  }
0x98: {  	v62 =	vsel vm2, v62, v54;
	[tilespmem:$0x910] =	vst v52;
	(xrf1) =	vsort.ascd.msk.u32 $0xffff, v48, v59;
	_, v55, _ =	vpop (xrf1)  }
0x99: {  	[tilespmem:$0xF00] =	vst v62;
	v62 =	vld [tilespmem:$0x300];
	_, v52, _ =	vpop (xrf1);
	(xrf1) =	vsort.ascd.msk.u32 $0xffff, v48, v61  }
0x9a: {  	[tilespmem:$0xF10] =	vst v51;
	v54 =	vsel vm0, v52, v60;
	_, v51, _ =	vpop (xrf1);
	(xrf1) =	vsort.ascd.msk.u32 $0xffff, v49, v58  }
0x9b: {  	v54 =	vsel vm1, v57, v54;
	(xrf1) =	vsort.ascd.msk.u32 $0xffff, v49, v63;
	v63 =	vsel vm1, v60, v52  }
0x9c: {  	v56 =	vld [tilespmem:$0x700];
	[tilespmem:$0x920] =	vst v54;
	v54 =	vsel vm2, v63, v57  }
0x9d: {  	v61 =	vsel vm0, v51, v55  }
0x9e: {  	v52 =	vsel vm1, v52, v60;
	v61 =	vsel vm1, v53, v61;
	(xrf1) =	vsort.ascd.msk.u32 $0xffff, v50, v62  }
0x9f: {  	v59 =	vld [tilespmem:$0x210];
	_, v58, _ =	vpop (xrf1);
	v62 =	vsel vm1, v55, v51;
	v52 =	vsel vm3, v52, v57;
	v51 =	vsel vm1, v51, v55;
	[tilespmem:$0xF20] =	vst v61  }
0xa0: {  	v61 =	vld [tilespmem:$0x610];
	[tilespmem:$0x930] =	vst v54;
	v51 =	vsel vm3, v51, v53;
	_, v54, _ =	vpop (xrf1)  }
0xa1: {  	(xrf1) =	vsort.ascd.msk.u32 $0xffff, v50, v56;
	_, v60, _ =	vpop (xrf1)  }
0xa2: {  	v0 =	vld [tilespmem:$0x1FFF0];
	[tilespmem:$0xB10] =	vst v1;
	_, v57, _ =	vpop (xrf1)  }
0xa3: {  	v56 =	vld [tilespmem:$0x290];
	[tilespmem:$0x940] =	vst v52;
	_, v52, _ =	vpop (xrf1)  }
0xa4: {  	v63 =	vld [tilespmem:$0x690];
	v62 =	vsel vm2, v62, v53;
	[tilespmem:$0xF40] =	vst v51;
	(xrf1) =	vsort.ascd.msk.u32 $0xffff, v48, v59;
	_, v51, _ =	vpop (xrf1)  }
0xa5: {  	[tilespmem:$0xF30] =	vst v62;
	v62 =	vld [tilespmem:$0x310];
	(xrf1) =	vsort.ascd.msk.u32 $0xffff, v48, v61;
	v59 =	vsel vm0, v52, v60;
	v61 =	vsel vm0, v51, v57  }
0xa6: {  	[tilespmem:$0xB20] =	vst v2;
	v53 =	vsel vm1, v58, v59;
	v59 =	vsel vm1, v54, v61;
	v61 =	vsel vm1, v60, v52  }
0xa7: {  	v55 =	vld [tilespmem:$0x710];
	[tilespmem:$0xF50] =	vst v59;
	v59 =	vsel vm2, v61, v58  }
0xa8: {  	[tilespmem:$0xB00] =	vst v0;
	(xrf1) =	vsort.ascd.msk.u32 $0xffff, v49, v56;
	v56 =	vld [tilespmem:$0x220];
	v0 =	vsel vm1, v57, v51  }
0xa9: {  	(xrf1) =	vsort.ascd.msk.u32 $0xffff, v49, v63;
	[tilespmem:$0x950] =	vst v53;
	v53 =	vld [tilespmem:$0x620];
	v0 =	vsel vm2, v0, v54;
	v52 =	vsel vm1, v52, v60  }
0xaa: {  	(xrf1) =	vsort.ascd.msk.u32 $0xffff, v50, v62;
	v62 =	vld [tilespmem:$0x2A0];
	v51 =	vsel vm1, v51, v57;
	[tilespmem:$0xF60] =	vst v0;
	v0 =	vsel vm3, v52, v58;
	_, v61, _ =	vpop (xrf1)  }
0xab: {  	v63 =	vld [tilespmem:$0x6A0];
	v51 =	vsel vm3, v51, v54;
	[tilespmem:$0x960] =	vst v59;
	_, v59, _ =	vpop (xrf1)  }
0xac: {  	[tilespmem:$0xB30] =	vst v3;
	(xrf1) =	vsort.ascd.msk.u32 $0xffff, v50, v55;
	v55 =	vld [tilespmem:$0x320];
	_, v60, _ =	vpop (xrf1)  }
0xad: {  	[tilespmem:$0xB40] =	vst v4;
	(xrf1) =	vsort.ascd.msk.u32 $0xffff, v48, v56;
	v56 =	vld [tilespmem:$0x720];
	_, v52, _ =	vpop (xrf1)  }
0xae: {  	[tilespmem:$0x970] =	vst v0;
	(xrf1) =	vsort.ascd.msk.u32 $0xffff, v48, v53;
	_, v0, _ =	vpop (xrf1)  }
0xaf: {  	[tilespmem:$0xF70] =	vst v51;
	(xrf1) =	vsort.ascd.msk.u32 $0xffff, v49, v62;
	_, v51, _ =	vpop (xrf1)  }
0xb0: {  	[tilespmem:$0xB50] =	vst v5;
	(xrf1) =	vsort.ascd.msk.u32 $0xffff, v49, v63;
	v62 =	vsel vm0, v51, v52  }
0xb1: {  	[tilespmem:$0xB60] =	vst v6;
	(xrf1) =	vsort.ascd.msk.u32 $0xffff, v50, v55;
	v63 =	vsel vm1, v59, v62;
	v62 =	vsel vm1, v60, v0  }
0xb2: {  	[tilespmem:$0xB70] =	vst v7;
	v58 =	vsel vm0, v0, v60;
	(xrf1) =	vsort.ascd.msk.u32 $0xffff, v50, v56;
	v56 =	vsel vm2, v62, v61  }
0xb3: {  	[tilespmem:$0xB80] =	vst v8;
	v54 =	vld [tilespmem:$0x230];
	v53 =	vsel vm1, v61, v58  }
0xb4: {  	v55 =	vld [tilespmem:$0x630];
	[tilespmem:$0x980] =	vst v53;
	v0 =	vsel vm1, v0, v60  }
0xb5: {  	_, v57, _ =	vpop (xrf1);
	v53 =	vld [tilespmem:$0x2B0];
	[tilespmem:$0xF80] =	vst v63;
	v0 =	vsel vm3, v0, v61  }
0xb6: {  	v58 =	vld [tilespmem:$0x6B0];
	v63 =	vsel vm1, v52, v51;
	v51 =	vsel vm1, v51, v52;
	[tilespmem:$0x990] =	vst v56;
	_, v56, _ =	vpop (xrf1)  }
0xb7: {  	[tilespmem:$0xB90] =	vst v9;
	v62 =	vld [tilespmem:$0x330];
	v51 =	vsel vm3, v51, v59;
	_, v60, _ =	vpop (xrf1)  }
0xb8: {  	[tilespmem:$0xBA0] =	vst v10;
	(xrf1) =	vsort.ascd.msk.u32 $0xffff, v48, v54;
	_, v61, _ =	vpop (xrf1)  }
0xb9: {  	v54 =	vld [tilespmem:$0x730];
	v63 =	vsel vm2, v63, v59;
	[tilespmem:$0x9A0] =	vst v0;
	(xrf1) =	vsort.ascd.msk.u32 $0xffff, v48, v55;
	_, v0, _ =	vpop (xrf1)  }
0xba: {  	[tilespmem:$0xF90] =	vst v63;
	v55 =	vld [tilespmem:$0x240];
	(xrf1) =	vsort.ascd.msk.u32 $0xffff, v49, v53;
	v63 =	vsel vm0, v0, v60  }
0xbb: {  	[tilespmem:$0xFA0] =	vst v51;
	v53 =	vld [tilespmem:$0x640];
	(xrf1) =	vsort.ascd.msk.u32 $0xffff, v49, v58;
	_, v51, _ =	vpop (xrf1);
	v58 =	vsel vm1, v57, v63  }
0xbc: {  	[tilespmem:$0xBB0] =	vst v11;
	v52 =	vld [tilespmem:$0x2C0];
	(xrf1) =	vsort.ascd.msk.u32 $0xffff, v50, v62;
	v62 =	vsel vm0, v51, v61  }
0xbd: {  	[tilespmem:$0xBC0] =	vst v12;
	v62 =	vsel vm1, v56, v62  }
0xbe: {  	[tilespmem:$0xBD0] =	vst v13;
	(xrf1) =	vsort.ascd.msk.u32 $0xffff, v50, v54  }
0xbf: {  	[tilespmem:$0x9B0] =	vst v58;
	(xrf1) =	vsort.ascd.msk.u32 $0xffff, v48, v55;
	_, v58, _ =	vpop (xrf1)  }
0xc0: {  	[tilespmem:$0xBE0] =	vst v14;
	_, v63, _ =	vpop (xrf1);
	(xrf1) =	vsort.ascd.msk.u32 $0xffff, v48, v53;
	v53 =	vsel vm1, v60, v0  }
0xc1: {  	[tilespmem:$0xFB0] =	vst v62;
	v53 =	vsel vm2, v53, v57;
	_, v62, _ =	vpop (xrf1);
	(xrf1) =	vsort.ascd.msk.u32 $0xffff, v49, v52;
	v52 =	vsel vm1, v61, v51  }
0xc2: {  	[tilespmem:$0xBF0] =	vst v15;
	v0 =	vsel vm1, v0, v60;
	v52 =	vsel vm2, v52, v56  }
0xc3: {  	[tilespmem:$0xC00] =	vst v16;
	v59 =	vld [tilespmem:$0x6C0];
	v0 =	vsel vm3, v0, v57  }
0xc4: {  	[tilespmem:$0xC10] =	vst v17;
	v54 =	vld [tilespmem:$0x340]  }
0xc5: {  	v55 =	vld [tilespmem:$0x740];
	[tilespmem:$0x9C0] =	vst v53;
	_, v53, _ =	vpop (xrf1)  }
0xc6: {  	v51 =	vsel vm1, v51, v61;
	[tilespmem:$0xFC0] =	vst v52;
	_, v52, _ =	vpop (xrf1)  }
0xc7: {  	v51 =	vsel vm3, v51, v56;
	[tilespmem:$0x9D0] =	vst v0;
	_, v0, _ =	vpop (xrf1);
	v60 =	vsel vm0, v52, v62  }
0xc8: {  	[tilespmem:$0xFD0] =	vst v51;
	(xrf1) =	vsort.ascd.msk.u32 $0xffff, v49, v59;
	v61 =	vsel vm1, v58, v60;
	v60 =	vsel vm0, v0, v53  }
0xc9: {  	(xrf1) =	vsort.ascd.msk.u32 $0xffff, v50, v54;
	v54 =	vsel vm1, v63, v60;
	[tilespmem:$0x9E0] =	vst v61;
	v61 =	vsel vm1, v62, v52  }
0xca: {  	(xrf1) =	vsort.ascd.msk.u32 $0xffff, v50, v55;
	v55 =	vld [tilespmem:$0x250];
	[tilespmem:$0xFE0] =	vst v54;
	v51 =	vsel vm2, v61, v58;
	v54 =	vsel vm1, v53, v0  }
0xcb: {  	[tilespmem:$0xC20] =	vst v18;
	v56 =	vld [tilespmem:$0x650];
	v54 =	vsel vm2, v54, v63  }
0xcc: {  	[tilespmem:$0xC30] =	vst v19  }
0xcd: {  	[tilespmem:$0xC40] =	vst v20;
	_, v59, _ =	vpop (xrf1);
	v52 =	vsel vm1, v52, v62  }
0xce: {  	v52 =	vsel vm3, v52, v58;
	[tilespmem:$0x9F0] =	vst v51;
	_, v51, _ =	vpop (xrf1)  }
0xcf: {  	v57 =	vld [tilespmem:$0x2D0];
	[tilespmem:$0xFF0] =	vst v54;
	(xrf1) =	vsort.ascd.msk.u32 $0xffff, v48, v55;
	_, v54, _ =	vpop (xrf1)  }
0xd0: {  	[tilespmem:$0xC50] =	vst v21;
	(xrf1) =	vsort.ascd.msk.u32 $0xffff, v48, v56;
	_, v56, _ =	vpop (xrf1)  }
0xd1: {  	[tilespmem:$0xC60] =	vst v22;
	v0 =	vsel vm1, v0, v53;
	_, v53, _ =	vpop (xrf1)  }
0xd2: {  	v60 =	vld [tilespmem:$0x6D0];
	v0 =	vsel vm3, v0, v63;
	[tilespmem:$0xA00] =	vst v52;
	_, v52, _ =	vpop (xrf1);
	v63 =	vsel vm0, v53, v54  }
0xd3: {  	[tilespmem:$0x1000] =	vst v0;
	v0 =	vsel vm1, v59, v63;
	v62 =	vsel vm0, v52, v56  }
0xd4: {  	v61 =	vld [tilespmem:$0x350];
	(xrf1) =	vsort.ascd.msk.u32 $0xffff, v49, v57;
	v57 =	vsel vm1, v51, v62;
	[tilespmem:$0xA10] =	vst v0;
	v0 =	vsel vm1, v54, v53  }
0xd5: {  	[tilespmem:$0xC70] =	vst v23;
	v0 =	vsel vm2, v0, v59  }
0xd6: {  	v55 =	vld [tilespmem:$0x750];
	_, v58, _ =	vpop (xrf1);
	[tilespmem:$0xA20] =	vst v0;
	v0 =	vsel vm1, v53, v54  }
0xd7: {  	[tilespmem:$0xC80] =	vst v24;
	(xrf1) =	vsort.ascd.msk.u32 $0xffff, v49, v60;
	_, v60, _ =	vpop (xrf1);
	v0 =	vsel vm3, v0, v59  }
0xd8: {  	[tilespmem:$0x1010] =	vst v57;
	_, v57, _ =	vpop (xrf1)  }
0xd9: {  	[tilespmem:$0xC90] =	vst v25;
	(xrf1) =	vsort.ascd.msk.u32 $0xffff, v50, v61;
	_, v53, _ =	vpop (xrf1)  }
0xda: {  	[tilespmem:$0xCA0] =	vst v26;
	_, v54, _ =	vpop (xrf1)  }
0xdb: {  	(xrf1) =	vsort.ascd.msk.u32 $0xffff, v50, v55;
	v63 =	vsel vm1, v56, v52;
	[tilespmem:$0xA30] =	vst v0;
	_, v0, _ =	vpop (xrf1)  }
0xdc: {  	[tilespmem:$0xCB0] =	vst v27;
	v52 =	vsel vm1, v52, v56;
	v55 =	vsel vm2, v63, v51;
	v63 =	vsel vm0, v0, v53  }
0xdd: {  	v51 =	vsel vm3, v52, v51;
	[tilespmem:$0x1020] =	vst v55;
	v52 =	vsel vm1, v60, v63  }
0xde: {  	v55 =	vld [tilespmem:$0x260];
	[tilespmem:$0x1040] =	vst v52;
	v52 =	vsel vm1, v53, v0  }
0xdf: {  	[tilespmem:$0xCC0] =	vst v28;
	v56 =	vld [tilespmem:$0x660];
	v52 =	vsel vm2, v52, v60  }
0xe0: {  	[tilespmem:$0xCD0] =	vst v29;
	v59 =	vld [tilespmem:$0x2E0]  }
0xe1: {  	[tilespmem:$0xCE0] =	vst v30;
	v61 =	vsel vm0, v54, v57  }
0xe2: {  	[tilespmem:$0x1030] =	vst v51;
	v62 =	vsel vm1, v58, v61;
	v61 =	vsel vm1, v57, v54  }
0xe3: {  	(xrf1) =	vsort.ascd.msk.u32 $0xffff, v48, v55;
	v51 =	vsel vm2, v61, v58;
	v61 =	vld [tilespmem:$0x6E0];
	[tilespmem:$0x1050] =	vst v52;
	_, v52, _ =	vpop (xrf1)  }
0xe4: {  	[tilespmem:$0xCF0] =	vst v31;
	(xrf1) =	vsort.ascd.msk.u32 $0xffff, v48, v56;
	_, v56, _ =	vpop (xrf1)  }
0xe5: {  	(xrf1) =	vsort.ascd.msk.u32 $0xffff, v49, v59;
	[tilespmem:$0xA40] =	vst v62;
	v62 =	vld [tilespmem:$0x360];
	_, v59, _ =	vpop (xrf1)  }
0xe6: {  	[tilespmem:$0xD00] =	vst v32;
	v54 =	vsel vm1, v54, v57;
	v63 =	vld [tilespmem:$0x760];
	_, v57, _ =	vpop (xrf1)  }
0xe7: {  	[tilespmem:$0xA50] =	vst v51;
	v0 =	vsel vm1, v0, v53;
	v51 =	vld [tilespmem:$0x270];
	_, v53, _ =	vpop (xrf1)  }
0xe8: {  	[tilespmem:$0xD10] =	vst v33;
	v55 =	vld [tilespmem:$0x670];
	v0 =	vsel vm3, v0, v60;
	(xrf1) =	vsort.ascd.msk.u32 $0xffff, v49, v61;
	v61 =	vsel vm0, v53, v59  }
0xe9: {  	v60 =	vld [tilespmem:$0x2F0];
	[tilespmem:$0x1060] =	vst v0;
	v0 =	vsel vm1, v52, v61  }
0xea: {  	(xrf1) =	vsort.ascd.msk.u32 $0xffff, v50, v62;
	[tilespmem:$0xA70] =	vst v0;
	v0 =	vld [tilespmem:$0x6F0]  }
0xeb: {  	[tilespmem:$0xD20] =	vst v34;
	v54 =	vsel vm3, v54, v58;
	(xrf1) =	vsort.ascd.msk.u32 $0xffff, v50, v63  }
0xec: {  	[tilespmem:$0xD30] =	vst v35;
	(xrf1) =	vsort.ascd.msk.u32 $0xffff, v48, v51  }
0xed: {  	[tilespmem:$0xD40] =	vst v36;
	(xrf1) =	vsort.ascd.msk.u32 $0xffff, v48, v55  }
0xee: {  	[tilespmem:$0xD50] =	vst v37;
	(xrf1) =	vsort.ascd.msk.u32 $0xffff, v49, v60;
	v60 =	vsel vm1, v59, v53  }
0xef: {  	[tilespmem:$0xA60] =	vst v54;
	v62 =	vld [tilespmem:$0x370];
	_, v54, _ =	vpop (xrf1);
	(xrf1) =	vsort.ascd.msk.u32 $0xffff, v49, v0;
	v0 =	vsel vm2, v60, v52  }
0xf0: {  	[tilespmem:$0xA80] =	vst v0;
	v0 =	vsel vm1, v57, v54  }
0xf1: {  	[tilespmem:$0xD60] =	vst v38;
	v63 =	vld [tilespmem:$0x770];
	v0 =	vsel vm2, v0, v56  }
0xf2: {  	[tilespmem:$0xD70] =	vst v39;
	v58 =	vsel vm0, v54, v57  }
0xf3: {  	[tilespmem:$0xD80] =	vst v40;
	v58 =	vsel vm1, v56, v58  }
0xf4: {  	[tilespmem:$0xD90] =	vst v41;
	v53 =	vsel vm1, v53, v59;
	_, v55, _ =	vpop (xrf1);
	(xrf1) =	vsort.ascd.msk.u32 $0xffff, v50, v62  }
0xf5: {  	v52 =	vsel vm3, v53, v52;
	[tilespmem:$0x1080] =	vst v0;
	_, v0, _ =	vpop (xrf1)  }
0xf6: {  	[tilespmem:$0xDA0] =	vst v42;
	(xrf1) =	vsort.ascd.msk.u32 $0xffff, v50, v63;
	_, v51, _ =	vpop (xrf1)  }
0xf7: {  	[tilespmem:$0x1070] =	vst v58;
	_, v58, _ =	vpop (xrf1)  }
0xf8: {  	[tilespmem:$0xDB0] =	vst v43;
	_, v53, _ =	vpop (xrf1)  }
0xf9: {  	v54 =	vsel vm1, v54, v57;
	[tilespmem:$0xA90] =	vst v52;
	_, v52, _ =	vpop (xrf1)  }
0xfa: {  	[tilespmem:$0xDC0] =	vst v44;
	v54 =	vsel vm3, v54, v56;
	v59 =	vsel vm1, v51, v53;
	v63 =	vsel vm0, v52, v58  }
0xfb: {  	[tilespmem:$0x1090] =	vst v54;
	v54 =	vsel vm2, v59, v55;
	v60 =	vsel vm1, v58, v52;
	v56 =	vsel vm1, v0, v63  }
0xfc: {  	[tilespmem:$0x10A0] =	vst v56;
	v56 =	vsel vm2, v60, v0  }
0xfd: {  	[tilespmem:$0xDD0] =	vst v45  }
0xfe: {  	[tilespmem:$0xDE0] =	vst v46;
	_, v57, _ =	vpop (xrf1)  }
0xff: {  	v52 =	vsel vm1, v52, v58;
	[tilespmem:$0xAB0] =	vst v54;
	_, v54, _ =	vpop (xrf1)  }
0x100: {  	v61 =	vsel vm0, v53, v51;
	v0 =	vsel vm3, v52, v0;
	[tilespmem:$0x10B0] =	vst v56;
	_, v56, _ =	vpop (xrf1)  }
0x101: {  	[tilespmem:$0xDF0] =	vst v47;
	v51 =	vsel vm1, v53, v51;
	v62 =	vsel vm1, v55, v61;
	_, v53, _ =	vpop (xrf1)  }
0x102: {  	v51 =	vsel vm3, v51, v55;
	[tilespmem:$0xAA0] =	vst v62;
	_, v55, _ =	vpop (xrf1)  }
0x103: {  	[tilespmem:$0xAC0] =	vst v51;
	v61 =	vsel vm0, v55, v56  }
0x104: {  	[tilespmem:$0x10C0] =	vst v0;
	_, v0, _ =	vpop (xrf1);
	v58 =	vsel vm1, v56, v55;
	v51 =	vsel vm1, v57, v61  }
0x105: {  	v62 =	vsel vm0, v0, v53;
	v59 =	vsel vm2, v58, v57;
	[tilespmem:$0xAD0] =	vst v51  }
0x106: {  	v60 =	vsel vm1, v53, v0;
	v63 =	vsel vm1, v54, v62;
	[tilespmem:$0xAE0] =	vst v59  }
0x107: {  	v0 =	vsel vm1, v0, v53;
	v61 =	vsel vm2, v60, v54;
	[tilespmem:$0x10D0] =	vst v63  }
0x108: {  	v62 =	vsel vm1, v55, v56;
	v0 =	vsel vm3, v0, v54;
	[tilespmem:$0x10E0] =	vst v61  }
0x109: {  	v63 =	vsel vm3, v62, v57;
	[tilespmem:$0x10F0] =	vst v0  }
0x10a: {  	[tilespmem:$0xAF0] =	vst v63  }
0x10b: {  	[hbm4b:s6+s2] =	stream.linear.scatter [tilespmem:s12], [sflag:$0x1], $0x300, $0x38;
	[tilespmem:$0x1100] =	vst v63  }
0x10c: {  	_ = 	snop  }
0x10d: {  	[hbm4b:s4+s13] =	stream.strided.scatter [tilespmem:s15], [sflag:$0x2], $0x300, s14, s13, $0x38;
	[tilespmem:$0x1100] =	vst v63  }
0x10e: {  	_ = 	snop  }
0x10f: {  	[hbm4b:s7+s13] =	stream.strided.scatter [tilespmem:s16], [sflag:$0x1], $0x300, s14, s13, $0x38;
	[tilespmem:$0x1100] =	vst v63  }
0x110: {  	_ =	swait.ge [sflag:s10], $0x300  }
0x111: {  	[sflag:s10] =	ssyncset.done $0x0  }
0x112: {  	[sflag:s10] =	ssyncadd.s32 $0xFFFFFD00  }
0x113: {  	p0 =	sne.s32 s8, $0x1;
	_ =	swait.ge [sflag:s11], $0x300  }
.Ltmp0:
0x114: {  	[sflag:s11] =	ssyncset.done $0x0;
	(pc) =	sbr.rel @p0 .LBB2_1-.Ltmp0, $4  }
0x115: {  	[sflag:s11] =	ssyncadd.s32 $0xFFFFFD00  }
0x116: {  	_ =	swait.ge [sflag:s10], $0x300  }
0x117: {  	[sflag:s10] =	ssyncset.done $0x0  }
0x118: {  	s8 =	sadd.s32 $0xFFFFFFFF, s8;
	[sflag:s10] =	ssyncadd.s32 $0xFFFFFD00  }
0x119: {  	_ =	sfence.sel $0x180000  }
0x11a: {  	[bflag:$0x0] =	sbarrier.arrive $0xFFFF  }
0x11b: {  	p0 =	sne.s32 s0, $0x0;
	_ =	strace $0x90000047  }
0x11c: {  	s0 =	sadd.s32 @!p0 $0x100000, s1;
	[bflag:$0x2] =	sbarrier.arrive $0xFFFF  }
0x11d: {  	[sflag:s0] =	ssyncadd.tile.s32 @!p0 $0x1;
	_ =	shalt  }
.Lfunc_end2:
_tile_overlayer_lowered:
.L_overlay_start_2:
0x11e: {  	(tag) =	ssettag $0x2  }
0x11f: {  	s0 =	rddreg [dreg:$0x0];
	s2 =	stileid.u32  }
0x120: {  	s1 =	rddreg [dreg:$0x1];
	p0 =	sne.s32 s2, $0x0  }
0x121: {  	s3 =	rddreg [dreg:$0x2];
	[bflag:$0x3] =	sbarrier.arrive $0xFFFF;
	s2 =	simm.s32 @!p0 $0x1C03  }
0x122: {  	[timem:s3], [sflag:s2] =	dma.local @!p0 [hbm:s0], s1  }
0x123: {  	s0 =	simm.s32 @!p0 $0x3  }
0x124: {  	_ =	swait.ge @!p0 [sflag:s0], s1  }
0x125: {  	s1 =	ssub.s32 @!p0 $0x0, s1;
	[sflag:s0] =	ssyncset.done @!p0 $0x0  }
0x126: {  	[sflag:s0] =	ssyncadd.s32 @!p0 s1  }
0x127: {  	[bflag:$0x3] =	sbarrier.arrive $0xFFFF  }
0x128: {  	_ =	shalt  }

</sc_bundles>
